<compile_context>
chip_gen: v7x
topology: tpu7x:2x2x1
jax: 0.10.2.dev20260603
libtpu: 0.0.44.dev20260713+nightly
codegen_flags: <defaults>
</compile_context>

<pallas_src>
import functools

import jax
import jax.numpy as jnp
from jax.experimental import pallas as pl
from jax.experimental.pallas import tpu as pltpu
from jax.experimental.pallas import tpu_sc as plsc

_BN = 4096


def _score_body(g_ref, qt_ref, max_ref, idx_ref, prod_ref, m_ref, k_ref, *,
                bn, nblocks, a_total):
    j = pl.program_id(0)
    b = qt_ref.shape[1]

    @pl.when(j == 0)
    def _():
        m_ref[...] = jnp.full((8, b), -jnp.inf, jnp.float32)
        k_ref[...] = jnp.zeros((8, b), jnp.int32)

    prod_ref[...] = jnp.dot(
        g_ref[:, :16], qt_ref[...], preferred_element_type=jnp.float32
    )

    m = m_ref[...]
    ki = k_ref[...]
    nchunks = bn // 8
    base = j * nchunks
    for c in range(nchunks):
        v = prod_ref[8 * c:8 * c + 8, :]
        upd = v > m
        m = jnp.where(upd, v, m)
        ki = jnp.where(upd, jnp.full((8, b), base + c, jnp.int32), ki)
    m_ref[...] = m
    k_ref[...] = ki

    @pl.when(j == nblocks - 1)
    def _():
        bmax = jnp.max(m, axis=0, keepdims=True)
        sub = jax.lax.broadcasted_iota(jnp.int32, (8, b), 0)
        rowidx = ki * 8 + sub
        sel = jnp.where(m == bmax, rowidx, a_total)
        idx_ref[...] = jnp.min(sel, axis=0, keepdims=True)
        max_ref[...] = bmax


def _score(gp128, qt):
    a = gp128.shape[0]
    k, b = qt.shape
    nblocks = a // _BN
    return pl.pallas_call(
        functools.partial(_score_body, bn=_BN, nblocks=nblocks, a_total=a),
        grid=(nblocks,),
        in_specs=[
            pl.BlockSpec((_BN, 128), lambda j: (j, 0)),
            pl.BlockSpec((k, b), lambda j: (0, 0)),
        ],
        out_specs=[
            pl.BlockSpec((1, b), lambda j: (0, 0)),
            pl.BlockSpec((1, b), lambda j: (0, 0)),
        ],
        out_shape=[
            jax.ShapeDtypeStruct((1, b), jnp.float32),
            jax.ShapeDtypeStruct((1, b), jnp.int32),
        ],
        scratch_shapes=[
            pltpu.VMEM((_BN, b), jnp.float32),
            pltpu.VMEM((8, b), jnp.float32),
            pltpu.VMEM((8, b), jnp.int32),
        ],
    )(gp128, qt)


def _sc_gather(table, idxs):
    n = idxs.shape[0]
    window = 128
    mesh = plsc.VectorSubcoreMesh(
        core_axis_name="core", subcore_axis_name="subcore"
    )
    idxs2 = idxs.reshape(1, n)
    out_type = jax.ShapeDtypeStruct((n, table.shape[1]), table.dtype)

    @functools.partial(pl.kernel, out_type=out_type, mesh=mesh)
    def run(x_hbm, i_hbm, o_hbm):
        def body(i_vmem, o_vmem):
            pltpu.sync_copy(x_hbm.at[i_vmem.at[0]], o_vmem)

        pltpu.emit_pipeline(
            body,
            grid=(n // window,),
            in_specs=[pl.BlockSpec((1, window), index_map=lambda i: (0, i))],
            out_specs=[
                pl.BlockSpec((window, table.shape[1]), index_map=lambda i: (i, 0))
            ],
            core_axis_name="subcore",
            dimension_semantics=(pltpu.PARALLEL,),
        )(i_hbm, o_hbm)

    return run(table, idxs2)


def kernel(rotMat, output_rotmats):
    b = rotMat.shape[0]
    a = output_rotmats.shape[0]
    q = rotMat.reshape(b, 9)
    qt = jnp.pad(q, ((0, 0), (0, 7))).T
    gp128 = jnp.pad(output_rotmats.reshape(a, 9), ((0, 0), (0, 119)))
    maxv, idxv = _score(gp128, qt)
    dot_trace = maxv.reshape(b)
    idxs = idxv.reshape(b)
    rows = _sc_gather(gp128, idxs)
    nearest = rows[:, :9].reshape(b, 3, 3)
    return dot_trace, nearest

# --- scband reference (transcript-rebuilt; emitter-appended) ---
"""Pipeline reference for scband-so3-output-grid-13417477832860 (READ-ONLY COPY).

The authoritative reference and input builder live on the scoring server;
editing this copy changes nothing except your own understanding.
"""

import jax, jax.numpy as jnp
import numpy as np

LMAX = 6
HP_ORDER = 3
BATCH = 1024


def _healpix_pix2ang_ring(nside, ipix):
    ipix = np.asarray(ipix, dtype=np.int64)
    npix = 12 * nside * nside
    ncap = 2 * nside * (nside - 1)
    theta = np.empty(ipix.shape, dtype=np.float64)
    phi = np.empty(ipix.shape, dtype=np.float64)
    fact1 = 2.0 / (3.0 * nside)
    fact2 = 4.0 / npix

    m_n = ipix < ncap
    p = ipix[m_n]
    iring = (1 + np.floor(np.sqrt(1.0 + 2.0 * p)).astype(np.int64)) >> 1
    iphi = (p + 1) - 2 * iring * (iring - 1)
    theta[m_n] = np.arccos(1.0 - (iring * iring) * fact2)
    phi[m_n] = (iphi - 0.5) * (np.pi / (2.0 * iring))

    m_e = (ipix >= ncap) & (ipix < npix - ncap)
    p = ipix[m_e] - ncap
    iring = p // (4 * nside) + nside
    iphi = p % (4 * nside) + 1
    fodd = 0.5 * (1.0 + ((iring + nside) % 2))
    theta[m_e] = np.arccos((2 * nside - iring) * fact1)
    phi[m_e] = (iphi - fodd) * (np.pi / (2.0 * nside))

    m_s = ipix >= npix - ncap
    p = npix - ipix[m_s]
    iring = (1 + np.floor(np.sqrt(2.0 * p - 1.0)).astype(np.int64)) >> 1
    iphi = 4 * iring + 1 - (p - 2 * iring * (iring - 1))
    theta[m_s] = np.arccos(-1.0 + (iring * iring) * fact2)
    phi[m_s] = (iphi - 0.5) * (np.pi / (2.0 * iring))
    return theta, phi


def _so3_healpix_grid(hp_order):
    nside = 2 ** hp_order
    npix = 12 * nside * nside
    beta, alpha = _healpix_pix2ang_ring(nside, np.arange(npix))
    gamma = np.linspace(0.0, 2.0 * np.pi, 6 * nside + 1)[:-1]
    alpha_f = np.tile(alpha, len(gamma))
    beta_f = np.tile(beta, len(gamma))
    gamma_f = np.repeat(gamma, npix)
    return alpha_f, beta_f, gamma_f


def _matrix_y(a):
    c, s = np.cos(a), np.sin(a)
    o, z = np.ones_like(a), np.zeros_like(a)
    return np.stack([np.stack([c, z, s], -1),
                     np.stack([z, o, z], -1),
                     np.stack([-s, z, c], -1)], -2)


def _matrix_x(a):
    c, s = np.cos(a), np.sin(a)
    o, z = np.ones_like(a), np.zeros_like(a)
    return np.stack([np.stack([o, z, z], -1),
                     np.stack([z, c, -s], -1),
                     np.stack([z, s, c], -1)], -2)


def _angles_to_matrix(alpha, beta, gamma):
    # e3nn o3.angles_to_matrix: Y(alpha) @ X(beta) @ Y(gamma)
    return _matrix_y(alpha) @ _matrix_x(beta) @ _matrix_y(gamma)


def setup_inputs(seed: int = 0) -> dict:
    key = jax.random.key(seed)
    rotMat = jax.random.normal(key, (BATCH, 3, 3), dtype=jnp.float32)
    a, b, g = _so3_healpix_grid(HP_ORDER)
    output_rotmats = jnp.asarray(_angles_to_matrix(a, b, g), dtype=jnp.float32)
    return {"rotMat": rotMat, "output_rotmats": output_rotmats}


def reference(rotMat, output_rotmats):
    # nearest_rotmat_idx: similarity = trace(R_query @ R_grid^T) = sum_ij R_q[i,j]*R_g[i,j]
    prod = jnp.einsum('bij,aij->ba', rotMat, output_rotmats)
    dot_trace = jnp.max(prod, axis=1)
    idxs = jnp.argmax(prod, axis=1)
    nearest = jnp.take(output_rotmats, idxs, axis=0)
    return dot_trace, nearest

if __name__ == "__main__":
    import jax
    _d = setup_inputs()
    print(jax.jit(kernel)(*tuple(_d.values())))

</pallas_src>

<mosaic_0001>
#map = affine_map<(d0, d1) -> (0, 0)>
module attributes {stable_mosaic.version = 14 : i64} {
  func.func @run(%arg0: i32, %arg1: i32, %arg2: memref<36864x128xf32, #tpu.memory_space<hbm>>, %arg3: memref<1x1024xi32, #tpu.memory_space<hbm>>, %arg4: memref<1024x128xf32, #tpu.memory_space<hbm>>) attributes {dimension_semantics = [#tpu.dimension_semantics<core_parallel>, #tpu.dimension_semantics<subcore_parallel>], iteration_bounds = array<i64: 2, 16>, scalar_prefetch = 0 : i64, scratch_operands = 0 : i64, tpu.core_type = #tpu.core_type<sc_vector_subcore>, window_params = [{transform_indices = #map}, {transform_indices = #map}, {transform_indices = #map}]} {
    %lt3A = arith.constant 8 : i32
    %lt3A_0 = arith.cmpi slt, %arg1, %lt3A : i32
    %jit3A = arith.constant 1 : i32
    %jit3A_1 = arith.constant 0 : i32
    %select_n3A = arith.select %lt3A_0, %jit3A, %jit3A_1 : i32
    %lt3A_2 = arith.constant 8 : i32
    %lt3A_3 = arith.cmpi slt, %arg1, %lt3A_2 : i32
    %mul3A = arith.muli %arg1, %select_n3A : i32
    %mul3A_4 = arith.constant 0 : i32
    %mul3A_5 = arith.muli %arg1, %mul3A_4 : i32
    %add3A = arith.constant 8 : i32
    %add3A_6 = arith.addi %mul3A_5, %add3A : i32
    %select_n3A_7 = arith.select %lt3A_3, %mul3A, %add3A_6 : i32
    %mul3A_8 = arith.constant 1 : i32
    %mul3A_9 = arith.muli %mul3A_8, %select_n3A : i32
    "tpu.region"() ({
      %run_scoped3A = memref.alloca() : memref<2x1x128xi32, #tpu.memory_space<vmem>>
      %run_scoped3A_10 = tpu.sem_alloc : memref<2x!tpu.dma_semaphore, #tpu.memory_space<semaphore_mem>>
      %run_scoped3A_11 = memref.alloca() : memref<2x128x128xf32, #tpu.memory_space<vmem>>
      %run_scoped3A_12 = tpu.sem_alloc : memref<2x!tpu.dma_semaphore, #tpu.memory_space<semaphore_mem>>
      %gt3A = arith.constant 0 : i32
      %gt3A_13 = arith.cmpi sgt, %mul3A_9, %gt3A : i32
      %convert_element_type3A = arith.extui %gt3A_13 : i1 to i32
      %cond3A = arith.constant 0 : i32
      %cond3A_14 = arith.cmpi ne, %convert_element_type3A, %cond3A : i32
      scf.if %cond3A_14 {
        %mul3A_15 = arith.constant 1 : i32
        %mul3A_16 = arith.muli %mul3A_15, %select_n3A : i32
        %sub3A = arith.constant 1 : i32
        %sub3A_17 = arith.subi %mul3A_16, %sub3A : i32
        %eq3A = arith.constant 0 : i32
        %eq3A_18 = arith.cmpi eq, %sub3A_17, %eq3A : i32
        %add3A_19 = arith.constant 0 : i32
        %add3A_20 = arith.addi %add3A_19, %select_n3A_7 : i32
        %select_n3A_21 = arith.constant true
        %select_n3A_22 = arith.constant 0 : i32
        %select_n3A_23 = arith.constant -1 : i32
        %select_n3A_24 = arith.select %select_n3A_21, %select_n3A_23, %select_n3A_22 : i32
        %eq3A_25 = arith.constant -1 : i32
        %eq3A_26 = arith.cmpi eq, %select_n3A_24, %eq3A_25 : i32
        %sub3A_27 = arith.constant 1 : i32
        %sub3A_28 = arith.subi %select_n3A, %sub3A_27 : i32
        %select_n3A_29 = arith.select %eq3A_26, %sub3A_28, %select_n3A_24 : i32
        %add3A_30 = arith.addi %select_n3A_29, %select_n3A_7 : i32
        %select_n3A_31 = arith.constant true
        %select_n3A_32 = arith.constant 0 : i32
        %select_n3A_33 = arith.constant 1 : i32
        %select_n3A_34 = arith.select %select_n3A_31, %select_n3A_33, %select_n3A_32 : i32
        %eq3A_35 = arith.cmpi eq, %select_n3A_34, %select_n3A : i32
        %select_n3A_36 = arith.constant 0 : i32
        %select_n3A_37 = arith.select %eq3A_35, %select_n3A_36, %select_n3A_34 : i32
        %add3A_38 = arith.addi %select_n3A_37, %select_n3A_7 : i32
        %add3A_39 = arith.constant 1 : i32
        %add3A_40 = arith.addi %select_n3A_37, %add3A_39 : i32
        %select_n3A_41 = arith.constant true
        %select_n3A_42 = arith.select %select_n3A_41, %add3A_40, %select_n3A_37 : i32
        %eq3A_43 = arith.cmpi eq, %select_n3A_42, %select_n3A : i32
        %select_n3A_44 = arith.constant 0 : i32
        %select_n3A_45 = arith.select %eq3A_43, %select_n3A_44, %select_n3A_42 : i32
        %add3A_46 = arith.addi %select_n3A_45, %select_n3A_7 : i32
        "tpu.trace_start"() <{level = 10 : i32, message = "ep_initialize_0"}> : () -> ()
        %rem3A = arith.constant 0 : i32
        %rem3A_47 = arith.constant 2 : i32
        %rem3A_48 = arith.remui %rem3A, %rem3A_47 : i32
        %mul3A_49 = arith.constant 128 : i32
        %mul3A_50 = arith.muli %mul3A_49, %add3A_20 : i32
        %dma_start3A = arith.constant 0 : i32
        %dma_start3A_51 = arith.constant 0 : i32
        %dma_start3A_52 = tpu.memref_slice %run_scoped3A[%rem3A_48, %dma_start3A, %dma_start3A_51] : memref<2x1x128xi32, #tpu.memory_space<vmem>> -> memref<1x1x128xi32, #tpu.memory_space<vmem>>
        %dma_start3A_53 = tpu.memref_squeeze %dma_start3A_52 : memref<1x1x128xi32, #tpu.memory_space<vmem>> -> memref<1x128xi32, #tpu.memory_space<vmem>>
        %dma_start3A_54 = arith.constant 0 : i32
        %dma_start3A_55 = tpu.memref_slice %arg3[%dma_start3A_54, %mul3A_50] : memref<1x1024xi32, #tpu.memory_space<hbm>> -> memref<1x128xi32, #tpu.memory_space<hbm>>
        %dma_start3A_56 = tpu.memref_slice %run_scoped3A_10[%rem3A_48] : memref<2x!tpu.dma_semaphore, #tpu.memory_space<semaphore_mem>> -> memref<1x!tpu.dma_semaphore, #tpu.memory_space<semaphore_mem>>
        %dma_start3A_57 = tpu.memref_squeeze %dma_start3A_56 : memref<1x!tpu.dma_semaphore, #tpu.memory_space<semaphore_mem>> -> memref<!tpu.dma_semaphore, #tpu.memory_space<semaphore_mem>>
        %dma_start3A_58 = arith.constant 0 : i32
        %dma_start3A_59 = arith.constant 0 : i32
        %dma_start3A_60 = tpu.memref_slice %run_scoped3A[%rem3A_48, %dma_start3A_58, %dma_start3A_59] : memref<2x1x128xi32, #tpu.memory_space<vmem>> -> memref<1x1x128xi32, #tpu.memory_space<vmem>>
        %dma_start3A_61 = tpu.memref_squeeze %dma_start3A_60 : memref<1x1x128xi32, #tpu.memory_space<vmem>> -> memref<1x128xi32, #tpu.memory_space<vmem>>
        %dma_start3A_62 = arith.constant 0 : i32
        %dma_start3A_63 = tpu.memref_slice %arg3[%dma_start3A_62, %mul3A_50] : memref<1x1024xi32, #tpu.memory_space<hbm>> -> memref<1x128xi32, #tpu.memory_space<hbm>>
        tpu.enqueue_dma source(%dma_start3A_63 : memref<1x128xi32, #tpu.memory_space<hbm>>) target(%dma_start3A_61 : memref<1x128xi32, #tpu.memory_space<vmem>>) target_semaphore(%dma_start3A_57 : memref<!tpu.dma_semaphore, #tpu.memory_space<semaphore_mem>>)
        %add3A_64 = arith.constant 0 : i32
        %add3A_65 = arith.constant 1 : i32
        %add3A_66 = arith.addi %add3A_64, %add3A_65 : i32
        %select_n3A_67 = arith.constant true
        %select_n3A_68 = arith.constant 0 : i32
        %select_n3A_69 = arith.select %select_n3A_67, %add3A_66, %select_n3A_68 : i32
        %while3A = arith.constant 0 : i32
        %while3A_70 = arith.constant 0 : i32
        %while3A_71 = arith.constant 0 : i32
        %while3A_72 = arith.constant 0 : i32
        %while3A_73 = arith.constant 0 : i32
        "tpu.trace_stop"() : () -> ()
        %while3A_74 = arith.subi %mul3A_9, %while3A : i32
        %while3A_75 = arith.addi %while3A, %while3A_74 : i32
        %while3A_76 = arith.constant 1 : i32
        %while3A_77 = arith.divsi %while3A_74, %while3A_76 : i32
        %while3A_78 = arith.muli %while3A_77, %while3A_76 : i32
        %while3A_79 = arith.addi %while3A, %while3A_78 : i32
        %while3A_80 = arith.constant 1 : i32
        %while3A_81:5 = scf.for %while3A_135 = %while3A to %while3A_79 step %while3A_80 iter_args(%while3A_136 = %select_n3A_69, %while3A_137 = %while3A_70, %while3A_138 = %while3A_71, %while3A_139 = %while3A_72, %while3A_140 = %while3A_73) -> (i32, i32, i32, i32, i32)  : i32 {
          %mul3A_141 = arith.constant 1 : i32
          %mul3A_142 = arith.muli %mul3A_141, %select_n3A : i32
          %eq3A_143 = arith.constant 0 : i32
          %eq3A_144 = arith.cmpi eq, %while3A_135, %eq3A_143 : i32
          %sub3A_145 = arith.constant 1 : i32
          %sub3A_146 = arith.subi %mul3A_142, %sub3A_145 : i32
          %eq3A_147 = arith.cmpi eq, %while3A_135, %sub3A_146 : i32
          %add3A_148 = arith.addi %while3A_140, %select_n3A_7 : i32
          %sub3A_149 = arith.constant 1 : i32
          %sub3A_150 = arith.subi %while3A_140, %sub3A_149 : i32
          %select_n3A_151 = arith.constant true
          %select_n3A_152 = arith.select %select_n3A_151, %sub3A_150, %while3A_140 : i32
          %eq3A_153 = arith.constant -1 : i32
          %eq3A_154 = arith.cmpi eq, %select_n3A_152, %eq3A_153 : i32
          %sub3A_155 = arith.constant 1 : i32
          %sub3A_156 = arith.subi %select_n3A, %sub3A_155 : i32
          %select_n3A_157 = arith.select %eq3A_154, %sub3A_156, %select_n3A_152 : i32
          %add3A_158 = arith.addi %select_n3A_157, %select_n3A_7 : i32
          %add3A_159 = arith.constant 1 : i32
          %add3A_160 = arith.addi %while3A_140, %add3A_159 : i32
          %select_n3A_161 = arith.constant true
          %select_n3A_162 = arith.select %select_n3A_161, %add3A_160, %while3A_140 : i32
          %eq3A_163 = arith.cmpi eq, %select_n3A_162, %select_n3A : i32
          %select_n3A_164 = arith.constant 0 : i32
          %select_n3A_165 = arith.select %eq3A_163, %select_n3A_164, %select_n3A_162 : i32
          %add3A_166 = arith.addi %select_n3A_165, %select_n3A_7 : i32
          %add3A_167 = arith.constant 1 : i32
          %add3A_168 = arith.addi %select_n3A_165, %add3A_167 : i32
          %select_n3A_169 = arith.constant true
          %select_n3A_170 = arith.select %select_n3A_169, %add3A_168, %select_n3A_165 : i32
          %eq3A_171 = arith.cmpi eq, %select_n3A_170, %select_n3A : i32
          %select_n3A_172 = arith.constant 0 : i32
          %select_n3A_173 = arith.select %eq3A_171, %select_n3A_172, %select_n3A_170 : i32
          %add3A_174 = arith.addi %select_n3A_173, %select_n3A_7 : i32
          %ne3A = arith.cmpi ne, %add3A_148, %add3A_166 : i32
          %or3A = arith.constant false
          %or3A_175 = arith.ori %or3A, %ne3A : i1
          %sub3A_176 = arith.constant 2 : i32
          %sub3A_177 = arith.subi %mul3A_142, %sub3A_176 : i32
          %add3A_178 = arith.constant 1 : i32
          %add3A_179 = arith.addi %sub3A_177, %add3A_178 : i32
          %ge3A = arith.cmpi sge, %while3A_135, %add3A_179 : i32
          %not3A = arith.constant true
          %not3A_180 = arith.xori %ge3A, %not3A : i1
          %and3A = arith.andi %or3A_175, %not3A_180 : i1
          %convert_element_type3A_181 = arith.extui %and3A : i1 to i32
          %cond3A_182 = arith.constant 0 : i32
          %cond3A_183 = arith.cmpi ne, %convert_element_type3A_181, %cond3A_182 : i32
          scf.if %cond3A_183 {
            "tpu.trace_start"() <{level = 10 : i32, message = "ep_copy_in"}> : () -> ()
            %rem3A_287 = arith.constant 2 : i32
            %rem3A_288 = arith.remui %while3A_136, %rem3A_287 : i32
            %mul3A_289 = arith.constant 128 : i32
            %mul3A_290 = arith.muli %mul3A_289, %add3A_166 : i32
            %dma_start3A_291 = arith.constant 0 : i32
            %dma_start3A_292 = arith.constant 0 : i32
            %dma_start3A_293 = tpu.memref_slice %run_scoped3A[%rem3A_288, %dma_start3A_291, %dma_start3A_292] : memref<2x1x128xi32, #tpu.memory_space<vmem>> -> memref<1x1x128xi32, #tpu.memory_space<vmem>>
            %dma_start3A_294 = tpu.memref_squeeze %dma_start3A_293 : memref<1x1x128xi32, #tpu.memory_space<vmem>> -> memref<1x128xi32, #tpu.memory_space<vmem>>
            %dma_start3A_295 = arith.constant 0 : i32
            %dma_start3A_296 = tpu.memref_slice %arg3[%dma_start3A_295, %mul3A_290] : memref<1x1024xi32, #tpu.memory_space<hbm>> -> memref<1x128xi32, #tpu.memory_space<hbm>>
            %dma_start3A_297 = tpu.memref_slice %run_scoped3A_10[%rem3A_288] : memref<2x!tpu.dma_semaphore, #tpu.memory_space<semaphore_mem>> -> memref<1x!tpu.dma_semaphore, #tpu.memory_space<semaphore_mem>>
            %dma_start3A_298 = tpu.memref_squeeze %dma_start3A_297 : memref<1x!tpu.dma_semaphore, #tpu.memory_space<semaphore_mem>> -> memref<!tpu.dma_semaphore, #tpu.memory_space<semaphore_mem>>
            %dma_start3A_299 = arith.constant 0 : i32
            %dma_start3A_300 = arith.constant 0 : i32
            %dma_start3A_301 = tpu.memref_slice %run_scoped3A[%rem3A_288, %dma_start3A_299, %dma_start3A_300] : memref<2x1x128xi32, #tpu.memory_space<vmem>> -> memref<1x1x128xi32, #tpu.memory_space<vmem>>
            %dma_start3A_302 = tpu.memref_squeeze %dma_start3A_301 : memref<1x1x128xi32, #tpu.memory_space<vmem>> -> memref<1x128xi32, #tpu.memory_space<vmem>>
            %dma_start3A_303 = arith.constant 0 : i32
            %dma_start3A_304 = tpu.memref_slice %arg3[%dma_start3A_303, %mul3A_290] : memref<1x1024xi32, #tpu.memory_space<hbm>> -> memref<1x128xi32, #tpu.memory_space<hbm>>
            tpu.enqueue_dma source(%dma_start3A_304 : memref<1x128xi32, #tpu.memory_space<hbm>>) target(%dma_start3A_302 : memref<1x128xi32, #tpu.memory_space<vmem>>) target_semaphore(%dma_start3A_298 : memref<!tpu.dma_semaphore, #tpu.memory_space<semaphore_mem>>)
            "tpu.trace_stop"() : () -> ()
          } else {
          }
          %and3A_184 = arith.constant true
          %and3A_185 = arith.andi %and3A, %and3A_184 : i1
          %add3A_186 = arith.constant 1 : i32
          %add3A_187 = arith.addi %while3A_136, %add3A_186 : i32
          %select_n3A_188 = arith.select %and3A_185, %add3A_187, %while3A_136 : i32
          %ne3A_189 = arith.cmpi ne, %add3A_148, %add3A_166 : i32
          %or3A_190 = arith.constant false
          %or3A_191 = arith.ori %or3A_190, %ne3A_189 : i1
          %or3A_192 = arith.constant false
          %or3A_193 = arith.ori %or3A_191, %or3A_192 : i1
          %sub3A_194 = arith.constant 2 : i32
          %sub3A_195 = arith.subi %mul3A_142, %sub3A_194 : i32
          %add3A_196 = arith.constant 1 : i32
          %add3A_197 = arith.addi %sub3A_195, %add3A_196 : i32
          %ge3A_198 = arith.cmpi sge, %while3A_135, %add3A_197 : i32
          %not3A_199 = arith.constant true
          %not3A_200 = arith.xori %ge3A_198, %not3A_199 : i1
          %and3A_201 = arith.andi %or3A_193, %not3A_200 : i1
          %ne3A_202 = arith.cmpi ne, %add3A_148, %add3A_158 : i32
          %or3A_203 = arith.constant false
          %or3A_204 = arith.ori %or3A_203, %ne3A_202 : i1
          %or3A_205 = arith.ori %or3A_204, %eq3A_144 : i1
          %convert_element_type3A_206 = arith.extui %or3A_205 : i1 to i32
          %cond3A_207 = arith.constant 0 : i32
          %cond3A_208 = arith.cmpi ne, %convert_element_type3A_206, %cond3A_207 : i32
          scf.if %cond3A_208 {
            "tpu.trace_start"() <{level = 10 : i32, message = "ep_wait_in"}> : () -> ()
            %mul3A_287 = arith.constant 128 : i32
            %mul3A_288 = arith.muli %mul3A_287, %add3A_148 : i32
            %rem3A_289 = arith.constant 2 : i32
            %rem3A_290 = arith.remui %while3A_137, %rem3A_289 : i32
            %dma_wait3A = arith.constant 0 : i32
            %dma_wait3A_291 = arith.constant 0 : i32
            %dma_wait3A_292 = tpu.memref_slice %run_scoped3A[%rem3A_290, %dma_wait3A, %dma_wait3A_291] : memref<2x1x128xi32, #tpu.memory_space<vmem>> -> memref<1x1x128xi32, #tpu.memory_space<vmem>>
            %dma_wait3A_293 = tpu.memref_squeeze %dma_wait3A_292 : memref<1x1x128xi32, #tpu.memory_space<vmem>> -> memref<1x128xi32, #tpu.memory_space<vmem>>
            %dma_wait3A_294 = arith.constant 0 : i32
            %dma_wait3A_295 = tpu.memref_slice %arg3[%dma_wait3A_294, %mul3A_288] : memref<1x1024xi32, #tpu.memory_space<hbm>> -> memref<1x128xi32, #tpu.memory_space<hbm>>
            %dma_wait3A_296 = tpu.memref_slice %run_scoped3A_10[%rem3A_290] : memref<2x!tpu.dma_semaphore, #tpu.memory_space<semaphore_mem>> -> memref<1x!tpu.dma_semaphore, #tpu.memory_space<semaphore_mem>>
            %dma_wait3A_297 = tpu.memref_squeeze %dma_wait3A_296 : memref<1x!tpu.dma_semaphore, #tpu.memory_space<semaphore_mem>> -> memref<!tpu.dma_semaphore, #tpu.memory_space<semaphore_mem>>
            %dma_wait3A_298 = arith.constant 0 : i32
            %dma_wait3A_299 = arith.constant 0 : i32
            %dma_wait3A_300 = tpu.memref_slice %run_scoped3A[%rem3A_290, %dma_wait3A_298, %dma_wait3A_299] : memref<2x1x128xi32, #tpu.memory_space<vmem>> -> memref<1x1x128xi32, #tpu.memory_space<vmem>>
            %dma_wait3A_301 = tpu.memref_squeeze %dma_wait3A_300 : memref<1x1x128xi32, #tpu.memory_space<vmem>> -> memref<1x128xi32, #tpu.memory_space<vmem>>
            %dma_wait3A_302 = arith.constant 0 : i32
            %dma_wait3A_303 = tpu.memref_slice %arg3[%dma_wait3A_302, %mul3A_288] : memref<1x1024xi32, #tpu.memory_space<hbm>> -> memref<1x128xi32, #tpu.memory_space<hbm>>
            tpu.wait_dma2 semaphore(%dma_wait3A_297 : memref<!tpu.dma_semaphore, #tpu.memory_space<semaphore_mem>>) src(%dma_wait3A_303 : memref<1x128xi32, #tpu.memory_space<hbm>>) dst(%dma_wait3A_301 : memref<1x128xi32, #tpu.memory_space<vmem>>)
            "tpu.trace_stop"() : () -> ()
          } else {
          }
          %ne3A_209 = arith.cmpi ne, %add3A_148, %add3A_158 : i32
          %or3A_210 = arith.constant false
          %or3A_211 = arith.ori %or3A_210, %ne3A_209 : i1
          %or3A_212 = arith.constant false
          %or3A_213 = arith.ori %or3A_211, %or3A_212 : i1
          %or3A_214 = arith.ori %or3A_213, %eq3A_144 : i1
          %convert_element_type3A_215 = arith.extui %or3A_214 : i1 to i32
          %cond3A_216 = arith.constant 0 : i32
          %cond3A_217 = arith.cmpi ne, %convert_element_type3A_215, %cond3A_216 : i32
          scf.if %cond3A_217 {
          } else {
          }
          %rem3A_218 = arith.constant 2 : i32
          %rem3A_219 = arith.remui %while3A_137, %rem3A_218 : i32
          %rem3A_220 = arith.constant 2 : i32
          %rem3A_221 = arith.remui %while3A_138, %rem3A_220 : i32
          %run_scoped3A_222 = arith.constant 0 : i32
          "tpu.trace_start"() <{level = 10 : i32, message = "ep_run_kernel"}> : () -> ()
          "tpu.region"() ({
            %run_scoped3A_287 = tpu.sem_alloc : memref<!tpu.dma_semaphore, #tpu.memory_space<semaphore_mem>>
            %dma_start3A_288 = arith.constant 0 : i32
            %dma_start3A_289 = arith.constant 0 : i32
            %dma_start3A_290 = tpu.memref_slice %run_scoped3A_11[%rem3A_221, %dma_start3A_288, %dma_start3A_289] : memref<2x128x128xf32, #tpu.memory_space<vmem>> -> memref<1x128x128xf32, #tpu.memory_space<vmem>>
            %dma_start3A_291 = tpu.memref_squeeze %dma_start3A_290 : memref<1x128x128xf32, #tpu.memory_space<vmem>> -> memref<128x128xf32, #tpu.memory_space<vmem>>
            %dma_start3A_292 = arith.constant 0 : i32
            %dma_start3A_293 = arith.constant 0 : i32
            %dma_start3A_294 = tpu.memref_slice %run_scoped3A[%rem3A_219, %dma_start3A_292, %dma_start3A_293] : memref<2x1x128xi32, #tpu.memory_space<vmem>> -> memref<1x1x128xi32, #tpu.memory_space<vmem>>
            %dma_start3A_295 = tpu.memref_squeeze %dma_start3A_294 : memref<1x1x128xi32, #tpu.memory_space<vmem>> -> memref<1x128xi32, #tpu.memory_space<vmem>>
            %dma_start3A_296 = arith.constant 0 : i32
            %dma_start3A_297 = tpu.memref_slice %dma_start3A_295[%run_scoped3A_222, %dma_start3A_296] : memref<1x128xi32, #tpu.memory_space<vmem>> -> memref<1x128xi32, #tpu.memory_space<vmem>>
            %dma_start3A_298 = tpu.memref_squeeze %dma_start3A_297 : memref<1x128xi32, #tpu.memory_space<vmem>> -> memref<128xi32, #tpu.memory_space<vmem>>
            %dma_start3A_299 = arith.constant 0 : i32
            %dma_start3A_300 = arith.constant 0 : i32
            %dma_start3A_301 = tpu.memref_slice %arg2[%dma_start3A_299, %dma_start3A_300] : memref<36864x128xf32, #tpu.memory_space<hbm>> -> memref<36864x128xf32, #tpu.memory_space<hbm>>
            tpu.enqueue_indirect_dma source(%dma_start3A_301 : memref<36864x128xf32, #tpu.memory_space<hbm>>) target(%dma_start3A_291 : memref<128x128xf32, #tpu.memory_space<vmem>>) offsets(%dma_start3A_298 : memref<128xi32, #tpu.memory_space<vmem>>) semaphore(%run_scoped3A_287 : memref<!tpu.dma_semaphore, #tpu.memory_space<semaphore_mem>>)
            %dma_wait3A = arith.constant 0 : i32
            %dma_wait3A_302 = arith.constant 0 : i32
            %dma_wait3A_303 = tpu.memref_slice %run_scoped3A_11[%rem3A_221, %dma_wait3A, %dma_wait3A_302] : memref<2x128x128xf32, #tpu.memory_space<vmem>> -> memref<1x128x128xf32, #tpu.memory_space<vmem>>
            %dma_wait3A_304 = tpu.memref_squeeze %dma_wait3A_303 : memref<1x128x128xf32, #tpu.memory_space<vmem>> -> memref<128x128xf32, #tpu.memory_space<vmem>>
            %dma_wait3A_305 = arith.constant 0 : i32
            %dma_wait3A_306 = arith.constant 0 : i32
            %dma_wait3A_307 = tpu.memref_slice %run_scoped3A[%rem3A_219, %dma_wait3A_305, %dma_wait3A_306] : memref<2x1x128xi32, #tpu.memory_space<vmem>> -> memref<1x1x128xi32, #tpu.memory_space<vmem>>
            %dma_wait3A_308 = tpu.memref_squeeze %dma_wait3A_307 : memref<1x1x128xi32, #tpu.memory_space<vmem>> -> memref<1x128xi32, #tpu.memory_space<vmem>>
            %dma_wait3A_309 = arith.constant 0 : i32
            %dma_wait3A_310 = tpu.memref_slice %dma_wait3A_308[%run_scoped3A_222, %dma_wait3A_309] : memref<1x128xi32, #tpu.memory_space<vmem>> -> memref<1x128xi32, #tpu.memory_space<vmem>>
            %dma_wait3A_311 = tpu.memref_squeeze %dma_wait3A_310 : memref<1x128xi32, #tpu.memory_space<vmem>> -> memref<128xi32, #tpu.memory_space<vmem>>
            %dma_wait3A_312 = arith.constant 0 : i32
            %dma_wait3A_313 = arith.constant 0 : i32
            %dma_wait3A_314 = tpu.memref_slice %arg2[%dma_wait3A_312, %dma_wait3A_313] : memref<36864x128xf32, #tpu.memory_space<hbm>> -> memref<36864x128xf32, #tpu.memory_space<hbm>>
            tpu.wait_indirect_dma semaphore(%run_scoped3A_287 : memref<!tpu.dma_semaphore, #tpu.memory_space<semaphore_mem>>) src(%dma_wait3A_314 : memref<36864x128xf32, #tpu.memory_space<hbm>>) dst(%dma_wait3A_304 : memref<128x128xf32, #tpu.memory_space<vmem>>)
            tpu.yield
          }) : () -> ()
          "tpu.trace_stop"() : () -> ()
          %ne3A_223 = arith.cmpi ne, %add3A_148, %add3A_166 : i32
          %or3A_224 = arith.constant false
          %or3A_225 = arith.ori %or3A_224, %ne3A_223 : i1
          %or3A_226 = arith.ori %or3A_225, %eq3A_147 : i1
          %convert_element_type3A_227 = arith.extui %or3A_226 : i1 to i32
          %cond3A_228 = arith.constant 0 : i32
          %cond3A_229 = arith.cmpi ne, %convert_element_type3A_227, %cond3A_228 : i32
          scf.if %cond3A_229 {
          } else {
          }
          %and3A_230 = arith.constant false
          %and3A_231 = arith.andi %or3A_226, %and3A_230 : i1
          %ne3A_232 = arith.cmpi ne, %add3A_148, %add3A_166 : i32
          %or3A_233 = arith.constant false
          %or3A_234 = arith.ori %or3A_233, %ne3A_232 : i1
          %or3A_235 = arith.constant false
          %or3A_236 = arith.ori %or3A_234, %or3A_235 : i1
          %or3A_237 = arith.ori %or3A_236, %eq3A_147 : i1
          %convert_element_type3A_238 = arith.extui %or3A_237 : i1 to i32
          %cond3A_239 = arith.constant 0 : i32
          %cond3A_240 = arith.cmpi ne, %convert_element_type3A_238, %cond3A_239 : i32
          scf.if %cond3A_240 {
            "tpu.trace_start"() <{level = 10 : i32, message = "ep_copy_out"}> : () -> ()
            %rem3A_287 = arith.constant 2 : i32
            %rem3A_288 = arith.remui %while3A_138, %rem3A_287 : i32
            %mul3A_289 = arith.constant 128 : i32
            %mul3A_290 = arith.muli %mul3A_289, %add3A_148 : i32
            %dma_start3A_291 = arith.constant 0 : i32
            %dma_start3A_292 = arith.constant 0 : i32
            %dma_start3A_293 = tpu.memref_slice %run_scoped3A_11[%rem3A_288, %dma_start3A_291, %dma_start3A_292] : memref<2x128x128xf32, #tpu.memory_space<vmem>> -> memref<1x128x128xf32, #tpu.memory_space<vmem>>
            %dma_start3A_294 = tpu.memref_squeeze %dma_start3A_293 : memref<1x128x128xf32, #tpu.memory_space<vmem>> -> memref<128x128xf32, #tpu.memory_space<vmem>>
            %dma_start3A_295 = arith.constant 0 : i32
            %dma_start3A_296 = tpu.memref_slice %arg4[%mul3A_290, %dma_start3A_295] : memref<1024x128xf32, #tpu.memory_space<hbm>> -> memref<128x128xf32, #tpu.memory_space<hbm>>
            %dma_start3A_297 = tpu.memref_slice %run_scoped3A_12[%rem3A_288] : memref<2x!tpu.dma_semaphore, #tpu.memory_space<semaphore_mem>> -> memref<1x!tpu.dma_semaphore, #tpu.memory_space<semaphore_mem>>
            %dma_start3A_298 = tpu.memref_squeeze %dma_start3A_297 : memref<1x!tpu.dma_semaphore, #tpu.memory_space<semaphore_mem>> -> memref<!tpu.dma_semaphore, #tpu.memory_space<semaphore_mem>>
            %dma_start3A_299 = arith.constant 0 : i32
            %dma_start3A_300 = tpu.memref_slice %arg4[%mul3A_290, %dma_start3A_299] : memref<1024x128xf32, #tpu.memory_space<hbm>> -> memref<128x128xf32, #tpu.memory_space<hbm>>
            %dma_start3A_301 = arith.constant 0 : i32
            %dma_start3A_302 = arith.constant 0 : i32
            %dma_start3A_303 = tpu.memref_slice %run_scoped3A_11[%rem3A_288, %dma_start3A_301, %dma_start3A_302] : memref<2x128x128xf32, #tpu.memory_space<vmem>> -> memref<1x128x128xf32, #tpu.memory_space<vmem>>
            %dma_start3A_304 = tpu.memref_squeeze %dma_start3A_303 : memref<1x128x128xf32, #tpu.memory_space<vmem>> -> memref<128x128xf32, #tpu.memory_space<vmem>>
            tpu.enqueue_dma source(%dma_start3A_304 : memref<128x128xf32, #tpu.memory_space<vmem>>) target(%dma_start3A_300 : memref<128x128xf32, #tpu.memory_space<hbm>>) target_semaphore(%dma_start3A_298 : memref<!tpu.dma_semaphore, #tpu.memory_space<semaphore_mem>>)
            "tpu.trace_stop"() : () -> ()
          } else {
          }
          %and3A_241 = arith.constant true
          %and3A_242 = arith.andi %or3A_237, %and3A_241 : i1
          %add3A_243 = arith.constant 1 : i32
          %add3A_244 = arith.addi %while3A_138, %add3A_243 : i32
          %select_n3A_245 = arith.select %and3A_242, %add3A_244, %while3A_138 : i32
          %ne3A_246 = arith.cmpi ne, %add3A_148, %add3A_158 : i32
          %or3A_247 = arith.constant false
          %or3A_248 = arith.ori %or3A_247, %ne3A_246 : i1
          %not3A_249 = arith.constant true
          %not3A_250 = arith.xori %eq3A_144, %not3A_249 : i1
          %and3A_251 = arith.andi %or3A_248, %not3A_250 : i1
          %convert_element_type3A_252 = arith.extui %and3A_251 : i1 to i32
          %cond3A_253 = arith.constant 0 : i32
          %cond3A_254 = arith.cmpi ne, %convert_element_type3A_252, %cond3A_253 : i32
          scf.if %cond3A_254 {
          } else {
          }
          %and3A_255 = arith.constant false
          %and3A_256 = arith.andi %and3A_251, %and3A_255 : i1
          %ne3A_257 = arith.cmpi ne, %add3A_148, %add3A_158 : i32
          %or3A_258 = arith.constant false
          %or3A_259 = arith.ori %or3A_258, %ne3A_257 : i1
          %or3A_260 = arith.constant false
          %or3A_261 = arith.ori %or3A_259, %or3A_260 : i1
          %not3A_262 = arith.constant true
          %not3A_263 = arith.xori %eq3A_144, %not3A_262 : i1
          %and3A_264 = arith.andi %or3A_261, %not3A_263 : i1
          %convert_element_type3A_265 = arith.extui %and3A_264 : i1 to i32
          %cond3A_266 = arith.constant 0 : i32
          %cond3A_267 = arith.cmpi ne, %convert_element_type3A_265, %cond3A_266 : i32
          scf.if %cond3A_267 {
            "tpu.trace_start"() <{level = 10 : i32, message = "ep_wait_out"}> : () -> ()
            %rem3A_287 = arith.constant 2 : i32
            %rem3A_288 = arith.remui %while3A_139, %rem3A_287 : i32
            %mul3A_289 = arith.constant 128 : i32
            %mul3A_290 = arith.muli %mul3A_289, %add3A_158 : i32
            %dma_wait3A = arith.constant 0 : i32
            %dma_wait3A_291 = arith.constant 0 : i32
            %dma_wait3A_292 = tpu.memref_slice %run_scoped3A_11[%rem3A_288, %dma_wait3A, %dma_wait3A_291] : memref<2x128x128xf32, #tpu.memory_space<vmem>> -> memref<1x128x128xf32, #tpu.memory_space<vmem>>
            %dma_wait3A_293 = tpu.memref_squeeze %dma_wait3A_292 : memref<1x128x128xf32, #tpu.memory_space<vmem>> -> memref<128x128xf32, #tpu.memory_space<vmem>>
            %dma_wait3A_294 = arith.constant 0 : i32
            %dma_wait3A_295 = tpu.memref_slice %arg4[%mul3A_290, %dma_wait3A_294] : memref<1024x128xf32, #tpu.memory_space<hbm>> -> memref<128x128xf32, #tpu.memory_space<hbm>>
            %dma_wait3A_296 = tpu.memref_slice %run_scoped3A_12[%rem3A_288] : memref<2x!tpu.dma_semaphore, #tpu.memory_space<semaphore_mem>> -> memref<1x!tpu.dma_semaphore, #tpu.memory_space<semaphore_mem>>
            %dma_wait3A_297 = tpu.memref_squeeze %dma_wait3A_296 : memref<1x!tpu.dma_semaphore, #tpu.memory_space<semaphore_mem>> -> memref<!tpu.dma_semaphore, #tpu.memory_space<semaphore_mem>>
            %dma_wait3A_298 = arith.constant 0 : i32
            %dma_wait3A_299 = tpu.memref_slice %arg4[%mul3A_290, %dma_wait3A_298] : memref<1024x128xf32, #tpu.memory_space<hbm>> -> memref<128x128xf32, #tpu.memory_space<hbm>>
            %dma_wait3A_300 = arith.constant 0 : i32
            %dma_wait3A_301 = arith.constant 0 : i32
            %dma_wait3A_302 = tpu.memref_slice %run_scoped3A_11[%rem3A_288, %dma_wait3A_300, %dma_wait3A_301] : memref<2x128x128xf32, #tpu.memory_space<vmem>> -> memref<1x128x128xf32, #tpu.memory_space<vmem>>
            %dma_wait3A_303 = tpu.memref_squeeze %dma_wait3A_302 : memref<1x128x128xf32, #tpu.memory_space<vmem>> -> memref<128x128xf32, #tpu.memory_space<vmem>>
            tpu.wait_dma2 semaphore(%dma_wait3A_297 : memref<!tpu.dma_semaphore, #tpu.memory_space<semaphore_mem>>) src(%dma_wait3A_303 : memref<128x128xf32, #tpu.memory_space<vmem>>) dst(%dma_wait3A_299 : memref<128x128xf32, #tpu.memory_space<hbm>>)
            "tpu.trace_stop"() : () -> ()
          } else {
          }
          %and3A_268 = arith.constant true
          %and3A_269 = arith.andi %and3A_264, %and3A_268 : i1
          %add3A_270 = arith.constant 1 : i32
          %add3A_271 = arith.addi %while3A_139, %add3A_270 : i32
          %select_n3A_272 = arith.select %and3A_269, %add3A_271, %while3A_139 : i32
          %ne3A_273 = arith.cmpi ne, %add3A_148, %add3A_166 : i32
          %or3A_274 = arith.constant false
          %or3A_275 = arith.ori %or3A_274, %ne3A_273 : i1
          %or3A_276 = arith.ori %or3A_275, %eq3A_147 : i1
          %add3A_277 = arith.constant 1 : i32
          %add3A_278 = arith.addi %while3A_137, %add3A_277 : i32
          %select_n3A_279 = arith.select %or3A_276, %add3A_278, %while3A_137 : i32
          %add3A_280 = arith.constant 1 : i32
          %add3A_281 = arith.addi %while3A_140, %add3A_280 : i32
          %select_n3A_282 = arith.constant true
          %select_n3A_283 = arith.select %select_n3A_282, %add3A_281, %while3A_140 : i32
          %eq3A_284 = arith.cmpi eq, %select_n3A_283, %select_n3A : i32
          %select_n3A_285 = arith.constant 0 : i32
          %select_n3A_286 = arith.select %eq3A_284, %select_n3A_285, %select_n3A_283 : i32
          scf.yield %select_n3A_188, %select_n3A_279, %select_n3A_245, %select_n3A_272, %select_n3A_286 : i32, i32, i32, i32, i32
        }
        %while3A_82 = arith.constant 1 : i32
        %while3A_83:5 = scf.for %while3A_135 = %while3A_79 to %while3A_75 step %while3A_82 iter_args(%while3A_136 = %while3A_81#0, %while3A_137 = %while3A_81#1, %while3A_138 = %while3A_81#2, %while3A_139 = %while3A_81#3, %while3A_140 = %while3A_81#4) -> (i32, i32, i32, i32, i32)  : i32 {
          %mul3A_141 = arith.constant 1 : i32
          %mul3A_142 = arith.muli %mul3A_141, %select_n3A : i32
          %eq3A_143 = arith.constant 0 : i32
          %eq3A_144 = arith.cmpi eq, %while3A_135, %eq3A_143 : i32
          %sub3A_145 = arith.constant 1 : i32
          %sub3A_146 = arith.subi %mul3A_142, %sub3A_145 : i32
          %eq3A_147 = arith.cmpi eq, %while3A_135, %sub3A_146 : i32
          %add3A_148 = arith.addi %while3A_140, %select_n3A_7 : i32
          %sub3A_149 = arith.constant 1 : i32
          %sub3A_150 = arith.subi %while3A_140, %sub3A_149 : i32
          %select_n3A_151 = arith.constant true
          %select_n3A_152 = arith.select %select_n3A_151, %sub3A_150, %while3A_140 : i32
          %eq3A_153 = arith.constant -1 : i32
          %eq3A_154 = arith.cmpi eq, %select_n3A_152, %eq3A_153 : i32
          %sub3A_155 = arith.constant 1 : i32
          %sub3A_156 = arith.subi %select_n3A, %sub3A_155 : i32
          %select_n3A_157 = arith.select %eq3A_154, %sub3A_156, %select_n3A_152 : i32
          %add3A_158 = arith.addi %select_n3A_157, %select_n3A_7 : i32
          %add3A_159 = arith.constant 1 : i32
          %add3A_160 = arith.addi %while3A_140, %add3A_159 : i32
          %select_n3A_161 = arith.constant true
          %select_n3A_162 = arith.select %select_n3A_161, %add3A_160, %while3A_140 : i32
          %eq3A_163 = arith.cmpi eq, %select_n3A_162, %select_n3A : i32
          %select_n3A_164 = arith.constant 0 : i32
          %select_n3A_165 = arith.select %eq3A_163, %select_n3A_164, %select_n3A_162 : i32
          %add3A_166 = arith.addi %select_n3A_165, %select_n3A_7 : i32
          %add3A_167 = arith.constant 1 : i32
          %add3A_168 = arith.addi %select_n3A_165, %add3A_167 : i32
          %select_n3A_169 = arith.constant true
          %select_n3A_170 = arith.select %select_n3A_169, %add3A_168, %select_n3A_165 : i32
          %eq3A_171 = arith.cmpi eq, %select_n3A_170, %select_n3A : i32
          %select_n3A_172 = arith.constant 0 : i32
          %select_n3A_173 = arith.select %eq3A_171, %select_n3A_172, %select_n3A_170 : i32
          %add3A_174 = arith.addi %select_n3A_173, %select_n3A_7 : i32
          %ne3A = arith.cmpi ne, %add3A_148, %add3A_166 : i32
          %or3A = arith.constant false
          %or3A_175 = arith.ori %or3A, %ne3A : i1
          %sub3A_176 = arith.constant 2 : i32
          %sub3A_177 = arith.subi %mul3A_142, %sub3A_176 : i32
          %add3A_178 = arith.constant 1 : i32
          %add3A_179 = arith.addi %sub3A_177, %add3A_178 : i32
          %ge3A = arith.cmpi sge, %while3A_135, %add3A_179 : i32
          %not3A = arith.constant true
          %not3A_180 = arith.xori %ge3A, %not3A : i1
          %and3A = arith.andi %or3A_175, %not3A_180 : i1
          %convert_element_type3A_181 = arith.extui %and3A : i1 to i32
          %cond3A_182 = arith.constant 0 : i32
          %cond3A_183 = arith.cmpi ne, %convert_element_type3A_181, %cond3A_182 : i32
          scf.if %cond3A_183 {
            "tpu.trace_start"() <{level = 10 : i32, message = "ep_copy_in"}> : () -> ()
            %rem3A_287 = arith.constant 2 : i32
            %rem3A_288 = arith.remui %while3A_136, %rem3A_287 : i32
            %mul3A_289 = arith.constant 128 : i32
            %mul3A_290 = arith.muli %mul3A_289, %add3A_166 : i32
            %dma_start3A_291 = arith.constant 0 : i32
            %dma_start3A_292 = arith.constant 0 : i32
            %dma_start3A_293 = tpu.memref_slice %run_scoped3A[%rem3A_288, %dma_start3A_291, %dma_start3A_292] : memref<2x1x128xi32, #tpu.memory_space<vmem>> -> memref<1x1x128xi32, #tpu.memory_space<vmem>>
            %dma_start3A_294 = tpu.memref_squeeze %dma_start3A_293 : memref<1x1x128xi32, #tpu.memory_space<vmem>> -> memref<1x128xi32, #tpu.memory_space<vmem>>
            %dma_start3A_295 = arith.constant 0 : i32
            %dma_start3A_296 = tpu.memref_slice %arg3[%dma_start3A_295, %mul3A_290] : memref<1x1024xi32, #tpu.memory_space<hbm>> -> memref<1x128xi32, #tpu.memory_space<hbm>>
            %dma_start3A_297 = tpu.memref_slice %run_scoped3A_10[%rem3A_288] : memref<2x!tpu.dma_semaphore, #tpu.memory_space<semaphore_mem>> -> memref<1x!tpu.dma_semaphore, #tpu.memory_space<semaphore_mem>>
            %dma_start3A_298 = tpu.memref_squeeze %dma_start3A_297 : memref<1x!tpu.dma_semaphore, #tpu.memory_space<semaphore_mem>> -> memref<!tpu.dma_semaphore, #tpu.memory_space<semaphore_mem>>
            %dma_start3A_299 = arith.constant 0 : i32
            %dma_start3A_300 = arith.constant 0 : i32
            %dma_start3A_301 = tpu.memref_slice %run_scoped3A[%rem3A_288, %dma_start3A_299, %dma_start3A_300] : memref<2x1x128xi32, #tpu.memory_space<vmem>> -> memref<1x1x128xi32, #tpu.memory_space<vmem>>
            %dma_start3A_302 = tpu.memref_squeeze %dma_start3A_301 : memref<1x1x128xi32, #tpu.memory_space<vmem>> -> memref<1x128xi32, #tpu.memory_space<vmem>>
            %dma_start3A_303 = arith.constant 0 : i32
            %dma_start3A_304 = tpu.memref_slice %arg3[%dma_start3A_303, %mul3A_290] : memref<1x1024xi32, #tpu.memory_space<hbm>> -> memref<1x128xi32, #tpu.memory_space<hbm>>
            tpu.enqueue_dma source(%dma_start3A_304 : memref<1x128xi32, #tpu.memory_space<hbm>>) target(%dma_start3A_302 : memref<1x128xi32, #tpu.memory_space<vmem>>) target_semaphore(%dma_start3A_298 : memref<!tpu.dma_semaphore, #tpu.memory_space<semaphore_mem>>)
            "tpu.trace_stop"() : () -> ()
          } else {
          }
          %and3A_184 = arith.constant true
          %and3A_185 = arith.andi %and3A, %and3A_184 : i1
          %add3A_186 = arith.constant 1 : i32
          %add3A_187 = arith.addi %while3A_136, %add3A_186 : i32
          %select_n3A_188 = arith.select %and3A_185, %add3A_187, %while3A_136 : i32
          %ne3A_189 = arith.cmpi ne, %add3A_148, %add3A_166 : i32
          %or3A_190 = arith.constant false
          %or3A_191 = arith.ori %or3A_190, %ne3A_189 : i1
          %or3A_192 = arith.constant false
          %or3A_193 = arith.ori %or3A_191, %or3A_192 : i1
          %sub3A_194 = arith.constant 2 : i32
          %sub3A_195 = arith.subi %mul3A_142, %sub3A_194 : i32
          %add3A_196 = arith.constant 1 : i32
          %add3A_197 = arith.addi %sub3A_195, %add3A_196 : i32
          %ge3A_198 = arith.cmpi sge, %while3A_135, %add3A_197 : i32
          %not3A_199 = arith.constant true
          %not3A_200 = arith.xori %ge3A_198, %not3A_199 : i1
          %and3A_201 = arith.andi %or3A_193, %not3A_200 : i1
          %ne3A_202 = arith.cmpi ne, %add3A_148, %add3A_158 : i32
          %or3A_203 = arith.constant false
          %or3A_204 = arith.ori %or3A_203, %ne3A_202 : i1
          %or3A_205 = arith.ori %or3A_204, %eq3A_144 : i1
          %convert_element_type3A_206 = arith.extui %or3A_205 : i1 to i32
          %cond3A_207 = arith.constant 0 : i32
          %cond3A_208 = arith.cmpi ne, %convert_element_type3A_206, %cond3A_207 : i32
          scf.if %cond3A_208 {
            "tpu.trace_start"() <{level = 10 : i32, message = "ep_wait_in"}> : () -> ()
            %mul3A_287 = arith.constant 128 : i32
            %mul3A_288 = arith.muli %mul3A_287, %add3A_148 : i32
            %rem3A_289 = arith.constant 2 : i32
            %rem3A_290 = arith.remui %while3A_137, %rem3A_289 : i32
            %dma_wait3A = arith.constant 0 : i32
            %dma_wait3A_291 = arith.constant 0 : i32
            %dma_wait3A_292 = tpu.memref_slice %run_scoped3A[%rem3A_290, %dma_wait3A, %dma_wait3A_291] : memref<2x1x128xi32, #tpu.memory_space<vmem>> -> memref<1x1x128xi32, #tpu.memory_space<vmem>>
            %dma_wait3A_293 = tpu.memref_squeeze %dma_wait3A_292 : memref<1x1x128xi32, #tpu.memory_space<vmem>> -> memref<1x128xi32, #tpu.memory_space<vmem>>
            %dma_wait3A_294 = arith.constant 0 : i32
            %dma_wait3A_295 = tpu.memref_slice %arg3[%dma_wait3A_294, %mul3A_288] : memref<1x1024xi32, #tpu.memory_space<hbm>> -> memref<1x128xi32, #tpu.memory_space<hbm>>
            %dma_wait3A_296 = tpu.memref_slice %run_scoped3A_10[%rem3A_290] : memref<2x!tpu.dma_semaphore, #tpu.memory_space<semaphore_mem>> -> memref<1x!tpu.dma_semaphore, #tpu.memory_space<semaphore_mem>>
            %dma_wait3A_297 = tpu.memref_squeeze %dma_wait3A_296 : memref<1x!tpu.dma_semaphore, #tpu.memory_space<semaphore_mem>> -> memref<!tpu.dma_semaphore, #tpu.memory_space<semaphore_mem>>
            %dma_wait3A_298 = arith.constant 0 : i32
            %dma_wait3A_299 = arith.constant 0 : i32
            %dma_wait3A_300 = tpu.memref_slice %run_scoped3A[%rem3A_290, %dma_wait3A_298, %dma_wait3A_299] : memref<2x1x128xi32, #tpu.memory_space<vmem>> -> memref<1x1x128xi32, #tpu.memory_space<vmem>>
            %dma_wait3A_301 = tpu.memref_squeeze %dma_wait3A_300 : memref<1x1x128xi32, #tpu.memory_space<vmem>> -> memref<1x128xi32, #tpu.memory_space<vmem>>
            %dma_wait3A_302 = arith.constant 0 : i32
            %dma_wait3A_303 = tpu.memref_slice %arg3[%dma_wait3A_302, %mul3A_288] : memref<1x1024xi32, #tpu.memory_space<hbm>> -> memref<1x128xi32, #tpu.memory_space<hbm>>
            tpu.wait_dma2 semaphore(%dma_wait3A_297 : memref<!tpu.dma_semaphore, #tpu.memory_space<semaphore_mem>>) src(%dma_wait3A_303 : memref<1x128xi32, #tpu.memory_space<hbm>>) dst(%dma_wait3A_301 : memref<1x128xi32, #tpu.memory_space<vmem>>)
            "tpu.trace_stop"() : () -> ()
          } else {
          }
          %ne3A_209 = arith.cmpi ne, %add3A_148, %add3A_158 : i32
          %or3A_210 = arith.constant false
          %or3A_211 = arith.ori %or3A_210, %ne3A_209 : i1
          %or3A_212 = arith.constant false
          %or3A_213 = arith.ori %or3A_211, %or3A_212 : i1
          %or3A_214 = arith.ori %or3A_213, %eq3A_144 : i1
          %convert_element_type3A_215 = arith.extui %or3A_214 : i1 to i32
          %cond3A_216 = arith.constant 0 : i32
          %cond3A_217 = arith.cmpi ne, %convert_element_type3A_215, %cond3A_216 : i32
          scf.if %cond3A_217 {
          } else {
          }
          %rem3A_218 = arith.constant 2 : i32
          %rem3A_219 = arith.remui %while3A_137, %rem3A_218 : i32
          %rem3A_220 = arith.constant 2 : i32
          %rem3A_221 = arith.remui %while3A_138, %rem3A_220 : i32
          %run_scoped3A_222 = arith.constant 0 : i32
          "tpu.trace_start"() <{level = 10 : i32, message = "ep_run_kernel"}> : () -> ()
          "tpu.region"() ({
            %run_scoped3A_287 = tpu.sem_alloc : memref<!tpu.dma_semaphore, #tpu.memory_space<semaphore_mem>>
            %dma_start3A_288 = arith.constant 0 : i32
            %dma_start3A_289 = arith.constant 0 : i32
            %dma_start3A_290 = tpu.memref_slice %run_scoped3A_11[%rem3A_221, %dma_start3A_288, %dma_start3A_289] : memref<2x128x128xf32, #tpu.memory_space<vmem>> -> memref<1x128x128xf32, #tpu.memory_space<vmem>>
            %dma_start3A_291 = tpu.memref_squeeze %dma_start3A_290 : memref<1x128x128xf32, #tpu.memory_space<vmem>> -> memref<128x128xf32, #tpu.memory_space<vmem>>
            %dma_start3A_292 = arith.constant 0 : i32
            %dma_start3A_293 = arith.constant 0 : i32
            %dma_start3A_294 = tpu.memref_slice %run_scoped3A[%rem3A_219, %dma_start3A_292, %dma_start3A_293] : memref<2x1x128xi32, #tpu.memory_space<vmem>> -> memref<1x1x128xi32, #tpu.memory_space<vmem>>
            %dma_start3A_295 = tpu.memref_squeeze %dma_start3A_294 : memref<1x1x128xi32, #tpu.memory_space<vmem>> -> memref<1x128xi32, #tpu.memory_space<vmem>>
            %dma_start3A_296 = arith.constant 0 : i32
            %dma_start3A_297 = tpu.memref_slice %dma_start3A_295[%run_scoped3A_222, %dma_start3A_296] : memref<1x128xi32, #tpu.memory_space<vmem>> -> memref<1x128xi32, #tpu.memory_space<vmem>>
            %dma_start3A_298 = tpu.memref_squeeze %dma_start3A_297 : memref<1x128xi32, #tpu.memory_space<vmem>> -> memref<128xi32, #tpu.memory_space<vmem>>
            %dma_start3A_299 = arith.constant 0 : i32
            %dma_start3A_300 = arith.constant 0 : i32
            %dma_start3A_301 = tpu.memref_slice %arg2[%dma_start3A_299, %dma_start3A_300] : memref<36864x128xf32, #tpu.memory_space<hbm>> -> memref<36864x128xf32, #tpu.memory_space<hbm>>
            tpu.enqueue_indirect_dma source(%dma_start3A_301 : memref<36864x128xf32, #tpu.memory_space<hbm>>) target(%dma_start3A_291 : memref<128x128xf32, #tpu.memory_space<vmem>>) offsets(%dma_start3A_298 : memref<128xi32, #tpu.memory_space<vmem>>) semaphore(%run_scoped3A_287 : memref<!tpu.dma_semaphore, #tpu.memory_space<semaphore_mem>>)
            %dma_wait3A = arith.constant 0 : i32
            %dma_wait3A_302 = arith.constant 0 : i32
            %dma_wait3A_303 = tpu.memref_slice %run_scoped3A_11[%rem3A_221, %dma_wait3A, %dma_wait3A_302] : memref<2x128x128xf32, #tpu.memory_space<vmem>> -> memref<1x128x128xf32, #tpu.memory_space<vmem>>
            %dma_wait3A_304 = tpu.memref_squeeze %dma_wait3A_303 : memref<1x128x128xf32, #tpu.memory_space<vmem>> -> memref<128x128xf32, #tpu.memory_space<vmem>>
            %dma_wait3A_305 = arith.constant 0 : i32
            %dma_wait3A_306 = arith.constant 0 : i32
            %dma_wait3A_307 = tpu.memref_slice %run_scoped3A[%rem3A_219, %dma_wait3A_305, %dma_wait3A_306] : memref<2x1x128xi32, #tpu.memory_space<vmem>> -> memref<1x1x128xi32, #tpu.memory_space<vmem>>
            %dma_wait3A_308 = tpu.memref_squeeze %dma_wait3A_307 : memref<1x1x128xi32, #tpu.memory_space<vmem>> -> memref<1x128xi32, #tpu.memory_space<vmem>>
            %dma_wait3A_309 = arith.constant 0 : i32
            %dma_wait3A_310 = tpu.memref_slice %dma_wait3A_308[%run_scoped3A_222, %dma_wait3A_309] : memref<1x128xi32, #tpu.memory_space<vmem>> -> memref<1x128xi32, #tpu.memory_space<vmem>>
            %dma_wait3A_311 = tpu.memref_squeeze %dma_wait3A_310 : memref<1x128xi32, #tpu.memory_space<vmem>> -> memref<128xi32, #tpu.memory_space<vmem>>
            %dma_wait3A_312 = arith.constant 0 : i32
            %dma_wait3A_313 = arith.constant 0 : i32
            %dma_wait3A_314 = tpu.memref_slice %arg2[%dma_wait3A_312, %dma_wait3A_313] : memref<36864x128xf32, #tpu.memory_space<hbm>> -> memref<36864x128xf32, #tpu.memory_space<hbm>>
            tpu.wait_indirect_dma semaphore(%run_scoped3A_287 : memref<!tpu.dma_semaphore, #tpu.memory_space<semaphore_mem>>) src(%dma_wait3A_314 : memref<36864x128xf32, #tpu.memory_space<hbm>>) dst(%dma_wait3A_304 : memref<128x128xf32, #tpu.memory_space<vmem>>)
            tpu.yield
          }) : () -> ()
          "tpu.trace_stop"() : () -> ()
          %ne3A_223 = arith.cmpi ne, %add3A_148, %add3A_166 : i32
          %or3A_224 = arith.constant false
          %or3A_225 = arith.ori %or3A_224, %ne3A_223 : i1
          %or3A_226 = arith.ori %or3A_225, %eq3A_147 : i1
          %convert_element_type3A_227 = arith.extui %or3A_226 : i1 to i32
          %cond3A_228 = arith.constant 0 : i32
          %cond3A_229 = arith.cmpi ne, %convert_element_type3A_227, %cond3A_228 : i32
          scf.if %cond3A_229 {
          } else {
          }
          %and3A_230 = arith.constant false
          %and3A_231 = arith.andi %or3A_226, %and3A_230 : i1
          %ne3A_232 = arith.cmpi ne, %add3A_148, %add3A_166 : i32
          %or3A_233 = arith.constant false
          %or3A_234 = arith.ori %or3A_233, %ne3A_232 : i1
          %or3A_235 = arith.constant false
          %or3A_236 = arith.ori %or3A_234, %or3A_235 : i1
          %or3A_237 = arith.ori %or3A_236, %eq3A_147 : i1
          %convert_element_type3A_238 = arith.extui %or3A_237 : i1 to i32
          %cond3A_239 = arith.constant 0 : i32
          %cond3A_240 = arith.cmpi ne, %convert_element_type3A_238, %cond3A_239 : i32
          scf.if %cond3A_240 {
            "tpu.trace_start"() <{level = 10 : i32, message = "ep_copy_out"}> : () -> ()
            %rem3A_287 = arith.constant 2 : i32
            %rem3A_288 = arith.remui %while3A_138, %rem3A_287 : i32
            %mul3A_289 = arith.constant 128 : i32
            %mul3A_290 = arith.muli %mul3A_289, %add3A_148 : i32
            %dma_start3A_291 = arith.constant 0 : i32
            %dma_start3A_292 = arith.constant 0 : i32
            %dma_start3A_293 = tpu.memref_slice %run_scoped3A_11[%rem3A_288, %dma_start3A_291, %dma_start3A_292] : memref<2x128x128xf32, #tpu.memory_space<vmem>> -> memref<1x128x128xf32, #tpu.memory_space<vmem>>
            %dma_start3A_294 = tpu.memref_squeeze %dma_start3A_293 : memref<1x128x128xf32, #tpu.memory_space<vmem>> -> memref<128x128xf32, #tpu.memory_space<vmem>>
            %dma_start3A_295 = arith.constant 0 : i32
            %dma_start3A_296 = tpu.memref_slice %arg4[%mul3A_290, %dma_start3A_295] : memref<1024x128xf32, #tpu.memory_space<hbm>> -> memref<128x128xf32, #tpu.memory_space<hbm>>
            %dma_start3A_297 = tpu.memref_slice %run_scoped3A_12[%rem3A_288] : memref<2x!tpu.dma_semaphore, #tpu.memory_space<semaphore_mem>> -> memref<1x!tpu.dma_semaphore, #tpu.memory_space<semaphore_mem>>
            %dma_start3A_298 = tpu.memref_squeeze %dma_start3A_297 : memref<1x!tpu.dma_semaphore, #tpu.memory_space<semaphore_mem>> -> memref<!tpu.dma_semaphore, #tpu.memory_space<semaphore_mem>>
            %dma_start3A_299 = arith.constant 0 : i32
            %dma_start3A_300 = tpu.memref_slice %arg4[%mul3A_290, %dma_start3A_299] : memref<1024x128xf32, #tpu.memory_space<hbm>> -> memref<128x128xf32, #tpu.memory_space<hbm>>
            %dma_start3A_301 = arith.constant 0 : i32
            %dma_start3A_302 = arith.constant 0 : i32
            %dma_start3A_303 = tpu.memref_slice %run_scoped3A_11[%rem3A_288, %dma_start3A_301, %dma_start3A_302] : memref<2x128x128xf32, #tpu.memory_space<vmem>> -> memref<1x128x128xf32, #tpu.memory_space<vmem>>
            %dma_start3A_304 = tpu.memref_squeeze %dma_start3A_303 : memref<1x128x128xf32, #tpu.memory_space<vmem>> -> memref<128x128xf32, #tpu.memory_space<vmem>>
            tpu.enqueue_dma source(%dma_start3A_304 : memref<128x128xf32, #tpu.memory_space<vmem>>) target(%dma_start3A_300 : memref<128x128xf32, #tpu.memory_space<hbm>>) target_semaphore(%dma_start3A_298 : memref<!tpu.dma_semaphore, #tpu.memory_space<semaphore_mem>>)
            "tpu.trace_stop"() : () -> ()
          } else {
          }
          %and3A_241 = arith.constant true
          %and3A_242 = arith.andi %or3A_237, %and3A_241 : i1
          %add3A_243 = arith.constant 1 : i32
          %add3A_244 = arith.addi %while3A_138, %add3A_243 : i32
          %select_n3A_245 = arith.select %and3A_242, %add3A_244, %while3A_138 : i32
          %ne3A_246 = arith.cmpi ne, %add3A_148, %add3A_158 : i32
          %or3A_247 = arith.constant false
          %or3A_248 = arith.ori %or3A_247, %ne3A_246 : i1
          %not3A_249 = arith.constant true
          %not3A_250 = arith.xori %eq3A_144, %not3A_249 : i1
          %and3A_251 = arith.andi %or3A_248, %not3A_250 : i1
          %convert_element_type3A_252 = arith.extui %and3A_251 : i1 to i32
          %cond3A_253 = arith.constant 0 : i32
          %cond3A_254 = arith.cmpi ne, %convert_element_type3A_252, %cond3A_253 : i32
          scf.if %cond3A_254 {
          } else {
          }
          %and3A_255 = arith.constant false
          %and3A_256 = arith.andi %and3A_251, %and3A_255 : i1
          %ne3A_257 = arith.cmpi ne, %add3A_148, %add3A_158 : i32
          %or3A_258 = arith.constant false
          %or3A_259 = arith.ori %or3A_258, %ne3A_257 : i1
          %or3A_260 = arith.constant false
          %or3A_261 = arith.ori %or3A_259, %or3A_260 : i1
          %not3A_262 = arith.constant true
          %not3A_263 = arith.xori %eq3A_144, %not3A_262 : i1
          %and3A_264 = arith.andi %or3A_261, %not3A_263 : i1
          %convert_element_type3A_265 = arith.extui %and3A_264 : i1 to i32
          %cond3A_266 = arith.constant 0 : i32
          %cond3A_267 = arith.cmpi ne, %convert_element_type3A_265, %cond3A_266 : i32
          scf.if %cond3A_267 {
            "tpu.trace_start"() <{level = 10 : i32, message = "ep_wait_out"}> : () -> ()
            %rem3A_287 = arith.constant 2 : i32
            %rem3A_288 = arith.remui %while3A_139, %rem3A_287 : i32
            %mul3A_289 = arith.constant 128 : i32
            %mul3A_290 = arith.muli %mul3A_289, %add3A_158 : i32
            %dma_wait3A = arith.constant 0 : i32
            %dma_wait3A_291 = arith.constant 0 : i32
            %dma_wait3A_292 = tpu.memref_slice %run_scoped3A_11[%rem3A_288, %dma_wait3A, %dma_wait3A_291] : memref<2x128x128xf32, #tpu.memory_space<vmem>> -> memref<1x128x128xf32, #tpu.memory_space<vmem>>
            %dma_wait3A_293 = tpu.memref_squeeze %dma_wait3A_292 : memref<1x128x128xf32, #tpu.memory_space<vmem>> -> memref<128x128xf32, #tpu.memory_space<vmem>>
            %dma_wait3A_294 = arith.constant 0 : i32
            %dma_wait3A_295 = tpu.memref_slice %arg4[%mul3A_290, %dma_wait3A_294] : memref<1024x128xf32, #tpu.memory_space<hbm>> -> memref<128x128xf32, #tpu.memory_space<hbm>>
            %dma_wait3A_296 = tpu.memref_slice %run_scoped3A_12[%rem3A_288] : memref<2x!tpu.dma_semaphore, #tpu.memory_space<semaphore_mem>> -> memref<1x!tpu.dma_semaphore, #tpu.memory_space<semaphore_mem>>
            %dma_wait3A_297 = tpu.memref_squeeze %dma_wait3A_296 : memref<1x!tpu.dma_semaphore, #tpu.memory_space<semaphore_mem>> -> memref<!tpu.dma_semaphore, #tpu.memory_space<semaphore_mem>>
            %dma_wait3A_298 = arith.constant 0 : i32
            %dma_wait3A_299 = tpu.memref_slice %arg4[%mul3A_290, %dma_wait3A_298] : memref<1024x128xf32, #tpu.memory_space<hbm>> -> memref<128x128xf32, #tpu.memory_space<hbm>>
            %dma_wait3A_300 = arith.constant 0 : i32
            %dma_wait3A_301 = arith.constant 0 : i32
            %dma_wait3A_302 = tpu.memref_slice %run_scoped3A_11[%rem3A_288, %dma_wait3A_300, %dma_wait3A_301] : memref<2x128x128xf32, #tpu.memory_space<vmem>> -> memref<1x128x128xf32, #tpu.memory_space<vmem>>
            %dma_wait3A_303 = tpu.memref_squeeze %dma_wait3A_302 : memref<1x128x128xf32, #tpu.memory_space<vmem>> -> memref<128x128xf32, #tpu.memory_space<vmem>>
            tpu.wait_dma2 semaphore(%dma_wait3A_297 : memref<!tpu.dma_semaphore, #tpu.memory_space<semaphore_mem>>) src(%dma_wait3A_303 : memref<128x128xf32, #tpu.memory_space<vmem>>) dst(%dma_wait3A_299 : memref<128x128xf32, #tpu.memory_space<hbm>>)
            "tpu.trace_stop"() : () -> ()
          } else {
          }
          %and3A_268 = arith.constant true
          %and3A_269 = arith.andi %and3A_264, %and3A_268 : i1
          %add3A_270 = arith.constant 1 : i32
          %add3A_271 = arith.addi %while3A_139, %add3A_270 : i32
          %select_n3A_272 = arith.select %and3A_269, %add3A_271, %while3A_139 : i32
          %ne3A_273 = arith.cmpi ne, %add3A_148, %add3A_166 : i32
          %or3A_274 = arith.constant false
          %or3A_275 = arith.ori %or3A_274, %ne3A_273 : i1
          %or3A_276 = arith.ori %or3A_275, %eq3A_147 : i1
          %add3A_277 = arith.constant 1 : i32
          %add3A_278 = arith.addi %while3A_137, %add3A_277 : i32
          %select_n3A_279 = arith.select %or3A_276, %add3A_278, %while3A_137 : i32
          %add3A_280 = arith.constant 1 : i32
          %add3A_281 = arith.addi %while3A_140, %add3A_280 : i32
          %select_n3A_282 = arith.constant true
          %select_n3A_283 = arith.select %select_n3A_282, %add3A_281, %while3A_140 : i32
          %eq3A_284 = arith.cmpi eq, %select_n3A_283, %select_n3A : i32
          %select_n3A_285 = arith.constant 0 : i32
          %select_n3A_286 = arith.select %eq3A_284, %select_n3A_285, %select_n3A_283 : i32
          scf.yield %select_n3A_188, %select_n3A_279, %select_n3A_245, %select_n3A_272, %select_n3A_286 : i32, i32, i32, i32, i32
        }
        %sub3A_84 = arith.constant 1 : i32
        %sub3A_85 = arith.subi %while3A_83#4, %sub3A_84 : i32
        %select_n3A_86 = arith.constant true
        %select_n3A_87 = arith.select %select_n3A_86, %sub3A_85, %while3A_83#4 : i32
        %eq3A_88 = arith.constant -1 : i32
        %eq3A_89 = arith.cmpi eq, %select_n3A_87, %eq3A_88 : i32
        %sub3A_90 = arith.constant 1 : i32
        %sub3A_91 = arith.subi %select_n3A, %sub3A_90 : i32
        %select_n3A_92 = arith.select %eq3A_89, %sub3A_91, %select_n3A_87 : i32
        %sub3A_93 = arith.constant 1 : i32
        %sub3A_94 = arith.subi %mul3A_9, %sub3A_93 : i32
        %mul3A_95 = arith.constant 1 : i32
        %mul3A_96 = arith.muli %mul3A_95, %select_n3A : i32
        %eq3A_97 = arith.constant 0 : i32
        %eq3A_98 = arith.cmpi eq, %sub3A_94, %eq3A_97 : i32
        %sub3A_99 = arith.constant 1 : i32
        %sub3A_100 = arith.subi %mul3A_96, %sub3A_99 : i32
        %eq3A_101 = arith.cmpi eq, %sub3A_94, %sub3A_100 : i32
        %add3A_102 = arith.addi %select_n3A_92, %select_n3A_7 : i32
        %sub3A_103 = arith.constant 1 : i32
        %sub3A_104 = arith.subi %select_n3A_92, %sub3A_103 : i32
        %select_n3A_105 = arith.constant true
        %select_n3A_106 = arith.select %select_n3A_105, %sub3A_104, %select_n3A_92 : i32
        %eq3A_107 = arith.constant -1 : i32
        %eq3A_108 = arith.cmpi eq, %select_n3A_106, %eq3A_107 : i32
        %sub3A_109 = arith.constant 1 : i32
        %sub3A_110 = arith.subi %select_n3A, %sub3A_109 : i32
        %select_n3A_111 = arith.select %eq3A_108, %sub3A_110, %select_n3A_106 : i32
        %add3A_112 = arith.addi %select_n3A_111, %select_n3A_7 : i32
        %add3A_113 = arith.constant 1 : i32
        %add3A_114 = arith.addi %select_n3A_92, %add3A_113 : i32
        %select_n3A_115 = arith.constant true
        %select_n3A_116 = arith.select %select_n3A_115, %add3A_114, %select_n3A_92 : i32
        %eq3A_117 = arith.cmpi eq, %select_n3A_116, %select_n3A : i32
        %select_n3A_118 = arith.constant 0 : i32
        %select_n3A_119 = arith.select %eq3A_117, %select_n3A_118, %select_n3A_116 : i32
        %add3A_120 = arith.addi %select_n3A_119, %select_n3A_7 : i32
        %add3A_121 = arith.constant 1 : i32
        %add3A_122 = arith.addi %select_n3A_119, %add3A_121 : i32
        %select_n3A_123 = arith.constant true
        %select_n3A_124 = arith.select %select_n3A_123, %add3A_122, %select_n3A_119 : i32
        %eq3A_125 = arith.cmpi eq, %select_n3A_124, %select_n3A : i32
        %select_n3A_126 = arith.constant 0 : i32
        %select_n3A_127 = arith.select %eq3A_125, %select_n3A_126, %select_n3A_124 : i32
        %add3A_128 = arith.addi %select_n3A_127, %select_n3A_7 : i32
        %convert_element_type3A_129 = arith.extui %eq3A_101 : i1 to i32
        %cond3A_130 = arith.constant 0 : i32
        %cond3A_131 = arith.cmpi ne, %convert_element_type3A_129, %cond3A_130 : i32
        scf.if %cond3A_131 {
        } else {
        }
        %convert_element_type3A_132 = arith.extui %eq3A_101 : i1 to i32
        %cond3A_133 = arith.constant 0 : i32
        %cond3A_134 = arith.cmpi ne, %convert_element_type3A_132, %cond3A_133 : i32
        scf.if %cond3A_134 {
          "tpu.trace_start"() <{level = 10 : i32, message = "ep_finalize"}> : () -> ()
          %rem3A_135 = arith.constant 2 : i32
          %rem3A_136 = arith.remui %while3A_83#3, %rem3A_135 : i32
          %mul3A_137 = arith.constant 128 : i32
          %mul3A_138 = arith.muli %mul3A_137, %add3A_102 : i32
          %dma_wait3A = arith.constant 0 : i32
          %dma_wait3A_139 = arith.constant 0 : i32
          %dma_wait3A_140 = tpu.memref_slice %run_scoped3A_11[%rem3A_136, %dma_wait3A, %dma_wait3A_139] : memref<2x128x128xf32, #tpu.memory_space<vmem>> -> memref<1x128x128xf32, #tpu.memory_space<vmem>>
          %dma_wait3A_141 = tpu.memref_squeeze %dma_wait3A_140 : memref<1x128x128xf32, #tpu.memory_space<vmem>> -> memref<128x128xf32, #tpu.memory_space<vmem>>
          %dma_wait3A_142 = arith.constant 0 : i32
          %dma_wait3A_143 = tpu.memref_slice %arg4[%mul3A_138, %dma_wait3A_142] : memref<1024x128xf32, #tpu.memory_space<hbm>> -> memref<128x128xf32, #tpu.memory_space<hbm>>
          %dma_wait3A_144 = tpu.memref_slice %run_scoped3A_12[%rem3A_136] : memref<2x!tpu.dma_semaphore, #tpu.memory_space<semaphore_mem>> -> memref<1x!tpu.dma_semaphore, #tpu.memory_space<semaphore_mem>>
          %dma_wait3A_145 = tpu.memref_squeeze %dma_wait3A_144 : memref<1x!tpu.dma_semaphore, #tpu.memory_space<semaphore_mem>> -> memref<!tpu.dma_semaphore, #tpu.memory_space<semaphore_mem>>
          %dma_wait3A_146 = arith.constant 0 : i32
          %dma_wait3A_147 = tpu.memref_slice %arg4[%mul3A_138, %dma_wait3A_146] : memref<1024x128xf32, #tpu.memory_space<hbm>> -> memref<128x128xf32, #tpu.memory_space<hbm>>
          %dma_wait3A_148 = arith.constant 0 : i32
          %dma_wait3A_149 = arith.constant 0 : i32
          %dma_wait3A_150 = tpu.memref_slice %run_scoped3A_11[%rem3A_136, %dma_wait3A_148, %dma_wait3A_149] : memref<2x128x128xf32, #tpu.memory_space<vmem>> -> memref<1x128x128xf32, #tpu.memory_space<vmem>>
          %dma_wait3A_151 = tpu.memref_squeeze %dma_wait3A_150 : memref<1x128x128xf32, #tpu.memory_space<vmem>> -> memref<128x128xf32, #tpu.memory_space<vmem>>
          tpu.wait_dma2 semaphore(%dma_wait3A_145 : memref<!tpu.dma_semaphore, #tpu.memory_space<semaphore_mem>>) src(%dma_wait3A_151 : memref<128x128xf32, #tpu.memory_space<vmem>>) dst(%dma_wait3A_147 : memref<128x128xf32, #tpu.memory_space<hbm>>)
          "tpu.trace_stop"() : () -> ()
        } else {
        }
      } else {
      }
      tpu.yield
    }) : () -> ()
    return
  }
}

module attributes {stable_mosaic.version = 14 : i64} {
  func.func @_score_body(%arg0: i32, %arg1: memref<4096x128xf32, #tpu.memory_space<vmem>>, %arg2: memref<16x1024xf32, #tpu.memory_space<vmem>>, %arg3: memref<1x1024xf32, #tpu.memory_space<vmem>>, %arg4: memref<1x1024xi32, #tpu.memory_space<vmem>>, %arg5: memref<4096x1024xf32, #tpu.memory_space<vmem>>, %arg6: memref<8x1024xf32, #tpu.memory_space<vmem>>, %arg7: memref<8x1024xi32, #tpu.memory_space<vmem>>) attributes {dimension_semantics = [#tpu.dimension_semantics<arbitrary>], iteration_bounds = array<i64: 9>, scalar_prefetch = 0 : i64, scratch_operands = 3 : i64, tpu.core_type = #tpu.core_type<tc>, window_params = [{transform_indices = @transform_0, window_bounds = array<i64: 4096, 128>}, {pipeline_mode = #tpu.pipeline_mode<synchronous>, transform_indices = @transform_1, window_bounds = array<i64: 16, 1024>}, {pipeline_mode = #tpu.pipeline_mode<synchronous>, transform_indices = @transform_2, window_bounds = array<i64: 1, 1024>}, {pipeline_mode = #tpu.pipeline_mode<synchronous>, transform_indices = @transform_3, window_bounds = array<i64: 1, 1024>}]} {
    %eq3A = arith.constant 0 : i32
    %eq3A_0 = arith.cmpi eq, %arg0, %eq3A : i32
    %convert_element_type3A = arith.extui %eq3A_0 : i1 to i32
    %cond3A = arith.constant 0 : i32
    %cond3A_1 = arith.cmpi ne, %convert_element_type3A, %cond3A : i32
    scf.if %cond3A_1 {
      %broadcast_in_dim3A_4632 = arith.constant 0xFF800000 : f32
      %broadcast_in_dim3A_4633 = vector.broadcast %broadcast_in_dim3A_4632 : f32 to vector<8x1024xf32>
      %swap3A_4634 = arith.constant 0 : index
      %swap3A_4635 = arith.constant 0 : index
      %swap3A_4636 = vector.load %arg6[%swap3A_4634, %swap3A_4635] : memref<8x1024xf32, #tpu.memory_space<vmem>>, vector<8x1024xf32>
      tpu.vector_store %arg6[%swap3A_4634, %swap3A_4635], %broadcast_in_dim3A_4633 {strides = array<i32>} : memref<8x1024xf32, #tpu.memory_space<vmem>>, vector<8x1024xf32>,
      %broadcast_in_dim3A_4637 = arith.constant 0 : i32
      %broadcast_in_dim3A_4638 = vector.broadcast %broadcast_in_dim3A_4637 : i32 to vector<8x1024xi32>
      %swap3A_4639 = arith.constant 0 : index
      %swap3A_4640 = arith.constant 0 : index
      %swap3A_4641 = vector.load %arg7[%swap3A_4639, %swap3A_4640] : memref<8x1024xi32, #tpu.memory_space<vmem>>, vector<8x1024xi32>
      tpu.vector_store %arg7[%swap3A_4639, %swap3A_4640], %broadcast_in_dim3A_4638 {strides = array<i32>} : memref<8x1024xi32, #tpu.memory_space<vmem>>, vector<8x1024xi32>,
    } else {
    }
    %get3A = arith.constant 0 : index
    %get3A_2 = arith.constant 0 : index
    %get3A_3 = vector.load %arg1[%get3A, %get3A_2] : memref<4096x128xf32, #tpu.memory_space<vmem>>, vector<4096x16xf32>
    %get3A_4 = arith.constant 0 : index
    %get3A_5 = arith.constant 0 : index
    %get3A_6 = vector.load %arg2[%get3A_4, %get3A_5] : memref<16x1024xf32, #tpu.memory_space<vmem>>, vector<16x1024xf32>
    %dot_general3A = arith.constant dense<0.000000e+00> : vector<4096x1024xf32>
    %dot_general3A_7 = tpu.matmul %get3A_3, %get3A_6, %dot_general3A {dimension_numbers = #tpu.dot_dimension_numbers<[1], [0], [0], [1], [0, 0, 1, 1], [], []>, transpose_lhs_hint = false} : vector<4096x16xf32>, vector<16x1024xf32>, vector<4096x1024xf32> -> vector<4096x1024xf32>
    %swap3A = arith.constant 0 : index
    %swap3A_8 = arith.constant 0 : index
    %swap3A_9 = vector.load %arg5[%swap3A, %swap3A_8] : memref<4096x1024xf32, #tpu.memory_space<vmem>>, vector<4096x1024xf32>
    tpu.vector_store %arg5[%swap3A, %swap3A_8], %dot_general3A_7 {strides = array<i32>} : memref<4096x1024xf32, #tpu.memory_space<vmem>>, vector<4096x1024xf32>,
    %get3A_10 = arith.constant 0 : index
    %get3A_11 = arith.constant 0 : index
    %get3A_12 = vector.load %arg6[%get3A_10, %get3A_11] : memref<8x1024xf32, #tpu.memory_space<vmem>>, vector<8x1024xf32>
    %get3A_13 = arith.constant 0 : index
    %get3A_14 = arith.constant 0 : index
    %get3A_15 = vector.load %arg7[%get3A_13, %get3A_14] : memref<8x1024xi32, #tpu.memory_space<vmem>>, vector<8x1024xi32>
    %mul3A = arith.constant 512 : i32
    %mul3A_16 = arith.muli %arg0, %mul3A : i32
    %get3A_17 = arith.constant 0 : index
    %get3A_18 = arith.constant 0 : index
    %get3A_19 = vector.load %arg5[%get3A_17, %get3A_18] : memref<4096x1024xf32, #tpu.memory_space<vmem>>, vector<8x1024xf32>
    %gt3A = arith.cmpf ogt, %get3A_19, %get3A_12 : vector<8x1024xf32>
    %select_n3A = arith.select %gt3A, %get3A_19, %get3A_12 : vector<8x1024xi1>, vector<8x1024xf32>
    %add3A = arith.constant 0 : i32
    %add3A_20 = arith.addi %mul3A_16, %add3A : i32
    %broadcast_in_dim3A = vector.broadcast %add3A_20 : i32 to vector<8x1024xi32>
    %select_n3A_21 = arith.select %gt3A, %broadcast_in_dim3A, %get3A_15 : vector<8x1024xi1>, vector<8x1024xi32>
    %get3A_22 = arith.constant 8 : index
    %get3A_23 = arith.constant 0 : index
    %get3A_24 = vector.load %arg5[%get3A_22, %get3A_23] : memref<4096x1024xf32, #tpu.memory_space<vmem>>, vector<8x1024xf32>
    %gt3A_25 = arith.cmpf ogt, %get3A_24, %select_n3A : vector<8x1024xf32>
    %select_n3A_26 = arith.select %gt3A_25, %get3A_24, %select_n3A : vector<8x1024xi1>, vector<8x1024xf32>
    %add3A_27 = arith.constant 1 : i32
    %add3A_28 = arith.addi %mul3A_16, %add3A_27 : i32
    %broadcast_in_dim3A_29 = vector.broadcast %add3A_28 : i32 to vector<8x1024xi32>
    %select_n3A_30 = arith.select %gt3A_25, %broadcast_in_dim3A_29, %select_n3A_21 : vector<8x1024xi1>, vector<8x1024xi32>
    %get3A_31 = arith.constant 16 : index
    %get3A_32 = arith.constant 0 : index
    %get3A_33 = vector.load %arg5[%get3A_31, %get3A_32] : memref<4096x1024xf32, #tpu.memory_space<vmem>>, vector<8x1024xf32>
    %gt3A_34 = arith.cmpf ogt, %get3A_33, %select_n3A_26 : vector<8x1024xf32>
    %select_n3A_35 = arith.select %gt3A_34, %get3A_33, %select_n3A_26 : vector<8x1024xi1>, vector<8x1024xf32>
    %add3A_36 = arith.constant 2 : i32
    %add3A_37 = arith.addi %mul3A_16, %add3A_36 : i32
    %broadcast_in_dim3A_38 = vector.broadcast %add3A_37 : i32 to vector<8x1024xi32>
    %select_n3A_39 = arith.select %gt3A_34, %broadcast_in_dim3A_38, %select_n3A_30 : vector<8x1024xi1>, vector<8x1024xi32>
    %get3A_40 = arith.constant 24 : index
    %get3A_41 = arith.constant 0 : index
    %get3A_42 = vector.load %arg5[%get3A_40, %get3A_41] : memref<4096x1024xf32, #tpu.memory_space<vmem>>, vector<8x1024xf32>
    %gt3A_43 = arith.cmpf ogt, %get3A_42, %select_n3A_35 : vector<8x1024xf32>
    %select_n3A_44 = arith.select %gt3A_43, %get3A_42, %select_n3A_35 : vector<8x1024xi1>, vector<8x1024xf32>
    %add3A_45 = arith.constant 3 : i32
    %add3A_46 = arith.addi %mul3A_16, %add3A_45 : i32
    %broadcast_in_dim3A_47 = vector.broadcast %add3A_46 : i32 to vector<8x1024xi32>
    %select_n3A_48 = arith.select %gt3A_43, %broadcast_in_dim3A_47, %select_n3A_39 : vector<8x1024xi1>, vector<8x1024xi32>
    %get3A_49 = arith.constant 32 : index
    %get3A_50 = arith.constant 0 : index
    %get3A_51 = vector.load %arg5[%get3A_49, %get3A_50] : memref<4096x1024xf32, #tpu.memory_space<vmem>>, vector<8x1024xf32>
    %gt3A_52 = arith.cmpf ogt, %get3A_51, %select_n3A_44 : vector<8x1024xf32>
    %select_n3A_53 = arith.select %gt3A_52, %get3A_51, %select_n3A_44 : vector<8x1024xi1>, vector<8x1024xf32>
    %add3A_54 = arith.constant 4 : i32
    %add3A_55 = arith.addi %mul3A_16, %add3A_54 : i32
    %broadcast_in_dim3A_56 = vector.broadcast %add3A_55 : i32 to vector<8x1024xi32>
    %select_n3A_57 = arith.select %gt3A_52, %broadcast_in_dim3A_56, %select_n3A_48 : vector<8x1024xi1>, vector<8x1024xi32>
    %get3A_58 = arith.constant 40 : index
    %get3A_59 = arith.constant 0 : index
    %get3A_60 = vector.load %arg5[%get3A_58, %get3A_59] : memref<4096x1024xf32, #tpu.memory_space<vmem>>, vector<8x1024xf32>
    %gt3A_61 = arith.cmpf ogt, %get3A_60, %select_n3A_53 : vector<8x1024xf32>
    %select_n3A_62 = arith.select %gt3A_61, %get3A_60, %select_n3A_53 : vector<8x1024xi1>, vector<8x1024xf32>
    %add3A_63 = arith.constant 5 : i32
    %add3A_64 = arith.addi %mul3A_16, %add3A_63 : i32
    %broadcast_in_dim3A_65 = vector.broadcast %add3A_64 : i32 to vector<8x1024xi32>
    %select_n3A_66 = arith.select %gt3A_61, %broadcast_in_dim3A_65, %select_n3A_57 : vector<8x1024xi1>, vector<8x1024xi32>
    %get3A_67 = arith.constant 48 : index
    %get3A_68 = arith.constant 0 : index
    %get3A_69 = vector.load %arg5[%get3A_67, %get3A_68] : memref<4096x1024xf32, #tpu.memory_space<vmem>>, vector<8x1024xf32>
    %gt3A_70 = arith.cmpf ogt, %get3A_69, %select_n3A_62 : vector<8x1024xf32>
    %select_n3A_71 = arith.select %gt3A_70, %get3A_69, %select_n3A_62 : vector<8x1024xi1>, vector<8x1024xf32>
    %add3A_72 = arith.constant 6 : i32
    %add3A_73 = arith.addi %mul3A_16, %add3A_72 : i32
    %broadcast_in_dim3A_74 = vector.broadcast %add3A_73 : i32 to vector<8x1024xi32>
    %select_n3A_75 = arith.select %gt3A_70, %broadcast_in_dim3A_74, %select_n3A_66 : vector<8x1024xi1>, vector<8x1024xi32>
    %get3A_76 = arith.constant 56 : index
    %get3A_77 = arith.constant 0 : index
    %get3A_78 = vector.load %arg5[%get3A_76, %get3A_77] : memref<4096x1024xf32, #tpu.memory_space<vmem>>, vector<8x1024xf32>
    %gt3A_79 = arith.cmpf ogt, %get3A_78, %select_n3A_71 : vector<8x1024xf32>
    %select_n3A_80 = arith.select %gt3A_79, %get3A_78, %select_n3A_71 : vector<8x1024xi1>, vector<8x1024xf32>
    %add3A_81 = arith.constant 7 : i32
    %add3A_82 = arith.addi %mul3A_16, %add3A_81 : i32
    %broadcast_in_dim3A_83 = vector.broadcast %add3A_82 : i32 to vector<8x1024xi32>
    %select_n3A_84 = arith.select %gt3A_79, %broadcast_in_dim3A_83, %select_n3A_75 : vector<8x1024xi1>, vector<8x1024xi32>
    %get3A_85 = arith.constant 64 : index
    %get3A_86 = arith.constant 0 : index
    %get3A_87 = vector.load %arg5[%get3A_85, %get3A_86] : memref<4096x1024xf32, #tpu.memory_space<vmem>>, vector<8x1024xf32>
    %gt3A_88 = arith.cmpf ogt, %get3A_87, %select_n3A_80 : vector<8x1024xf32>
    %select_n3A_89 = arith.select %gt3A_88, %get3A_87, %select_n3A_80 : vector<8x1024xi1>, vector<8x1024xf32>
    %add3A_90 = arith.constant 8 : i32
    %add3A_91 = arith.addi %mul3A_16, %add3A_90 : i32
    %broadcast_in_dim3A_92 = vector.broadcast %add3A_91 : i32 to vector<8x1024xi32>
    %select_n3A_93 = arith.select %gt3A_88, %broadcast_in_dim3A_92, %select_n3A_84 : vector<8x1024xi1>, vector<8x1024xi32>
    %get3A_94 = arith.constant 72 : index
    %get3A_95 = arith.constant 0 : index
    %get3A_96 = vector.load %arg5[%get3A_94, %get3A_95] : memref<4096x1024xf32, #tpu.memory_space<vmem>>, vector<8x1024xf32>
    %gt3A_97 = arith.cmpf ogt, %get3A_96, %select_n3A_89 : vector<8x1024xf32>
    %select_n3A_98 = arith.select %gt3A_97, %get3A_96, %select_n3A_89 : vector<8x1024xi1>, vector<8x1024xf32>
    %add3A_99 = arith.constant 9 : i32
    %add3A_100 = arith.addi %mul3A_16, %add3A_99 : i32
    %broadcast_in_dim3A_101 = vector.broadcast %add3A_100 : i32 to vector<8x1024xi32>
    %select_n3A_102 = arith.select %gt3A_97, %broadcast_in_dim3A_101, %select_n3A_93 : vector<8x1024xi1>, vector<8x1024xi32>
    %get3A_103 = arith.constant 80 : index
    %get3A_104 = arith.constant 0 : index
    %get3A_105 = vector.load %arg5[%get3A_103, %get3A_104] : memref<4096x1024xf32, #tpu.memory_space<vmem>>, vector<8x1024xf32>
    %gt3A_106 = arith.cmpf ogt, %get3A_105, %select_n3A_98 : vector<8x1024xf32>
    %select_n3A_107 = arith.select %gt3A_106, %get3A_105, %select_n3A_98 : vector<8x1024xi1>, vector<8x1024xf32>
    %add3A_108 = arith.constant 10 : i32
    %add3A_109 = arith.addi %mul3A_16, %add3A_108 : i32
    %broadcast_in_dim3A_110 = vector.broadcast %add3A_109 : i32 to vector<8x1024xi32>
    %select_n3A_111 = arith.select %gt3A_106, %broadcast_in_dim3A_110, %select_n3A_102 : vector<8x1024xi1>, vector<8x1024xi32>
    %get3A_112 = arith.constant 88 : index
    %get3A_113 = arith.constant 0 : index
    %get3A_114 = vector.load %arg5[%get3A_112, %get3A_113] : memref<4096x1024xf32, #tpu.memory_space<vmem>>, vector<8x1024xf32>
    %gt3A_115 = arith.cmpf ogt, %get3A_114, %select_n3A_107 : vector<8x1024xf32>
    %select_n3A_116 = arith.select %gt3A_115, %get3A_114, %select_n3A_107 : vector<8x1024xi1>, vector<8x1024xf32>
    %add3A_117 = arith.constant 11 : i32
    %add3A_118 = arith.addi %mul3A_16, %add3A_117 : i32
    %broadcast_in_dim3A_119 = vector.broadcast %add3A_118 : i32 to vector<8x1024xi32>
    %select_n3A_120 = arith.select %gt3A_115, %broadcast_in_dim3A_119, %select_n3A_111 : vector<8x1024xi1>, vector<8x1024xi32>
    %get3A_121 = arith.constant 96 : index
    %get3A_122 = arith.constant 0 : index
    %get3A_123 = vector.load %arg5[%get3A_121, %get3A_122] : memref<4096x1024xf32, #tpu.memory_space<vmem>>, vector<8x1024xf32>
    %gt3A_124 = arith.cmpf ogt, %get3A_123, %select_n3A_116 : vector<8x1024xf32>
    %select_n3A_125 = arith.select %gt3A_124, %get3A_123, %select_n3A_116 : vector<8x1024xi1>, vector<8x1024xf32>
    %add3A_126 = arith.constant 12 : i32
    %add3A_127 = arith.addi %mul3A_16, %add3A_126 : i32
    %broadcast_in_dim3A_128 = vector.broadcast %add3A_127 : i32 to vector<8x1024xi32>
    %select_n3A_129 = arith.select %gt3A_124, %broadcast_in_dim3A_128, %select_n3A_120 : vector<8x1024xi1>, vector<8x1024xi32>
    %get3A_130 = arith.constant 104 : index
    %get3A_131 = arith.constant 0 : index
    %get3A_132 = vector.load %arg5[%get3A_130, %get3A_131] : memref<4096x1024xf32, #tpu.memory_space<vmem>>, vector<8x1024xf32>
    %gt3A_133 = arith.cmpf ogt, %get3A_132, %select_n3A_125 : vector<8x1024xf32>
    %select_n3A_134 = arith.select %gt3A_133, %get3A_132, %select_n3A_125 : vector<8x1024xi1>, vector<8x1024xf32>
    %add3A_135 = arith.constant 13 : i32
    %add3A_136 = arith.addi %mul3A_16, %add3A_135 : i32
    %broadcast_in_dim3A_137 = vector.broadcast %add3A_136 : i32 to vector<8x1024xi32>
    %select_n3A_138 = arith.select %gt3A_133, %broadcast_in_dim3A_137, %select_n3A_129 : vector<8x1024xi1>, vector<8x1024xi32>
    %get3A_139 = arith.constant 112 : index
    %get3A_140 = arith.constant 0 : index
    %get3A_141 = vector.load %arg5[%get3A_139, %get3A_140] : memref<4096x1024xf32, #tpu.memory_space<vmem>>, vector<8x1024xf32>
    %gt3A_142 = arith.cmpf ogt, %get3A_141, %select_n3A_134 : vector<8x1024xf32>
    %select_n3A_143 = arith.select %gt3A_142, %get3A_141, %select_n3A_134 : vector<8x1024xi1>, vector<8x1024xf32>
    %add3A_144 = arith.constant 14 : i32
    %add3A_145 = arith.addi %mul3A_16, %add3A_144 : i32
    %broadcast_in_dim3A_146 = vector.broadcast %add3A_145 : i32 to vector<8x1024xi32>
    %select_n3A_147 = arith.select %gt3A_142, %broadcast_in_dim3A_146, %select_n3A_138 : vector<8x1024xi1>, vector<8x1024xi32>
    %get3A_148 = arith.constant 120 : index
    %get3A_149 = arith.constant 0 : index
    %get3A_150 = vector.load %arg5[%get3A_148, %get3A_149] : memref<4096x1024xf32, #tpu.memory_space<vmem>>, vector<8x1024xf32>
    %gt3A_151 = arith.cmpf ogt, %get3A_150, %select_n3A_143 : vector<8x1024xf32>
    %select_n3A_152 = arith.select %gt3A_151, %get3A_150, %select_n3A_143 : vector<8x1024xi1>, vector<8x1024xf32>
    %add3A_153 = arith.constant 15 : i32
    %add3A_154 = arith.addi %mul3A_16, %add3A_153 : i32
    %broadcast_in_dim3A_155 = vector.broadcast %add3A_154 : i32 to vector<8x1024xi32>
    %select_n3A_156 = arith.select %gt3A_151, %broadcast_in_dim3A_155, %select_n3A_147 : vector<8x1024xi1>, vector<8x1024xi32>
    %get3A_157 = arith.constant 128 : index
    %get3A_158 = arith.constant 0 : index
    %get3A_159 = vector.load %arg5[%get3A_157, %get3A_158] : memref<4096x1024xf32, #tpu.memory_space<vmem>>, vector<8x1024xf32>
    %gt3A_160 = arith.cmpf ogt, %get3A_159, %select_n3A_152 : vector<8x1024xf32>
    %select_n3A_161 = arith.select %gt3A_160, %get3A_159, %select_n3A_152 : vector<8x1024xi1>, vector<8x1024xf32>
    %add3A_162 = arith.constant 16 : i32
    %add3A_163 = arith.addi %mul3A_16, %add3A_162 : i32
    %broadcast_in_dim3A_164 = vector.broadcast %add3A_163 : i32 to vector<8x1024xi32>
    %select_n3A_165 = arith.select %gt3A_160, %broadcast_in_dim3A_164, %select_n3A_156 : vector<8x1024xi1>, vector<8x1024xi32>
    %get3A_166 = arith.constant 136 : index
    %get3A_167 = arith.constant 0 : index
    %get3A_168 = vector.load %arg5[%get3A_166, %get3A_167] : memref<4096x1024xf32, #tpu.memory_space<vmem>>, vector<8x1024xf32>
    %gt3A_169 = arith.cmpf ogt, %get3A_168, %select_n3A_161 : vector<8x1024xf32>
    %select_n3A_170 = arith.select %gt3A_169, %get3A_168, %select_n3A_161 : vector<8x1024xi1>, vector<8x1024xf32>
    %add3A_171 = arith.constant 17 : i32
    %add3A_172 = arith.addi %mul3A_16, %add3A_171 : i32
    %broadcast_in_dim3A_173 = vector.broadcast %add3A_172 : i32 to vector<8x1024xi32>
    %select_n3A_174 = arith.select %gt3A_169, %broadcast_in_dim3A_173, %select_n3A_165 : vector<8x1024xi1>, vector<8x1024xi32>
    %get3A_175 = arith.constant 144 : index
    %get3A_176 = arith.constant 0 : index
    %get3A_177 = vector.load %arg5[%get3A_175, %get3A_176] : memref<4096x1024xf32, #tpu.memory_space<vmem>>, vector<8x1024xf32>
    %gt3A_178 = arith.cmpf ogt, %get3A_177, %select_n3A_170 : vector<8x1024xf32>
    %select_n3A_179 = arith.select %gt3A_178, %get3A_177, %select_n3A_170 : vector<8x1024xi1>, vector<8x1024xf32>
    %add3A_180 = arith.constant 18 : i32
    %add3A_181 = arith.addi %mul3A_16, %add3A_180 : i32
    %broadcast_in_dim3A_182 = vector.broadcast %add3A_181 : i32 to vector<8x1024xi32>
    %select_n3A_183 = arith.select %gt3A_178, %broadcast_in_dim3A_182, %select_n3A_174 : vector<8x1024xi1>, vector<8x1024xi32>
    %get3A_184 = arith.constant 152 : index
    %get3A_185 = arith.constant 0 : index
    %get3A_186 = vector.load %arg5[%get3A_184, %get3A_185] : memref<4096x1024xf32, #tpu.memory_space<vmem>>, vector<8x1024xf32>
    %gt3A_187 = arith.cmpf ogt, %get3A_186, %select_n3A_179 : vector<8x1024xf32>
    %select_n3A_188 = arith.select %gt3A_187, %get3A_186, %select_n3A_179 : vector<8x1024xi1>, vector<8x1024xf32>
    %add3A_189 = arith.constant 19 : i32
    %add3A_190 = arith.addi %mul3A_16, %add3A_189 : i32
    %broadcast_in_dim3A_191 = vector.broadcast %add3A_190 : i32 to vector<8x1024xi32>
    %select_n3A_192 = arith.select %gt3A_187, %broadcast_in_dim3A_191, %select_n3A_183 : vector<8x1024xi1>, vector<8x1024xi32>
    %get3A_193 = arith.constant 160 : index
    %get3A_194 = arith.constant 0 : index
    %get3A_195 = vector.load %arg5[%get3A_193, %get3A_194] : memref<4096x1024xf32, #tpu.memory_space<vmem>>, vector<8x1024xf32>
    %gt3A_196 = arith.cmpf ogt, %get3A_195, %select_n3A_188 : vector<8x1024xf32>
    %select_n3A_197 = arith.select %gt3A_196, %get3A_195, %select_n3A_188 : vector<8x1024xi1>, vector<8x1024xf32>
    %add3A_198 = arith.constant 20 : i32
    %add3A_199 = arith.addi %mul3A_16, %add3A_198 : i32
    %broadcast_in_dim3A_200 = vector.broadcast %add3A_199 : i32 to vector<8x1024xi32>
    %select_n3A_201 = arith.select %gt3A_196, %broadcast_in_dim3A_200, %select_n3A_192 : vector<8x1024xi1>, vector<8x1024xi32>
    %get3A_202 = arith.constant 168 : index
    %get3A_203 = arith.constant 0 : index
    %get3A_204 = vector.load %arg5[%get3A_202, %get3A_203] : memref<4096x1024xf32, #tpu.memory_space<vmem>>, vector<8x1024xf32>
    %gt3A_205 = arith.cmpf ogt, %get3A_204, %select_n3A_197 : vector<8x1024xf32>
    %select_n3A_206 = arith.select %gt3A_205, %get3A_204, %select_n3A_197 : vector<8x1024xi1>, vector<8x1024xf32>
    %add3A_207 = arith.constant 21 : i32
    %add3A_208 = arith.addi %mul3A_16, %add3A_207 : i32
    %broadcast_in_dim3A_209 = vector.broadcast %add3A_208 : i32 to vector<8x1024xi32>
    %select_n3A_210 = arith.select %gt3A_205, %broadcast_in_dim3A_209, %select_n3A_201 : vector<8x1024xi1>, vector<8x1024xi32>
    %get3A_211 = arith.constant 176 : index
    %get3A_212 = arith.constant 0 : index
    %get3A_213 = vector.load %arg5[%get3A_211, %get3A_212] : memref<4096x1024xf32, #tpu.memory_space<vmem>>, vector<8x1024xf32>
    %gt3A_214 = arith.cmpf ogt, %get3A_213, %select_n3A_206 : vector<8x1024xf32>
    %select_n3A_215 = arith.select %gt3A_214, %get3A_213, %select_n3A_206 : vector<8x1024xi1>, vector<8x1024xf32>
    %add3A_216 = arith.constant 22 : i32
    %add3A_217 = arith.addi %mul3A_16, %add3A_216 : i32
    %broadcast_in_dim3A_218 = vector.broadcast %add3A_217 : i32 to vector<8x1024xi32>
    %select_n3A_219 = arith.select %gt3A_214, %broadcast_in_dim3A_218, %select_n3A_210 : vector<8x1024xi1>, vector<8x1024xi32>
    %get3A_220 = arith.constant 184 : index
    %get3A_221 = arith.constant 0 : index
    %get3A_222 = vector.load %arg5[%get3A_220, %get3A_221] : memref<4096x1024xf32, #tpu.memory_space<vmem>>, vector<8x1024xf32>
    %gt3A_223 = arith.cmpf ogt, %get3A_222, %select_n3A_215 : vector<8x1024xf32>
    %select_n3A_224 = arith.select %gt3A_223, %get3A_222, %select_n3A_215 : vector<8x1024xi1>, vector<8x1024xf32>
    %add3A_225 = arith.constant 23 : i32
    %add3A_226 = arith.addi %mul3A_16, %add3A_225 : i32
    %broadcast_in_dim3A_227 = vector.broadcast %add3A_226 : i32 to vector<8x1024xi32>
    %select_n3A_228 = arith.select %gt3A_223, %broadcast_in_dim3A_227, %select_n3A_219 : vector<8x1024xi1>, vector<8x1024xi32>
    %get3A_229 = arith.constant 192 : index
    %get3A_230 = arith.constant 0 : index
    %get3A_231 = vector.load %arg5[%get3A_229, %get3A_230] : memref<4096x1024xf32, #tpu.memory_space<vmem>>, vector<8x1024xf32>
    %gt3A_232 = arith.cmpf ogt, %get3A_231, %select_n3A_224 : vector<8x1024xf32>
    %select_n3A_233 = arith.select %gt3A_232, %get3A_231, %select_n3A_224 : vector<8x1024xi1>, vector<8x1024xf32>
    %add3A_234 = arith.constant 24 : i32
    %add3A_235 = arith.addi %mul3A_16, %add3A_234 : i32
    %broadcast_in_dim3A_236 = vector.broadcast %add3A_235 : i32 to vector<8x1024xi32>
    %select_n3A_237 = arith.select %gt3A_232, %broadcast_in_dim3A_236, %select_n3A_228 : vector<8x1024xi1>, vector<8x1024xi32>
    %get3A_238 = arith.constant 200 : index
    %get3A_239 = arith.constant 0 : index
    %get3A_240 = vector.load %arg5[%get3A_238, %get3A_239] : memref<4096x1024xf32, #tpu.memory_space<vmem>>, vector<8x1024xf32>
    %gt3A_241 = arith.cmpf ogt, %get3A_240, %select_n3A_233 : vector<8x1024xf32>
    %select_n3A_242 = arith.select %gt3A_241, %get3A_240, %select_n3A_233 : vector<8x1024xi1>, vector<8x1024xf32>
    %add3A_243 = arith.constant 25 : i32
    %add3A_244 = arith.addi %mul3A_16, %add3A_243 : i32
    %broadcast_in_dim3A_245 = vector.broadcast %add3A_244 : i32 to vector<8x1024xi32>
    %select_n3A_246 = arith.select %gt3A_241, %broadcast_in_dim3A_245, %select_n3A_237 : vector<8x1024xi1>, vector<8x1024xi32>
    %get3A_247 = arith.constant 208 : index
    %get3A_248 = arith.constant 0 : index
    %get3A_249 = vector.load %arg5[%get3A_247, %get3A_248] : memref<4096x1024xf32, #tpu.memory_space<vmem>>, vector<8x1024xf32>
    %gt3A_250 = arith.cmpf ogt, %get3A_249, %select_n3A_242 : vector<8x1024xf32>
    %select_n3A_251 = arith.select %gt3A_250, %get3A_249, %select_n3A_242 : vector<8x1024xi1>, vector<8x1024xf32>
    %add3A_252 = arith.constant 26 : i32
    %add3A_253 = arith.addi %mul3A_16, %add3A_252 : i32
    %broadcast_in_dim3A_254 = vector.broadcast %add3A_253 : i32 to vector<8x1024xi32>
    %select_n3A_255 = arith.select %gt3A_250, %broadcast_in_dim3A_254, %select_n3A_246 : vector<8x1024xi1>, vector<8x1024xi32>
    %get3A_256 = arith.constant 216 : index
    %get3A_257 = arith.constant 0 : index
    %get3A_258 = vector.load %arg5[%get3A_256, %get3A_257] : memref<4096x1024xf32, #tpu.memory_space<vmem>>, vector<8x1024xf32>
    %gt3A_259 = arith.cmpf ogt, %get3A_258, %select_n3A_251 : vector<8x1024xf32>
    %select_n3A_260 = arith.select %gt3A_259, %get3A_258, %select_n3A_251 : vector<8x1024xi1>, vector<8x1024xf32>
    %add3A_261 = arith.constant 27 : i32
    %add3A_262 = arith.addi %mul3A_16, %add3A_261 : i32
    %broadcast_in_dim3A_263 = vector.broadcast %add3A_262 : i32 to vector<8x1024xi32>
    %select_n3A_264 = arith.select %gt3A_259, %broadcast_in_dim3A_263, %select_n3A_255 : vector<8x1024xi1>, vector<8x1024xi32>
    %get3A_265 = arith.constant 224 : index
    %get3A_266 = arith.constant 0 : index
    %get3A_267 = vector.load %arg5[%get3A_265, %get3A_266] : memref<4096x1024xf32, #tpu.memory_space<vmem>>, vector<8x1024xf32>
    %gt3A_268 = arith.cmpf ogt, %get3A_267, %select_n3A_260 : vector<8x1024xf32>
    %select_n3A_269 = arith.select %gt3A_268, %get3A_267, %select_n3A_260 : vector<8x1024xi1>, vector<8x1024xf32>
    %add3A_270 = arith.constant 28 : i32
    %add3A_271 = arith.addi %mul3A_16, %add3A_270 : i32
    %broadcast_in_dim3A_272 = vector.broadcast %add3A_271 : i32 to vector<8x1024xi32>
    %select_n3A_273 = arith.select %gt3A_268, %broadcast_in_dim3A_272, %select_n3A_264 : vector<8x1024xi1>, vector<8x1024xi32>
    %get3A_274 = arith.constant 232 : index
    %get3A_275 = arith.constant 0 : index
    %get3A_276 = vector.load %arg5[%get3A_274, %get3A_275] : memref<4096x1024xf32, #tpu.memory_space<vmem>>, vector<8x1024xf32>
    %gt3A_277 = arith.cmpf ogt, %get3A_276, %select_n3A_269 : vector<8x1024xf32>
    %select_n3A_278 = arith.select %gt3A_277, %get3A_276, %select_n3A_269 : vector<8x1024xi1>, vector<8x1024xf32>
    %add3A_279 = arith.constant 29 : i32
    %add3A_280 = arith.addi %mul3A_16, %add3A_279 : i32
    %broadcast_in_dim3A_281 = vector.broadcast %add3A_280 : i32 to vector<8x1024xi32>
    %select_n3A_282 = arith.select %gt3A_277, %broadcast_in_dim3A_281, %select_n3A_273 : vector<8x1024xi1>, vector<8x1024xi32>
    %get3A_283 = arith.constant 240 : index
    %get3A_284 = arith.constant 0 : index
    %get3A_285 = vector.load %arg5[%get3A_283, %get3A_284] : memref<4096x1024xf32, #tpu.memory_space<vmem>>, vector<8x1024xf32>
    %gt3A_286 = arith.cmpf ogt, %get3A_285, %select_n3A_278 : vector<8x1024xf32>
    %select_n3A_287 = arith.select %gt3A_286, %get3A_285, %select_n3A_278 : vector<8x1024xi1>, vector<8x1024xf32>
    %add3A_288 = arith.constant 30 : i32
    %add3A_289 = arith.addi %mul3A_16, %add3A_288 : i32
    %broadcast_in_dim3A_290 = vector.broadcast %add3A_289 : i32 to vector<8x1024xi32>
    %select_n3A_291 = arith.select %gt3A_286, %broadcast_in_dim3A_290, %select_n3A_282 : vector<8x1024xi1>, vector<8x1024xi32>
    %get3A_292 = arith.constant 248 : index
    %get3A_293 = arith.constant 0 : index
    %get3A_294 = vector.load %arg5[%get3A_292, %get3A_293] : memref<4096x1024xf32, #tpu.memory_space<vmem>>, vector<8x1024xf32>
    %gt3A_295 = arith.cmpf ogt, %get3A_294, %select_n3A_287 : vector<8x1024xf32>
    %select_n3A_296 = arith.select %gt3A_295, %get3A_294, %select_n3A_287 : vector<8x1024xi1>, vector<8x1024xf32>
    %add3A_297 = arith.constant 31 : i32
    %add3A_298 = arith.addi %mul3A_16, %add3A_297 : i32
    %broadcast_in_dim3A_299 = vector.broadcast %add3A_298 : i32 to vector<8x1024xi32>
    %select_n3A_300 = arith.select %gt3A_295, %broadcast_in_dim3A_299, %select_n3A_291 : vector<8x1024xi1>, vector<8x1024xi32>
    %get3A_301 = arith.constant 256 : index
    %get3A_302 = arith.constant 0 : index
    %get3A_303 = vector.load %arg5[%get3A_301, %get3A_302] : memref<4096x1024xf32, #tpu.memory_space<vmem>>, vector<8x1024xf32>
    %gt3A_304 = arith.cmpf ogt, %get3A_303, %select_n3A_296 : vector<8x1024xf32>
    %select_n3A_305 = arith.select %gt3A_304, %get3A_303, %select_n3A_296 : vector<8x1024xi1>, vector<8x1024xf32>
    %add3A_306 = arith.constant 32 : i32
    %add3A_307 = arith.addi %mul3A_16, %add3A_306 : i32
    %broadcast_in_dim3A_308 = vector.broadcast %add3A_307 : i32 to vector<8x1024xi32>
    %select_n3A_309 = arith.select %gt3A_304, %broadcast_in_dim3A_308, %select_n3A_300 : vector<8x1024xi1>, vector<8x1024xi32>
    %get3A_310 = arith.constant 264 : index
    %get3A_311 = arith.constant 0 : index
    %get3A_312 = vector.load %arg5[%get3A_310, %get3A_311] : memref<4096x1024xf32, #tpu.memory_space<vmem>>, vector<8x1024xf32>
    %gt3A_313 = arith.cmpf ogt, %get3A_312, %select_n3A_305 : vector<8x1024xf32>
    %select_n3A_314 = arith.select %gt3A_313, %get3A_312, %select_n3A_305 : vector<8x1024xi1>, vector<8x1024xf32>
    %add3A_315 = arith.constant 33 : i32
    %add3A_316 = arith.addi %mul3A_16, %add3A_315 : i32
    %broadcast_in_dim3A_317 = vector.broadcast %add3A_316 : i32 to vector<8x1024xi32>
    %select_n3A_318 = arith.select %gt3A_313, %broadcast_in_dim3A_317, %select_n3A_309 : vector<8x1024xi1>, vector<8x1024xi32>
    %get3A_319 = arith.constant 272 : index
    %get3A_320 = arith.constant 0 : index
    %get3A_321 = vector.load %arg5[%get3A_319, %get3A_320] : memref<4096x1024xf32, #tpu.memory_space<vmem>>, vector<8x1024xf32>
    %gt3A_322 = arith.cmpf ogt, %get3A_321, %select_n3A_314 : vector<8x1024xf32>
    %select_n3A_323 = arith.select %gt3A_322, %get3A_321, %select_n3A_314 : vector<8x1024xi1>, vector<8x1024xf32>
    %add3A_324 = arith.constant 34 : i32
    %add3A_325 = arith.addi %mul3A_16, %add3A_324 : i32
    %broadcast_in_dim3A_326 = vector.broadcast %add3A_325 : i32 to vector<8x1024xi32>
    %select_n3A_327 = arith.select %gt3A_322, %broadcast_in_dim3A_326, %select_n3A_318 : vector<8x1024xi1>, vector<8x1024xi32>
    %get3A_328 = arith.constant 280 : index
    %get3A_329 = arith.constant 0 : index
    %get3A_330 = vector.load %arg5[%get3A_328, %get3A_329] : memref<4096x1024xf32, #tpu.memory_space<vmem>>, vector<8x1024xf32>
    %gt3A_331 = arith.cmpf ogt, %get3A_330, %select_n3A_323 : vector<8x1024xf32>
    %select_n3A_332 = arith.select %gt3A_331, %get3A_330, %select_n3A_323 : vector<8x1024xi1>, vector<8x1024xf32>
    %add3A_333 = arith.constant 35 : i32
    %add3A_334 = arith.addi %mul3A_16, %add3A_333 : i32
    %broadcast_in_dim3A_335 = vector.broadcast %add3A_334 : i32 to vector<8x1024xi32>
    %select_n3A_336 = arith.select %gt3A_331, %broadcast_in_dim3A_335, %select_n3A_327 : vector<8x1024xi1>, vector<8x1024xi32>
    %get3A_337 = arith.constant 288 : index
    %get3A_338 = arith.constant 0 : index
    %get3A_339 = vector.load %arg5[%get3A_337, %get3A_338] : memref<4096x1024xf32, #tpu.memory_space<vmem>>, vector<8x1024xf32>
    %gt3A_340 = arith.cmpf ogt, %get3A_339, %select_n3A_332 : vector<8x1024xf32>
    %select_n3A_341 = arith.select %gt3A_340, %get3A_339, %select_n3A_332 : vector<8x1024xi1>, vector<8x1024xf32>
    %add3A_342 = arith.constant 36 : i32
    %add3A_343 = arith.addi %mul3A_16, %add3A_342 : i32
    %broadcast_in_dim3A_344 = vector.broadcast %add3A_343 : i32 to vector<8x1024xi32>
    %select_n3A_345 = arith.select %gt3A_340, %broadcast_in_dim3A_344, %select_n3A_336 : vector<8x1024xi1>, vector<8x1024xi32>
    %get3A_346 = arith.constant 296 : index
    %get3A_347 = arith.constant 0 : index
    %get3A_348 = vector.load %arg5[%get3A_346, %get3A_347] : memref<4096x1024xf32, #tpu.memory_space<vmem>>, vector<8x1024xf32>
    %gt3A_349 = arith.cmpf ogt, %get3A_348, %select_n3A_341 : vector<8x1024xf32>
    %select_n3A_350 = arith.select %gt3A_349, %get3A_348, %select_n3A_341 : vector<8x1024xi1>, vector<8x1024xf32>
    %add3A_351 = arith.constant 37 : i32
    %add3A_352 = arith.addi %mul3A_16, %add3A_351 : i32
    %broadcast_in_dim3A_353 = vector.broadcast %add3A_352 : i32 to vector<8x1024xi32>
    %select_n3A_354 = arith.select %gt3A_349, %broadcast_in_dim3A_353, %select_n3A_345 : vector<8x1024xi1>, vector<8x1024xi32>
    %get3A_355 = arith.constant 304 : index
    %get3A_356 = arith.constant 0 : index
    %get3A_357 = vector.load %arg5[%get3A_355, %get3A_356] : memref<4096x1024xf32, #tpu.memory_space<vmem>>, vector<8x1024xf32>
    %gt3A_358 = arith.cmpf ogt, %get3A_357, %select_n3A_350 : vector<8x1024xf32>
    %select_n3A_359 = arith.select %gt3A_358, %get3A_357, %select_n3A_350 : vector<8x1024xi1>, vector<8x1024xf32>
    %add3A_360 = arith.constant 38 : i32
    %add3A_361 = arith.addi %mul3A_16, %add3A_360 : i32
    %broadcast_in_dim3A_362 = vector.broadcast %add3A_361 : i32 to vector<8x1024xi32>
    %select_n3A_363 = arith.select %gt3A_358, %broadcast_in_dim3A_362, %select_n3A_354 : vector<8x1024xi1>, vector<8x1024xi32>
    %get3A_364 = arith.constant 312 : index
    %get3A_365 = arith.constant 0 : index
    %get3A_366 = vector.load %arg5[%get3A_364, %get3A_365] : memref<4096x1024xf32, #tpu.memory_space<vmem>>, vector<8x1024xf32>
    %gt3A_367 = arith.cmpf ogt, %get3A_366, %select_n3A_359 : vector<8x1024xf32>
    %select_n3A_368 = arith.select %gt3A_367, %get3A_366, %select_n3A_359 : vector<8x1024xi1>, vector<8x1024xf32>
    %add3A_369 = arith.constant 39 : i32
    %add3A_370 = arith.addi %mul3A_16, %add3A_369 : i32
    %broadcast_in_dim3A_371 = vector.broadcast %add3A_370 : i32 to vector<8x1024xi32>
    %select_n3A_372 = arith.select %gt3A_367, %broadcast_in_dim3A_371, %select_n3A_363 : vector<8x1024xi1>, vector<8x1024xi32>
    %get3A_373 = arith.constant 320 : index
    %get3A_374 = arith.constant 0 : index
    %get3A_375 = vector.load %arg5[%get3A_373, %get3A_374] : memref<4096x1024xf32, #tpu.memory_space<vmem>>, vector<8x1024xf32>
    %gt3A_376 = arith.cmpf ogt, %get3A_375, %select_n3A_368 : vector<8x1024xf32>
    %select_n3A_377 = arith.select %gt3A_376, %get3A_375, %select_n3A_368 : vector<8x1024xi1>, vector<8x1024xf32>
    %add3A_378 = arith.constant 40 : i32
    %add3A_379 = arith.addi %mul3A_16, %add3A_378 : i32
    %broadcast_in_dim3A_380 = vector.broadcast %add3A_379 : i32 to vector<8x1024xi32>
    %select_n3A_381 = arith.select %gt3A_376, %broadcast_in_dim3A_380, %select_n3A_372 : vector<8x1024xi1>, vector<8x1024xi32>
    %get3A_382 = arith.constant 328 : index
    %get3A_383 = arith.constant 0 : index
    %get3A_384 = vector.load %arg5[%get3A_382, %get3A_383] : memref<4096x1024xf32, #tpu.memory_space<vmem>>, vector<8x1024xf32>
    %gt3A_385 = arith.cmpf ogt, %get3A_384, %select_n3A_377 : vector<8x1024xf32>
    %select_n3A_386 = arith.select %gt3A_385, %get3A_384, %select_n3A_377 : vector<8x1024xi1>, vector<8x1024xf32>
    %add3A_387 = arith.constant 41 : i32
    %add3A_388 = arith.addi %mul3A_16, %add3A_387 : i32
    %broadcast_in_dim3A_389 = vector.broadcast %add3A_388 : i32 to vector<8x1024xi32>
    %select_n3A_390 = arith.select %gt3A_385, %broadcast_in_dim3A_389, %select_n3A_381 : vector<8x1024xi1>, vector<8x1024xi32>
    %get3A_391 = arith.constant 336 : index
    %get3A_392 = arith.constant 0 : index
    %get3A_393 = vector.load %arg5[%get3A_391, %get3A_392] : memref<4096x1024xf32, #tpu.memory_space<vmem>>, vector<8x1024xf32>
    %gt3A_394 = arith.cmpf ogt, %get3A_393, %select_n3A_386 : vector<8x1024xf32>
    %select_n3A_395 = arith.select %gt3A_394, %get3A_393, %select_n3A_386 : vector<8x1024xi1>, vector<8x1024xf32>
    %add3A_396 = arith.constant 42 : i32
    %add3A_397 = arith.addi %mul3A_16, %add3A_396 : i32
    %broadcast_in_dim3A_398 = vector.broadcast %add3A_397 : i32 to vector<8x1024xi32>
    %select_n3A_399 = arith.select %gt3A_394, %broadcast_in_dim3A_398, %select_n3A_390 : vector<8x1024xi1>, vector<8x1024xi32>
    %get3A_400 = arith.constant 344 : index
    %get3A_401 = arith.constant 0 : index
    %get3A_402 = vector.load %arg5[%get3A_400, %get3A_401] : memref<4096x1024xf32, #tpu.memory_space<vmem>>, vector<8x1024xf32>
    %gt3A_403 = arith.cmpf ogt, %get3A_402, %select_n3A_395 : vector<8x1024xf32>
    %select_n3A_404 = arith.select %gt3A_403, %get3A_402, %select_n3A_395 : vector<8x1024xi1>, vector<8x1024xf32>
    %add3A_405 = arith.constant 43 : i32
    %add3A_406 = arith.addi %mul3A_16, %add3A_405 : i32
    %broadcast_in_dim3A_407 = vector.broadcast %add3A_406 : i32 to vector<8x1024xi32>
    %select_n3A_408 = arith.select %gt3A_403, %broadcast_in_dim3A_407, %select_n3A_399 : vector<8x1024xi1>, vector<8x1024xi32>
    %get3A_409 = arith.constant 352 : index
    %get3A_410 = arith.constant 0 : index
    %get3A_411 = vector.load %arg5[%get3A_409, %get3A_410] : memref<4096x1024xf32, #tpu.memory_space<vmem>>, vector<8x1024xf32>
    %gt3A_412 = arith.cmpf ogt, %get3A_411, %select_n3A_404 : vector<8x1024xf32>
    %select_n3A_413 = arith.select %gt3A_412, %get3A_411, %select_n3A_404 : vector<8x1024xi1>, vector<8x1024xf32>
    %add3A_414 = arith.constant 44 : i32
    %add3A_415 = arith.addi %mul3A_16, %add3A_414 : i32
    %broadcast_in_dim3A_416 = vector.broadcast %add3A_415 : i32 to vector<8x1024xi32>
    %select_n3A_417 = arith.select %gt3A_412, %broadcast_in_dim3A_416, %select_n3A_408 : vector<8x1024xi1>, vector<8x1024xi32>
    %get3A_418 = arith.constant 360 : index
    %get3A_419 = arith.constant 0 : index
    %get3A_420 = vector.load %arg5[%get3A_418, %get3A_419] : memref<4096x1024xf32, #tpu.memory_space<vmem>>, vector<8x1024xf32>
    %gt3A_421 = arith.cmpf ogt, %get3A_420, %select_n3A_413 : vector<8x1024xf32>
    %select_n3A_422 = arith.select %gt3A_421, %get3A_420, %select_n3A_413 : vector<8x1024xi1>, vector<8x1024xf32>
    %add3A_423 = arith.constant 45 : i32
    %add3A_424 = arith.addi %mul3A_16, %add3A_423 : i32
    %broadcast_in_dim3A_425 = vector.broadcast %add3A_424 : i32 to vector<8x1024xi32>
    %select_n3A_426 = arith.select %gt3A_421, %broadcast_in_dim3A_425, %select_n3A_417 : vector<8x1024xi1>, vector<8x1024xi32>
    %get3A_427 = arith.constant 368 : index
    %get3A_428 = arith.constant 0 : index
    %get3A_429 = vector.load %arg5[%get3A_427, %get3A_428] : memref<4096x1024xf32, #tpu.memory_space<vmem>>, vector<8x1024xf32>
    %gt3A_430 = arith.cmpf ogt, %get3A_429, %select_n3A_422 : vector<8x1024xf32>
    %select_n3A_431 = arith.select %gt3A_430, %get3A_429, %select_n3A_422 : vector<8x1024xi1>, vector<8x1024xf32>
    %add3A_432 = arith.constant 46 : i32
    %add3A_433 = arith.addi %mul3A_16, %add3A_432 : i32
    %broadcast_in_dim3A_434 = vector.broadcast %add3A_433 : i32 to vector<8x1024xi32>
    %select_n3A_435 = arith.select %gt3A_430, %broadcast_in_dim3A_434, %select_n3A_426 : vector<8x1024xi1>, vector<8x1024xi32>
    %get3A_436 = arith.constant 376 : index
    %get3A_437 = arith.constant 0 : index
    %get3A_438 = vector.load %arg5[%get3A_436, %get3A_437] : memref<4096x1024xf32, #tpu.memory_space<vmem>>, vector<8x1024xf32>
    %gt3A_439 = arith.cmpf ogt, %get3A_438, %select_n3A_431 : vector<8x1024xf32>
    %select_n3A_440 = arith.select %gt3A_439, %get3A_438, %select_n3A_431 : vector<8x1024xi1>, vector<8x1024xf32>
    %add3A_441 = arith.constant 47 : i32
    %add3A_442 = arith.addi %mul3A_16, %add3A_441 : i32
    %broadcast_in_dim3A_443 = vector.broadcast %add3A_442 : i32 to vector<8x1024xi32>
    %select_n3A_444 = arith.select %gt3A_439, %broadcast_in_dim3A_443, %select_n3A_435 : vector<8x1024xi1>, vector<8x1024xi32>
    %get3A_445 = arith.constant 384 : index
    %get3A_446 = arith.constant 0 : index
    %get3A_447 = vector.load %arg5[%get3A_445, %get3A_446] : memref<4096x1024xf32, #tpu.memory_space<vmem>>, vector<8x1024xf32>
    %gt3A_448 = arith.cmpf ogt, %get3A_447, %select_n3A_440 : vector<8x1024xf32>
    %select_n3A_449 = arith.select %gt3A_448, %get3A_447, %select_n3A_440 : vector<8x1024xi1>, vector<8x1024xf32>
    %add3A_450 = arith.constant 48 : i32
    %add3A_451 = arith.addi %mul3A_16, %add3A_450 : i32
    %broadcast_in_dim3A_452 = vector.broadcast %add3A_451 : i32 to vector<8x1024xi32>
    %select_n3A_453 = arith.select %gt3A_448, %broadcast_in_dim3A_452, %select_n3A_444 : vector<8x1024xi1>, vector<8x1024xi32>
    %get3A_454 = arith.constant 392 : index
    %get3A_455 = arith.constant 0 : index
    %get3A_456 = vector.load %arg5[%get3A_454, %get3A_455] : memref<4096x1024xf32, #tpu.memory_space<vmem>>, vector<8x1024xf32>
    %gt3A_457 = arith.cmpf ogt, %get3A_456, %select_n3A_449 : vector<8x1024xf32>
    %select_n3A_458 = arith.select %gt3A_457, %get3A_456, %select_n3A_449 : vector<8x1024xi1>, vector<8x1024xf32>
    %add3A_459 = arith.constant 49 : i32
    %add3A_460 = arith.addi %mul3A_16, %add3A_459 : i32
    %broadcast_in_dim3A_461 = vector.broadcast %add3A_460 : i32 to vector<8x1024xi32>
    %select_n3A_462 = arith.select %gt3A_457, %broadcast_in_dim3A_461, %select_n3A_453 : vector<8x1024xi1>, vector<8x1024xi32>
    %get3A_463 = arith.constant 400 : index
    %get3A_464 = arith.constant 0 : index
    %get3A_465 = vector.load %arg5[%get3A_463, %get3A_464] : memref<4096x1024xf32, #tpu.memory_space<vmem>>, vector<8x1024xf32>
    %gt3A_466 = arith.cmpf ogt, %get3A_465, %select_n3A_458 : vector<8x1024xf32>
    %select_n3A_467 = arith.select %gt3A_466, %get3A_465, %select_n3A_458 : vector<8x1024xi1>, vector<8x1024xf32>
    %add3A_468 = arith.constant 50 : i32
    %add3A_469 = arith.addi %mul3A_16, %add3A_468 : i32
    %broadcast_in_dim3A_470 = vector.broadcast %add3A_469 : i32 to vector<8x1024xi32>
    %select_n3A_471 = arith.select %gt3A_466, %broadcast_in_dim3A_470, %select_n3A_462 : vector<8x1024xi1>, vector<8x1024xi32>
    %get3A_472 = arith.constant 408 : index
    %get3A_473 = arith.constant 0 : index
    %get3A_474 = vector.load %arg5[%get3A_472, %get3A_473] : memref<4096x1024xf32, #tpu.memory_space<vmem>>, vector<8x1024xf32>
    %gt3A_475 = arith.cmpf ogt, %get3A_474, %select_n3A_467 : vector<8x1024xf32>
    %select_n3A_476 = arith.select %gt3A_475, %get3A_474, %select_n3A_467 : vector<8x1024xi1>, vector<8x1024xf32>
    %add3A_477 = arith.constant 51 : i32
    %add3A_478 = arith.addi %mul3A_16, %add3A_477 : i32
    %broadcast_in_dim3A_479 = vector.broadcast %add3A_478 : i32 to vector<8x1024xi32>
    %select_n3A_480 = arith.select %gt3A_475, %broadcast_in_dim3A_479, %select_n3A_471 : vector<8x1024xi1>, vector<8x1024xi32>
    %get3A_481 = arith.constant 416 : index
    %get3A_482 = arith.constant 0 : index
    %get3A_483 = vector.load %arg5[%get3A_481, %get3A_482] : memref<4096x1024xf32, #tpu.memory_space<vmem>>, vector<8x1024xf32>
    %gt3A_484 = arith.cmpf ogt, %get3A_483, %select_n3A_476 : vector<8x1024xf32>
    %select_n3A_485 = arith.select %gt3A_484, %get3A_483, %select_n3A_476 : vector<8x1024xi1>, vector<8x1024xf32>
    %add3A_486 = arith.constant 52 : i32
    %add3A_487 = arith.addi %mul3A_16, %add3A_486 : i32
    %broadcast_in_dim3A_488 = vector.broadcast %add3A_487 : i32 to vector<8x1024xi32>
    %select_n3A_489 = arith.select %gt3A_484, %broadcast_in_dim3A_488, %select_n3A_480 : vector<8x1024xi1>, vector<8x1024xi32>
    %get3A_490 = arith.constant 424 : index
    %get3A_491 = arith.constant 0 : index
    %get3A_492 = vector.load %arg5[%get3A_490, %get3A_491] : memref<4096x1024xf32, #tpu.memory_space<vmem>>, vector<8x1024xf32>
    %gt3A_493 = arith.cmpf ogt, %get3A_492, %select_n3A_485 : vector<8x1024xf32>
    %select_n3A_494 = arith.select %gt3A_493, %get3A_492, %select_n3A_485 : vector<8x1024xi1>, vector<8x1024xf32>
    %add3A_495 = arith.constant 53 : i32
    %add3A_496 = arith.addi %mul3A_16, %add3A_495 : i32
    %broadcast_in_dim3A_497 = vector.broadcast %add3A_496 : i32 to vector<8x1024xi32>
    %select_n3A_498 = arith.select %gt3A_493, %broadcast_in_dim3A_497, %select_n3A_489 : vector<8x1024xi1>, vector<8x1024xi32>
    %get3A_499 = arith.constant 432 : index
    %get3A_500 = arith.constant 0 : index
    %get3A_501 = vector.load %arg5[%get3A_499, %get3A_500] : memref<4096x1024xf32, #tpu.memory_space<vmem>>, vector<8x1024xf32>
    %gt3A_502 = arith.cmpf ogt, %get3A_501, %select_n3A_494 : vector<8x1024xf32>
    %select_n3A_503 = arith.select %gt3A_502, %get3A_501, %select_n3A_494 : vector<8x1024xi1>, vector<8x1024xf32>
    %add3A_504 = arith.constant 54 : i32
    %add3A_505 = arith.addi %mul3A_16, %add3A_504 : i32
    %broadcast_in_dim3A_506 = vector.broadcast %add3A_505 : i32 to vector<8x1024xi32>
    %select_n3A_507 = arith.select %gt3A_502, %broadcast_in_dim3A_506, %select_n3A_498 : vector<8x1024xi1>, vector<8x1024xi32>
    %get3A_508 = arith.constant 440 : index
    %get3A_509 = arith.constant 0 : index
    %get3A_510 = vector.load %arg5[%get3A_508, %get3A_509] : memref<4096x1024xf32, #tpu.memory_space<vmem>>, vector<8x1024xf32>
    %gt3A_511 = arith.cmpf ogt, %get3A_510, %select_n3A_503 : vector<8x1024xf32>
    %select_n3A_512 = arith.select %gt3A_511, %get3A_510, %select_n3A_503 : vector<8x1024xi1>, vector<8x1024xf32>
    %add3A_513 = arith.constant 55 : i32
    %add3A_514 = arith.addi %mul3A_16, %add3A_513 : i32
    %broadcast_in_dim3A_515 = vector.broadcast %add3A_514 : i32 to vector<8x1024xi32>
    %select_n3A_516 = arith.select %gt3A_511, %broadcast_in_dim3A_515, %select_n3A_507 : vector<8x1024xi1>, vector<8x1024xi32>
    %get3A_517 = arith.constant 448 : index
    %get3A_518 = arith.constant 0 : index
    %get3A_519 = vector.load %arg5[%get3A_517, %get3A_518] : memref<4096x1024xf32, #tpu.memory_space<vmem>>, vector<8x1024xf32>
    %gt3A_520 = arith.cmpf ogt, %get3A_519, %select_n3A_512 : vector<8x1024xf32>
    %select_n3A_521 = arith.select %gt3A_520, %get3A_519, %select_n3A_512 : vector<8x1024xi1>, vector<8x1024xf32>
    %add3A_522 = arith.constant 56 : i32
    %add3A_523 = arith.addi %mul3A_16, %add3A_522 : i32
    %broadcast_in_dim3A_524 = vector.broadcast %add3A_523 : i32 to vector<8x1024xi32>
    %select_n3A_525 = arith.select %gt3A_520, %broadcast_in_dim3A_524, %select_n3A_516 : vector<8x1024xi1>, vector<8x1024xi32>
    %get3A_526 = arith.constant 456 : index
    %get3A_527 = arith.constant 0 : index
    %get3A_528 = vector.load %arg5[%get3A_526, %get3A_527] : memref<4096x1024xf32, #tpu.memory_space<vmem>>, vector<8x1024xf32>
    %gt3A_529 = arith.cmpf ogt, %get3A_528, %select_n3A_521 : vector<8x1024xf32>
    %select_n3A_530 = arith.select %gt3A_529, %get3A_528, %select_n3A_521 : vector<8x1024xi1>, vector<8x1024xf32>
    %add3A_531 = arith.constant 57 : i32
    %add3A_532 = arith.addi %mul3A_16, %add3A_531 : i32
    %broadcast_in_dim3A_533 = vector.broadcast %add3A_532 : i32 to vector<8x1024xi32>
    %select_n3A_534 = arith.select %gt3A_529, %broadcast_in_dim3A_533, %select_n3A_525 : vector<8x1024xi1>, vector<8x1024xi32>
    %get3A_535 = arith.constant 464 : index
    %get3A_536 = arith.constant 0 : index
    %get3A_537 = vector.load %arg5[%get3A_535, %get3A_536] : memref<4096x1024xf32, #tpu.memory_space<vmem>>, vector<8x1024xf32>
    %gt3A_538 = arith.cmpf ogt, %get3A_537, %select_n3A_530 : vector<8x1024xf32>
    %select_n3A_539 = arith.select %gt3A_538, %get3A_537, %select_n3A_530 : vector<8x1024xi1>, vector<8x1024xf32>
    %add3A_540 = arith.constant 58 : i32
    %add3A_541 = arith.addi %mul3A_16, %add3A_540 : i32
    %broadcast_in_dim3A_542 = vector.broadcast %add3A_541 : i32 to vector<8x1024xi32>
    %select_n3A_543 = arith.select %gt3A_538, %broadcast_in_dim3A_542, %select_n3A_534 : vector<8x1024xi1>, vector<8x1024xi32>
    %get3A_544 = arith.constant 472 : index
    %get3A_545 = arith.constant 0 : index
    %get3A_546 = vector.load %arg5[%get3A_544, %get3A_545] : memref<4096x1024xf32, #tpu.memory_space<vmem>>, vector<8x1024xf32>
    %gt3A_547 = arith.cmpf ogt, %get3A_546, %select_n3A_539 : vector<8x1024xf32>
    %select_n3A_548 = arith.select %gt3A_547, %get3A_546, %select_n3A_539 : vector<8x1024xi1>, vector<8x1024xf32>
    %add3A_549 = arith.constant 59 : i32
    %add3A_550 = arith.addi %mul3A_16, %add3A_549 : i32
    %broadcast_in_dim3A_551 = vector.broadcast %add3A_550 : i32 to vector<8x1024xi32>
    %select_n3A_552 = arith.select %gt3A_547, %broadcast_in_dim3A_551, %select_n3A_543 : vector<8x1024xi1>, vector<8x1024xi32>
    %get3A_553 = arith.constant 480 : index
    %get3A_554 = arith.constant 0 : index
    %get3A_555 = vector.load %arg5[%get3A_553, %get3A_554] : memref<4096x1024xf32, #tpu.memory_space<vmem>>, vector<8x1024xf32>
    %gt3A_556 = arith.cmpf ogt, %get3A_555, %select_n3A_548 : vector<8x1024xf32>
    %select_n3A_557 = arith.select %gt3A_556, %get3A_555, %select_n3A_548 : vector<8x1024xi1>, vector<8x1024xf32>
    %add3A_558 = arith.constant 60 : i32
    %add3A_559 = arith.addi %mul3A_16, %add3A_558 : i32
    %broadcast_in_dim3A_560 = vector.broadcast %add3A_559 : i32 to vector<8x1024xi32>
    %select_n3A_561 = arith.select %gt3A_556, %broadcast_in_dim3A_560, %select_n3A_552 : vector<8x1024xi1>, vector<8x1024xi32>
    %get3A_562 = arith.constant 488 : index
    %get3A_563 = arith.constant 0 : index
    %get3A_564 = vector.load %arg5[%get3A_562, %get3A_563] : memref<4096x1024xf32, #tpu.memory_space<vmem>>, vector<8x1024xf32>
    %gt3A_565 = arith.cmpf ogt, %get3A_564, %select_n3A_557 : vector<8x1024xf32>
    %select_n3A_566 = arith.select %gt3A_565, %get3A_564, %select_n3A_557 : vector<8x1024xi1>, vector<8x1024xf32>
    %add3A_567 = arith.constant 61 : i32
    %add3A_568 = arith.addi %mul3A_16, %add3A_567 : i32
    %broadcast_in_dim3A_569 = vector.broadcast %add3A_568 : i32 to vector<8x1024xi32>
    %select_n3A_570 = arith.select %gt3A_565, %broadcast_in_dim3A_569, %select_n3A_561 : vector<8x1024xi1>, vector<8x1024xi32>
    %get3A_571 = arith.constant 496 : index
    %get3A_572 = arith.constant 0 : index
    %get3A_573 = vector.load %arg5[%get3A_571, %get3A_572] : memref<4096x1024xf32, #tpu.memory_space<vmem>>, vector<8x1024xf32>
    %gt3A_574 = arith.cmpf ogt, %get3A_573, %select_n3A_566 : vector<8x1024xf32>
    %select_n3A_575 = arith.select %gt3A_574, %get3A_573, %select_n3A_566 : vector<8x1024xi1>, vector<8x1024xf32>
    %add3A_576 = arith.constant 62 : i32
    %add3A_577 = arith.addi %mul3A_16, %add3A_576 : i32
    %broadcast_in_dim3A_578 = vector.broadcast %add3A_577 : i32 to vector<8x1024xi32>
    %select_n3A_579 = arith.select %gt3A_574, %broadcast_in_dim3A_578, %select_n3A_570 : vector<8x1024xi1>, vector<8x1024xi32>
    %get3A_580 = arith.constant 504 : index
    %get3A_581 = arith.constant 0 : index
    %get3A_582 = vector.load %arg5[%get3A_580, %get3A_581] : memref<4096x1024xf32, #tpu.memory_space<vmem>>, vector<8x1024xf32>
    %gt3A_583 = arith.cmpf ogt, %get3A_582, %select_n3A_575 : vector<8x1024xf32>
    %select_n3A_584 = arith.select %gt3A_583, %get3A_582, %select_n3A_575 : vector<8x1024xi1>, vector<8x1024xf32>
    %add3A_585 = arith.constant 63 : i32
    %add3A_586 = arith.addi %mul3A_16, %add3A_585 : i32
    %broadcast_in_dim3A_587 = vector.broadcast %add3A_586 : i32 to vector<8x1024xi32>
    %select_n3A_588 = arith.select %gt3A_583, %broadcast_in_dim3A_587, %select_n3A_579 : vector<8x1024xi1>, vector<8x1024xi32>
    %get3A_589 = arith.constant 512 : index
    %get3A_590 = arith.constant 0 : index
    %get3A_591 = vector.load %arg5[%get3A_589, %get3A_590] : memref<4096x1024xf32, #tpu.memory_space<vmem>>, vector<8x1024xf32>
    %gt3A_592 = arith.cmpf ogt, %get3A_591, %select_n3A_584 : vector<8x1024xf32>
    %select_n3A_593 = arith.select %gt3A_592, %get3A_591, %select_n3A_584 : vector<8x1024xi1>, vector<8x1024xf32>
    %add3A_594 = arith.constant 64 : i32
    %add3A_595 = arith.addi %mul3A_16, %add3A_594 : i32
    %broadcast_in_dim3A_596 = vector.broadcast %add3A_595 : i32 to vector<8x1024xi32>
    %select_n3A_597 = arith.select %gt3A_592, %broadcast_in_dim3A_596, %select_n3A_588 : vector<8x1024xi1>, vector<8x1024xi32>
    %get3A_598 = arith.constant 520 : index
    %get3A_599 = arith.constant 0 : index
    %get3A_600 = vector.load %arg5[%get3A_598, %get3A_599] : memref<4096x1024xf32, #tpu.memory_space<vmem>>, vector<8x1024xf32>
    %gt3A_601 = arith.cmpf ogt, %get3A_600, %select_n3A_593 : vector<8x1024xf32>
    %select_n3A_602 = arith.select %gt3A_601, %get3A_600, %select_n3A_593 : vector<8x1024xi1>, vector<8x1024xf32>
    %add3A_603 = arith.constant 65 : i32
    %add3A_604 = arith.addi %mul3A_16, %add3A_603 : i32
    %broadcast_in_dim3A_605 = vector.broadcast %add3A_604 : i32 to vector<8x1024xi32>
    %select_n3A_606 = arith.select %gt3A_601, %broadcast_in_dim3A_605, %select_n3A_597 : vector<8x1024xi1>, vector<8x1024xi32>
    %get3A_607 = arith.constant 528 : index
    %get3A_608 = arith.constant 0 : index
    %get3A_609 = vector.load %arg5[%get3A_607, %get3A_608] : memref<4096x1024xf32, #tpu.memory_space<vmem>>, vector<8x1024xf32>
    %gt3A_610 = arith.cmpf ogt, %get3A_609, %select_n3A_602 : vector<8x1024xf32>
    %select_n3A_611 = arith.select %gt3A_610, %get3A_609, %select_n3A_602 : vector<8x1024xi1>, vector<8x1024xf32>
    %add3A_612 = arith.constant 66 : i32
    %add3A_613 = arith.addi %mul3A_16, %add3A_612 : i32
    %broadcast_in_dim3A_614 = vector.broadcast %add3A_613 : i32 to vector<8x1024xi32>
    %select_n3A_615 = arith.select %gt3A_610, %broadcast_in_dim3A_614, %select_n3A_606 : vector<8x1024xi1>, vector<8x1024xi32>
    %get3A_616 = arith.constant 536 : index
    %get3A_617 = arith.constant 0 : index
    %get3A_618 = vector.load %arg5[%get3A_616, %get3A_617] : memref<4096x1024xf32, #tpu.memory_space<vmem>>, vector<8x1024xf32>
    %gt3A_619 = arith.cmpf ogt, %get3A_618, %select_n3A_611 : vector<8x1024xf32>
    %select_n3A_620 = arith.select %gt3A_619, %get3A_618, %select_n3A_611 : vector<8x1024xi1>, vector<8x1024xf32>
    %add3A_621 = arith.constant 67 : i32
    %add3A_622 = arith.addi %mul3A_16, %add3A_621 : i32
    %broadcast_in_dim3A_623 = vector.broadcast %add3A_622 : i32 to vector<8x1024xi32>
    %select_n3A_624 = arith.select %gt3A_619, %broadcast_in_dim3A_623, %select_n3A_615 : vector<8x1024xi1>, vector<8x1024xi32>
    %get3A_625 = arith.constant 544 : index
    %get3A_626 = arith.constant 0 : index
    %get3A_627 = vector.load %arg5[%get3A_625, %get3A_626] : memref<4096x1024xf32, #tpu.memory_space<vmem>>, vector<8x1024xf32>
    %gt3A_628 = arith.cmpf ogt, %get3A_627, %select_n3A_620 : vector<8x1024xf32>
    %select_n3A_629 = arith.select %gt3A_628, %get3A_627, %select_n3A_620 : vector<8x1024xi1>, vector<8x1024xf32>
    %add3A_630 = arith.constant 68 : i32
    %add3A_631 = arith.addi %mul3A_16, %add3A_630 : i32
    %broadcast_in_dim3A_632 = vector.broadcast %add3A_631 : i32 to vector<8x1024xi32>
    %select_n3A_633 = arith.select %gt3A_628, %broadcast_in_dim3A_632, %select_n3A_624 : vector<8x1024xi1>, vector<8x1024xi32>
    %get3A_634 = arith.constant 552 : index
    %get3A_635 = arith.constant 0 : index
    %get3A_636 = vector.load %arg5[%get3A_634, %get3A_635] : memref<4096x1024xf32, #tpu.memory_space<vmem>>, vector<8x1024xf32>
    %gt3A_637 = arith.cmpf ogt, %get3A_636, %select_n3A_629 : vector<8x1024xf32>
    %select_n3A_638 = arith.select %gt3A_637, %get3A_636, %select_n3A_629 : vector<8x1024xi1>, vector<8x1024xf32>
    %add3A_639 = arith.constant 69 : i32
    %add3A_640 = arith.addi %mul3A_16, %add3A_639 : i32
    %broadcast_in_dim3A_641 = vector.broadcast %add3A_640 : i32 to vector<8x1024xi32>
    %select_n3A_642 = arith.select %gt3A_637, %broadcast_in_dim3A_641, %select_n3A_633 : vector<8x1024xi1>, vector<8x1024xi32>
    %get3A_643 = arith.constant 560 : index
    %get3A_644 = arith.constant 0 : index
    %get3A_645 = vector.load %arg5[%get3A_643, %get3A_644] : memref<4096x1024xf32, #tpu.memory_space<vmem>>, vector<8x1024xf32>
    %gt3A_646 = arith.cmpf ogt, %get3A_645, %select_n3A_638 : vector<8x1024xf32>
    %select_n3A_647 = arith.select %gt3A_646, %get3A_645, %select_n3A_638 : vector<8x1024xi1>, vector<8x1024xf32>
    %add3A_648 = arith.constant 70 : i32
    %add3A_649 = arith.addi %mul3A_16, %add3A_648 : i32
    %broadcast_in_dim3A_650 = vector.broadcast %add3A_649 : i32 to vector<8x1024xi32>
    %select_n3A_651 = arith.select %gt3A_646, %broadcast_in_dim3A_650, %select_n3A_642 : vector<8x1024xi1>, vector<8x1024xi32>
    %get3A_652 = arith.constant 568 : index
    %get3A_653 = arith.constant 0 : index
    %get3A_654 = vector.load %arg5[%get3A_652, %get3A_653] : memref<4096x1024xf32, #tpu.memory_space<vmem>>, vector<8x1024xf32>
    %gt3A_655 = arith.cmpf ogt, %get3A_654, %select_n3A_647 : vector<8x1024xf32>
    %select_n3A_656 = arith.select %gt3A_655, %get3A_654, %select_n3A_647 : vector<8x1024xi1>, vector<8x1024xf32>
    %add3A_657 = arith.constant 71 : i32
    %add3A_658 = arith.addi %mul3A_16, %add3A_657 : i32
    %broadcast_in_dim3A_659 = vector.broadcast %add3A_658 : i32 to vector<8x1024xi32>
    %select_n3A_660 = arith.select %gt3A_655, %broadcast_in_dim3A_659, %select_n3A_651 : vector<8x1024xi1>, vector<8x1024xi32>
    %get3A_661 = arith.constant 576 : index
    %get3A_662 = arith.constant 0 : index
    %get3A_663 = vector.load %arg5[%get3A_661, %get3A_662] : memref<4096x1024xf32, #tpu.memory_space<vmem>>, vector<8x1024xf32>
    %gt3A_664 = arith.cmpf ogt, %get3A_663, %select_n3A_656 : vector<8x1024xf32>
    %select_n3A_665 = arith.select %gt3A_664, %get3A_663, %select_n3A_656 : vector<8x1024xi1>, vector<8x1024xf32>
    %add3A_666 = arith.constant 72 : i32
    %add3A_667 = arith.addi %mul3A_16, %add3A_666 : i32
    %broadcast_in_dim3A_668 = vector.broadcast %add3A_667 : i32 to vector<8x1024xi32>
    %select_n3A_669 = arith.select %gt3A_664, %broadcast_in_dim3A_668, %select_n3A_660 : vector<8x1024xi1>, vector<8x1024xi32>
    %get3A_670 = arith.constant 584 : index
    %get3A_671 = arith.constant 0 : index
    %get3A_672 = vector.load %arg5[%get3A_670, %get3A_671] : memref<4096x1024xf32, #tpu.memory_space<vmem>>, vector<8x1024xf32>
    %gt3A_673 = arith.cmpf ogt, %get3A_672, %select_n3A_665 : vector<8x1024xf32>
    %select_n3A_674 = arith.select %gt3A_673, %get3A_672, %select_n3A_665 : vector<8x1024xi1>, vector<8x1024xf32>
    %add3A_675 = arith.constant 73 : i32
    %add3A_676 = arith.addi %mul3A_16, %add3A_675 : i32
    %broadcast_in_dim3A_677 = vector.broadcast %add3A_676 : i32 to vector<8x1024xi32>
    %select_n3A_678 = arith.select %gt3A_673, %broadcast_in_dim3A_677, %select_n3A_669 : vector<8x1024xi1>, vector<8x1024xi32>
    %get3A_679 = arith.constant 592 : index
    %get3A_680 = arith.constant 0 : index
    %get3A_681 = vector.load %arg5[%get3A_679, %get3A_680] : memref<4096x1024xf32, #tpu.memory_space<vmem>>, vector<8x1024xf32>
    %gt3A_682 = arith.cmpf ogt, %get3A_681, %select_n3A_674 : vector<8x1024xf32>
    %select_n3A_683 = arith.select %gt3A_682, %get3A_681, %select_n3A_674 : vector<8x1024xi1>, vector<8x1024xf32>
    %add3A_684 = arith.constant 74 : i32
    %add3A_685 = arith.addi %mul3A_16, %add3A_684 : i32
    %broadcast_in_dim3A_686 = vector.broadcast %add3A_685 : i32 to vector<8x1024xi32>
    %select_n3A_687 = arith.select %gt3A_682, %broadcast_in_dim3A_686, %select_n3A_678 : vector<8x1024xi1>, vector<8x1024xi32>
    %get3A_688 = arith.constant 600 : index
    %get3A_689 = arith.constant 0 : index
    %get3A_690 = vector.load %arg5[%get3A_688, %get3A_689] : memref<4096x1024xf32, #tpu.memory_space<vmem>>, vector<8x1024xf32>
    %gt3A_691 = arith.cmpf ogt, %get3A_690, %select_n3A_683 : vector<8x1024xf32>
    %select_n3A_692 = arith.select %gt3A_691, %get3A_690, %select_n3A_683 : vector<8x1024xi1>, vector<8x1024xf32>
    %add3A_693 = arith.constant 75 : i32
    %add3A_694 = arith.addi %mul3A_16, %add3A_693 : i32
    %broadcast_in_dim3A_695 = vector.broadcast %add3A_694 : i32 to vector<8x1024xi32>
    %select_n3A_696 = arith.select %gt3A_691, %broadcast_in_dim3A_695, %select_n3A_687 : vector<8x1024xi1>, vector<8x1024xi32>
    %get3A_697 = arith.constant 608 : index
    %get3A_698 = arith.constant 0 : index
    %get3A_699 = vector.load %arg5[%get3A_697, %get3A_698] : memref<4096x1024xf32, #tpu.memory_space<vmem>>, vector<8x1024xf32>
    %gt3A_700 = arith.cmpf ogt, %get3A_699, %select_n3A_692 : vector<8x1024xf32>
    %select_n3A_701 = arith.select %gt3A_700, %get3A_699, %select_n3A_692 : vector<8x1024xi1>, vector<8x1024xf32>
    %add3A_702 = arith.constant 76 : i32
    %add3A_703 = arith.addi %mul3A_16, %add3A_702 : i32
    %broadcast_in_dim3A_704 = vector.broadcast %add3A_703 : i32 to vector<8x1024xi32>
    %select_n3A_705 = arith.select %gt3A_700, %broadcast_in_dim3A_704, %select_n3A_696 : vector<8x1024xi1>, vector<8x1024xi32>
    %get3A_706 = arith.constant 616 : index
    %get3A_707 = arith.constant 0 : index
    %get3A_708 = vector.load %arg5[%get3A_706, %get3A_707] : memref<4096x1024xf32, #tpu.memory_space<vmem>>, vector<8x1024xf32>
    %gt3A_709 = arith.cmpf ogt, %get3A_708, %select_n3A_701 : vector<8x1024xf32>
    %select_n3A_710 = arith.select %gt3A_709, %get3A_708, %select_n3A_701 : vector<8x1024xi1>, vector<8x1024xf32>
    %add3A_711 = arith.constant 77 : i32
    %add3A_712 = arith.addi %mul3A_16, %add3A_711 : i32
    %broadcast_in_dim3A_713 = vector.broadcast %add3A_712 : i32 to vector<8x1024xi32>
    %select_n3A_714 = arith.select %gt3A_709, %broadcast_in_dim3A_713, %select_n3A_705 : vector<8x1024xi1>, vector<8x1024xi32>
    %get3A_715 = arith.constant 624 : index
    %get3A_716 = arith.constant 0 : index
    %get3A_717 = vector.load %arg5[%get3A_715, %get3A_716] : memref<4096x1024xf32, #tpu.memory_space<vmem>>, vector<8x1024xf32>
    %gt3A_718 = arith.cmpf ogt, %get3A_717, %select_n3A_710 : vector<8x1024xf32>
    %select_n3A_719 = arith.select %gt3A_718, %get3A_717, %select_n3A_710 : vector<8x1024xi1>, vector<8x1024xf32>
    %add3A_720 = arith.constant 78 : i32
    %add3A_721 = arith.addi %mul3A_16, %add3A_720 : i32
    %broadcast_in_dim3A_722 = vector.broadcast %add3A_721 : i32 to vector<8x1024xi32>
    %select_n3A_723 = arith.select %gt3A_718, %broadcast_in_dim3A_722, %select_n3A_714 : vector<8x1024xi1>, vector<8x1024xi32>
    %get3A_724 = arith.constant 632 : index
    %get3A_725 = arith.constant 0 : index
    %get3A_726 = vector.load %arg5[%get3A_724, %get3A_725] : memref<4096x1024xf32, #tpu.memory_space<vmem>>, vector<8x1024xf32>
    %gt3A_727 = arith.cmpf ogt, %get3A_726, %select_n3A_719 : vector<8x1024xf32>
    %select_n3A_728 = arith.select %gt3A_727, %get3A_726, %select_n3A_719 : vector<8x1024xi1>, vector<8x1024xf32>
    %add3A_729 = arith.constant 79 : i32
    %add3A_730 = arith.addi %mul3A_16, %add3A_729 : i32
    %broadcast_in_dim3A_731 = vector.broadcast %add3A_730 : i32 to vector<8x1024xi32>
    %select_n3A_732 = arith.select %gt3A_727, %broadcast_in_dim3A_731, %select_n3A_723 : vector<8x1024xi1>, vector<8x1024xi32>
    %get3A_733 = arith.constant 640 : index
    %get3A_734 = arith.constant 0 : index
    %get3A_735 = vector.load %arg5[%get3A_733, %get3A_734] : memref<4096x1024xf32, #tpu.memory_space<vmem>>, vector<8x1024xf32>
    %gt3A_736 = arith.cmpf ogt, %get3A_735, %select_n3A_728 : vector<8x1024xf32>
    %select_n3A_737 = arith.select %gt3A_736, %get3A_735, %select_n3A_728 : vector<8x1024xi1>, vector<8x1024xf32>
    %add3A_738 = arith.constant 80 : i32
    %add3A_739 = arith.addi %mul3A_16, %add3A_738 : i32
    %broadcast_in_dim3A_740 = vector.broadcast %add3A_739 : i32 to vector<8x1024xi32>
    %select_n3A_741 = arith.select %gt3A_736, %broadcast_in_dim3A_740, %select_n3A_732 : vector<8x1024xi1>, vector<8x1024xi32>
    %get3A_742 = arith.constant 648 : index
    %get3A_743 = arith.constant 0 : index
    %get3A_744 = vector.load %arg5[%get3A_742, %get3A_743] : memref<4096x1024xf32, #tpu.memory_space<vmem>>, vector<8x1024xf32>
    %gt3A_745 = arith.cmpf ogt, %get3A_744, %select_n3A_737 : vector<8x1024xf32>
    %select_n3A_746 = arith.select %gt3A_745, %get3A_744, %select_n3A_737 : vector<8x1024xi1>, vector<8x1024xf32>
    %add3A_747 = arith.constant 81 : i32
    %add3A_748 = arith.addi %mul3A_16, %add3A_747 : i32
    %broadcast_in_dim3A_749 = vector.broadcast %add3A_748 : i32 to vector<8x1024xi32>
    %select_n3A_750 = arith.select %gt3A_745, %broadcast_in_dim3A_749, %select_n3A_741 : vector<8x1024xi1>, vector<8x1024xi32>
    %get3A_751 = arith.constant 656 : index
    %get3A_752 = arith.constant 0 : index
    %get3A_753 = vector.load %arg5[%get3A_751, %get3A_752] : memref<4096x1024xf32, #tpu.memory_space<vmem>>, vector<8x1024xf32>
    %gt3A_754 = arith.cmpf ogt, %get3A_753, %select_n3A_746 : vector<8x1024xf32>
    %select_n3A_755 = arith.select %gt3A_754, %get3A_753, %select_n3A_746 : vector<8x1024xi1>, vector<8x1024xf32>
    %add3A_756 = arith.constant 82 : i32
    %add3A_757 = arith.addi %mul3A_16, %add3A_756 : i32
    %broadcast_in_dim3A_758 = vector.broadcast %add3A_757 : i32 to vector<8x1024xi32>
    %select_n3A_759 = arith.select %gt3A_754, %broadcast_in_dim3A_758, %select_n3A_750 : vector<8x1024xi1>, vector<8x1024xi32>
    %get3A_760 = arith.constant 664 : index
    %get3A_761 = arith.constant 0 : index
    %get3A_762 = vector.load %arg5[%get3A_760, %get3A_761] : memref<4096x1024xf32, #tpu.memory_space<vmem>>, vector<8x1024xf32>
    %gt3A_763 = arith.cmpf ogt, %get3A_762, %select_n3A_755 : vector<8x1024xf32>
    %select_n3A_764 = arith.select %gt3A_763, %get3A_762, %select_n3A_755 : vector<8x1024xi1>, vector<8x1024xf32>
    %add3A_765 = arith.constant 83 : i32
    %add3A_766 = arith.addi %mul3A_16, %add3A_765 : i32
    %broadcast_in_dim3A_767 = vector.broadcast %add3A_766 : i32 to vector<8x1024xi32>
    %select_n3A_768 = arith.select %gt3A_763, %broadcast_in_dim3A_767, %select_n3A_759 : vector<8x1024xi1>, vector<8x1024xi32>
    %get3A_769 = arith.constant 672 : index
    %get3A_770 = arith.constant 0 : index
    %get3A_771 = vector.load %arg5[%get3A_769, %get3A_770] : memref<4096x1024xf32, #tpu.memory_space<vmem>>, vector<8x1024xf32>
    %gt3A_772 = arith.cmpf ogt, %get3A_771, %select_n3A_764 : vector<8x1024xf32>
    %select_n3A_773 = arith.select %gt3A_772, %get3A_771, %select_n3A_764 : vector<8x1024xi1>, vector<8x1024xf32>
    %add3A_774 = arith.constant 84 : i32
    %add3A_775 = arith.addi %mul3A_16, %add3A_774 : i32
    %broadcast_in_dim3A_776 = vector.broadcast %add3A_775 : i32 to vector<8x1024xi32>
    %select_n3A_777 = arith.select %gt3A_772, %broadcast_in_dim3A_776, %select_n3A_768 : vector<8x1024xi1>, vector<8x1024xi32>
    %get3A_778 = arith.constant 680 : index
    %get3A_779 = arith.constant 0 : index
    %get3A_780 = vector.load %arg5[%get3A_778, %get3A_779] : memref<4096x1024xf32, #tpu.memory_space<vmem>>, vector<8x1024xf32>
    %gt3A_781 = arith.cmpf ogt, %get3A_780, %select_n3A_773 : vector<8x1024xf32>
    %select_n3A_782 = arith.select %gt3A_781, %get3A_780, %select_n3A_773 : vector<8x1024xi1>, vector<8x1024xf32>
    %add3A_783 = arith.constant 85 : i32
    %add3A_784 = arith.addi %mul3A_16, %add3A_783 : i32
    %broadcast_in_dim3A_785 = vector.broadcast %add3A_784 : i32 to vector<8x1024xi32>
    %select_n3A_786 = arith.select %gt3A_781, %broadcast_in_dim3A_785, %select_n3A_777 : vector<8x1024xi1>, vector<8x1024xi32>
    %get3A_787 = arith.constant 688 : index
    %get3A_788 = arith.constant 0 : index
    %get3A_789 = vector.load %arg5[%get3A_787, %get3A_788] : memref<4096x1024xf32, #tpu.memory_space<vmem>>, vector<8x1024xf32>
    %gt3A_790 = arith.cmpf ogt, %get3A_789, %select_n3A_782 : vector<8x1024xf32>
    %select_n3A_791 = arith.select %gt3A_790, %get3A_789, %select_n3A_782 : vector<8x1024xi1>, vector<8x1024xf32>
    %add3A_792 = arith.constant 86 : i32
    %add3A_793 = arith.addi %mul3A_16, %add3A_792 : i32
    %broadcast_in_dim3A_794 = vector.broadcast %add3A_793 : i32 to vector<8x1024xi32>
    %select_n3A_795 = arith.select %gt3A_790, %broadcast_in_dim3A_794, %select_n3A_786 : vector<8x1024xi1>, vector<8x1024xi32>
    %get3A_796 = arith.constant 696 : index
    %get3A_797 = arith.constant 0 : index
    %get3A_798 = vector.load %arg5[%get3A_796, %get3A_797] : memref<4096x1024xf32, #tpu.memory_space<vmem>>, vector<8x1024xf32>
    %gt3A_799 = arith.cmpf ogt, %get3A_798, %select_n3A_791 : vector<8x1024xf32>
    %select_n3A_800 = arith.select %gt3A_799, %get3A_798, %select_n3A_791 : vector<8x1024xi1>, vector<8x1024xf32>
    %add3A_801 = arith.constant 87 : i32
    %add3A_802 = arith.addi %mul3A_16, %add3A_801 : i32
    %broadcast_in_dim3A_803 = vector.broadcast %add3A_802 : i32 to vector<8x1024xi32>
    %select_n3A_804 = arith.select %gt3A_799, %broadcast_in_dim3A_803, %select_n3A_795 : vector<8x1024xi1>, vector<8x1024xi32>
    %get3A_805 = arith.constant 704 : index
    %get3A_806 = arith.constant 0 : index
    %get3A_807 = vector.load %arg5[%get3A_805, %get3A_806] : memref<4096x1024xf32, #tpu.memory_space<vmem>>, vector<8x1024xf32>
    %gt3A_808 = arith.cmpf ogt, %get3A_807, %select_n3A_800 : vector<8x1024xf32>
    %select_n3A_809 = arith.select %gt3A_808, %get3A_807, %select_n3A_800 : vector<8x1024xi1>, vector<8x1024xf32>
    %add3A_810 = arith.constant 88 : i32
    %add3A_811 = arith.addi %mul3A_16, %add3A_810 : i32
    %broadcast_in_dim3A_812 = vector.broadcast %add3A_811 : i32 to vector<8x1024xi32>
    %select_n3A_813 = arith.select %gt3A_808, %broadcast_in_dim3A_812, %select_n3A_804 : vector<8x1024xi1>, vector<8x1024xi32>
    %get3A_814 = arith.constant 712 : index
    %get3A_815 = arith.constant 0 : index
    %get3A_816 = vector.load %arg5[%get3A_814, %get3A_815] : memref<4096x1024xf32, #tpu.memory_space<vmem>>, vector<8x1024xf32>
    %gt3A_817 = arith.cmpf ogt, %get3A_816, %select_n3A_809 : vector<8x1024xf32>
    %select_n3A_818 = arith.select %gt3A_817, %get3A_816, %select_n3A_809 : vector<8x1024xi1>, vector<8x1024xf32>
    %add3A_819 = arith.constant 89 : i32
    %add3A_820 = arith.addi %mul3A_16, %add3A_819 : i32
    %broadcast_in_dim3A_821 = vector.broadcast %add3A_820 : i32 to vector<8x1024xi32>
    %select_n3A_822 = arith.select %gt3A_817, %broadcast_in_dim3A_821, %select_n3A_813 : vector<8x1024xi1>, vector<8x1024xi32>
    %get3A_823 = arith.constant 720 : index
    %get3A_824 = arith.constant 0 : index
    %get3A_825 = vector.load %arg5[%get3A_823, %get3A_824] : memref<4096x1024xf32, #tpu.memory_space<vmem>>, vector<8x1024xf32>
    %gt3A_826 = arith.cmpf ogt, %get3A_825, %select_n3A_818 : vector<8x1024xf32>
    %select_n3A_827 = arith.select %gt3A_826, %get3A_825, %select_n3A_818 : vector<8x1024xi1>, vector<8x1024xf32>
    %add3A_828 = arith.constant 90 : i32
    %add3A_829 = arith.addi %mul3A_16, %add3A_828 : i32
    %broadcast_in_dim3A_830 = vector.broadcast %add3A_829 : i32 to vector<8x1024xi32>
    %select_n3A_831 = arith.select %gt3A_826, %broadcast_in_dim3A_830, %select_n3A_822 : vector<8x1024xi1>, vector<8x1024xi32>
    %get3A_832 = arith.constant 728 : index
    %get3A_833 = arith.constant 0 : index
    %get3A_834 = vector.load %arg5[%get3A_832, %get3A_833] : memref<4096x1024xf32, #tpu.memory_space<vmem>>, vector<8x1024xf32>
    %gt3A_835 = arith.cmpf ogt, %get3A_834, %select_n3A_827 : vector<8x1024xf32>
    %select_n3A_836 = arith.select %gt3A_835, %get3A_834, %select_n3A_827 : vector<8x1024xi1>, vector<8x1024xf32>
    %add3A_837 = arith.constant 91 : i32
    %add3A_838 = arith.addi %mul3A_16, %add3A_837 : i32
    %broadcast_in_dim3A_839 = vector.broadcast %add3A_838 : i32 to vector<8x1024xi32>
    %select_n3A_840 = arith.select %gt3A_835, %broadcast_in_dim3A_839, %select_n3A_831 : vector<8x1024xi1>, vector<8x1024xi32>
    %get3A_841 = arith.constant 736 : index
    %get3A_842 = arith.constant 0 : index
    %get3A_843 = vector.load %arg5[%get3A_841, %get3A_842] : memref<4096x1024xf32, #tpu.memory_space<vmem>>, vector<8x1024xf32>
    %gt3A_844 = arith.cmpf ogt, %get3A_843, %select_n3A_836 : vector<8x1024xf32>
    %select_n3A_845 = arith.select %gt3A_844, %get3A_843, %select_n3A_836 : vector<8x1024xi1>, vector<8x1024xf32>
    %add3A_846 = arith.constant 92 : i32
    %add3A_847 = arith.addi %mul3A_16, %add3A_846 : i32
    %broadcast_in_dim3A_848 = vector.broadcast %add3A_847 : i32 to vector<8x1024xi32>
    %select_n3A_849 = arith.select %gt3A_844, %broadcast_in_dim3A_848, %select_n3A_840 : vector<8x1024xi1>, vector<8x1024xi32>
    %get3A_850 = arith.constant 744 : index
    %get3A_851 = arith.constant 0 : index
    %get3A_852 = vector.load %arg5[%get3A_850, %get3A_851] : memref<4096x1024xf32, #tpu.memory_space<vmem>>, vector<8x1024xf32>
    %gt3A_853 = arith.cmpf ogt, %get3A_852, %select_n3A_845 : vector<8x1024xf32>
    %select_n3A_854 = arith.select %gt3A_853, %get3A_852, %select_n3A_845 : vector<8x1024xi1>, vector<8x1024xf32>
    %add3A_855 = arith.constant 93 : i32
    %add3A_856 = arith.addi %mul3A_16, %add3A_855 : i32
    %broadcast_in_dim3A_857 = vector.broadcast %add3A_856 : i32 to vector<8x1024xi32>
    %select_n3A_858 = arith.select %gt3A_853, %broadcast_in_dim3A_857, %select_n3A_849 : vector<8x1024xi1>, vector<8x1024xi32>
    %get3A_859 = arith.constant 752 : index
    %get3A_860 = arith.constant 0 : index
    %get3A_861 = vector.load %arg5[%get3A_859, %get3A_860] : memref<4096x1024xf32, #tpu.memory_space<vmem>>, vector<8x1024xf32>
    %gt3A_862 = arith.cmpf ogt, %get3A_861, %select_n3A_854 : vector<8x1024xf32>
    %select_n3A_863 = arith.select %gt3A_862, %get3A_861, %select_n3A_854 : vector<8x1024xi1>, vector<8x1024xf32>
    %add3A_864 = arith.constant 94 : i32
    %add3A_865 = arith.addi %mul3A_16, %add3A_864 : i32
    %broadcast_in_dim3A_866 = vector.broadcast %add3A_865 : i32 to vector<8x1024xi32>
    %select_n3A_867 = arith.select %gt3A_862, %broadcast_in_dim3A_866, %select_n3A_858 : vector<8x1024xi1>, vector<8x1024xi32>
    %get3A_868 = arith.constant 760 : index
    %get3A_869 = arith.constant 0 : index
    %get3A_870 = vector.load %arg5[%get3A_868, %get3A_869] : memref<4096x1024xf32, #tpu.memory_space<vmem>>, vector<8x1024xf32>
    %gt3A_871 = arith.cmpf ogt, %get3A_870, %select_n3A_863 : vector<8x1024xf32>
    %select_n3A_872 = arith.select %gt3A_871, %get3A_870, %select_n3A_863 : vector<8x1024xi1>, vector<8x1024xf32>
    %add3A_873 = arith.constant 95 : i32
    %add3A_874 = arith.addi %mul3A_16, %add3A_873 : i32
    %broadcast_in_dim3A_875 = vector.broadcast %add3A_874 : i32 to vector<8x1024xi32>
    %select_n3A_876 = arith.select %gt3A_871, %broadcast_in_dim3A_875, %select_n3A_867 : vector<8x1024xi1>, vector<8x1024xi32>
    %get3A_877 = arith.constant 768 : index
    %get3A_878 = arith.constant 0 : index
    %get3A_879 = vector.load %arg5[%get3A_877, %get3A_878] : memref<4096x1024xf32, #tpu.memory_space<vmem>>, vector<8x1024xf32>
    %gt3A_880 = arith.cmpf ogt, %get3A_879, %select_n3A_872 : vector<8x1024xf32>
    %select_n3A_881 = arith.select %gt3A_880, %get3A_879, %select_n3A_872 : vector<8x1024xi1>, vector<8x1024xf32>
    %add3A_882 = arith.constant 96 : i32
    %add3A_883 = arith.addi %mul3A_16, %add3A_882 : i32
    %broadcast_in_dim3A_884 = vector.broadcast %add3A_883 : i32 to vector<8x1024xi32>
    %select_n3A_885 = arith.select %gt3A_880, %broadcast_in_dim3A_884, %select_n3A_876 : vector<8x1024xi1>, vector<8x1024xi32>
    %get3A_886 = arith.constant 776 : index
    %get3A_887 = arith.constant 0 : index
    %get3A_888 = vector.load %arg5[%get3A_886, %get3A_887] : memref<4096x1024xf32, #tpu.memory_space<vmem>>, vector<8x1024xf32>
    %gt3A_889 = arith.cmpf ogt, %get3A_888, %select_n3A_881 : vector<8x1024xf32>
    %select_n3A_890 = arith.select %gt3A_889, %get3A_888, %select_n3A_881 : vector<8x1024xi1>, vector<8x1024xf32>
    %add3A_891 = arith.constant 97 : i32
    %add3A_892 = arith.addi %mul3A_16, %add3A_891 : i32
    %broadcast_in_dim3A_893 = vector.broadcast %add3A_892 : i32 to vector<8x1024xi32>
    %select_n3A_894 = arith.select %gt3A_889, %broadcast_in_dim3A_893, %select_n3A_885 : vector<8x1024xi1>, vector<8x1024xi32>
    %get3A_895 = arith.constant 784 : index
    %get3A_896 = arith.constant 0 : index
    %get3A_897 = vector.load %arg5[%get3A_895, %get3A_896] : memref<4096x1024xf32, #tpu.memory_space<vmem>>, vector<8x1024xf32>
    %gt3A_898 = arith.cmpf ogt, %get3A_897, %select_n3A_890 : vector<8x1024xf32>
    %select_n3A_899 = arith.select %gt3A_898, %get3A_897, %select_n3A_890 : vector<8x1024xi1>, vector<8x1024xf32>
    %add3A_900 = arith.constant 98 : i32
    %add3A_901 = arith.addi %mul3A_16, %add3A_900 : i32
    %broadcast_in_dim3A_902 = vector.broadcast %add3A_901 : i32 to vector<8x1024xi32>
    %select_n3A_903 = arith.select %gt3A_898, %broadcast_in_dim3A_902, %select_n3A_894 : vector<8x1024xi1>, vector<8x1024xi32>
    %get3A_904 = arith.constant 792 : index
    %get3A_905 = arith.constant 0 : index
    %get3A_906 = vector.load %arg5[%get3A_904, %get3A_905] : memref<4096x1024xf32, #tpu.memory_space<vmem>>, vector<8x1024xf32>
    %gt3A_907 = arith.cmpf ogt, %get3A_906, %select_n3A_899 : vector<8x1024xf32>
    %select_n3A_908 = arith.select %gt3A_907, %get3A_906, %select_n3A_899 : vector<8x1024xi1>, vector<8x1024xf32>
    %add3A_909 = arith.constant 99 : i32
    %add3A_910 = arith.addi %mul3A_16, %add3A_909 : i32
    %broadcast_in_dim3A_911 = vector.broadcast %add3A_910 : i32 to vector<8x1024xi32>
    %select_n3A_912 = arith.select %gt3A_907, %broadcast_in_dim3A_911, %select_n3A_903 : vector<8x1024xi1>, vector<8x1024xi32>
    %get3A_913 = arith.constant 800 : index
    %get3A_914 = arith.constant 0 : index
    %get3A_915 = vector.load %arg5[%get3A_913, %get3A_914] : memref<4096x1024xf32, #tpu.memory_space<vmem>>, vector<8x1024xf32>
    %gt3A_916 = arith.cmpf ogt, %get3A_915, %select_n3A_908 : vector<8x1024xf32>
    %select_n3A_917 = arith.select %gt3A_916, %get3A_915, %select_n3A_908 : vector<8x1024xi1>, vector<8x1024xf32>
    %add3A_918 = arith.constant 100 : i32
    %add3A_919 = arith.addi %mul3A_16, %add3A_918 : i32
    %broadcast_in_dim3A_920 = vector.broadcast %add3A_919 : i32 to vector<8x1024xi32>
    %select_n3A_921 = arith.select %gt3A_916, %broadcast_in_dim3A_920, %select_n3A_912 : vector<8x1024xi1>, vector<8x1024xi32>
    %get3A_922 = arith.constant 808 : index
    %get3A_923 = arith.constant 0 : index
    %get3A_924 = vector.load %arg5[%get3A_922, %get3A_923] : memref<4096x1024xf32, #tpu.memory_space<vmem>>, vector<8x1024xf32>
    %gt3A_925 = arith.cmpf ogt, %get3A_924, %select_n3A_917 : vector<8x1024xf32>
    %select_n3A_926 = arith.select %gt3A_925, %get3A_924, %select_n3A_917 : vector<8x1024xi1>, vector<8x1024xf32>
    %add3A_927 = arith.constant 101 : i32
    %add3A_928 = arith.addi %mul3A_16, %add3A_927 : i32
    %broadcast_in_dim3A_929 = vector.broadcast %add3A_928 : i32 to vector<8x1024xi32>
    %select_n3A_930 = arith.select %gt3A_925, %broadcast_in_dim3A_929, %select_n3A_921 : vector<8x1024xi1>, vector<8x1024xi32>
    %get3A_931 = arith.constant 816 : index
    %get3A_932 = arith.constant 0 : index
    %get3A_933 = vector.load %arg5[%get3A_931, %get3A_932] : memref<4096x1024xf32, #tpu.memory_space<vmem>>, vector<8x1024xf32>
    %gt3A_934 = arith.cmpf ogt, %get3A_933, %select_n3A_926 : vector<8x1024xf32>
    %select_n3A_935 = arith.select %gt3A_934, %get3A_933, %select_n3A_926 : vector<8x1024xi1>, vector<8x1024xf32>
    %add3A_936 = arith.constant 102 : i32
    %add3A_937 = arith.addi %mul3A_16, %add3A_936 : i32
    %broadcast_in_dim3A_938 = vector.broadcast %add3A_937 : i32 to vector<8x1024xi32>
    %select_n3A_939 = arith.select %gt3A_934, %broadcast_in_dim3A_938, %select_n3A_930 : vector<8x1024xi1>, vector<8x1024xi32>
    %get3A_940 = arith.constant 824 : index
    %get3A_941 = arith.constant 0 : index
    %get3A_942 = vector.load %arg5[%get3A_940, %get3A_941] : memref<4096x1024xf32, #tpu.memory_space<vmem>>, vector<8x1024xf32>
    %gt3A_943 = arith.cmpf ogt, %get3A_942, %select_n3A_935 : vector<8x1024xf32>
    %select_n3A_944 = arith.select %gt3A_943, %get3A_942, %select_n3A_935 : vector<8x1024xi1>, vector<8x1024xf32>
    %add3A_945 = arith.constant 103 : i32
    %add3A_946 = arith.addi %mul3A_16, %add3A_945 : i32
    %broadcast_in_dim3A_947 = vector.broadcast %add3A_946 : i32 to vector<8x1024xi32>
    %select_n3A_948 = arith.select %gt3A_943, %broadcast_in_dim3A_947, %select_n3A_939 : vector<8x1024xi1>, vector<8x1024xi32>
    %get3A_949 = arith.constant 832 : index
    %get3A_950 = arith.constant 0 : index
    %get3A_951 = vector.load %arg5[%get3A_949, %get3A_950] : memref<4096x1024xf32, #tpu.memory_space<vmem>>, vector<8x1024xf32>
    %gt3A_952 = arith.cmpf ogt, %get3A_951, %select_n3A_944 : vector<8x1024xf32>
    %select_n3A_953 = arith.select %gt3A_952, %get3A_951, %select_n3A_944 : vector<8x1024xi1>, vector<8x1024xf32>
    %add3A_954 = arith.constant 104 : i32
    %add3A_955 = arith.addi %mul3A_16, %add3A_954 : i32
    %broadcast_in_dim3A_956 = vector.broadcast %add3A_955 : i32 to vector<8x1024xi32>
    %select_n3A_957 = arith.select %gt3A_952, %broadcast_in_dim3A_956, %select_n3A_948 : vector<8x1024xi1>, vector<8x1024xi32>
    %get3A_958 = arith.constant 840 : index
    %get3A_959 = arith.constant 0 : index
    %get3A_960 = vector.load %arg5[%get3A_958, %get3A_959] : memref<4096x1024xf32, #tpu.memory_space<vmem>>, vector<8x1024xf32>
    %gt3A_961 = arith.cmpf ogt, %get3A_960, %select_n3A_953 : vector<8x1024xf32>
    %select_n3A_962 = arith.select %gt3A_961, %get3A_960, %select_n3A_953 : vector<8x1024xi1>, vector<8x1024xf32>
    %add3A_963 = arith.constant 105 : i32
    %add3A_964 = arith.addi %mul3A_16, %add3A_963 : i32
    %broadcast_in_dim3A_965 = vector.broadcast %add3A_964 : i32 to vector<8x1024xi32>
    %select_n3A_966 = arith.select %gt3A_961, %broadcast_in_dim3A_965, %select_n3A_957 : vector<8x1024xi1>, vector<8x1024xi32>
    %get3A_967 = arith.constant 848 : index
    %get3A_968 = arith.constant 0 : index
    %get3A_969 = vector.load %arg5[%get3A_967, %get3A_968] : memref<4096x1024xf32, #tpu.memory_space<vmem>>, vector<8x1024xf32>
    %gt3A_970 = arith.cmpf ogt, %get3A_969, %select_n3A_962 : vector<8x1024xf32>
    %select_n3A_971 = arith.select %gt3A_970, %get3A_969, %select_n3A_962 : vector<8x1024xi1>, vector<8x1024xf32>
    %add3A_972 = arith.constant 106 : i32
    %add3A_973 = arith.addi %mul3A_16, %add3A_972 : i32
    %broadcast_in_dim3A_974 = vector.broadcast %add3A_973 : i32 to vector<8x1024xi32>
    %select_n3A_975 = arith.select %gt3A_970, %broadcast_in_dim3A_974, %select_n3A_966 : vector<8x1024xi1>, vector<8x1024xi32>
    %get3A_976 = arith.constant 856 : index
    %get3A_977 = arith.constant 0 : index
    %get3A_978 = vector.load %arg5[%get3A_976, %get3A_977] : memref<4096x1024xf32, #tpu.memory_space<vmem>>, vector<8x1024xf32>
    %gt3A_979 = arith.cmpf ogt, %get3A_978, %select_n3A_971 : vector<8x1024xf32>
    %select_n3A_980 = arith.select %gt3A_979, %get3A_978, %select_n3A_971 : vector<8x1024xi1>, vector<8x1024xf32>
    %add3A_981 = arith.constant 107 : i32
    %add3A_982 = arith.addi %mul3A_16, %add3A_981 : i32
    %broadcast_in_dim3A_983 = vector.broadcast %add3A_982 : i32 to vector<8x1024xi32>
    %select_n3A_984 = arith.select %gt3A_979, %broadcast_in_dim3A_983, %select_n3A_975 : vector<8x1024xi1>, vector<8x1024xi32>
    %get3A_985 = arith.constant 864 : index
    %get3A_986 = arith.constant 0 : index
    %get3A_987 = vector.load %arg5[%get3A_985, %get3A_986] : memref<4096x1024xf32, #tpu.memory_space<vmem>>, vector<8x1024xf32>
    %gt3A_988 = arith.cmpf ogt, %get3A_987, %select_n3A_980 : vector<8x1024xf32>
    %select_n3A_989 = arith.select %gt3A_988, %get3A_987, %select_n3A_980 : vector<8x1024xi1>, vector<8x1024xf32>
    %add3A_990 = arith.constant 108 : i32
    %add3A_991 = arith.addi %mul3A_16, %add3A_990 : i32
    %broadcast_in_dim3A_992 = vector.broadcast %add3A_991 : i32 to vector<8x1024xi32>
    %select_n3A_993 = arith.select %gt3A_988, %broadcast_in_dim3A_992, %select_n3A_984 : vector<8x1024xi1>, vector<8x1024xi32>
    %get3A_994 = arith.constant 872 : index
    %get3A_995 = arith.constant 0 : index
    %get3A_996 = vector.load %arg5[%get3A_994, %get3A_995] : memref<4096x1024xf32, #tpu.memory_space<vmem>>, vector<8x1024xf32>
    %gt3A_997 = arith.cmpf ogt, %get3A_996, %select_n3A_989 : vector<8x1024xf32>
    %select_n3A_998 = arith.select %gt3A_997, %get3A_996, %select_n3A_989 : vector<8x1024xi1>, vector<8x1024xf32>
    %add3A_999 = arith.constant 109 : i32
    %add3A_1000 = arith.addi %mul3A_16, %add3A_999 : i32
    %broadcast_in_dim3A_1001 = vector.broadcast %add3A_1000 : i32 to vector<8x1024xi32>
    %select_n3A_1002 = arith.select %gt3A_997, %broadcast_in_dim3A_1001, %select_n3A_993 : vector<8x1024xi1>, vector<8x1024xi32>
    %get3A_1003 = arith.constant 880 : index
    %get3A_1004 = arith.constant 0 : index
    %get3A_1005 = vector.load %arg5[%get3A_1003, %get3A_1004] : memref<4096x1024xf32, #tpu.memory_space<vmem>>, vector<8x1024xf32>
    %gt3A_1006 = arith.cmpf ogt, %get3A_1005, %select_n3A_998 : vector<8x1024xf32>
    %select_n3A_1007 = arith.select %gt3A_1006, %get3A_1005, %select_n3A_998 : vector<8x1024xi1>, vector<8x1024xf32>
    %add3A_1008 = arith.constant 110 : i32
    %add3A_1009 = arith.addi %mul3A_16, %add3A_1008 : i32
    %broadcast_in_dim3A_1010 = vector.broadcast %add3A_1009 : i32 to vector<8x1024xi32>
    %select_n3A_1011 = arith.select %gt3A_1006, %broadcast_in_dim3A_1010, %select_n3A_1002 : vector<8x1024xi1>, vector<8x1024xi32>
    %get3A_1012 = arith.constant 888 : index
    %get3A_1013 = arith.constant 0 : index
    %get3A_1014 = vector.load %arg5[%get3A_1012, %get3A_1013] : memref<4096x1024xf32, #tpu.memory_space<vmem>>, vector<8x1024xf32>
    %gt3A_1015 = arith.cmpf ogt, %get3A_1014, %select_n3A_1007 : vector<8x1024xf32>
    %select_n3A_1016 = arith.select %gt3A_1015, %get3A_1014, %select_n3A_1007 : vector<8x1024xi1>, vector<8x1024xf32>
    %add3A_1017 = arith.constant 111 : i32
    %add3A_1018 = arith.addi %mul3A_16, %add3A_1017 : i32
    %broadcast_in_dim3A_1019 = vector.broadcast %add3A_1018 : i32 to vector<8x1024xi32>
    %select_n3A_1020 = arith.select %gt3A_1015, %broadcast_in_dim3A_1019, %select_n3A_1011 : vector<8x1024xi1>, vector<8x1024xi32>
    %get3A_1021 = arith.constant 896 : index
    %get3A_1022 = arith.constant 0 : index
    %get3A_1023 = vector.load %arg5[%get3A_1021, %get3A_1022] : memref<4096x1024xf32, #tpu.memory_space<vmem>>, vector<8x1024xf32>
    %gt3A_1024 = arith.cmpf ogt, %get3A_1023, %select_n3A_1016 : vector<8x1024xf32>
    %select_n3A_1025 = arith.select %gt3A_1024, %get3A_1023, %select_n3A_1016 : vector<8x1024xi1>, vector<8x1024xf32>
    %add3A_1026 = arith.constant 112 : i32
    %add3A_1027 = arith.addi %mul3A_16, %add3A_1026 : i32
    %broadcast_in_dim3A_1028 = vector.broadcast %add3A_1027 : i32 to vector<8x1024xi32>
    %select_n3A_1029 = arith.select %gt3A_1024, %broadcast_in_dim3A_1028, %select_n3A_1020 : vector<8x1024xi1>, vector<8x1024xi32>
    %get3A_1030 = arith.constant 904 : index
    %get3A_1031 = arith.constant 0 : index
    %get3A_1032 = vector.load %arg5[%get3A_1030, %get3A_1031] : memref<4096x1024xf32, #tpu.memory_space<vmem>>, vector<8x1024xf32>
    %gt3A_1033 = arith.cmpf ogt, %get3A_1032, %select_n3A_1025 : vector<8x1024xf32>
    %select_n3A_1034 = arith.select %gt3A_1033, %get3A_1032, %select_n3A_1025 : vector<8x1024xi1>, vector<8x1024xf32>
    %add3A_1035 = arith.constant 113 : i32
    %add3A_1036 = arith.addi %mul3A_16, %add3A_1035 : i32
    %broadcast_in_dim3A_1037 = vector.broadcast %add3A_1036 : i32 to vector<8x1024xi32>
    %select_n3A_1038 = arith.select %gt3A_1033, %broadcast_in_dim3A_1037, %select_n3A_1029 : vector<8x1024xi1>, vector<8x1024xi32>
    %get3A_1039 = arith.constant 912 : index
    %get3A_1040 = arith.constant 0 : index
    %get3A_1041 = vector.load %arg5[%get3A_1039, %get3A_1040] : memref<4096x1024xf32, #tpu.memory_space<vmem>>, vector<8x1024xf32>
    %gt3A_1042 = arith.cmpf ogt, %get3A_1041, %select_n3A_1034 : vector<8x1024xf32>
    %select_n3A_1043 = arith.select %gt3A_1042, %get3A_1041, %select_n3A_1034 : vector<8x1024xi1>, vector<8x1024xf32>
    %add3A_1044 = arith.constant 114 : i32
    %add3A_1045 = arith.addi %mul3A_16, %add3A_1044 : i32
    %broadcast_in_dim3A_1046 = vector.broadcast %add3A_1045 : i32 to vector<8x1024xi32>
    %select_n3A_1047 = arith.select %gt3A_1042, %broadcast_in_dim3A_1046, %select_n3A_1038 : vector<8x1024xi1>, vector<8x1024xi32>
    %get3A_1048 = arith.constant 920 : index
    %get3A_1049 = arith.constant 0 : index
    %get3A_1050 = vector.load %arg5[%get3A_1048, %get3A_1049] : memref<4096x1024xf32, #tpu.memory_space<vmem>>, vector<8x1024xf32>
    %gt3A_1051 = arith.cmpf ogt, %get3A_1050, %select_n3A_1043 : vector<8x1024xf32>
    %select_n3A_1052 = arith.select %gt3A_1051, %get3A_1050, %select_n3A_1043 : vector<8x1024xi1>, vector<8x1024xf32>
    %add3A_1053 = arith.constant 115 : i32
    %add3A_1054 = arith.addi %mul3A_16, %add3A_1053 : i32
    %broadcast_in_dim3A_1055 = vector.broadcast %add3A_1054 : i32 to vector<8x1024xi32>
    %select_n3A_1056 = arith.select %gt3A_1051, %broadcast_in_dim3A_1055, %select_n3A_1047 : vector<8x1024xi1>, vector<8x1024xi32>
    %get3A_1057 = arith.constant 928 : index
    %get3A_1058 = arith.constant 0 : index
    %get3A_1059 = vector.load %arg5[%get3A_1057, %get3A_1058] : memref<4096x1024xf32, #tpu.memory_space<vmem>>, vector<8x1024xf32>
    %gt3A_1060 = arith.cmpf ogt, %get3A_1059, %select_n3A_1052 : vector<8x1024xf32>
    %select_n3A_1061 = arith.select %gt3A_1060, %get3A_1059, %select_n3A_1052 : vector<8x1024xi1>, vector<8x1024xf32>
    %add3A_1062 = arith.constant 116 : i32
    %add3A_1063 = arith.addi %mul3A_16, %add3A_1062 : i32
    %broadcast_in_dim3A_1064 = vector.broadcast %add3A_1063 : i32 to vector<8x1024xi32>
    %select_n3A_1065 = arith.select %gt3A_1060, %broadcast_in_dim3A_1064, %select_n3A_1056 : vector<8x1024xi1>, vector<8x1024xi32>
    %get3A_1066 = arith.constant 936 : index
    %get3A_1067 = arith.constant 0 : index
    %get3A_1068 = vector.load %arg5[%get3A_1066, %get3A_1067] : memref<4096x1024xf32, #tpu.memory_space<vmem>>, vector<8x1024xf32>
    %gt3A_1069 = arith.cmpf ogt, %get3A_1068, %select_n3A_1061 : vector<8x1024xf32>
    %select_n3A_1070 = arith.select %gt3A_1069, %get3A_1068, %select_n3A_1061 : vector<8x1024xi1>, vector<8x1024xf32>
    %add3A_1071 = arith.constant 117 : i32
    %add3A_1072 = arith.addi %mul3A_16, %add3A_1071 : i32
    %broadcast_in_dim3A_1073 = vector.broadcast %add3A_1072 : i32 to vector<8x1024xi32>
    %select_n3A_1074 = arith.select %gt3A_1069, %broadcast_in_dim3A_1073, %select_n3A_1065 : vector<8x1024xi1>, vector<8x1024xi32>
    %get3A_1075 = arith.constant 944 : index
    %get3A_1076 = arith.constant 0 : index
    %get3A_1077 = vector.load %arg5[%get3A_1075, %get3A_1076] : memref<4096x1024xf32, #tpu.memory_space<vmem>>, vector<8x1024xf32>
    %gt3A_1078 = arith.cmpf ogt, %get3A_1077, %select_n3A_1070 : vector<8x1024xf32>
    %select_n3A_1079 = arith.select %gt3A_1078, %get3A_1077, %select_n3A_1070 : vector<8x1024xi1>, vector<8x1024xf32>
    %add3A_1080 = arith.constant 118 : i32
    %add3A_1081 = arith.addi %mul3A_16, %add3A_1080 : i32
    %broadcast_in_dim3A_1082 = vector.broadcast %add3A_1081 : i32 to vector<8x1024xi32>
    %select_n3A_1083 = arith.select %gt3A_1078, %broadcast_in_dim3A_1082, %select_n3A_1074 : vector<8x1024xi1>, vector<8x1024xi32>
    %get3A_1084 = arith.constant 952 : index
    %get3A_1085 = arith.constant 0 : index
    %get3A_1086 = vector.load %arg5[%get3A_1084, %get3A_1085] : memref<4096x1024xf32, #tpu.memory_space<vmem>>, vector<8x1024xf32>
    %gt3A_1087 = arith.cmpf ogt, %get3A_1086, %select_n3A_1079 : vector<8x1024xf32>
    %select_n3A_1088 = arith.select %gt3A_1087, %get3A_1086, %select_n3A_1079 : vector<8x1024xi1>, vector<8x1024xf32>
    %add3A_1089 = arith.constant 119 : i32
    %add3A_1090 = arith.addi %mul3A_16, %add3A_1089 : i32
    %broadcast_in_dim3A_1091 = vector.broadcast %add3A_1090 : i32 to vector<8x1024xi32>
    %select_n3A_1092 = arith.select %gt3A_1087, %broadcast_in_dim3A_1091, %select_n3A_1083 : vector<8x1024xi1>, vector<8x1024xi32>
    %get3A_1093 = arith.constant 960 : index
    %get3A_1094 = arith.constant 0 : index
    %get3A_1095 = vector.load %arg5[%get3A_1093, %get3A_1094] : memref<4096x1024xf32, #tpu.memory_space<vmem>>, vector<8x1024xf32>
    %gt3A_1096 = arith.cmpf ogt, %get3A_1095, %select_n3A_1088 : vector<8x1024xf32>
    %select_n3A_1097 = arith.select %gt3A_1096, %get3A_1095, %select_n3A_1088 : vector<8x1024xi1>, vector<8x1024xf32>
    %add3A_1098 = arith.constant 120 : i32
    %add3A_1099 = arith.addi %mul3A_16, %add3A_1098 : i32
    %broadcast_in_dim3A_1100 = vector.broadcast %add3A_1099 : i32 to vector<8x1024xi32>
    %select_n3A_1101 = arith.select %gt3A_1096, %broadcast_in_dim3A_1100, %select_n3A_1092 : vector<8x1024xi1>, vector<8x1024xi32>
    %get3A_1102 = arith.constant 968 : index
    %get3A_1103 = arith.constant 0 : index
    %get3A_1104 = vector.load %arg5[%get3A_1102, %get3A_1103] : memref<4096x1024xf32, #tpu.memory_space<vmem>>, vector<8x1024xf32>
    %gt3A_1105 = arith.cmpf ogt, %get3A_1104, %select_n3A_1097 : vector<8x1024xf32>
    %select_n3A_1106 = arith.select %gt3A_1105, %get3A_1104, %select_n3A_1097 : vector<8x1024xi1>, vector<8x1024xf32>
    %add3A_1107 = arith.constant 121 : i32
    %add3A_1108 = arith.addi %mul3A_16, %add3A_1107 : i32
    %broadcast_in_dim3A_1109 = vector.broadcast %add3A_1108 : i32 to vector<8x1024xi32>
    %select_n3A_1110 = arith.select %gt3A_1105, %broadcast_in_dim3A_1109, %select_n3A_1101 : vector<8x1024xi1>, vector<8x1024xi32>
    %get3A_1111 = arith.constant 976 : index
    %get3A_1112 = arith.constant 0 : index
    %get3A_1113 = vector.load %arg5[%get3A_1111, %get3A_1112] : memref<4096x1024xf32, #tpu.memory_space<vmem>>, vector<8x1024xf32>
    %gt3A_1114 = arith.cmpf ogt, %get3A_1113, %select_n3A_1106 : vector<8x1024xf32>
    %select_n3A_1115 = arith.select %gt3A_1114, %get3A_1113, %select_n3A_1106 : vector<8x1024xi1>, vector<8x1024xf32>
    %add3A_1116 = arith.constant 122 : i32
    %add3A_1117 = arith.addi %mul3A_16, %add3A_1116 : i32
    %broadcast_in_dim3A_1118 = vector.broadcast %add3A_1117 : i32 to vector<8x1024xi32>
    %select_n3A_1119 = arith.select %gt3A_1114, %broadcast_in_dim3A_1118, %select_n3A_1110 : vector<8x1024xi1>, vector<8x1024xi32>
    %get3A_1120 = arith.constant 984 : index
    %get3A_1121 = arith.constant 0 : index
    %get3A_1122 = vector.load %arg5[%get3A_1120, %get3A_1121] : memref<4096x1024xf32, #tpu.memory_space<vmem>>, vector<8x1024xf32>
    %gt3A_1123 = arith.cmpf ogt, %get3A_1122, %select_n3A_1115 : vector<8x1024xf32>
    %select_n3A_1124 = arith.select %gt3A_1123, %get3A_1122, %select_n3A_1115 : vector<8x1024xi1>, vector<8x1024xf32>
    %add3A_1125 = arith.constant 123 : i32
    %add3A_1126 = arith.addi %mul3A_16, %add3A_1125 : i32
    %broadcast_in_dim3A_1127 = vector.broadcast %add3A_1126 : i32 to vector<8x1024xi32>
    %select_n3A_1128 = arith.select %gt3A_1123, %broadcast_in_dim3A_1127, %select_n3A_1119 : vector<8x1024xi1>, vector<8x1024xi32>
    %get3A_1129 = arith.constant 992 : index
    %get3A_1130 = arith.constant 0 : index
    %get3A_1131 = vector.load %arg5[%get3A_1129, %get3A_1130] : memref<4096x1024xf32, #tpu.memory_space<vmem>>, vector<8x1024xf32>
    %gt3A_1132 = arith.cmpf ogt, %get3A_1131, %select_n3A_1124 : vector<8x1024xf32>
    %select_n3A_1133 = arith.select %gt3A_1132, %get3A_1131, %select_n3A_1124 : vector<8x1024xi1>, vector<8x1024xf32>
    %add3A_1134 = arith.constant 124 : i32
    %add3A_1135 = arith.addi %mul3A_16, %add3A_1134 : i32
    %broadcast_in_dim3A_1136 = vector.broadcast %add3A_1135 : i32 to vector<8x1024xi32>
    %select_n3A_1137 = arith.select %gt3A_1132, %broadcast_in_dim3A_1136, %select_n3A_1128 : vector<8x1024xi1>, vector<8x1024xi32>
    %get3A_1138 = arith.constant 1000 : index
    %get3A_1139 = arith.constant 0 : index
    %get3A_1140 = vector.load %arg5[%get3A_1138, %get3A_1139] : memref<4096x1024xf32, #tpu.memory_space<vmem>>, vector<8x1024xf32>
    %gt3A_1141 = arith.cmpf ogt, %get3A_1140, %select_n3A_1133 : vector<8x1024xf32>
    %select_n3A_1142 = arith.select %gt3A_1141, %get3A_1140, %select_n3A_1133 : vector<8x1024xi1>, vector<8x1024xf32>
    %add3A_1143 = arith.constant 125 : i32
    %add3A_1144 = arith.addi %mul3A_16, %add3A_1143 : i32
    %broadcast_in_dim3A_1145 = vector.broadcast %add3A_1144 : i32 to vector<8x1024xi32>
    %select_n3A_1146 = arith.select %gt3A_1141, %broadcast_in_dim3A_1145, %select_n3A_1137 : vector<8x1024xi1>, vector<8x1024xi32>
    %get3A_1147 = arith.constant 1008 : index
    %get3A_1148 = arith.constant 0 : index
    %get3A_1149 = vector.load %arg5[%get3A_1147, %get3A_1148] : memref<4096x1024xf32, #tpu.memory_space<vmem>>, vector<8x1024xf32>
    %gt3A_1150 = arith.cmpf ogt, %get3A_1149, %select_n3A_1142 : vector<8x1024xf32>
    %select_n3A_1151 = arith.select %gt3A_1150, %get3A_1149, %select_n3A_1142 : vector<8x1024xi1>, vector<8x1024xf32>
    %add3A_1152 = arith.constant 126 : i32
    %add3A_1153 = arith.addi %mul3A_16, %add3A_1152 : i32
    %broadcast_in_dim3A_1154 = vector.broadcast %add3A_1153 : i32 to vector<8x1024xi32>
    %select_n3A_1155 = arith.select %gt3A_1150, %broadcast_in_dim3A_1154, %select_n3A_1146 : vector<8x1024xi1>, vector<8x1024xi32>
    %get3A_1156 = arith.constant 1016 : index
    %get3A_1157 = arith.constant 0 : index
    %get3A_1158 = vector.load %arg5[%get3A_1156, %get3A_1157] : memref<4096x1024xf32, #tpu.memory_space<vmem>>, vector<8x1024xf32>
    %gt3A_1159 = arith.cmpf ogt, %get3A_1158, %select_n3A_1151 : vector<8x1024xf32>
    %select_n3A_1160 = arith.select %gt3A_1159, %get3A_1158, %select_n3A_1151 : vector<8x1024xi1>, vector<8x1024xf32>
    %add3A_1161 = arith.constant 127 : i32
    %add3A_1162 = arith.addi %mul3A_16, %add3A_1161 : i32
    %broadcast_in_dim3A_1163 = vector.broadcast %add3A_1162 : i32 to vector<8x1024xi32>
    %select_n3A_1164 = arith.select %gt3A_1159, %broadcast_in_dim3A_1163, %select_n3A_1155 : vector<8x1024xi1>, vector<8x1024xi32>
    %get3A_1165 = arith.constant 1024 : index
    %get3A_1166 = arith.constant 0 : index
    %get3A_1167 = vector.load %arg5[%get3A_1165, %get3A_1166] : memref<4096x1024xf32, #tpu.memory_space<vmem>>, vector<8x1024xf32>
    %gt3A_1168 = arith.cmpf ogt, %get3A_1167, %select_n3A_1160 : vector<8x1024xf32>
    %select_n3A_1169 = arith.select %gt3A_1168, %get3A_1167, %select_n3A_1160 : vector<8x1024xi1>, vector<8x1024xf32>
    %add3A_1170 = arith.constant 128 : i32
    %add3A_1171 = arith.addi %mul3A_16, %add3A_1170 : i32
    %broadcast_in_dim3A_1172 = vector.broadcast %add3A_1171 : i32 to vector<8x1024xi32>
    %select_n3A_1173 = arith.select %gt3A_1168, %broadcast_in_dim3A_1172, %select_n3A_1164 : vector<8x1024xi1>, vector<8x1024xi32>
    %get3A_1174 = arith.constant 1032 : index
    %get3A_1175 = arith.constant 0 : index
    %get3A_1176 = vector.load %arg5[%get3A_1174, %get3A_1175] : memref<4096x1024xf32, #tpu.memory_space<vmem>>, vector<8x1024xf32>
    %gt3A_1177 = arith.cmpf ogt, %get3A_1176, %select_n3A_1169 : vector<8x1024xf32>
    %select_n3A_1178 = arith.select %gt3A_1177, %get3A_1176, %select_n3A_1169 : vector<8x1024xi1>, vector<8x1024xf32>
    %add3A_1179 = arith.constant 129 : i32
    %add3A_1180 = arith.addi %mul3A_16, %add3A_1179 : i32
    %broadcast_in_dim3A_1181 = vector.broadcast %add3A_1180 : i32 to vector<8x1024xi32>
    %select_n3A_1182 = arith.select %gt3A_1177, %broadcast_in_dim3A_1181, %select_n3A_1173 : vector<8x1024xi1>, vector<8x1024xi32>
    %get3A_1183 = arith.constant 1040 : index
    %get3A_1184 = arith.constant 0 : index
    %get3A_1185 = vector.load %arg5[%get3A_1183, %get3A_1184] : memref<4096x1024xf32, #tpu.memory_space<vmem>>, vector<8x1024xf32>
    %gt3A_1186 = arith.cmpf ogt, %get3A_1185, %select_n3A_1178 : vector<8x1024xf32>
    %select_n3A_1187 = arith.select %gt3A_1186, %get3A_1185, %select_n3A_1178 : vector<8x1024xi1>, vector<8x1024xf32>
    %add3A_1188 = arith.constant 130 : i32
    %add3A_1189 = arith.addi %mul3A_16, %add3A_1188 : i32
    %broadcast_in_dim3A_1190 = vector.broadcast %add3A_1189 : i32 to vector<8x1024xi32>
    %select_n3A_1191 = arith.select %gt3A_1186, %broadcast_in_dim3A_1190, %select_n3A_1182 : vector<8x1024xi1>, vector<8x1024xi32>
    %get3A_1192 = arith.constant 1048 : index
    %get3A_1193 = arith.constant 0 : index
    %get3A_1194 = vector.load %arg5[%get3A_1192, %get3A_1193] : memref<4096x1024xf32, #tpu.memory_space<vmem>>, vector<8x1024xf32>
    %gt3A_1195 = arith.cmpf ogt, %get3A_1194, %select_n3A_1187 : vector<8x1024xf32>
    %select_n3A_1196 = arith.select %gt3A_1195, %get3A_1194, %select_n3A_1187 : vector<8x1024xi1>, vector<8x1024xf32>
    %add3A_1197 = arith.constant 131 : i32
    %add3A_1198 = arith.addi %mul3A_16, %add3A_1197 : i32
    %broadcast_in_dim3A_1199 = vector.broadcast %add3A_1198 : i32 to vector<8x1024xi32>
    %select_n3A_1200 = arith.select %gt3A_1195, %broadcast_in_dim3A_1199, %select_n3A_1191 : vector<8x1024xi1>, vector<8x1024xi32>
    %get3A_1201 = arith.constant 1056 : index
    %get3A_1202 = arith.constant 0 : index
    %get3A_1203 = vector.load %arg5[%get3A_1201, %get3A_1202] : memref<4096x1024xf32, #tpu.memory_space<vmem>>, vector<8x1024xf32>
    %gt3A_1204 = arith.cmpf ogt, %get3A_1203, %select_n3A_1196 : vector<8x1024xf32>
    %select_n3A_1205 = arith.select %gt3A_1204, %get3A_1203, %select_n3A_1196 : vector<8x1024xi1>, vector<8x1024xf32>
    %add3A_1206 = arith.constant 132 : i32
    %add3A_1207 = arith.addi %mul3A_16, %add3A_1206 : i32
    %broadcast_in_dim3A_1208 = vector.broadcast %add3A_1207 : i32 to vector<8x1024xi32>
    %select_n3A_1209 = arith.select %gt3A_1204, %broadcast_in_dim3A_1208, %select_n3A_1200 : vector<8x1024xi1>, vector<8x1024xi32>
    %get3A_1210 = arith.constant 1064 : index
    %get3A_1211 = arith.constant 0 : index
    %get3A_1212 = vector.load %arg5[%get3A_1210, %get3A_1211] : memref<4096x1024xf32, #tpu.memory_space<vmem>>, vector<8x1024xf32>
    %gt3A_1213 = arith.cmpf ogt, %get3A_1212, %select_n3A_1205 : vector<8x1024xf32>
    %select_n3A_1214 = arith.select %gt3A_1213, %get3A_1212, %select_n3A_1205 : vector<8x1024xi1>, vector<8x1024xf32>
    %add3A_1215 = arith.constant 133 : i32
    %add3A_1216 = arith.addi %mul3A_16, %add3A_1215 : i32
    %broadcast_in_dim3A_1217 = vector.broadcast %add3A_1216 : i32 to vector<8x1024xi32>
    %select_n3A_1218 = arith.select %gt3A_1213, %broadcast_in_dim3A_1217, %select_n3A_1209 : vector<8x1024xi1>, vector<8x1024xi32>
    %get3A_1219 = arith.constant 1072 : index
    %get3A_1220 = arith.constant 0 : index
    %get3A_1221 = vector.load %arg5[%get3A_1219, %get3A_1220] : memref<4096x1024xf32, #tpu.memory_space<vmem>>, vector<8x1024xf32>
    %gt3A_1222 = arith.cmpf ogt, %get3A_1221, %select_n3A_1214 : vector<8x1024xf32>
    %select_n3A_1223 = arith.select %gt3A_1222, %get3A_1221, %select_n3A_1214 : vector<8x1024xi1>, vector<8x1024xf32>
    %add3A_1224 = arith.constant 134 : i32
    %add3A_1225 = arith.addi %mul3A_16, %add3A_1224 : i32
    %broadcast_in_dim3A_1226 = vector.broadcast %add3A_1225 : i32 to vector<8x1024xi32>
    %select_n3A_1227 = arith.select %gt3A_1222, %broadcast_in_dim3A_1226, %select_n3A_1218 : vector<8x1024xi1>, vector<8x1024xi32>
    %get3A_1228 = arith.constant 1080 : index
    %get3A_1229 = arith.constant 0 : index
    %get3A_1230 = vector.load %arg5[%get3A_1228, %get3A_1229] : memref<4096x1024xf32, #tpu.memory_space<vmem>>, vector<8x1024xf32>
    %gt3A_1231 = arith.cmpf ogt, %get3A_1230, %select_n3A_1223 : vector<8x1024xf32>
    %select_n3A_1232 = arith.select %gt3A_1231, %get3A_1230, %select_n3A_1223 : vector<8x1024xi1>, vector<8x1024xf32>
    %add3A_1233 = arith.constant 135 : i32
    %add3A_1234 = arith.addi %mul3A_16, %add3A_1233 : i32
    %broadcast_in_dim3A_1235 = vector.broadcast %add3A_1234 : i32 to vector<8x1024xi32>
    %select_n3A_1236 = arith.select %gt3A_1231, %broadcast_in_dim3A_1235, %select_n3A_1227 : vector<8x1024xi1>, vector<8x1024xi32>
    %get3A_1237 = arith.constant 1088 : index
    %get3A_1238 = arith.constant 0 : index
    %get3A_1239 = vector.load %arg5[%get3A_1237, %get3A_1238] : memref<4096x1024xf32, #tpu.memory_space<vmem>>, vector<8x1024xf32>
    %gt3A_1240 = arith.cmpf ogt, %get3A_1239, %select_n3A_1232 : vector<8x1024xf32>
    %select_n3A_1241 = arith.select %gt3A_1240, %get3A_1239, %select_n3A_1232 : vector<8x1024xi1>, vector<8x1024xf32>
    %add3A_1242 = arith.constant 136 : i32
    %add3A_1243 = arith.addi %mul3A_16, %add3A_1242 : i32
    %broadcast_in_dim3A_1244 = vector.broadcast %add3A_1243 : i32 to vector<8x1024xi32>
    %select_n3A_1245 = arith.select %gt3A_1240, %broadcast_in_dim3A_1244, %select_n3A_1236 : vector<8x1024xi1>, vector<8x1024xi32>
    %get3A_1246 = arith.constant 1096 : index
    %get3A_1247 = arith.constant 0 : index
    %get3A_1248 = vector.load %arg5[%get3A_1246, %get3A_1247] : memref<4096x1024xf32, #tpu.memory_space<vmem>>, vector<8x1024xf32>
    %gt3A_1249 = arith.cmpf ogt, %get3A_1248, %select_n3A_1241 : vector<8x1024xf32>
    %select_n3A_1250 = arith.select %gt3A_1249, %get3A_1248, %select_n3A_1241 : vector<8x1024xi1>, vector<8x1024xf32>
    %add3A_1251 = arith.constant 137 : i32
    %add3A_1252 = arith.addi %mul3A_16, %add3A_1251 : i32
    %broadcast_in_dim3A_1253 = vector.broadcast %add3A_1252 : i32 to vector<8x1024xi32>
    %select_n3A_1254 = arith.select %gt3A_1249, %broadcast_in_dim3A_1253, %select_n3A_1245 : vector<8x1024xi1>, vector<8x1024xi32>
    %get3A_1255 = arith.constant 1104 : index
    %get3A_1256 = arith.constant 0 : index
    %get3A_1257 = vector.load %arg5[%get3A_1255, %get3A_1256] : memref<4096x1024xf32, #tpu.memory_space<vmem>>, vector<8x1024xf32>
    %gt3A_1258 = arith.cmpf ogt, %get3A_1257, %select_n3A_1250 : vector<8x1024xf32>
    %select_n3A_1259 = arith.select %gt3A_1258, %get3A_1257, %select_n3A_1250 : vector<8x1024xi1>, vector<8x1024xf32>
    %add3A_1260 = arith.constant 138 : i32
    %add3A_1261 = arith.addi %mul3A_16, %add3A_1260 : i32
    %broadcast_in_dim3A_1262 = vector.broadcast %add3A_1261 : i32 to vector<8x1024xi32>
    %select_n3A_1263 = arith.select %gt3A_1258, %broadcast_in_dim3A_1262, %select_n3A_1254 : vector<8x1024xi1>, vector<8x1024xi32>
    %get3A_1264 = arith.constant 1112 : index
    %get3A_1265 = arith.constant 0 : index
    %get3A_1266 = vector.load %arg5[%get3A_1264, %get3A_1265] : memref<4096x1024xf32, #tpu.memory_space<vmem>>, vector<8x1024xf32>
    %gt3A_1267 = arith.cmpf ogt, %get3A_1266, %select_n3A_1259 : vector<8x1024xf32>
    %select_n3A_1268 = arith.select %gt3A_1267, %get3A_1266, %select_n3A_1259 : vector<8x1024xi1>, vector<8x1024xf32>
    %add3A_1269 = arith.constant 139 : i32
    %add3A_1270 = arith.addi %mul3A_16, %add3A_1269 : i32
    %broadcast_in_dim3A_1271 = vector.broadcast %add3A_1270 : i32 to vector<8x1024xi32>
    %select_n3A_1272 = arith.select %gt3A_1267, %broadcast_in_dim3A_1271, %select_n3A_1263 : vector<8x1024xi1>, vector<8x1024xi32>
    %get3A_1273 = arith.constant 1120 : index
    %get3A_1274 = arith.constant 0 : index
    %get3A_1275 = vector.load %arg5[%get3A_1273, %get3A_1274] : memref<4096x1024xf32, #tpu.memory_space<vmem>>, vector<8x1024xf32>
    %gt3A_1276 = arith.cmpf ogt, %get3A_1275, %select_n3A_1268 : vector<8x1024xf32>
    %select_n3A_1277 = arith.select %gt3A_1276, %get3A_1275, %select_n3A_1268 : vector<8x1024xi1>, vector<8x1024xf32>
    %add3A_1278 = arith.constant 140 : i32
    %add3A_1279 = arith.addi %mul3A_16, %add3A_1278 : i32
    %broadcast_in_dim3A_1280 = vector.broadcast %add3A_1279 : i32 to vector<8x1024xi32>
    %select_n3A_1281 = arith.select %gt3A_1276, %broadcast_in_dim3A_1280, %select_n3A_1272 : vector<8x1024xi1>, vector<8x1024xi32>
    %get3A_1282 = arith.constant 1128 : index
    %get3A_1283 = arith.constant 0 : index
    %get3A_1284 = vector.load %arg5[%get3A_1282, %get3A_1283] : memref<4096x1024xf32, #tpu.memory_space<vmem>>, vector<8x1024xf32>
    %gt3A_1285 = arith.cmpf ogt, %get3A_1284, %select_n3A_1277 : vector<8x1024xf32>
    %select_n3A_1286 = arith.select %gt3A_1285, %get3A_1284, %select_n3A_1277 : vector<8x1024xi1>, vector<8x1024xf32>
    %add3A_1287 = arith.constant 141 : i32
    %add3A_1288 = arith.addi %mul3A_16, %add3A_1287 : i32
    %broadcast_in_dim3A_1289 = vector.broadcast %add3A_1288 : i32 to vector<8x1024xi32>
    %select_n3A_1290 = arith.select %gt3A_1285, %broadcast_in_dim3A_1289, %select_n3A_1281 : vector<8x1024xi1>, vector<8x1024xi32>
    %get3A_1291 = arith.constant 1136 : index
    %get3A_1292 = arith.constant 0 : index
    %get3A_1293 = vector.load %arg5[%get3A_1291, %get3A_1292] : memref<4096x1024xf32, #tpu.memory_space<vmem>>, vector<8x1024xf32>
    %gt3A_1294 = arith.cmpf ogt, %get3A_1293, %select_n3A_1286 : vector<8x1024xf32>
    %select_n3A_1295 = arith.select %gt3A_1294, %get3A_1293, %select_n3A_1286 : vector<8x1024xi1>, vector<8x1024xf32>
    %add3A_1296 = arith.constant 142 : i32
    %add3A_1297 = arith.addi %mul3A_16, %add3A_1296 : i32
    %broadcast_in_dim3A_1298 = vector.broadcast %add3A_1297 : i32 to vector<8x1024xi32>
    %select_n3A_1299 = arith.select %gt3A_1294, %broadcast_in_dim3A_1298, %select_n3A_1290 : vector<8x1024xi1>, vector<8x1024xi32>
    %get3A_1300 = arith.constant 1144 : index
    %get3A_1301 = arith.constant 0 : index
    %get3A_1302 = vector.load %arg5[%get3A_1300, %get3A_1301] : memref<4096x1024xf32, #tpu.memory_space<vmem>>, vector<8x1024xf32>
    %gt3A_1303 = arith.cmpf ogt, %get3A_1302, %select_n3A_1295 : vector<8x1024xf32>
    %select_n3A_1304 = arith.select %gt3A_1303, %get3A_1302, %select_n3A_1295 : vector<8x1024xi1>, vector<8x1024xf32>
    %add3A_1305 = arith.constant 143 : i32
    %add3A_1306 = arith.addi %mul3A_16, %add3A_1305 : i32
    %broadcast_in_dim3A_1307 = vector.broadcast %add3A_1306 : i32 to vector<8x1024xi32>
    %select_n3A_1308 = arith.select %gt3A_1303, %broadcast_in_dim3A_1307, %select_n3A_1299 : vector<8x1024xi1>, vector<8x1024xi32>
    %get3A_1309 = arith.constant 1152 : index
    %get3A_1310 = arith.constant 0 : index
    %get3A_1311 = vector.load %arg5[%get3A_1309, %get3A_1310] : memref<4096x1024xf32, #tpu.memory_space<vmem>>, vector<8x1024xf32>
    %gt3A_1312 = arith.cmpf ogt, %get3A_1311, %select_n3A_1304 : vector<8x1024xf32>
    %select_n3A_1313 = arith.select %gt3A_1312, %get3A_1311, %select_n3A_1304 : vector<8x1024xi1>, vector<8x1024xf32>
    %add3A_1314 = arith.constant 144 : i32
    %add3A_1315 = arith.addi %mul3A_16, %add3A_1314 : i32
    %broadcast_in_dim3A_1316 = vector.broadcast %add3A_1315 : i32 to vector<8x1024xi32>
    %select_n3A_1317 = arith.select %gt3A_1312, %broadcast_in_dim3A_1316, %select_n3A_1308 : vector<8x1024xi1>, vector<8x1024xi32>
    %get3A_1318 = arith.constant 1160 : index
    %get3A_1319 = arith.constant 0 : index
    %get3A_1320 = vector.load %arg5[%get3A_1318, %get3A_1319] : memref<4096x1024xf32, #tpu.memory_space<vmem>>, vector<8x1024xf32>
    %gt3A_1321 = arith.cmpf ogt, %get3A_1320, %select_n3A_1313 : vector<8x1024xf32>
    %select_n3A_1322 = arith.select %gt3A_1321, %get3A_1320, %select_n3A_1313 : vector<8x1024xi1>, vector<8x1024xf32>
    %add3A_1323 = arith.constant 145 : i32
    %add3A_1324 = arith.addi %mul3A_16, %add3A_1323 : i32
    %broadcast_in_dim3A_1325 = vector.broadcast %add3A_1324 : i32 to vector<8x1024xi32>
    %select_n3A_1326 = arith.select %gt3A_1321, %broadcast_in_dim3A_1325, %select_n3A_1317 : vector<8x1024xi1>, vector<8x1024xi32>
    %get3A_1327 = arith.constant 1168 : index
    %get3A_1328 = arith.constant 0 : index
    %get3A_1329 = vector.load %arg5[%get3A_1327, %get3A_1328] : memref<4096x1024xf32, #tpu.memory_space<vmem>>, vector<8x1024xf32>
    %gt3A_1330 = arith.cmpf ogt, %get3A_1329, %select_n3A_1322 : vector<8x1024xf32>
    %select_n3A_1331 = arith.select %gt3A_1330, %get3A_1329, %select_n3A_1322 : vector<8x1024xi1>, vector<8x1024xf32>
    %add3A_1332 = arith.constant 146 : i32
    %add3A_1333 = arith.addi %mul3A_16, %add3A_1332 : i32
    %broadcast_in_dim3A_1334 = vector.broadcast %add3A_1333 : i32 to vector<8x1024xi32>
    %select_n3A_1335 = arith.select %gt3A_1330, %broadcast_in_dim3A_1334, %select_n3A_1326 : vector<8x1024xi1>, vector<8x1024xi32>
    %get3A_1336 = arith.constant 1176 : index
    %get3A_1337 = arith.constant 0 : index
    %get3A_1338 = vector.load %arg5[%get3A_1336, %get3A_1337] : memref<4096x1024xf32, #tpu.memory_space<vmem>>, vector<8x1024xf32>
    %gt3A_1339 = arith.cmpf ogt, %get3A_1338, %select_n3A_1331 : vector<8x1024xf32>
    %select_n3A_1340 = arith.select %gt3A_1339, %get3A_1338, %select_n3A_1331 : vector<8x1024xi1>, vector<8x1024xf32>
    %add3A_1341 = arith.constant 147 : i32
    %add3A_1342 = arith.addi %mul3A_16, %add3A_1341 : i32
    %broadcast_in_dim3A_1343 = vector.broadcast %add3A_1342 : i32 to vector<8x1024xi32>
    %select_n3A_1344 = arith.select %gt3A_1339, %broadcast_in_dim3A_1343, %select_n3A_1335 : vector<8x1024xi1>, vector<8x1024xi32>
    %get3A_1345 = arith.constant 1184 : index
    %get3A_1346 = arith.constant 0 : index
    %get3A_1347 = vector.load %arg5[%get3A_1345, %get3A_1346] : memref<4096x1024xf32, #tpu.memory_space<vmem>>, vector<8x1024xf32>
    %gt3A_1348 = arith.cmpf ogt, %get3A_1347, %select_n3A_1340 : vector<8x1024xf32>
    %select_n3A_1349 = arith.select %gt3A_1348, %get3A_1347, %select_n3A_1340 : vector<8x1024xi1>, vector<8x1024xf32>
    %add3A_1350 = arith.constant 148 : i32
    %add3A_1351 = arith.addi %mul3A_16, %add3A_1350 : i32
    %broadcast_in_dim3A_1352 = vector.broadcast %add3A_1351 : i32 to vector<8x1024xi32>
    %select_n3A_1353 = arith.select %gt3A_1348, %broadcast_in_dim3A_1352, %select_n3A_1344 : vector<8x1024xi1>, vector<8x1024xi32>
    %get3A_1354 = arith.constant 1192 : index
    %get3A_1355 = arith.constant 0 : index
    %get3A_1356 = vector.load %arg5[%get3A_1354, %get3A_1355] : memref<4096x1024xf32, #tpu.memory_space<vmem>>, vector<8x1024xf32>
    %gt3A_1357 = arith.cmpf ogt, %get3A_1356, %select_n3A_1349 : vector<8x1024xf32>
    %select_n3A_1358 = arith.select %gt3A_1357, %get3A_1356, %select_n3A_1349 : vector<8x1024xi1>, vector<8x1024xf32>
    %add3A_1359 = arith.constant 149 : i32
    %add3A_1360 = arith.addi %mul3A_16, %add3A_1359 : i32
    %broadcast_in_dim3A_1361 = vector.broadcast %add3A_1360 : i32 to vector<8x1024xi32>
    %select_n3A_1362 = arith.select %gt3A_1357, %broadcast_in_dim3A_1361, %select_n3A_1353 : vector<8x1024xi1>, vector<8x1024xi32>
    %get3A_1363 = arith.constant 1200 : index
    %get3A_1364 = arith.constant 0 : index
    %get3A_1365 = vector.load %arg5[%get3A_1363, %get3A_1364] : memref<4096x1024xf32, #tpu.memory_space<vmem>>, vector<8x1024xf32>
    %gt3A_1366 = arith.cmpf ogt, %get3A_1365, %select_n3A_1358 : vector<8x1024xf32>
    %select_n3A_1367 = arith.select %gt3A_1366, %get3A_1365, %select_n3A_1358 : vector<8x1024xi1>, vector<8x1024xf32>
    %add3A_1368 = arith.constant 150 : i32
    %add3A_1369 = arith.addi %mul3A_16, %add3A_1368 : i32
    %broadcast_in_dim3A_1370 = vector.broadcast %add3A_1369 : i32 to vector<8x1024xi32>
    %select_n3A_1371 = arith.select %gt3A_1366, %broadcast_in_dim3A_1370, %select_n3A_1362 : vector<8x1024xi1>, vector<8x1024xi32>
    %get3A_1372 = arith.constant 1208 : index
    %get3A_1373 = arith.constant 0 : index
    %get3A_1374 = vector.load %arg5[%get3A_1372, %get3A_1373] : memref<4096x1024xf32, #tpu.memory_space<vmem>>, vector<8x1024xf32>
    %gt3A_1375 = arith.cmpf ogt, %get3A_1374, %select_n3A_1367 : vector<8x1024xf32>
    %select_n3A_1376 = arith.select %gt3A_1375, %get3A_1374, %select_n3A_1367 : vector<8x1024xi1>, vector<8x1024xf32>
    %add3A_1377 = arith.constant 151 : i32
    %add3A_1378 = arith.addi %mul3A_16, %add3A_1377 : i32
    %broadcast_in_dim3A_1379 = vector.broadcast %add3A_1378 : i32 to vector<8x1024xi32>
    %select_n3A_1380 = arith.select %gt3A_1375, %broadcast_in_dim3A_1379, %select_n3A_1371 : vector<8x1024xi1>, vector<8x1024xi32>
    %get3A_1381 = arith.constant 1216 : index
    %get3A_1382 = arith.constant 0 : index
    %get3A_1383 = vector.load %arg5[%get3A_1381, %get3A_1382] : memref<4096x1024xf32, #tpu.memory_space<vmem>>, vector<8x1024xf32>
    %gt3A_1384 = arith.cmpf ogt, %get3A_1383, %select_n3A_1376 : vector<8x1024xf32>
    %select_n3A_1385 = arith.select %gt3A_1384, %get3A_1383, %select_n3A_1376 : vector<8x1024xi1>, vector<8x1024xf32>
    %add3A_1386 = arith.constant 152 : i32
    %add3A_1387 = arith.addi %mul3A_16, %add3A_1386 : i32
    %broadcast_in_dim3A_1388 = vector.broadcast %add3A_1387 : i32 to vector<8x1024xi32>
    %select_n3A_1389 = arith.select %gt3A_1384, %broadcast_in_dim3A_1388, %select_n3A_1380 : vector<8x1024xi1>, vector<8x1024xi32>
    %get3A_1390 = arith.constant 1224 : index
    %get3A_1391 = arith.constant 0 : index
    %get3A_1392 = vector.load %arg5[%get3A_1390, %get3A_1391] : memref<4096x1024xf32, #tpu.memory_space<vmem>>, vector<8x1024xf32>
    %gt3A_1393 = arith.cmpf ogt, %get3A_1392, %select_n3A_1385 : vector<8x1024xf32>
    %select_n3A_1394 = arith.select %gt3A_1393, %get3A_1392, %select_n3A_1385 : vector<8x1024xi1>, vector<8x1024xf32>
    %add3A_1395 = arith.constant 153 : i32
    %add3A_1396 = arith.addi %mul3A_16, %add3A_1395 : i32
    %broadcast_in_dim3A_1397 = vector.broadcast %add3A_1396 : i32 to vector<8x1024xi32>
    %select_n3A_1398 = arith.select %gt3A_1393, %broadcast_in_dim3A_1397, %select_n3A_1389 : vector<8x1024xi1>, vector<8x1024xi32>
    %get3A_1399 = arith.constant 1232 : index
    %get3A_1400 = arith.constant 0 : index
    %get3A_1401 = vector.load %arg5[%get3A_1399, %get3A_1400] : memref<4096x1024xf32, #tpu.memory_space<vmem>>, vector<8x1024xf32>
    %gt3A_1402 = arith.cmpf ogt, %get3A_1401, %select_n3A_1394 : vector<8x1024xf32>
    %select_n3A_1403 = arith.select %gt3A_1402, %get3A_1401, %select_n3A_1394 : vector<8x1024xi1>, vector<8x1024xf32>
    %add3A_1404 = arith.constant 154 : i32
    %add3A_1405 = arith.addi %mul3A_16, %add3A_1404 : i32
    %broadcast_in_dim3A_1406 = vector.broadcast %add3A_1405 : i32 to vector<8x1024xi32>
    %select_n3A_1407 = arith.select %gt3A_1402, %broadcast_in_dim3A_1406, %select_n3A_1398 : vector<8x1024xi1>, vector<8x1024xi32>
    %get3A_1408 = arith.constant 1240 : index
    %get3A_1409 = arith.constant 0 : index
    %get3A_1410 = vector.load %arg5[%get3A_1408, %get3A_1409] : memref<4096x1024xf32, #tpu.memory_space<vmem>>, vector<8x1024xf32>
    %gt3A_1411 = arith.cmpf ogt, %get3A_1410, %select_n3A_1403 : vector<8x1024xf32>
    %select_n3A_1412 = arith.select %gt3A_1411, %get3A_1410, %select_n3A_1403 : vector<8x1024xi1>, vector<8x1024xf32>
    %add3A_1413 = arith.constant 155 : i32
    %add3A_1414 = arith.addi %mul3A_16, %add3A_1413 : i32
    %broadcast_in_dim3A_1415 = vector.broadcast %add3A_1414 : i32 to vector<8x1024xi32>
    %select_n3A_1416 = arith.select %gt3A_1411, %broadcast_in_dim3A_1415, %select_n3A_1407 : vector<8x1024xi1>, vector<8x1024xi32>
    %get3A_1417 = arith.constant 1248 : index
    %get3A_1418 = arith.constant 0 : index
    %get3A_1419 = vector.load %arg5[%get3A_1417, %get3A_1418] : memref<4096x1024xf32, #tpu.memory_space<vmem>>, vector<8x1024xf32>
    %gt3A_1420 = arith.cmpf ogt, %get3A_1419, %select_n3A_1412 : vector<8x1024xf32>
    %select_n3A_1421 = arith.select %gt3A_1420, %get3A_1419, %select_n3A_1412 : vector<8x1024xi1>, vector<8x1024xf32>
    %add3A_1422 = arith.constant 156 : i32
    %add3A_1423 = arith.addi %mul3A_16, %add3A_1422 : i32
    %broadcast_in_dim3A_1424 = vector.broadcast %add3A_1423 : i32 to vector<8x1024xi32>
    %select_n3A_1425 = arith.select %gt3A_1420, %broadcast_in_dim3A_1424, %select_n3A_1416 : vector<8x1024xi1>, vector<8x1024xi32>
    %get3A_1426 = arith.constant 1256 : index
    %get3A_1427 = arith.constant 0 : index
    %get3A_1428 = vector.load %arg5[%get3A_1426, %get3A_1427] : memref<4096x1024xf32, #tpu.memory_space<vmem>>, vector<8x1024xf32>
    %gt3A_1429 = arith.cmpf ogt, %get3A_1428, %select_n3A_1421 : vector<8x1024xf32>
    %select_n3A_1430 = arith.select %gt3A_1429, %get3A_1428, %select_n3A_1421 : vector<8x1024xi1>, vector<8x1024xf32>
    %add3A_1431 = arith.constant 157 : i32
    %add3A_1432 = arith.addi %mul3A_16, %add3A_1431 : i32
    %broadcast_in_dim3A_1433 = vector.broadcast %add3A_1432 : i32 to vector<8x1024xi32>
    %select_n3A_1434 = arith.select %gt3A_1429, %broadcast_in_dim3A_1433, %select_n3A_1425 : vector<8x1024xi1>, vector<8x1024xi32>
    %get3A_1435 = arith.constant 1264 : index
    %get3A_1436 = arith.constant 0 : index
    %get3A_1437 = vector.load %arg5[%get3A_1435, %get3A_1436] : memref<4096x1024xf32, #tpu.memory_space<vmem>>, vector<8x1024xf32>
    %gt3A_1438 = arith.cmpf ogt, %get3A_1437, %select_n3A_1430 : vector<8x1024xf32>
    %select_n3A_1439 = arith.select %gt3A_1438, %get3A_1437, %select_n3A_1430 : vector<8x1024xi1>, vector<8x1024xf32>
    %add3A_1440 = arith.constant 158 : i32
    %add3A_1441 = arith.addi %mul3A_16, %add3A_1440 : i32
    %broadcast_in_dim3A_1442 = vector.broadcast %add3A_1441 : i32 to vector<8x1024xi32>
    %select_n3A_1443 = arith.select %gt3A_1438, %broadcast_in_dim3A_1442, %select_n3A_1434 : vector<8x1024xi1>, vector<8x1024xi32>
    %get3A_1444 = arith.constant 1272 : index
    %get3A_1445 = arith.constant 0 : index
    %get3A_1446 = vector.load %arg5[%get3A_1444, %get3A_1445] : memref<4096x1024xf32, #tpu.memory_space<vmem>>, vector<8x1024xf32>
    %gt3A_1447 = arith.cmpf ogt, %get3A_1446, %select_n3A_1439 : vector<8x1024xf32>
    %select_n3A_1448 = arith.select %gt3A_1447, %get3A_1446, %select_n3A_1439 : vector<8x1024xi1>, vector<8x1024xf32>
    %add3A_1449 = arith.constant 159 : i32
    %add3A_1450 = arith.addi %mul3A_16, %add3A_1449 : i32
    %broadcast_in_dim3A_1451 = vector.broadcast %add3A_1450 : i32 to vector<8x1024xi32>
    %select_n3A_1452 = arith.select %gt3A_1447, %broadcast_in_dim3A_1451, %select_n3A_1443 : vector<8x1024xi1>, vector<8x1024xi32>
    %get3A_1453 = arith.constant 1280 : index
    %get3A_1454 = arith.constant 0 : index
    %get3A_1455 = vector.load %arg5[%get3A_1453, %get3A_1454] : memref<4096x1024xf32, #tpu.memory_space<vmem>>, vector<8x1024xf32>
    %gt3A_1456 = arith.cmpf ogt, %get3A_1455, %select_n3A_1448 : vector<8x1024xf32>
    %select_n3A_1457 = arith.select %gt3A_1456, %get3A_1455, %select_n3A_1448 : vector<8x1024xi1>, vector<8x1024xf32>
    %add3A_1458 = arith.constant 160 : i32
    %add3A_1459 = arith.addi %mul3A_16, %add3A_1458 : i32
    %broadcast_in_dim3A_1460 = vector.broadcast %add3A_1459 : i32 to vector<8x1024xi32>
    %select_n3A_1461 = arith.select %gt3A_1456, %broadcast_in_dim3A_1460, %select_n3A_1452 : vector<8x1024xi1>, vector<8x1024xi32>
    %get3A_1462 = arith.constant 1288 : index
    %get3A_1463 = arith.constant 0 : index
    %get3A_1464 = vector.load %arg5[%get3A_1462, %get3A_1463] : memref<4096x1024xf32, #tpu.memory_space<vmem>>, vector<8x1024xf32>
    %gt3A_1465 = arith.cmpf ogt, %get3A_1464, %select_n3A_1457 : vector<8x1024xf32>
    %select_n3A_1466 = arith.select %gt3A_1465, %get3A_1464, %select_n3A_1457 : vector<8x1024xi1>, vector<8x1024xf32>
    %add3A_1467 = arith.constant 161 : i32
    %add3A_1468 = arith.addi %mul3A_16, %add3A_1467 : i32
    %broadcast_in_dim3A_1469 = vector.broadcast %add3A_1468 : i32 to vector<8x1024xi32>
    %select_n3A_1470 = arith.select %gt3A_1465, %broadcast_in_dim3A_1469, %select_n3A_1461 : vector<8x1024xi1>, vector<8x1024xi32>
    %get3A_1471 = arith.constant 1296 : index
    %get3A_1472 = arith.constant 0 : index
    %get3A_1473 = vector.load %arg5[%get3A_1471, %get3A_1472] : memref<4096x1024xf32, #tpu.memory_space<vmem>>, vector<8x1024xf32>
    %gt3A_1474 = arith.cmpf ogt, %get3A_1473, %select_n3A_1466 : vector<8x1024xf32>
    %select_n3A_1475 = arith.select %gt3A_1474, %get3A_1473, %select_n3A_1466 : vector<8x1024xi1>, vector<8x1024xf32>
    %add3A_1476 = arith.constant 162 : i32
    %add3A_1477 = arith.addi %mul3A_16, %add3A_1476 : i32
    %broadcast_in_dim3A_1478 = vector.broadcast %add3A_1477 : i32 to vector<8x1024xi32>
    %select_n3A_1479 = arith.select %gt3A_1474, %broadcast_in_dim3A_1478, %select_n3A_1470 : vector<8x1024xi1>, vector<8x1024xi32>
    %get3A_1480 = arith.constant 1304 : index
    %get3A_1481 = arith.constant 0 : index
    %get3A_1482 = vector.load %arg5[%get3A_1480, %get3A_1481] : memref<4096x1024xf32, #tpu.memory_space<vmem>>, vector<8x1024xf32>
    %gt3A_1483 = arith.cmpf ogt, %get3A_1482, %select_n3A_1475 : vector<8x1024xf32>
    %select_n3A_1484 = arith.select %gt3A_1483, %get3A_1482, %select_n3A_1475 : vector<8x1024xi1>, vector<8x1024xf32>
    %add3A_1485 = arith.constant 163 : i32
    %add3A_1486 = arith.addi %mul3A_16, %add3A_1485 : i32
    %broadcast_in_dim3A_1487 = vector.broadcast %add3A_1486 : i32 to vector<8x1024xi32>
    %select_n3A_1488 = arith.select %gt3A_1483, %broadcast_in_dim3A_1487, %select_n3A_1479 : vector<8x1024xi1>, vector<8x1024xi32>
    %get3A_1489 = arith.constant 1312 : index
    %get3A_1490 = arith.constant 0 : index
    %get3A_1491 = vector.load %arg5[%get3A_1489, %get3A_1490] : memref<4096x1024xf32, #tpu.memory_space<vmem>>, vector<8x1024xf32>
    %gt3A_1492 = arith.cmpf ogt, %get3A_1491, %select_n3A_1484 : vector<8x1024xf32>
    %select_n3A_1493 = arith.select %gt3A_1492, %get3A_1491, %select_n3A_1484 : vector<8x1024xi1>, vector<8x1024xf32>
    %add3A_1494 = arith.constant 164 : i32
    %add3A_1495 = arith.addi %mul3A_16, %add3A_1494 : i32
    %broadcast_in_dim3A_1496 = vector.broadcast %add3A_1495 : i32 to vector<8x1024xi32>
    %select_n3A_1497 = arith.select %gt3A_1492, %broadcast_in_dim3A_1496, %select_n3A_1488 : vector<8x1024xi1>, vector<8x1024xi32>
    %get3A_1498 = arith.constant 1320 : index
    %get3A_1499 = arith.constant 0 : index
    %get3A_1500 = vector.load %arg5[%get3A_1498, %get3A_1499] : memref<4096x1024xf32, #tpu.memory_space<vmem>>, vector<8x1024xf32>
    %gt3A_1501 = arith.cmpf ogt, %get3A_1500, %select_n3A_1493 : vector<8x1024xf32>
    %select_n3A_1502 = arith.select %gt3A_1501, %get3A_1500, %select_n3A_1493 : vector<8x1024xi1>, vector<8x1024xf32>
    %add3A_1503 = arith.constant 165 : i32
    %add3A_1504 = arith.addi %mul3A_16, %add3A_1503 : i32
    %broadcast_in_dim3A_1505 = vector.broadcast %add3A_1504 : i32 to vector<8x1024xi32>
    %select_n3A_1506 = arith.select %gt3A_1501, %broadcast_in_dim3A_1505, %select_n3A_1497 : vector<8x1024xi1>, vector<8x1024xi32>
    %get3A_1507 = arith.constant 1328 : index
    %get3A_1508 = arith.constant 0 : index
    %get3A_1509 = vector.load %arg5[%get3A_1507, %get3A_1508] : memref<4096x1024xf32, #tpu.memory_space<vmem>>, vector<8x1024xf32>
    %gt3A_1510 = arith.cmpf ogt, %get3A_1509, %select_n3A_1502 : vector<8x1024xf32>
    %select_n3A_1511 = arith.select %gt3A_1510, %get3A_1509, %select_n3A_1502 : vector<8x1024xi1>, vector<8x1024xf32>
    %add3A_1512 = arith.constant 166 : i32
    %add3A_1513 = arith.addi %mul3A_16, %add3A_1512 : i32
    %broadcast_in_dim3A_1514 = vector.broadcast %add3A_1513 : i32 to vector<8x1024xi32>
    %select_n3A_1515 = arith.select %gt3A_1510, %broadcast_in_dim3A_1514, %select_n3A_1506 : vector<8x1024xi1>, vector<8x1024xi32>
    %get3A_1516 = arith.constant 1336 : index
    %get3A_1517 = arith.constant 0 : index
    %get3A_1518 = vector.load %arg5[%get3A_1516, %get3A_1517] : memref<4096x1024xf32, #tpu.memory_space<vmem>>, vector<8x1024xf32>
    %gt3A_1519 = arith.cmpf ogt, %get3A_1518, %select_n3A_1511 : vector<8x1024xf32>
    %select_n3A_1520 = arith.select %gt3A_1519, %get3A_1518, %select_n3A_1511 : vector<8x1024xi1>, vector<8x1024xf32>
    %add3A_1521 = arith.constant 167 : i32
    %add3A_1522 = arith.addi %mul3A_16, %add3A_1521 : i32
    %broadcast_in_dim3A_1523 = vector.broadcast %add3A_1522 : i32 to vector<8x1024xi32>
    %select_n3A_1524 = arith.select %gt3A_1519, %broadcast_in_dim3A_1523, %select_n3A_1515 : vector<8x1024xi1>, vector<8x1024xi32>
    %get3A_1525 = arith.constant 1344 : index
    %get3A_1526 = arith.constant 0 : index
    %get3A_1527 = vector.load %arg5[%get3A_1525, %get3A_1526] : memref<4096x1024xf32, #tpu.memory_space<vmem>>, vector<8x1024xf32>
    %gt3A_1528 = arith.cmpf ogt, %get3A_1527, %select_n3A_1520 : vector<8x1024xf32>
    %select_n3A_1529 = arith.select %gt3A_1528, %get3A_1527, %select_n3A_1520 : vector<8x1024xi1>, vector<8x1024xf32>
    %add3A_1530 = arith.constant 168 : i32
    %add3A_1531 = arith.addi %mul3A_16, %add3A_1530 : i32
    %broadcast_in_dim3A_1532 = vector.broadcast %add3A_1531 : i32 to vector<8x1024xi32>
    %select_n3A_1533 = arith.select %gt3A_1528, %broadcast_in_dim3A_1532, %select_n3A_1524 : vector<8x1024xi1>, vector<8x1024xi32>
    %get3A_1534 = arith.constant 1352 : index
    %get3A_1535 = arith.constant 0 : index
    %get3A_1536 = vector.load %arg5[%get3A_1534, %get3A_1535] : memref<4096x1024xf32, #tpu.memory_space<vmem>>, vector<8x1024xf32>
    %gt3A_1537 = arith.cmpf ogt, %get3A_1536, %select_n3A_1529 : vector<8x1024xf32>
    %select_n3A_1538 = arith.select %gt3A_1537, %get3A_1536, %select_n3A_1529 : vector<8x1024xi1>, vector<8x1024xf32>
    %add3A_1539 = arith.constant 169 : i32
    %add3A_1540 = arith.addi %mul3A_16, %add3A_1539 : i32
    %broadcast_in_dim3A_1541 = vector.broadcast %add3A_1540 : i32 to vector<8x1024xi32>
    %select_n3A_1542 = arith.select %gt3A_1537, %broadcast_in_dim3A_1541, %select_n3A_1533 : vector<8x1024xi1>, vector<8x1024xi32>
    %get3A_1543 = arith.constant 1360 : index
    %get3A_1544 = arith.constant 0 : index
    %get3A_1545 = vector.load %arg5[%get3A_1543, %get3A_1544] : memref<4096x1024xf32, #tpu.memory_space<vmem>>, vector<8x1024xf32>
    %gt3A_1546 = arith.cmpf ogt, %get3A_1545, %select_n3A_1538 : vector<8x1024xf32>
    %select_n3A_1547 = arith.select %gt3A_1546, %get3A_1545, %select_n3A_1538 : vector<8x1024xi1>, vector<8x1024xf32>
    %add3A_1548 = arith.constant 170 : i32
    %add3A_1549 = arith.addi %mul3A_16, %add3A_1548 : i32
    %broadcast_in_dim3A_1550 = vector.broadcast %add3A_1549 : i32 to vector<8x1024xi32>
    %select_n3A_1551 = arith.select %gt3A_1546, %broadcast_in_dim3A_1550, %select_n3A_1542 : vector<8x1024xi1>, vector<8x1024xi32>
    %get3A_1552 = arith.constant 1368 : index
    %get3A_1553 = arith.constant 0 : index
    %get3A_1554 = vector.load %arg5[%get3A_1552, %get3A_1553] : memref<4096x1024xf32, #tpu.memory_space<vmem>>, vector<8x1024xf32>
    %gt3A_1555 = arith.cmpf ogt, %get3A_1554, %select_n3A_1547 : vector<8x1024xf32>
    %select_n3A_1556 = arith.select %gt3A_1555, %get3A_1554, %select_n3A_1547 : vector<8x1024xi1>, vector<8x1024xf32>
    %add3A_1557 = arith.constant 171 : i32
    %add3A_1558 = arith.addi %mul3A_16, %add3A_1557 : i32
    %broadcast_in_dim3A_1559 = vector.broadcast %add3A_1558 : i32 to vector<8x1024xi32>
    %select_n3A_1560 = arith.select %gt3A_1555, %broadcast_in_dim3A_1559, %select_n3A_1551 : vector<8x1024xi1>, vector<8x1024xi32>
    %get3A_1561 = arith.constant 1376 : index
    %get3A_1562 = arith.constant 0 : index
    %get3A_1563 = vector.load %arg5[%get3A_1561, %get3A_1562] : memref<4096x1024xf32, #tpu.memory_space<vmem>>, vector<8x1024xf32>
    %gt3A_1564 = arith.cmpf ogt, %get3A_1563, %select_n3A_1556 : vector<8x1024xf32>
    %select_n3A_1565 = arith.select %gt3A_1564, %get3A_1563, %select_n3A_1556 : vector<8x1024xi1>, vector<8x1024xf32>
    %add3A_1566 = arith.constant 172 : i32
    %add3A_1567 = arith.addi %mul3A_16, %add3A_1566 : i32
    %broadcast_in_dim3A_1568 = vector.broadcast %add3A_1567 : i32 to vector<8x1024xi32>
    %select_n3A_1569 = arith.select %gt3A_1564, %broadcast_in_dim3A_1568, %select_n3A_1560 : vector<8x1024xi1>, vector<8x1024xi32>
    %get3A_1570 = arith.constant 1384 : index
    %get3A_1571 = arith.constant 0 : index
    %get3A_1572 = vector.load %arg5[%get3A_1570, %get3A_1571] : memref<4096x1024xf32, #tpu.memory_space<vmem>>, vector<8x1024xf32>
    %gt3A_1573 = arith.cmpf ogt, %get3A_1572, %select_n3A_1565 : vector<8x1024xf32>
    %select_n3A_1574 = arith.select %gt3A_1573, %get3A_1572, %select_n3A_1565 : vector<8x1024xi1>, vector<8x1024xf32>
    %add3A_1575 = arith.constant 173 : i32
    %add3A_1576 = arith.addi %mul3A_16, %add3A_1575 : i32
    %broadcast_in_dim3A_1577 = vector.broadcast %add3A_1576 : i32 to vector<8x1024xi32>
    %select_n3A_1578 = arith.select %gt3A_1573, %broadcast_in_dim3A_1577, %select_n3A_1569 : vector<8x1024xi1>, vector<8x1024xi32>
    %get3A_1579 = arith.constant 1392 : index
    %get3A_1580 = arith.constant 0 : index
    %get3A_1581 = vector.load %arg5[%get3A_1579, %get3A_1580] : memref<4096x1024xf32, #tpu.memory_space<vmem>>, vector<8x1024xf32>
    %gt3A_1582 = arith.cmpf ogt, %get3A_1581, %select_n3A_1574 : vector<8x1024xf32>
    %select_n3A_1583 = arith.select %gt3A_1582, %get3A_1581, %select_n3A_1574 : vector<8x1024xi1>, vector<8x1024xf32>
    %add3A_1584 = arith.constant 174 : i32
    %add3A_1585 = arith.addi %mul3A_16, %add3A_1584 : i32
    %broadcast_in_dim3A_1586 = vector.broadcast %add3A_1585 : i32 to vector<8x1024xi32>
    %select_n3A_1587 = arith.select %gt3A_1582, %broadcast_in_dim3A_1586, %select_n3A_1578 : vector<8x1024xi1>, vector<8x1024xi32>
    %get3A_1588 = arith.constant 1400 : index
    %get3A_1589 = arith.constant 0 : index
    %get3A_1590 = vector.load %arg5[%get3A_1588, %get3A_1589] : memref<4096x1024xf32, #tpu.memory_space<vmem>>, vector<8x1024xf32>
    %gt3A_1591 = arith.cmpf ogt, %get3A_1590, %select_n3A_1583 : vector<8x1024xf32>
    %select_n3A_1592 = arith.select %gt3A_1591, %get3A_1590, %select_n3A_1583 : vector<8x1024xi1>, vector<8x1024xf32>
    %add3A_1593 = arith.constant 175 : i32
    %add3A_1594 = arith.addi %mul3A_16, %add3A_1593 : i32
    %broadcast_in_dim3A_1595 = vector.broadcast %add3A_1594 : i32 to vector<8x1024xi32>
    %select_n3A_1596 = arith.select %gt3A_1591, %broadcast_in_dim3A_1595, %select_n3A_1587 : vector<8x1024xi1>, vector<8x1024xi32>
    %get3A_1597 = arith.constant 1408 : index
    %get3A_1598 = arith.constant 0 : index
    %get3A_1599 = vector.load %arg5[%get3A_1597, %get3A_1598] : memref<4096x1024xf32, #tpu.memory_space<vmem>>, vector<8x1024xf32>
    %gt3A_1600 = arith.cmpf ogt, %get3A_1599, %select_n3A_1592 : vector<8x1024xf32>
    %select_n3A_1601 = arith.select %gt3A_1600, %get3A_1599, %select_n3A_1592 : vector<8x1024xi1>, vector<8x1024xf32>
    %add3A_1602 = arith.constant 176 : i32
    %add3A_1603 = arith.addi %mul3A_16, %add3A_1602 : i32
    %broadcast_in_dim3A_1604 = vector.broadcast %add3A_1603 : i32 to vector<8x1024xi32>
    %select_n3A_1605 = arith.select %gt3A_1600, %broadcast_in_dim3A_1604, %select_n3A_1596 : vector<8x1024xi1>, vector<8x1024xi32>
    %get3A_1606 = arith.constant 1416 : index
    %get3A_1607 = arith.constant 0 : index
    %get3A_1608 = vector.load %arg5[%get3A_1606, %get3A_1607] : memref<4096x1024xf32, #tpu.memory_space<vmem>>, vector<8x1024xf32>
    %gt3A_1609 = arith.cmpf ogt, %get3A_1608, %select_n3A_1601 : vector<8x1024xf32>
    %select_n3A_1610 = arith.select %gt3A_1609, %get3A_1608, %select_n3A_1601 : vector<8x1024xi1>, vector<8x1024xf32>
    %add3A_1611 = arith.constant 177 : i32
    %add3A_1612 = arith.addi %mul3A_16, %add3A_1611 : i32
    %broadcast_in_dim3A_1613 = vector.broadcast %add3A_1612 : i32 to vector<8x1024xi32>
    %select_n3A_1614 = arith.select %gt3A_1609, %broadcast_in_dim3A_1613, %select_n3A_1605 : vector<8x1024xi1>, vector<8x1024xi32>
    %get3A_1615 = arith.constant 1424 : index
    %get3A_1616 = arith.constant 0 : index
    %get3A_1617 = vector.load %arg5[%get3A_1615, %get3A_1616] : memref<4096x1024xf32, #tpu.memory_space<vmem>>, vector<8x1024xf32>
    %gt3A_1618 = arith.cmpf ogt, %get3A_1617, %select_n3A_1610 : vector<8x1024xf32>
    %select_n3A_1619 = arith.select %gt3A_1618, %get3A_1617, %select_n3A_1610 : vector<8x1024xi1>, vector<8x1024xf32>
    %add3A_1620 = arith.constant 178 : i32
    %add3A_1621 = arith.addi %mul3A_16, %add3A_1620 : i32
    %broadcast_in_dim3A_1622 = vector.broadcast %add3A_1621 : i32 to vector<8x1024xi32>
    %select_n3A_1623 = arith.select %gt3A_1618, %broadcast_in_dim3A_1622, %select_n3A_1614 : vector<8x1024xi1>, vector<8x1024xi32>
    %get3A_1624 = arith.constant 1432 : index
    %get3A_1625 = arith.constant 0 : index
    %get3A_1626 = vector.load %arg5[%get3A_1624, %get3A_1625] : memref<4096x1024xf32, #tpu.memory_space<vmem>>, vector<8x1024xf32>
    %gt3A_1627 = arith.cmpf ogt, %get3A_1626, %select_n3A_1619 : vector<8x1024xf32>
    %select_n3A_1628 = arith.select %gt3A_1627, %get3A_1626, %select_n3A_1619 : vector<8x1024xi1>, vector<8x1024xf32>
    %add3A_1629 = arith.constant 179 : i32
    %add3A_1630 = arith.addi %mul3A_16, %add3A_1629 : i32
    %broadcast_in_dim3A_1631 = vector.broadcast %add3A_1630 : i32 to vector<8x1024xi32>
    %select_n3A_1632 = arith.select %gt3A_1627, %broadcast_in_dim3A_1631, %select_n3A_1623 : vector<8x1024xi1>, vector<8x1024xi32>
    %get3A_1633 = arith.constant 1440 : index
    %get3A_1634 = arith.constant 0 : index
    %get3A_1635 = vector.load %arg5[%get3A_1633, %get3A_1634] : memref<4096x1024xf32, #tpu.memory_space<vmem>>, vector<8x1024xf32>
    %gt3A_1636 = arith.cmpf ogt, %get3A_1635, %select_n3A_1628 : vector<8x1024xf32>
    %select_n3A_1637 = arith.select %gt3A_1636, %get3A_1635, %select_n3A_1628 : vector<8x1024xi1>, vector<8x1024xf32>
    %add3A_1638 = arith.constant 180 : i32
    %add3A_1639 = arith.addi %mul3A_16, %add3A_1638 : i32
    %broadcast_in_dim3A_1640 = vector.broadcast %add3A_1639 : i32 to vector<8x1024xi32>
    %select_n3A_1641 = arith.select %gt3A_1636, %broadcast_in_dim3A_1640, %select_n3A_1632 : vector<8x1024xi1>, vector<8x1024xi32>
    %get3A_1642 = arith.constant 1448 : index
    %get3A_1643 = arith.constant 0 : index
    %get3A_1644 = vector.load %arg5[%get3A_1642, %get3A_1643] : memref<4096x1024xf32, #tpu.memory_space<vmem>>, vector<8x1024xf32>
    %gt3A_1645 = arith.cmpf ogt, %get3A_1644, %select_n3A_1637 : vector<8x1024xf32>
    %select_n3A_1646 = arith.select %gt3A_1645, %get3A_1644, %select_n3A_1637 : vector<8x1024xi1>, vector<8x1024xf32>
    %add3A_1647 = arith.constant 181 : i32
    %add3A_1648 = arith.addi %mul3A_16, %add3A_1647 : i32
    %broadcast_in_dim3A_1649 = vector.broadcast %add3A_1648 : i32 to vector<8x1024xi32>
    %select_n3A_1650 = arith.select %gt3A_1645, %broadcast_in_dim3A_1649, %select_n3A_1641 : vector<8x1024xi1>, vector<8x1024xi32>
    %get3A_1651 = arith.constant 1456 : index
    %get3A_1652 = arith.constant 0 : index
    %get3A_1653 = vector.load %arg5[%get3A_1651, %get3A_1652] : memref<4096x1024xf32, #tpu.memory_space<vmem>>, vector<8x1024xf32>
    %gt3A_1654 = arith.cmpf ogt, %get3A_1653, %select_n3A_1646 : vector<8x1024xf32>
    %select_n3A_1655 = arith.select %gt3A_1654, %get3A_1653, %select_n3A_1646 : vector<8x1024xi1>, vector<8x1024xf32>
    %add3A_1656 = arith.constant 182 : i32
    %add3A_1657 = arith.addi %mul3A_16, %add3A_1656 : i32
    %broadcast_in_dim3A_1658 = vector.broadcast %add3A_1657 : i32 to vector<8x1024xi32>
    %select_n3A_1659 = arith.select %gt3A_1654, %broadcast_in_dim3A_1658, %select_n3A_1650 : vector<8x1024xi1>, vector<8x1024xi32>
    %get3A_1660 = arith.constant 1464 : index
    %get3A_1661 = arith.constant 0 : index
    %get3A_1662 = vector.load %arg5[%get3A_1660, %get3A_1661] : memref<4096x1024xf32, #tpu.memory_space<vmem>>, vector<8x1024xf32>
    %gt3A_1663 = arith.cmpf ogt, %get3A_1662, %select_n3A_1655 : vector<8x1024xf32>
    %select_n3A_1664 = arith.select %gt3A_1663, %get3A_1662, %select_n3A_1655 : vector<8x1024xi1>, vector<8x1024xf32>
    %add3A_1665 = arith.constant 183 : i32
    %add3A_1666 = arith.addi %mul3A_16, %add3A_1665 : i32
    %broadcast_in_dim3A_1667 = vector.broadcast %add3A_1666 : i32 to vector<8x1024xi32>
    %select_n3A_1668 = arith.select %gt3A_1663, %broadcast_in_dim3A_1667, %select_n3A_1659 : vector<8x1024xi1>, vector<8x1024xi32>
    %get3A_1669 = arith.constant 1472 : index
    %get3A_1670 = arith.constant 0 : index
    %get3A_1671 = vector.load %arg5[%get3A_1669, %get3A_1670] : memref<4096x1024xf32, #tpu.memory_space<vmem>>, vector<8x1024xf32>
    %gt3A_1672 = arith.cmpf ogt, %get3A_1671, %select_n3A_1664 : vector<8x1024xf32>
    %select_n3A_1673 = arith.select %gt3A_1672, %get3A_1671, %select_n3A_1664 : vector<8x1024xi1>, vector<8x1024xf32>
    %add3A_1674 = arith.constant 184 : i32
    %add3A_1675 = arith.addi %mul3A_16, %add3A_1674 : i32
    %broadcast_in_dim3A_1676 = vector.broadcast %add3A_1675 : i32 to vector<8x1024xi32>
    %select_n3A_1677 = arith.select %gt3A_1672, %broadcast_in_dim3A_1676, %select_n3A_1668 : vector<8x1024xi1>, vector<8x1024xi32>
    %get3A_1678 = arith.constant 1480 : index
    %get3A_1679 = arith.constant 0 : index
    %get3A_1680 = vector.load %arg5[%get3A_1678, %get3A_1679] : memref<4096x1024xf32, #tpu.memory_space<vmem>>, vector<8x1024xf32>
    %gt3A_1681 = arith.cmpf ogt, %get3A_1680, %select_n3A_1673 : vector<8x1024xf32>
    %select_n3A_1682 = arith.select %gt3A_1681, %get3A_1680, %select_n3A_1673 : vector<8x1024xi1>, vector<8x1024xf32>
    %add3A_1683 = arith.constant 185 : i32
    %add3A_1684 = arith.addi %mul3A_16, %add3A_1683 : i32
    %broadcast_in_dim3A_1685 = vector.broadcast %add3A_1684 : i32 to vector<8x1024xi32>
    %select_n3A_1686 = arith.select %gt3A_1681, %broadcast_in_dim3A_1685, %select_n3A_1677 : vector<8x1024xi1>, vector<8x1024xi32>
    %get3A_1687 = arith.constant 1488 : index
    %get3A_1688 = arith.constant 0 : index
    %get3A_1689 = vector.load %arg5[%get3A_1687, %get3A_1688] : memref<4096x1024xf32, #tpu.memory_space<vmem>>, vector<8x1024xf32>
    %gt3A_1690 = arith.cmpf ogt, %get3A_1689, %select_n3A_1682 : vector<8x1024xf32>
    %select_n3A_1691 = arith.select %gt3A_1690, %get3A_1689, %select_n3A_1682 : vector<8x1024xi1>, vector<8x1024xf32>
    %add3A_1692 = arith.constant 186 : i32
    %add3A_1693 = arith.addi %mul3A_16, %add3A_1692 : i32
    %broadcast_in_dim3A_1694 = vector.broadcast %add3A_1693 : i32 to vector<8x1024xi32>
    %select_n3A_1695 = arith.select %gt3A_1690, %broadcast_in_dim3A_1694, %select_n3A_1686 : vector<8x1024xi1>, vector<8x1024xi32>
    %get3A_1696 = arith.constant 1496 : index
    %get3A_1697 = arith.constant 0 : index
    %get3A_1698 = vector.load %arg5[%get3A_1696, %get3A_1697] : memref<4096x1024xf32, #tpu.memory_space<vmem>>, vector<8x1024xf32>
    %gt3A_1699 = arith.cmpf ogt, %get3A_1698, %select_n3A_1691 : vector<8x1024xf32>
    %select_n3A_1700 = arith.select %gt3A_1699, %get3A_1698, %select_n3A_1691 : vector<8x1024xi1>, vector<8x1024xf32>
    %add3A_1701 = arith.constant 187 : i32
    %add3A_1702 = arith.addi %mul3A_16, %add3A_1701 : i32
    %broadcast_in_dim3A_1703 = vector.broadcast %add3A_1702 : i32 to vector<8x1024xi32>
    %select_n3A_1704 = arith.select %gt3A_1699, %broadcast_in_dim3A_1703, %select_n3A_1695 : vector<8x1024xi1>, vector<8x1024xi32>
    %get3A_1705 = arith.constant 1504 : index
    %get3A_1706 = arith.constant 0 : index
    %get3A_1707 = vector.load %arg5[%get3A_1705, %get3A_1706] : memref<4096x1024xf32, #tpu.memory_space<vmem>>, vector<8x1024xf32>
    %gt3A_1708 = arith.cmpf ogt, %get3A_1707, %select_n3A_1700 : vector<8x1024xf32>
    %select_n3A_1709 = arith.select %gt3A_1708, %get3A_1707, %select_n3A_1700 : vector<8x1024xi1>, vector<8x1024xf32>
    %add3A_1710 = arith.constant 188 : i32
    %add3A_1711 = arith.addi %mul3A_16, %add3A_1710 : i32
    %broadcast_in_dim3A_1712 = vector.broadcast %add3A_1711 : i32 to vector<8x1024xi32>
    %select_n3A_1713 = arith.select %gt3A_1708, %broadcast_in_dim3A_1712, %select_n3A_1704 : vector<8x1024xi1>, vector<8x1024xi32>
    %get3A_1714 = arith.constant 1512 : index
    %get3A_1715 = arith.constant 0 : index
    %get3A_1716 = vector.load %arg5[%get3A_1714, %get3A_1715] : memref<4096x1024xf32, #tpu.memory_space<vmem>>, vector<8x1024xf32>
    %gt3A_1717 = arith.cmpf ogt, %get3A_1716, %select_n3A_1709 : vector<8x1024xf32>
    %select_n3A_1718 = arith.select %gt3A_1717, %get3A_1716, %select_n3A_1709 : vector<8x1024xi1>, vector<8x1024xf32>
    %add3A_1719 = arith.constant 189 : i32
    %add3A_1720 = arith.addi %mul3A_16, %add3A_1719 : i32
    %broadcast_in_dim3A_1721 = vector.broadcast %add3A_1720 : i32 to vector<8x1024xi32>
    %select_n3A_1722 = arith.select %gt3A_1717, %broadcast_in_dim3A_1721, %select_n3A_1713 : vector<8x1024xi1>, vector<8x1024xi32>
    %get3A_1723 = arith.constant 1520 : index
    %get3A_1724 = arith.constant 0 : index
    %get3A_1725 = vector.load %arg5[%get3A_1723, %get3A_1724] : memref<4096x1024xf32, #tpu.memory_space<vmem>>, vector<8x1024xf32>
    %gt3A_1726 = arith.cmpf ogt, %get3A_1725, %select_n3A_1718 : vector<8x1024xf32>
    %select_n3A_1727 = arith.select %gt3A_1726, %get3A_1725, %select_n3A_1718 : vector<8x1024xi1>, vector<8x1024xf32>
    %add3A_1728 = arith.constant 190 : i32
    %add3A_1729 = arith.addi %mul3A_16, %add3A_1728 : i32
    %broadcast_in_dim3A_1730 = vector.broadcast %add3A_1729 : i32 to vector<8x1024xi32>
    %select_n3A_1731 = arith.select %gt3A_1726, %broadcast_in_dim3A_1730, %select_n3A_1722 : vector<8x1024xi1>, vector<8x1024xi32>
    %get3A_1732 = arith.constant 1528 : index
    %get3A_1733 = arith.constant 0 : index
    %get3A_1734 = vector.load %arg5[%get3A_1732, %get3A_1733] : memref<4096x1024xf32, #tpu.memory_space<vmem>>, vector<8x1024xf32>
    %gt3A_1735 = arith.cmpf ogt, %get3A_1734, %select_n3A_1727 : vector<8x1024xf32>
    %select_n3A_1736 = arith.select %gt3A_1735, %get3A_1734, %select_n3A_1727 : vector<8x1024xi1>, vector<8x1024xf32>
    %add3A_1737 = arith.constant 191 : i32
    %add3A_1738 = arith.addi %mul3A_16, %add3A_1737 : i32
    %broadcast_in_dim3A_1739 = vector.broadcast %add3A_1738 : i32 to vector<8x1024xi32>
    %select_n3A_1740 = arith.select %gt3A_1735, %broadcast_in_dim3A_1739, %select_n3A_1731 : vector<8x1024xi1>, vector<8x1024xi32>
    %get3A_1741 = arith.constant 1536 : index
    %get3A_1742 = arith.constant 0 : index
    %get3A_1743 = vector.load %arg5[%get3A_1741, %get3A_1742] : memref<4096x1024xf32, #tpu.memory_space<vmem>>, vector<8x1024xf32>
    %gt3A_1744 = arith.cmpf ogt, %get3A_1743, %select_n3A_1736 : vector<8x1024xf32>
    %select_n3A_1745 = arith.select %gt3A_1744, %get3A_1743, %select_n3A_1736 : vector<8x1024xi1>, vector<8x1024xf32>
    %add3A_1746 = arith.constant 192 : i32
    %add3A_1747 = arith.addi %mul3A_16, %add3A_1746 : i32
    %broadcast_in_dim3A_1748 = vector.broadcast %add3A_1747 : i32 to vector<8x1024xi32>
    %select_n3A_1749 = arith.select %gt3A_1744, %broadcast_in_dim3A_1748, %select_n3A_1740 : vector<8x1024xi1>, vector<8x1024xi32>
    %get3A_1750 = arith.constant 1544 : index
    %get3A_1751 = arith.constant 0 : index
    %get3A_1752 = vector.load %arg5[%get3A_1750, %get3A_1751] : memref<4096x1024xf32, #tpu.memory_space<vmem>>, vector<8x1024xf32>
    %gt3A_1753 = arith.cmpf ogt, %get3A_1752, %select_n3A_1745 : vector<8x1024xf32>
    %select_n3A_1754 = arith.select %gt3A_1753, %get3A_1752, %select_n3A_1745 : vector<8x1024xi1>, vector<8x1024xf32>
    %add3A_1755 = arith.constant 193 : i32
    %add3A_1756 = arith.addi %mul3A_16, %add3A_1755 : i32
    %broadcast_in_dim3A_1757 = vector.broadcast %add3A_1756 : i32 to vector<8x1024xi32>
    %select_n3A_1758 = arith.select %gt3A_1753, %broadcast_in_dim3A_1757, %select_n3A_1749 : vector<8x1024xi1>, vector<8x1024xi32>
    %get3A_1759 = arith.constant 1552 : index
    %get3A_1760 = arith.constant 0 : index
    %get3A_1761 = vector.load %arg5[%get3A_1759, %get3A_1760] : memref<4096x1024xf32, #tpu.memory_space<vmem>>, vector<8x1024xf32>
    %gt3A_1762 = arith.cmpf ogt, %get3A_1761, %select_n3A_1754 : vector<8x1024xf32>
    %select_n3A_1763 = arith.select %gt3A_1762, %get3A_1761, %select_n3A_1754 : vector<8x1024xi1>, vector<8x1024xf32>
    %add3A_1764 = arith.constant 194 : i32
    %add3A_1765 = arith.addi %mul3A_16, %add3A_1764 : i32
    %broadcast_in_dim3A_1766 = vector.broadcast %add3A_1765 : i32 to vector<8x1024xi32>
    %select_n3A_1767 = arith.select %gt3A_1762, %broadcast_in_dim3A_1766, %select_n3A_1758 : vector<8x1024xi1>, vector<8x1024xi32>
    %get3A_1768 = arith.constant 1560 : index
    %get3A_1769 = arith.constant 0 : index
    %get3A_1770 = vector.load %arg5[%get3A_1768, %get3A_1769] : memref<4096x1024xf32, #tpu.memory_space<vmem>>, vector<8x1024xf32>
    %gt3A_1771 = arith.cmpf ogt, %get3A_1770, %select_n3A_1763 : vector<8x1024xf32>
    %select_n3A_1772 = arith.select %gt3A_1771, %get3A_1770, %select_n3A_1763 : vector<8x1024xi1>, vector<8x1024xf32>
    %add3A_1773 = arith.constant 195 : i32
    %add3A_1774 = arith.addi %mul3A_16, %add3A_1773 : i32
    %broadcast_in_dim3A_1775 = vector.broadcast %add3A_1774 : i32 to vector<8x1024xi32>
    %select_n3A_1776 = arith.select %gt3A_1771, %broadcast_in_dim3A_1775, %select_n3A_1767 : vector<8x1024xi1>, vector<8x1024xi32>
    %get3A_1777 = arith.constant 1568 : index
    %get3A_1778 = arith.constant 0 : index
    %get3A_1779 = vector.load %arg5[%get3A_1777, %get3A_1778] : memref<4096x1024xf32, #tpu.memory_space<vmem>>, vector<8x1024xf32>
    %gt3A_1780 = arith.cmpf ogt, %get3A_1779, %select_n3A_1772 : vector<8x1024xf32>
    %select_n3A_1781 = arith.select %gt3A_1780, %get3A_1779, %select_n3A_1772 : vector<8x1024xi1>, vector<8x1024xf32>
    %add3A_1782 = arith.constant 196 : i32
    %add3A_1783 = arith.addi %mul3A_16, %add3A_1782 : i32
    %broadcast_in_dim3A_1784 = vector.broadcast %add3A_1783 : i32 to vector<8x1024xi32>
    %select_n3A_1785 = arith.select %gt3A_1780, %broadcast_in_dim3A_1784, %select_n3A_1776 : vector<8x1024xi1>, vector<8x1024xi32>
    %get3A_1786 = arith.constant 1576 : index
    %get3A_1787 = arith.constant 0 : index
    %get3A_1788 = vector.load %arg5[%get3A_1786, %get3A_1787] : memref<4096x1024xf32, #tpu.memory_space<vmem>>, vector<8x1024xf32>
    %gt3A_1789 = arith.cmpf ogt, %get3A_1788, %select_n3A_1781 : vector<8x1024xf32>
    %select_n3A_1790 = arith.select %gt3A_1789, %get3A_1788, %select_n3A_1781 : vector<8x1024xi1>, vector<8x1024xf32>
    %add3A_1791 = arith.constant 197 : i32
    %add3A_1792 = arith.addi %mul3A_16, %add3A_1791 : i32
    %broadcast_in_dim3A_1793 = vector.broadcast %add3A_1792 : i32 to vector<8x1024xi32>
    %select_n3A_1794 = arith.select %gt3A_1789, %broadcast_in_dim3A_1793, %select_n3A_1785 : vector<8x1024xi1>, vector<8x1024xi32>
    %get3A_1795 = arith.constant 1584 : index
    %get3A_1796 = arith.constant 0 : index
    %get3A_1797 = vector.load %arg5[%get3A_1795, %get3A_1796] : memref<4096x1024xf32, #tpu.memory_space<vmem>>, vector<8x1024xf32>
    %gt3A_1798 = arith.cmpf ogt, %get3A_1797, %select_n3A_1790 : vector<8x1024xf32>
    %select_n3A_1799 = arith.select %gt3A_1798, %get3A_1797, %select_n3A_1790 : vector<8x1024xi1>, vector<8x1024xf32>
    %add3A_1800 = arith.constant 198 : i32
    %add3A_1801 = arith.addi %mul3A_16, %add3A_1800 : i32
    %broadcast_in_dim3A_1802 = vector.broadcast %add3A_1801 : i32 to vector<8x1024xi32>
    %select_n3A_1803 = arith.select %gt3A_1798, %broadcast_in_dim3A_1802, %select_n3A_1794 : vector<8x1024xi1>, vector<8x1024xi32>
    %get3A_1804 = arith.constant 1592 : index
    %get3A_1805 = arith.constant 0 : index
    %get3A_1806 = vector.load %arg5[%get3A_1804, %get3A_1805] : memref<4096x1024xf32, #tpu.memory_space<vmem>>, vector<8x1024xf32>
    %gt3A_1807 = arith.cmpf ogt, %get3A_1806, %select_n3A_1799 : vector<8x1024xf32>
    %select_n3A_1808 = arith.select %gt3A_1807, %get3A_1806, %select_n3A_1799 : vector<8x1024xi1>, vector<8x1024xf32>
    %add3A_1809 = arith.constant 199 : i32
    %add3A_1810 = arith.addi %mul3A_16, %add3A_1809 : i32
    %broadcast_in_dim3A_1811 = vector.broadcast %add3A_1810 : i32 to vector<8x1024xi32>
    %select_n3A_1812 = arith.select %gt3A_1807, %broadcast_in_dim3A_1811, %select_n3A_1803 : vector<8x1024xi1>, vector<8x1024xi32>
    %get3A_1813 = arith.constant 1600 : index
    %get3A_1814 = arith.constant 0 : index
    %get3A_1815 = vector.load %arg5[%get3A_1813, %get3A_1814] : memref<4096x1024xf32, #tpu.memory_space<vmem>>, vector<8x1024xf32>
    %gt3A_1816 = arith.cmpf ogt, %get3A_1815, %select_n3A_1808 : vector<8x1024xf32>
    %select_n3A_1817 = arith.select %gt3A_1816, %get3A_1815, %select_n3A_1808 : vector<8x1024xi1>, vector<8x1024xf32>
    %add3A_1818 = arith.constant 200 : i32
    %add3A_1819 = arith.addi %mul3A_16, %add3A_1818 : i32
    %broadcast_in_dim3A_1820 = vector.broadcast %add3A_1819 : i32 to vector<8x1024xi32>
    %select_n3A_1821 = arith.select %gt3A_1816, %broadcast_in_dim3A_1820, %select_n3A_1812 : vector<8x1024xi1>, vector<8x1024xi32>
    %get3A_1822 = arith.constant 1608 : index
    %get3A_1823 = arith.constant 0 : index
    %get3A_1824 = vector.load %arg5[%get3A_1822, %get3A_1823] : memref<4096x1024xf32, #tpu.memory_space<vmem>>, vector<8x1024xf32>
    %gt3A_1825 = arith.cmpf ogt, %get3A_1824, %select_n3A_1817 : vector<8x1024xf32>
    %select_n3A_1826 = arith.select %gt3A_1825, %get3A_1824, %select_n3A_1817 : vector<8x1024xi1>, vector<8x1024xf32>
    %add3A_1827 = arith.constant 201 : i32
    %add3A_1828 = arith.addi %mul3A_16, %add3A_1827 : i32
    %broadcast_in_dim3A_1829 = vector.broadcast %add3A_1828 : i32 to vector<8x1024xi32>
    %select_n3A_1830 = arith.select %gt3A_1825, %broadcast_in_dim3A_1829, %select_n3A_1821 : vector<8x1024xi1>, vector<8x1024xi32>
    %get3A_1831 = arith.constant 1616 : index
    %get3A_1832 = arith.constant 0 : index
    %get3A_1833 = vector.load %arg5[%get3A_1831, %get3A_1832] : memref<4096x1024xf32, #tpu.memory_space<vmem>>, vector<8x1024xf32>
    %gt3A_1834 = arith.cmpf ogt, %get3A_1833, %select_n3A_1826 : vector<8x1024xf32>
    %select_n3A_1835 = arith.select %gt3A_1834, %get3A_1833, %select_n3A_1826 : vector<8x1024xi1>, vector<8x1024xf32>
    %add3A_1836 = arith.constant 202 : i32
    %add3A_1837 = arith.addi %mul3A_16, %add3A_1836 : i32
    %broadcast_in_dim3A_1838 = vector.broadcast %add3A_1837 : i32 to vector<8x1024xi32>
    %select_n3A_1839 = arith.select %gt3A_1834, %broadcast_in_dim3A_1838, %select_n3A_1830 : vector<8x1024xi1>, vector<8x1024xi32>
    %get3A_1840 = arith.constant 1624 : index
    %get3A_1841 = arith.constant 0 : index
    %get3A_1842 = vector.load %arg5[%get3A_1840, %get3A_1841] : memref<4096x1024xf32, #tpu.memory_space<vmem>>, vector<8x1024xf32>
    %gt3A_1843 = arith.cmpf ogt, %get3A_1842, %select_n3A_1835 : vector<8x1024xf32>
    %select_n3A_1844 = arith.select %gt3A_1843, %get3A_1842, %select_n3A_1835 : vector<8x1024xi1>, vector<8x1024xf32>
    %add3A_1845 = arith.constant 203 : i32
    %add3A_1846 = arith.addi %mul3A_16, %add3A_1845 : i32
    %broadcast_in_dim3A_1847 = vector.broadcast %add3A_1846 : i32 to vector<8x1024xi32>
    %select_n3A_1848 = arith.select %gt3A_1843, %broadcast_in_dim3A_1847, %select_n3A_1839 : vector<8x1024xi1>, vector<8x1024xi32>
    %get3A_1849 = arith.constant 1632 : index
    %get3A_1850 = arith.constant 0 : index
    %get3A_1851 = vector.load %arg5[%get3A_1849, %get3A_1850] : memref<4096x1024xf32, #tpu.memory_space<vmem>>, vector<8x1024xf32>
    %gt3A_1852 = arith.cmpf ogt, %get3A_1851, %select_n3A_1844 : vector<8x1024xf32>
    %select_n3A_1853 = arith.select %gt3A_1852, %get3A_1851, %select_n3A_1844 : vector<8x1024xi1>, vector<8x1024xf32>
    %add3A_1854 = arith.constant 204 : i32
    %add3A_1855 = arith.addi %mul3A_16, %add3A_1854 : i32
    %broadcast_in_dim3A_1856 = vector.broadcast %add3A_1855 : i32 to vector<8x1024xi32>
    %select_n3A_1857 = arith.select %gt3A_1852, %broadcast_in_dim3A_1856, %select_n3A_1848 : vector<8x1024xi1>, vector<8x1024xi32>
    %get3A_1858 = arith.constant 1640 : index
    %get3A_1859 = arith.constant 0 : index
    %get3A_1860 = vector.load %arg5[%get3A_1858, %get3A_1859] : memref<4096x1024xf32, #tpu.memory_space<vmem>>, vector<8x1024xf32>
    %gt3A_1861 = arith.cmpf ogt, %get3A_1860, %select_n3A_1853 : vector<8x1024xf32>
    %select_n3A_1862 = arith.select %gt3A_1861, %get3A_1860, %select_n3A_1853 : vector<8x1024xi1>, vector<8x1024xf32>
    %add3A_1863 = arith.constant 205 : i32
    %add3A_1864 = arith.addi %mul3A_16, %add3A_1863 : i32
    %broadcast_in_dim3A_1865 = vector.broadcast %add3A_1864 : i32 to vector<8x1024xi32>
    %select_n3A_1866 = arith.select %gt3A_1861, %broadcast_in_dim3A_1865, %select_n3A_1857 : vector<8x1024xi1>, vector<8x1024xi32>
    %get3A_1867 = arith.constant 1648 : index
    %get3A_1868 = arith.constant 0 : index
    %get3A_1869 = vector.load %arg5[%get3A_1867, %get3A_1868] : memref<4096x1024xf32, #tpu.memory_space<vmem>>, vector<8x1024xf32>
    %gt3A_1870 = arith.cmpf ogt, %get3A_1869, %select_n3A_1862 : vector<8x1024xf32>
    %select_n3A_1871 = arith.select %gt3A_1870, %get3A_1869, %select_n3A_1862 : vector<8x1024xi1>, vector<8x1024xf32>
    %add3A_1872 = arith.constant 206 : i32
    %add3A_1873 = arith.addi %mul3A_16, %add3A_1872 : i32
    %broadcast_in_dim3A_1874 = vector.broadcast %add3A_1873 : i32 to vector<8x1024xi32>
    %select_n3A_1875 = arith.select %gt3A_1870, %broadcast_in_dim3A_1874, %select_n3A_1866 : vector<8x1024xi1>, vector<8x1024xi32>
    %get3A_1876 = arith.constant 1656 : index
    %get3A_1877 = arith.constant 0 : index
    %get3A_1878 = vector.load %arg5[%get3A_1876, %get3A_1877] : memref<4096x1024xf32, #tpu.memory_space<vmem>>, vector<8x1024xf32>
    %gt3A_1879 = arith.cmpf ogt, %get3A_1878, %select_n3A_1871 : vector<8x1024xf32>
    %select_n3A_1880 = arith.select %gt3A_1879, %get3A_1878, %select_n3A_1871 : vector<8x1024xi1>, vector<8x1024xf32>
    %add3A_1881 = arith.constant 207 : i32
    %add3A_1882 = arith.addi %mul3A_16, %add3A_1881 : i32
    %broadcast_in_dim3A_1883 = vector.broadcast %add3A_1882 : i32 to vector<8x1024xi32>
    %select_n3A_1884 = arith.select %gt3A_1879, %broadcast_in_dim3A_1883, %select_n3A_1875 : vector<8x1024xi1>, vector<8x1024xi32>
    %get3A_1885 = arith.constant 1664 : index
    %get3A_1886 = arith.constant 0 : index
    %get3A_1887 = vector.load %arg5[%get3A_1885, %get3A_1886] : memref<4096x1024xf32, #tpu.memory_space<vmem>>, vector<8x1024xf32>
    %gt3A_1888 = arith.cmpf ogt, %get3A_1887, %select_n3A_1880 : vector<8x1024xf32>
    %select_n3A_1889 = arith.select %gt3A_1888, %get3A_1887, %select_n3A_1880 : vector<8x1024xi1>, vector<8x1024xf32>
    %add3A_1890 = arith.constant 208 : i32
    %add3A_1891 = arith.addi %mul3A_16, %add3A_1890 : i32
    %broadcast_in_dim3A_1892 = vector.broadcast %add3A_1891 : i32 to vector<8x1024xi32>
    %select_n3A_1893 = arith.select %gt3A_1888, %broadcast_in_dim3A_1892, %select_n3A_1884 : vector<8x1024xi1>, vector<8x1024xi32>
    %get3A_1894 = arith.constant 1672 : index
    %get3A_1895 = arith.constant 0 : index
    %get3A_1896 = vector.load %arg5[%get3A_1894, %get3A_1895] : memref<4096x1024xf32, #tpu.memory_space<vmem>>, vector<8x1024xf32>
    %gt3A_1897 = arith.cmpf ogt, %get3A_1896, %select_n3A_1889 : vector<8x1024xf32>
    %select_n3A_1898 = arith.select %gt3A_1897, %get3A_1896, %select_n3A_1889 : vector<8x1024xi1>, vector<8x1024xf32>
    %add3A_1899 = arith.constant 209 : i32
    %add3A_1900 = arith.addi %mul3A_16, %add3A_1899 : i32
    %broadcast_in_dim3A_1901 = vector.broadcast %add3A_1900 : i32 to vector<8x1024xi32>
    %select_n3A_1902 = arith.select %gt3A_1897, %broadcast_in_dim3A_1901, %select_n3A_1893 : vector<8x1024xi1>, vector<8x1024xi32>
    %get3A_1903 = arith.constant 1680 : index
    %get3A_1904 = arith.constant 0 : index
    %get3A_1905 = vector.load %arg5[%get3A_1903, %get3A_1904] : memref<4096x1024xf32, #tpu.memory_space<vmem>>, vector<8x1024xf32>
    %gt3A_1906 = arith.cmpf ogt, %get3A_1905, %select_n3A_1898 : vector<8x1024xf32>
    %select_n3A_1907 = arith.select %gt3A_1906, %get3A_1905, %select_n3A_1898 : vector<8x1024xi1>, vector<8x1024xf32>
    %add3A_1908 = arith.constant 210 : i32
    %add3A_1909 = arith.addi %mul3A_16, %add3A_1908 : i32
    %broadcast_in_dim3A_1910 = vector.broadcast %add3A_1909 : i32 to vector<8x1024xi32>
    %select_n3A_1911 = arith.select %gt3A_1906, %broadcast_in_dim3A_1910, %select_n3A_1902 : vector<8x1024xi1>, vector<8x1024xi32>
    %get3A_1912 = arith.constant 1688 : index
    %get3A_1913 = arith.constant 0 : index
    %get3A_1914 = vector.load %arg5[%get3A_1912, %get3A_1913] : memref<4096x1024xf32, #tpu.memory_space<vmem>>, vector<8x1024xf32>
    %gt3A_1915 = arith.cmpf ogt, %get3A_1914, %select_n3A_1907 : vector<8x1024xf32>
    %select_n3A_1916 = arith.select %gt3A_1915, %get3A_1914, %select_n3A_1907 : vector<8x1024xi1>, vector<8x1024xf32>
    %add3A_1917 = arith.constant 211 : i32
    %add3A_1918 = arith.addi %mul3A_16, %add3A_1917 : i32
    %broadcast_in_dim3A_1919 = vector.broadcast %add3A_1918 : i32 to vector<8x1024xi32>
    %select_n3A_1920 = arith.select %gt3A_1915, %broadcast_in_dim3A_1919, %select_n3A_1911 : vector<8x1024xi1>, vector<8x1024xi32>
    %get3A_1921 = arith.constant 1696 : index
    %get3A_1922 = arith.constant 0 : index
    %get3A_1923 = vector.load %arg5[%get3A_1921, %get3A_1922] : memref<4096x1024xf32, #tpu.memory_space<vmem>>, vector<8x1024xf32>
    %gt3A_1924 = arith.cmpf ogt, %get3A_1923, %select_n3A_1916 : vector<8x1024xf32>
    %select_n3A_1925 = arith.select %gt3A_1924, %get3A_1923, %select_n3A_1916 : vector<8x1024xi1>, vector<8x1024xf32>
    %add3A_1926 = arith.constant 212 : i32
    %add3A_1927 = arith.addi %mul3A_16, %add3A_1926 : i32
    %broadcast_in_dim3A_1928 = vector.broadcast %add3A_1927 : i32 to vector<8x1024xi32>
    %select_n3A_1929 = arith.select %gt3A_1924, %broadcast_in_dim3A_1928, %select_n3A_1920 : vector<8x1024xi1>, vector<8x1024xi32>
    %get3A_1930 = arith.constant 1704 : index
    %get3A_1931 = arith.constant 0 : index
    %get3A_1932 = vector.load %arg5[%get3A_1930, %get3A_1931] : memref<4096x1024xf32, #tpu.memory_space<vmem>>, vector<8x1024xf32>
    %gt3A_1933 = arith.cmpf ogt, %get3A_1932, %select_n3A_1925 : vector<8x1024xf32>
    %select_n3A_1934 = arith.select %gt3A_1933, %get3A_1932, %select_n3A_1925 : vector<8x1024xi1>, vector<8x1024xf32>
    %add3A_1935 = arith.constant 213 : i32
    %add3A_1936 = arith.addi %mul3A_16, %add3A_1935 : i32
    %broadcast_in_dim3A_1937 = vector.broadcast %add3A_1936 : i32 to vector<8x1024xi32>
    %select_n3A_1938 = arith.select %gt3A_1933, %broadcast_in_dim3A_1937, %select_n3A_1929 : vector<8x1024xi1>, vector<8x1024xi32>
    %get3A_1939 = arith.constant 1712 : index
    %get3A_1940 = arith.constant 0 : index
    %get3A_1941 = vector.load %arg5[%get3A_1939, %get3A_1940] : memref<4096x1024xf32, #tpu.memory_space<vmem>>, vector<8x1024xf32>
    %gt3A_1942 = arith.cmpf ogt, %get3A_1941, %select_n3A_1934 : vector<8x1024xf32>
    %select_n3A_1943 = arith.select %gt3A_1942, %get3A_1941, %select_n3A_1934 : vector<8x1024xi1>, vector<8x1024xf32>
    %add3A_1944 = arith.constant 214 : i32
    %add3A_1945 = arith.addi %mul3A_16, %add3A_1944 : i32
    %broadcast_in_dim3A_1946 = vector.broadcast %add3A_1945 : i32 to vector<8x1024xi32>
    %select_n3A_1947 = arith.select %gt3A_1942, %broadcast_in_dim3A_1946, %select_n3A_1938 : vector<8x1024xi1>, vector<8x1024xi32>
    %get3A_1948 = arith.constant 1720 : index
    %get3A_1949 = arith.constant 0 : index
    %get3A_1950 = vector.load %arg5[%get3A_1948, %get3A_1949] : memref<4096x1024xf32, #tpu.memory_space<vmem>>, vector<8x1024xf32>
    %gt3A_1951 = arith.cmpf ogt, %get3A_1950, %select_n3A_1943 : vector<8x1024xf32>
    %select_n3A_1952 = arith.select %gt3A_1951, %get3A_1950, %select_n3A_1943 : vector<8x1024xi1>, vector<8x1024xf32>
    %add3A_1953 = arith.constant 215 : i32
    %add3A_1954 = arith.addi %mul3A_16, %add3A_1953 : i32
    %broadcast_in_dim3A_1955 = vector.broadcast %add3A_1954 : i32 to vector<8x1024xi32>
    %select_n3A_1956 = arith.select %gt3A_1951, %broadcast_in_dim3A_1955, %select_n3A_1947 : vector<8x1024xi1>, vector<8x1024xi32>
    %get3A_1957 = arith.constant 1728 : index
    %get3A_1958 = arith.constant 0 : index
    %get3A_1959 = vector.load %arg5[%get3A_1957, %get3A_1958] : memref<4096x1024xf32, #tpu.memory_space<vmem>>, vector<8x1024xf32>
    %gt3A_1960 = arith.cmpf ogt, %get3A_1959, %select_n3A_1952 : vector<8x1024xf32>
    %select_n3A_1961 = arith.select %gt3A_1960, %get3A_1959, %select_n3A_1952 : vector<8x1024xi1>, vector<8x1024xf32>
    %add3A_1962 = arith.constant 216 : i32
    %add3A_1963 = arith.addi %mul3A_16, %add3A_1962 : i32
    %broadcast_in_dim3A_1964 = vector.broadcast %add3A_1963 : i32 to vector<8x1024xi32>
    %select_n3A_1965 = arith.select %gt3A_1960, %broadcast_in_dim3A_1964, %select_n3A_1956 : vector<8x1024xi1>, vector<8x1024xi32>
    %get3A_1966 = arith.constant 1736 : index
    %get3A_1967 = arith.constant 0 : index
    %get3A_1968 = vector.load %arg5[%get3A_1966, %get3A_1967] : memref<4096x1024xf32, #tpu.memory_space<vmem>>, vector<8x1024xf32>
    %gt3A_1969 = arith.cmpf ogt, %get3A_1968, %select_n3A_1961 : vector<8x1024xf32>
    %select_n3A_1970 = arith.select %gt3A_1969, %get3A_1968, %select_n3A_1961 : vector<8x1024xi1>, vector<8x1024xf32>
    %add3A_1971 = arith.constant 217 : i32
    %add3A_1972 = arith.addi %mul3A_16, %add3A_1971 : i32
    %broadcast_in_dim3A_1973 = vector.broadcast %add3A_1972 : i32 to vector<8x1024xi32>
    %select_n3A_1974 = arith.select %gt3A_1969, %broadcast_in_dim3A_1973, %select_n3A_1965 : vector<8x1024xi1>, vector<8x1024xi32>
    %get3A_1975 = arith.constant 1744 : index
    %get3A_1976 = arith.constant 0 : index
    %get3A_1977 = vector.load %arg5[%get3A_1975, %get3A_1976] : memref<4096x1024xf32, #tpu.memory_space<vmem>>, vector<8x1024xf32>
    %gt3A_1978 = arith.cmpf ogt, %get3A_1977, %select_n3A_1970 : vector<8x1024xf32>
    %select_n3A_1979 = arith.select %gt3A_1978, %get3A_1977, %select_n3A_1970 : vector<8x1024xi1>, vector<8x1024xf32>
    %add3A_1980 = arith.constant 218 : i32
    %add3A_1981 = arith.addi %mul3A_16, %add3A_1980 : i32
    %broadcast_in_dim3A_1982 = vector.broadcast %add3A_1981 : i32 to vector<8x1024xi32>
    %select_n3A_1983 = arith.select %gt3A_1978, %broadcast_in_dim3A_1982, %select_n3A_1974 : vector<8x1024xi1>, vector<8x1024xi32>
    %get3A_1984 = arith.constant 1752 : index
    %get3A_1985 = arith.constant 0 : index
    %get3A_1986 = vector.load %arg5[%get3A_1984, %get3A_1985] : memref<4096x1024xf32, #tpu.memory_space<vmem>>, vector<8x1024xf32>
    %gt3A_1987 = arith.cmpf ogt, %get3A_1986, %select_n3A_1979 : vector<8x1024xf32>
    %select_n3A_1988 = arith.select %gt3A_1987, %get3A_1986, %select_n3A_1979 : vector<8x1024xi1>, vector<8x1024xf32>
    %add3A_1989 = arith.constant 219 : i32
    %add3A_1990 = arith.addi %mul3A_16, %add3A_1989 : i32
    %broadcast_in_dim3A_1991 = vector.broadcast %add3A_1990 : i32 to vector<8x1024xi32>
    %select_n3A_1992 = arith.select %gt3A_1987, %broadcast_in_dim3A_1991, %select_n3A_1983 : vector<8x1024xi1>, vector<8x1024xi32>
    %get3A_1993 = arith.constant 1760 : index
    %get3A_1994 = arith.constant 0 : index
    %get3A_1995 = vector.load %arg5[%get3A_1993, %get3A_1994] : memref<4096x1024xf32, #tpu.memory_space<vmem>>, vector<8x1024xf32>
    %gt3A_1996 = arith.cmpf ogt, %get3A_1995, %select_n3A_1988 : vector<8x1024xf32>
    %select_n3A_1997 = arith.select %gt3A_1996, %get3A_1995, %select_n3A_1988 : vector<8x1024xi1>, vector<8x1024xf32>
    %add3A_1998 = arith.constant 220 : i32
    %add3A_1999 = arith.addi %mul3A_16, %add3A_1998 : i32
    %broadcast_in_dim3A_2000 = vector.broadcast %add3A_1999 : i32 to vector<8x1024xi32>
    %select_n3A_2001 = arith.select %gt3A_1996, %broadcast_in_dim3A_2000, %select_n3A_1992 : vector<8x1024xi1>, vector<8x1024xi32>
    %get3A_2002 = arith.constant 1768 : index
    %get3A_2003 = arith.constant 0 : index
    %get3A_2004 = vector.load %arg5[%get3A_2002, %get3A_2003] : memref<4096x1024xf32, #tpu.memory_space<vmem>>, vector<8x1024xf32>
    %gt3A_2005 = arith.cmpf ogt, %get3A_2004, %select_n3A_1997 : vector<8x1024xf32>
    %select_n3A_2006 = arith.select %gt3A_2005, %get3A_2004, %select_n3A_1997 : vector<8x1024xi1>, vector<8x1024xf32>
    %add3A_2007 = arith.constant 221 : i32
    %add3A_2008 = arith.addi %mul3A_16, %add3A_2007 : i32
    %broadcast_in_dim3A_2009 = vector.broadcast %add3A_2008 : i32 to vector<8x1024xi32>
    %select_n3A_2010 = arith.select %gt3A_2005, %broadcast_in_dim3A_2009, %select_n3A_2001 : vector<8x1024xi1>, vector<8x1024xi32>
    %get3A_2011 = arith.constant 1776 : index
    %get3A_2012 = arith.constant 0 : index
    %get3A_2013 = vector.load %arg5[%get3A_2011, %get3A_2012] : memref<4096x1024xf32, #tpu.memory_space<vmem>>, vector<8x1024xf32>
    %gt3A_2014 = arith.cmpf ogt, %get3A_2013, %select_n3A_2006 : vector<8x1024xf32>
    %select_n3A_2015 = arith.select %gt3A_2014, %get3A_2013, %select_n3A_2006 : vector<8x1024xi1>, vector<8x1024xf32>
    %add3A_2016 = arith.constant 222 : i32
    %add3A_2017 = arith.addi %mul3A_16, %add3A_2016 : i32
    %broadcast_in_dim3A_2018 = vector.broadcast %add3A_2017 : i32 to vector<8x1024xi32>
    %select_n3A_2019 = arith.select %gt3A_2014, %broadcast_in_dim3A_2018, %select_n3A_2010 : vector<8x1024xi1>, vector<8x1024xi32>
    %get3A_2020 = arith.constant 1784 : index
    %get3A_2021 = arith.constant 0 : index
    %get3A_2022 = vector.load %arg5[%get3A_2020, %get3A_2021] : memref<4096x1024xf32, #tpu.memory_space<vmem>>, vector<8x1024xf32>
    %gt3A_2023 = arith.cmpf ogt, %get3A_2022, %select_n3A_2015 : vector<8x1024xf32>
    %select_n3A_2024 = arith.select %gt3A_2023, %get3A_2022, %select_n3A_2015 : vector<8x1024xi1>, vector<8x1024xf32>
    %add3A_2025 = arith.constant 223 : i32
    %add3A_2026 = arith.addi %mul3A_16, %add3A_2025 : i32
    %broadcast_in_dim3A_2027 = vector.broadcast %add3A_2026 : i32 to vector<8x1024xi32>
    %select_n3A_2028 = arith.select %gt3A_2023, %broadcast_in_dim3A_2027, %select_n3A_2019 : vector<8x1024xi1>, vector<8x1024xi32>
    %get3A_2029 = arith.constant 1792 : index
    %get3A_2030 = arith.constant 0 : index
    %get3A_2031 = vector.load %arg5[%get3A_2029, %get3A_2030] : memref<4096x1024xf32, #tpu.memory_space<vmem>>, vector<8x1024xf32>
    %gt3A_2032 = arith.cmpf ogt, %get3A_2031, %select_n3A_2024 : vector<8x1024xf32>
    %select_n3A_2033 = arith.select %gt3A_2032, %get3A_2031, %select_n3A_2024 : vector<8x1024xi1>, vector<8x1024xf32>
    %add3A_2034 = arith.constant 224 : i32
    %add3A_2035 = arith.addi %mul3A_16, %add3A_2034 : i32
    %broadcast_in_dim3A_2036 = vector.broadcast %add3A_2035 : i32 to vector<8x1024xi32>
    %select_n3A_2037 = arith.select %gt3A_2032, %broadcast_in_dim3A_2036, %select_n3A_2028 : vector<8x1024xi1>, vector<8x1024xi32>
    %get3A_2038 = arith.constant 1800 : index
    %get3A_2039 = arith.constant 0 : index
    %get3A_2040 = vector.load %arg5[%get3A_2038, %get3A_2039] : memref<4096x1024xf32, #tpu.memory_space<vmem>>, vector<8x1024xf32>
    %gt3A_2041 = arith.cmpf ogt, %get3A_2040, %select_n3A_2033 : vector<8x1024xf32>
    %select_n3A_2042 = arith.select %gt3A_2041, %get3A_2040, %select_n3A_2033 : vector<8x1024xi1>, vector<8x1024xf32>
    %add3A_2043 = arith.constant 225 : i32
    %add3A_2044 = arith.addi %mul3A_16, %add3A_2043 : i32
    %broadcast_in_dim3A_2045 = vector.broadcast %add3A_2044 : i32 to vector<8x1024xi32>
    %select_n3A_2046 = arith.select %gt3A_2041, %broadcast_in_dim3A_2045, %select_n3A_2037 : vector<8x1024xi1>, vector<8x1024xi32>
    %get3A_2047 = arith.constant 1808 : index
    %get3A_2048 = arith.constant 0 : index
    %get3A_2049 = vector.load %arg5[%get3A_2047, %get3A_2048] : memref<4096x1024xf32, #tpu.memory_space<vmem>>, vector<8x1024xf32>
    %gt3A_2050 = arith.cmpf ogt, %get3A_2049, %select_n3A_2042 : vector<8x1024xf32>
    %select_n3A_2051 = arith.select %gt3A_2050, %get3A_2049, %select_n3A_2042 : vector<8x1024xi1>, vector<8x1024xf32>
    %add3A_2052 = arith.constant 226 : i32
    %add3A_2053 = arith.addi %mul3A_16, %add3A_2052 : i32
    %broadcast_in_dim3A_2054 = vector.broadcast %add3A_2053 : i32 to vector<8x1024xi32>
    %select_n3A_2055 = arith.select %gt3A_2050, %broadcast_in_dim3A_2054, %select_n3A_2046 : vector<8x1024xi1>, vector<8x1024xi32>
    %get3A_2056 = arith.constant 1816 : index
    %get3A_2057 = arith.constant 0 : index
    %get3A_2058 = vector.load %arg5[%get3A_2056, %get3A_2057] : memref<4096x1024xf32, #tpu.memory_space<vmem>>, vector<8x1024xf32>
    %gt3A_2059 = arith.cmpf ogt, %get3A_2058, %select_n3A_2051 : vector<8x1024xf32>
    %select_n3A_2060 = arith.select %gt3A_2059, %get3A_2058, %select_n3A_2051 : vector<8x1024xi1>, vector<8x1024xf32>
    %add3A_2061 = arith.constant 227 : i32
    %add3A_2062 = arith.addi %mul3A_16, %add3A_2061 : i32
    %broadcast_in_dim3A_2063 = vector.broadcast %add3A_2062 : i32 to vector<8x1024xi32>
    %select_n3A_2064 = arith.select %gt3A_2059, %broadcast_in_dim3A_2063, %select_n3A_2055 : vector<8x1024xi1>, vector<8x1024xi32>
    %get3A_2065 = arith.constant 1824 : index
    %get3A_2066 = arith.constant 0 : index
    %get3A_2067 = vector.load %arg5[%get3A_2065, %get3A_2066] : memref<4096x1024xf32, #tpu.memory_space<vmem>>, vector<8x1024xf32>
    %gt3A_2068 = arith.cmpf ogt, %get3A_2067, %select_n3A_2060 : vector<8x1024xf32>
    %select_n3A_2069 = arith.select %gt3A_2068, %get3A_2067, %select_n3A_2060 : vector<8x1024xi1>, vector<8x1024xf32>
    %add3A_2070 = arith.constant 228 : i32
    %add3A_2071 = arith.addi %mul3A_16, %add3A_2070 : i32
    %broadcast_in_dim3A_2072 = vector.broadcast %add3A_2071 : i32 to vector<8x1024xi32>
    %select_n3A_2073 = arith.select %gt3A_2068, %broadcast_in_dim3A_2072, %select_n3A_2064 : vector<8x1024xi1>, vector<8x1024xi32>
    %get3A_2074 = arith.constant 1832 : index
    %get3A_2075 = arith.constant 0 : index
    %get3A_2076 = vector.load %arg5[%get3A_2074, %get3A_2075] : memref<4096x1024xf32, #tpu.memory_space<vmem>>, vector<8x1024xf32>
    %gt3A_2077 = arith.cmpf ogt, %get3A_2076, %select_n3A_2069 : vector<8x1024xf32>
    %select_n3A_2078 = arith.select %gt3A_2077, %get3A_2076, %select_n3A_2069 : vector<8x1024xi1>, vector<8x1024xf32>
    %add3A_2079 = arith.constant 229 : i32
    %add3A_2080 = arith.addi %mul3A_16, %add3A_2079 : i32
    %broadcast_in_dim3A_2081 = vector.broadcast %add3A_2080 : i32 to vector<8x1024xi32>
    %select_n3A_2082 = arith.select %gt3A_2077, %broadcast_in_dim3A_2081, %select_n3A_2073 : vector<8x1024xi1>, vector<8x1024xi32>
    %get3A_2083 = arith.constant 1840 : index
    %get3A_2084 = arith.constant 0 : index
    %get3A_2085 = vector.load %arg5[%get3A_2083, %get3A_2084] : memref<4096x1024xf32, #tpu.memory_space<vmem>>, vector<8x1024xf32>
    %gt3A_2086 = arith.cmpf ogt, %get3A_2085, %select_n3A_2078 : vector<8x1024xf32>
    %select_n3A_2087 = arith.select %gt3A_2086, %get3A_2085, %select_n3A_2078 : vector<8x1024xi1>, vector<8x1024xf32>
    %add3A_2088 = arith.constant 230 : i32
    %add3A_2089 = arith.addi %mul3A_16, %add3A_2088 : i32
    %broadcast_in_dim3A_2090 = vector.broadcast %add3A_2089 : i32 to vector<8x1024xi32>
    %select_n3A_2091 = arith.select %gt3A_2086, %broadcast_in_dim3A_2090, %select_n3A_2082 : vector<8x1024xi1>, vector<8x1024xi32>
    %get3A_2092 = arith.constant 1848 : index
    %get3A_2093 = arith.constant 0 : index
    %get3A_2094 = vector.load %arg5[%get3A_2092, %get3A_2093] : memref<4096x1024xf32, #tpu.memory_space<vmem>>, vector<8x1024xf32>
    %gt3A_2095 = arith.cmpf ogt, %get3A_2094, %select_n3A_2087 : vector<8x1024xf32>
    %select_n3A_2096 = arith.select %gt3A_2095, %get3A_2094, %select_n3A_2087 : vector<8x1024xi1>, vector<8x1024xf32>
    %add3A_2097 = arith.constant 231 : i32
    %add3A_2098 = arith.addi %mul3A_16, %add3A_2097 : i32
    %broadcast_in_dim3A_2099 = vector.broadcast %add3A_2098 : i32 to vector<8x1024xi32>
    %select_n3A_2100 = arith.select %gt3A_2095, %broadcast_in_dim3A_2099, %select_n3A_2091 : vector<8x1024xi1>, vector<8x1024xi32>
    %get3A_2101 = arith.constant 1856 : index
    %get3A_2102 = arith.constant 0 : index
    %get3A_2103 = vector.load %arg5[%get3A_2101, %get3A_2102] : memref<4096x1024xf32, #tpu.memory_space<vmem>>, vector<8x1024xf32>
    %gt3A_2104 = arith.cmpf ogt, %get3A_2103, %select_n3A_2096 : vector<8x1024xf32>
    %select_n3A_2105 = arith.select %gt3A_2104, %get3A_2103, %select_n3A_2096 : vector<8x1024xi1>, vector<8x1024xf32>
    %add3A_2106 = arith.constant 232 : i32
    %add3A_2107 = arith.addi %mul3A_16, %add3A_2106 : i32
    %broadcast_in_dim3A_2108 = vector.broadcast %add3A_2107 : i32 to vector<8x1024xi32>
    %select_n3A_2109 = arith.select %gt3A_2104, %broadcast_in_dim3A_2108, %select_n3A_2100 : vector<8x1024xi1>, vector<8x1024xi32>
    %get3A_2110 = arith.constant 1864 : index
    %get3A_2111 = arith.constant 0 : index
    %get3A_2112 = vector.load %arg5[%get3A_2110, %get3A_2111] : memref<4096x1024xf32, #tpu.memory_space<vmem>>, vector<8x1024xf32>
    %gt3A_2113 = arith.cmpf ogt, %get3A_2112, %select_n3A_2105 : vector<8x1024xf32>
    %select_n3A_2114 = arith.select %gt3A_2113, %get3A_2112, %select_n3A_2105 : vector<8x1024xi1>, vector<8x1024xf32>
    %add3A_2115 = arith.constant 233 : i32
    %add3A_2116 = arith.addi %mul3A_16, %add3A_2115 : i32
    %broadcast_in_dim3A_2117 = vector.broadcast %add3A_2116 : i32 to vector<8x1024xi32>
    %select_n3A_2118 = arith.select %gt3A_2113, %broadcast_in_dim3A_2117, %select_n3A_2109 : vector<8x1024xi1>, vector<8x1024xi32>
    %get3A_2119 = arith.constant 1872 : index
    %get3A_2120 = arith.constant 0 : index
    %get3A_2121 = vector.load %arg5[%get3A_2119, %get3A_2120] : memref<4096x1024xf32, #tpu.memory_space<vmem>>, vector<8x1024xf32>
    %gt3A_2122 = arith.cmpf ogt, %get3A_2121, %select_n3A_2114 : vector<8x1024xf32>
    %select_n3A_2123 = arith.select %gt3A_2122, %get3A_2121, %select_n3A_2114 : vector<8x1024xi1>, vector<8x1024xf32>
    %add3A_2124 = arith.constant 234 : i32
    %add3A_2125 = arith.addi %mul3A_16, %add3A_2124 : i32
    %broadcast_in_dim3A_2126 = vector.broadcast %add3A_2125 : i32 to vector<8x1024xi32>
    %select_n3A_2127 = arith.select %gt3A_2122, %broadcast_in_dim3A_2126, %select_n3A_2118 : vector<8x1024xi1>, vector<8x1024xi32>
    %get3A_2128 = arith.constant 1880 : index
    %get3A_2129 = arith.constant 0 : index
    %get3A_2130 = vector.load %arg5[%get3A_2128, %get3A_2129] : memref<4096x1024xf32, #tpu.memory_space<vmem>>, vector<8x1024xf32>
    %gt3A_2131 = arith.cmpf ogt, %get3A_2130, %select_n3A_2123 : vector<8x1024xf32>
    %select_n3A_2132 = arith.select %gt3A_2131, %get3A_2130, %select_n3A_2123 : vector<8x1024xi1>, vector<8x1024xf32>
    %add3A_2133 = arith.constant 235 : i32
    %add3A_2134 = arith.addi %mul3A_16, %add3A_2133 : i32
    %broadcast_in_dim3A_2135 = vector.broadcast %add3A_2134 : i32 to vector<8x1024xi32>
    %select_n3A_2136 = arith.select %gt3A_2131, %broadcast_in_dim3A_2135, %select_n3A_2127 : vector<8x1024xi1>, vector<8x1024xi32>
    %get3A_2137 = arith.constant 1888 : index
    %get3A_2138 = arith.constant 0 : index
    %get3A_2139 = vector.load %arg5[%get3A_2137, %get3A_2138] : memref<4096x1024xf32, #tpu.memory_space<vmem>>, vector<8x1024xf32>
    %gt3A_2140 = arith.cmpf ogt, %get3A_2139, %select_n3A_2132 : vector<8x1024xf32>
    %select_n3A_2141 = arith.select %gt3A_2140, %get3A_2139, %select_n3A_2132 : vector<8x1024xi1>, vector<8x1024xf32>
    %add3A_2142 = arith.constant 236 : i32
    %add3A_2143 = arith.addi %mul3A_16, %add3A_2142 : i32
    %broadcast_in_dim3A_2144 = vector.broadcast %add3A_2143 : i32 to vector<8x1024xi32>
    %select_n3A_2145 = arith.select %gt3A_2140, %broadcast_in_dim3A_2144, %select_n3A_2136 : vector<8x1024xi1>, vector<8x1024xi32>
    %get3A_2146 = arith.constant 1896 : index
    %get3A_2147 = arith.constant 0 : index
    %get3A_2148 = vector.load %arg5[%get3A_2146, %get3A_2147] : memref<4096x1024xf32, #tpu.memory_space<vmem>>, vector<8x1024xf32>
    %gt3A_2149 = arith.cmpf ogt, %get3A_2148, %select_n3A_2141 : vector<8x1024xf32>
    %select_n3A_2150 = arith.select %gt3A_2149, %get3A_2148, %select_n3A_2141 : vector<8x1024xi1>, vector<8x1024xf32>
    %add3A_2151 = arith.constant 237 : i32
    %add3A_2152 = arith.addi %mul3A_16, %add3A_2151 : i32
    %broadcast_in_dim3A_2153 = vector.broadcast %add3A_2152 : i32 to vector<8x1024xi32>
    %select_n3A_2154 = arith.select %gt3A_2149, %broadcast_in_dim3A_2153, %select_n3A_2145 : vector<8x1024xi1>, vector<8x1024xi32>
    %get3A_2155 = arith.constant 1904 : index
    %get3A_2156 = arith.constant 0 : index
    %get3A_2157 = vector.load %arg5[%get3A_2155, %get3A_2156] : memref<4096x1024xf32, #tpu.memory_space<vmem>>, vector<8x1024xf32>
    %gt3A_2158 = arith.cmpf ogt, %get3A_2157, %select_n3A_2150 : vector<8x1024xf32>
    %select_n3A_2159 = arith.select %gt3A_2158, %get3A_2157, %select_n3A_2150 : vector<8x1024xi1>, vector<8x1024xf32>
    %add3A_2160 = arith.constant 238 : i32
    %add3A_2161 = arith.addi %mul3A_16, %add3A_2160 : i32
    %broadcast_in_dim3A_2162 = vector.broadcast %add3A_2161 : i32 to vector<8x1024xi32>
    %select_n3A_2163 = arith.select %gt3A_2158, %broadcast_in_dim3A_2162, %select_n3A_2154 : vector<8x1024xi1>, vector<8x1024xi32>
    %get3A_2164 = arith.constant 1912 : index
    %get3A_2165 = arith.constant 0 : index
    %get3A_2166 = vector.load %arg5[%get3A_2164, %get3A_2165] : memref<4096x1024xf32, #tpu.memory_space<vmem>>, vector<8x1024xf32>
    %gt3A_2167 = arith.cmpf ogt, %get3A_2166, %select_n3A_2159 : vector<8x1024xf32>
    %select_n3A_2168 = arith.select %gt3A_2167, %get3A_2166, %select_n3A_2159 : vector<8x1024xi1>, vector<8x1024xf32>
    %add3A_2169 = arith.constant 239 : i32
    %add3A_2170 = arith.addi %mul3A_16, %add3A_2169 : i32
    %broadcast_in_dim3A_2171 = vector.broadcast %add3A_2170 : i32 to vector<8x1024xi32>
    %select_n3A_2172 = arith.select %gt3A_2167, %broadcast_in_dim3A_2171, %select_n3A_2163 : vector<8x1024xi1>, vector<8x1024xi32>
    %get3A_2173 = arith.constant 1920 : index
    %get3A_2174 = arith.constant 0 : index
    %get3A_2175 = vector.load %arg5[%get3A_2173, %get3A_2174] : memref<4096x1024xf32, #tpu.memory_space<vmem>>, vector<8x1024xf32>
    %gt3A_2176 = arith.cmpf ogt, %get3A_2175, %select_n3A_2168 : vector<8x1024xf32>
    %select_n3A_2177 = arith.select %gt3A_2176, %get3A_2175, %select_n3A_2168 : vector<8x1024xi1>, vector<8x1024xf32>
    %add3A_2178 = arith.constant 240 : i32
    %add3A_2179 = arith.addi %mul3A_16, %add3A_2178 : i32
    %broadcast_in_dim3A_2180 = vector.broadcast %add3A_2179 : i32 to vector<8x1024xi32>
    %select_n3A_2181 = arith.select %gt3A_2176, %broadcast_in_dim3A_2180, %select_n3A_2172 : vector<8x1024xi1>, vector<8x1024xi32>
    %get3A_2182 = arith.constant 1928 : index
    %get3A_2183 = arith.constant 0 : index
    %get3A_2184 = vector.load %arg5[%get3A_2182, %get3A_2183] : memref<4096x1024xf32, #tpu.memory_space<vmem>>, vector<8x1024xf32>
    %gt3A_2185 = arith.cmpf ogt, %get3A_2184, %select_n3A_2177 : vector<8x1024xf32>
    %select_n3A_2186 = arith.select %gt3A_2185, %get3A_2184, %select_n3A_2177 : vector<8x1024xi1>, vector<8x1024xf32>
    %add3A_2187 = arith.constant 241 : i32
    %add3A_2188 = arith.addi %mul3A_16, %add3A_2187 : i32
    %broadcast_in_dim3A_2189 = vector.broadcast %add3A_2188 : i32 to vector<8x1024xi32>
    %select_n3A_2190 = arith.select %gt3A_2185, %broadcast_in_dim3A_2189, %select_n3A_2181 : vector<8x1024xi1>, vector<8x1024xi32>
    %get3A_2191 = arith.constant 1936 : index
    %get3A_2192 = arith.constant 0 : index
    %get3A_2193 = vector.load %arg5[%get3A_2191, %get3A_2192] : memref<4096x1024xf32, #tpu.memory_space<vmem>>, vector<8x1024xf32>
    %gt3A_2194 = arith.cmpf ogt, %get3A_2193, %select_n3A_2186 : vector<8x1024xf32>
    %select_n3A_2195 = arith.select %gt3A_2194, %get3A_2193, %select_n3A_2186 : vector<8x1024xi1>, vector<8x1024xf32>
    %add3A_2196 = arith.constant 242 : i32
    %add3A_2197 = arith.addi %mul3A_16, %add3A_2196 : i32
    %broadcast_in_dim3A_2198 = vector.broadcast %add3A_2197 : i32 to vector<8x1024xi32>
    %select_n3A_2199 = arith.select %gt3A_2194, %broadcast_in_dim3A_2198, %select_n3A_2190 : vector<8x1024xi1>, vector<8x1024xi32>
    %get3A_2200 = arith.constant 1944 : index
    %get3A_2201 = arith.constant 0 : index
    %get3A_2202 = vector.load %arg5[%get3A_2200, %get3A_2201] : memref<4096x1024xf32, #tpu.memory_space<vmem>>, vector<8x1024xf32>
    %gt3A_2203 = arith.cmpf ogt, %get3A_2202, %select_n3A_2195 : vector<8x1024xf32>
    %select_n3A_2204 = arith.select %gt3A_2203, %get3A_2202, %select_n3A_2195 : vector<8x1024xi1>, vector<8x1024xf32>
    %add3A_2205 = arith.constant 243 : i32
    %add3A_2206 = arith.addi %mul3A_16, %add3A_2205 : i32
    %broadcast_in_dim3A_2207 = vector.broadcast %add3A_2206 : i32 to vector<8x1024xi32>
    %select_n3A_2208 = arith.select %gt3A_2203, %broadcast_in_dim3A_2207, %select_n3A_2199 : vector<8x1024xi1>, vector<8x1024xi32>
    %get3A_2209 = arith.constant 1952 : index
    %get3A_2210 = arith.constant 0 : index
    %get3A_2211 = vector.load %arg5[%get3A_2209, %get3A_2210] : memref<4096x1024xf32, #tpu.memory_space<vmem>>, vector<8x1024xf32>
    %gt3A_2212 = arith.cmpf ogt, %get3A_2211, %select_n3A_2204 : vector<8x1024xf32>
    %select_n3A_2213 = arith.select %gt3A_2212, %get3A_2211, %select_n3A_2204 : vector<8x1024xi1>, vector<8x1024xf32>
    %add3A_2214 = arith.constant 244 : i32
    %add3A_2215 = arith.addi %mul3A_16, %add3A_2214 : i32
    %broadcast_in_dim3A_2216 = vector.broadcast %add3A_2215 : i32 to vector<8x1024xi32>
    %select_n3A_2217 = arith.select %gt3A_2212, %broadcast_in_dim3A_2216, %select_n3A_2208 : vector<8x1024xi1>, vector<8x1024xi32>
    %get3A_2218 = arith.constant 1960 : index
    %get3A_2219 = arith.constant 0 : index
    %get3A_2220 = vector.load %arg5[%get3A_2218, %get3A_2219] : memref<4096x1024xf32, #tpu.memory_space<vmem>>, vector<8x1024xf32>
    %gt3A_2221 = arith.cmpf ogt, %get3A_2220, %select_n3A_2213 : vector<8x1024xf32>
    %select_n3A_2222 = arith.select %gt3A_2221, %get3A_2220, %select_n3A_2213 : vector<8x1024xi1>, vector<8x1024xf32>
    %add3A_2223 = arith.constant 245 : i32
    %add3A_2224 = arith.addi %mul3A_16, %add3A_2223 : i32
    %broadcast_in_dim3A_2225 = vector.broadcast %add3A_2224 : i32 to vector<8x1024xi32>
    %select_n3A_2226 = arith.select %gt3A_2221, %broadcast_in_dim3A_2225, %select_n3A_2217 : vector<8x1024xi1>, vector<8x1024xi32>
    %get3A_2227 = arith.constant 1968 : index
    %get3A_2228 = arith.constant 0 : index
    %get3A_2229 = vector.load %arg5[%get3A_2227, %get3A_2228] : memref<4096x1024xf32, #tpu.memory_space<vmem>>, vector<8x1024xf32>
    %gt3A_2230 = arith.cmpf ogt, %get3A_2229, %select_n3A_2222 : vector<8x1024xf32>
    %select_n3A_2231 = arith.select %gt3A_2230, %get3A_2229, %select_n3A_2222 : vector<8x1024xi1>, vector<8x1024xf32>
    %add3A_2232 = arith.constant 246 : i32
    %add3A_2233 = arith.addi %mul3A_16, %add3A_2232 : i32
    %broadcast_in_dim3A_2234 = vector.broadcast %add3A_2233 : i32 to vector<8x1024xi32>
    %select_n3A_2235 = arith.select %gt3A_2230, %broadcast_in_dim3A_2234, %select_n3A_2226 : vector<8x1024xi1>, vector<8x1024xi32>
    %get3A_2236 = arith.constant 1976 : index
    %get3A_2237 = arith.constant 0 : index
    %get3A_2238 = vector.load %arg5[%get3A_2236, %get3A_2237] : memref<4096x1024xf32, #tpu.memory_space<vmem>>, vector<8x1024xf32>
    %gt3A_2239 = arith.cmpf ogt, %get3A_2238, %select_n3A_2231 : vector<8x1024xf32>
    %select_n3A_2240 = arith.select %gt3A_2239, %get3A_2238, %select_n3A_2231 : vector<8x1024xi1>, vector<8x1024xf32>
    %add3A_2241 = arith.constant 247 : i32
    %add3A_2242 = arith.addi %mul3A_16, %add3A_2241 : i32
    %broadcast_in_dim3A_2243 = vector.broadcast %add3A_2242 : i32 to vector<8x1024xi32>
    %select_n3A_2244 = arith.select %gt3A_2239, %broadcast_in_dim3A_2243, %select_n3A_2235 : vector<8x1024xi1>, vector<8x1024xi32>
    %get3A_2245 = arith.constant 1984 : index
    %get3A_2246 = arith.constant 0 : index
    %get3A_2247 = vector.load %arg5[%get3A_2245, %get3A_2246] : memref<4096x1024xf32, #tpu.memory_space<vmem>>, vector<8x1024xf32>
    %gt3A_2248 = arith.cmpf ogt, %get3A_2247, %select_n3A_2240 : vector<8x1024xf32>
    %select_n3A_2249 = arith.select %gt3A_2248, %get3A_2247, %select_n3A_2240 : vector<8x1024xi1>, vector<8x1024xf32>
    %add3A_2250 = arith.constant 248 : i32
    %add3A_2251 = arith.addi %mul3A_16, %add3A_2250 : i32
    %broadcast_in_dim3A_2252 = vector.broadcast %add3A_2251 : i32 to vector<8x1024xi32>
    %select_n3A_2253 = arith.select %gt3A_2248, %broadcast_in_dim3A_2252, %select_n3A_2244 : vector<8x1024xi1>, vector<8x1024xi32>
    %get3A_2254 = arith.constant 1992 : index
    %get3A_2255 = arith.constant 0 : index
    %get3A_2256 = vector.load %arg5[%get3A_2254, %get3A_2255] : memref<4096x1024xf32, #tpu.memory_space<vmem>>, vector<8x1024xf32>
    %gt3A_2257 = arith.cmpf ogt, %get3A_2256, %select_n3A_2249 : vector<8x1024xf32>
    %select_n3A_2258 = arith.select %gt3A_2257, %get3A_2256, %select_n3A_2249 : vector<8x1024xi1>, vector<8x1024xf32>
    %add3A_2259 = arith.constant 249 : i32
    %add3A_2260 = arith.addi %mul3A_16, %add3A_2259 : i32
    %broadcast_in_dim3A_2261 = vector.broadcast %add3A_2260 : i32 to vector<8x1024xi32>
    %select_n3A_2262 = arith.select %gt3A_2257, %broadcast_in_dim3A_2261, %select_n3A_2253 : vector<8x1024xi1>, vector<8x1024xi32>
    %get3A_2263 = arith.constant 2000 : index
    %get3A_2264 = arith.constant 0 : index
    %get3A_2265 = vector.load %arg5[%get3A_2263, %get3A_2264] : memref<4096x1024xf32, #tpu.memory_space<vmem>>, vector<8x1024xf32>
    %gt3A_2266 = arith.cmpf ogt, %get3A_2265, %select_n3A_2258 : vector<8x1024xf32>
    %select_n3A_2267 = arith.select %gt3A_2266, %get3A_2265, %select_n3A_2258 : vector<8x1024xi1>, vector<8x1024xf32>
    %add3A_2268 = arith.constant 250 : i32
    %add3A_2269 = arith.addi %mul3A_16, %add3A_2268 : i32
    %broadcast_in_dim3A_2270 = vector.broadcast %add3A_2269 : i32 to vector<8x1024xi32>
    %select_n3A_2271 = arith.select %gt3A_2266, %broadcast_in_dim3A_2270, %select_n3A_2262 : vector<8x1024xi1>, vector<8x1024xi32>
    %get3A_2272 = arith.constant 2008 : index
    %get3A_2273 = arith.constant 0 : index
    %get3A_2274 = vector.load %arg5[%get3A_2272, %get3A_2273] : memref<4096x1024xf32, #tpu.memory_space<vmem>>, vector<8x1024xf32>
    %gt3A_2275 = arith.cmpf ogt, %get3A_2274, %select_n3A_2267 : vector<8x1024xf32>
    %select_n3A_2276 = arith.select %gt3A_2275, %get3A_2274, %select_n3A_2267 : vector<8x1024xi1>, vector<8x1024xf32>
    %add3A_2277 = arith.constant 251 : i32
    %add3A_2278 = arith.addi %mul3A_16, %add3A_2277 : i32
    %broadcast_in_dim3A_2279 = vector.broadcast %add3A_2278 : i32 to vector<8x1024xi32>
    %select_n3A_2280 = arith.select %gt3A_2275, %broadcast_in_dim3A_2279, %select_n3A_2271 : vector<8x1024xi1>, vector<8x1024xi32>
    %get3A_2281 = arith.constant 2016 : index
    %get3A_2282 = arith.constant 0 : index
    %get3A_2283 = vector.load %arg5[%get3A_2281, %get3A_2282] : memref<4096x1024xf32, #tpu.memory_space<vmem>>, vector<8x1024xf32>
    %gt3A_2284 = arith.cmpf ogt, %get3A_2283, %select_n3A_2276 : vector<8x1024xf32>
    %select_n3A_2285 = arith.select %gt3A_2284, %get3A_2283, %select_n3A_2276 : vector<8x1024xi1>, vector<8x1024xf32>
    %add3A_2286 = arith.constant 252 : i32
    %add3A_2287 = arith.addi %mul3A_16, %add3A_2286 : i32
    %broadcast_in_dim3A_2288 = vector.broadcast %add3A_2287 : i32 to vector<8x1024xi32>
    %select_n3A_2289 = arith.select %gt3A_2284, %broadcast_in_dim3A_2288, %select_n3A_2280 : vector<8x1024xi1>, vector<8x1024xi32>
    %get3A_2290 = arith.constant 2024 : index
    %get3A_2291 = arith.constant 0 : index
    %get3A_2292 = vector.load %arg5[%get3A_2290, %get3A_2291] : memref<4096x1024xf32, #tpu.memory_space<vmem>>, vector<8x1024xf32>
    %gt3A_2293 = arith.cmpf ogt, %get3A_2292, %select_n3A_2285 : vector<8x1024xf32>
    %select_n3A_2294 = arith.select %gt3A_2293, %get3A_2292, %select_n3A_2285 : vector<8x1024xi1>, vector<8x1024xf32>
    %add3A_2295 = arith.constant 253 : i32
    %add3A_2296 = arith.addi %mul3A_16, %add3A_2295 : i32
    %broadcast_in_dim3A_2297 = vector.broadcast %add3A_2296 : i32 to vector<8x1024xi32>
    %select_n3A_2298 = arith.select %gt3A_2293, %broadcast_in_dim3A_2297, %select_n3A_2289 : vector<8x1024xi1>, vector<8x1024xi32>
    %get3A_2299 = arith.constant 2032 : index
    %get3A_2300 = arith.constant 0 : index
    %get3A_2301 = vector.load %arg5[%get3A_2299, %get3A_2300] : memref<4096x1024xf32, #tpu.memory_space<vmem>>, vector<8x1024xf32>
    %gt3A_2302 = arith.cmpf ogt, %get3A_2301, %select_n3A_2294 : vector<8x1024xf32>
    %select_n3A_2303 = arith.select %gt3A_2302, %get3A_2301, %select_n3A_2294 : vector<8x1024xi1>, vector<8x1024xf32>
    %add3A_2304 = arith.constant 254 : i32
    %add3A_2305 = arith.addi %mul3A_16, %add3A_2304 : i32
    %broadcast_in_dim3A_2306 = vector.broadcast %add3A_2305 : i32 to vector<8x1024xi32>
    %select_n3A_2307 = arith.select %gt3A_2302, %broadcast_in_dim3A_2306, %select_n3A_2298 : vector<8x1024xi1>, vector<8x1024xi32>
    %get3A_2308 = arith.constant 2040 : index
    %get3A_2309 = arith.constant 0 : index
    %get3A_2310 = vector.load %arg5[%get3A_2308, %get3A_2309] : memref<4096x1024xf32, #tpu.memory_space<vmem>>, vector<8x1024xf32>
    %gt3A_2311 = arith.cmpf ogt, %get3A_2310, %select_n3A_2303 : vector<8x1024xf32>
    %select_n3A_2312 = arith.select %gt3A_2311, %get3A_2310, %select_n3A_2303 : vector<8x1024xi1>, vector<8x1024xf32>
    %add3A_2313 = arith.constant 255 : i32
    %add3A_2314 = arith.addi %mul3A_16, %add3A_2313 : i32
    %broadcast_in_dim3A_2315 = vector.broadcast %add3A_2314 : i32 to vector<8x1024xi32>
    %select_n3A_2316 = arith.select %gt3A_2311, %broadcast_in_dim3A_2315, %select_n3A_2307 : vector<8x1024xi1>, vector<8x1024xi32>
    %get3A_2317 = arith.constant 2048 : index
    %get3A_2318 = arith.constant 0 : index
    %get3A_2319 = vector.load %arg5[%get3A_2317, %get3A_2318] : memref<4096x1024xf32, #tpu.memory_space<vmem>>, vector<8x1024xf32>
    %gt3A_2320 = arith.cmpf ogt, %get3A_2319, %select_n3A_2312 : vector<8x1024xf32>
    %select_n3A_2321 = arith.select %gt3A_2320, %get3A_2319, %select_n3A_2312 : vector<8x1024xi1>, vector<8x1024xf32>
    %add3A_2322 = arith.constant 256 : i32
    %add3A_2323 = arith.addi %mul3A_16, %add3A_2322 : i32
    %broadcast_in_dim3A_2324 = vector.broadcast %add3A_2323 : i32 to vector<8x1024xi32>
    %select_n3A_2325 = arith.select %gt3A_2320, %broadcast_in_dim3A_2324, %select_n3A_2316 : vector<8x1024xi1>, vector<8x1024xi32>
    %get3A_2326 = arith.constant 2056 : index
    %get3A_2327 = arith.constant 0 : index
    %get3A_2328 = vector.load %arg5[%get3A_2326, %get3A_2327] : memref<4096x1024xf32, #tpu.memory_space<vmem>>, vector<8x1024xf32>
    %gt3A_2329 = arith.cmpf ogt, %get3A_2328, %select_n3A_2321 : vector<8x1024xf32>
    %select_n3A_2330 = arith.select %gt3A_2329, %get3A_2328, %select_n3A_2321 : vector<8x1024xi1>, vector<8x1024xf32>
    %add3A_2331 = arith.constant 257 : i32
    %add3A_2332 = arith.addi %mul3A_16, %add3A_2331 : i32
    %broadcast_in_dim3A_2333 = vector.broadcast %add3A_2332 : i32 to vector<8x1024xi32>
    %select_n3A_2334 = arith.select %gt3A_2329, %broadcast_in_dim3A_2333, %select_n3A_2325 : vector<8x1024xi1>, vector<8x1024xi32>
    %get3A_2335 = arith.constant 2064 : index
    %get3A_2336 = arith.constant 0 : index
    %get3A_2337 = vector.load %arg5[%get3A_2335, %get3A_2336] : memref<4096x1024xf32, #tpu.memory_space<vmem>>, vector<8x1024xf32>
    %gt3A_2338 = arith.cmpf ogt, %get3A_2337, %select_n3A_2330 : vector<8x1024xf32>
    %select_n3A_2339 = arith.select %gt3A_2338, %get3A_2337, %select_n3A_2330 : vector<8x1024xi1>, vector<8x1024xf32>
    %add3A_2340 = arith.constant 258 : i32
    %add3A_2341 = arith.addi %mul3A_16, %add3A_2340 : i32
    %broadcast_in_dim3A_2342 = vector.broadcast %add3A_2341 : i32 to vector<8x1024xi32>
    %select_n3A_2343 = arith.select %gt3A_2338, %broadcast_in_dim3A_2342, %select_n3A_2334 : vector<8x1024xi1>, vector<8x1024xi32>
    %get3A_2344 = arith.constant 2072 : index
    %get3A_2345 = arith.constant 0 : index
    %get3A_2346 = vector.load %arg5[%get3A_2344, %get3A_2345] : memref<4096x1024xf32, #tpu.memory_space<vmem>>, vector<8x1024xf32>
    %gt3A_2347 = arith.cmpf ogt, %get3A_2346, %select_n3A_2339 : vector<8x1024xf32>
    %select_n3A_2348 = arith.select %gt3A_2347, %get3A_2346, %select_n3A_2339 : vector<8x1024xi1>, vector<8x1024xf32>
    %add3A_2349 = arith.constant 259 : i32
    %add3A_2350 = arith.addi %mul3A_16, %add3A_2349 : i32
    %broadcast_in_dim3A_2351 = vector.broadcast %add3A_2350 : i32 to vector<8x1024xi32>
    %select_n3A_2352 = arith.select %gt3A_2347, %broadcast_in_dim3A_2351, %select_n3A_2343 : vector<8x1024xi1>, vector<8x1024xi32>
    %get3A_2353 = arith.constant 2080 : index
    %get3A_2354 = arith.constant 0 : index
    %get3A_2355 = vector.load %arg5[%get3A_2353, %get3A_2354] : memref<4096x1024xf32, #tpu.memory_space<vmem>>, vector<8x1024xf32>
    %gt3A_2356 = arith.cmpf ogt, %get3A_2355, %select_n3A_2348 : vector<8x1024xf32>
    %select_n3A_2357 = arith.select %gt3A_2356, %get3A_2355, %select_n3A_2348 : vector<8x1024xi1>, vector<8x1024xf32>
    %add3A_2358 = arith.constant 260 : i32
    %add3A_2359 = arith.addi %mul3A_16, %add3A_2358 : i32
    %broadcast_in_dim3A_2360 = vector.broadcast %add3A_2359 : i32 to vector<8x1024xi32>
    %select_n3A_2361 = arith.select %gt3A_2356, %broadcast_in_dim3A_2360, %select_n3A_2352 : vector<8x1024xi1>, vector<8x1024xi32>
    %get3A_2362 = arith.constant 2088 : index
    %get3A_2363 = arith.constant 0 : index
    %get3A_2364 = vector.load %arg5[%get3A_2362, %get3A_2363] : memref<4096x1024xf32, #tpu.memory_space<vmem>>, vector<8x1024xf32>
    %gt3A_2365 = arith.cmpf ogt, %get3A_2364, %select_n3A_2357 : vector<8x1024xf32>
    %select_n3A_2366 = arith.select %gt3A_2365, %get3A_2364, %select_n3A_2357 : vector<8x1024xi1>, vector<8x1024xf32>
    %add3A_2367 = arith.constant 261 : i32
    %add3A_2368 = arith.addi %mul3A_16, %add3A_2367 : i32
    %broadcast_in_dim3A_2369 = vector.broadcast %add3A_2368 : i32 to vector<8x1024xi32>
    %select_n3A_2370 = arith.select %gt3A_2365, %broadcast_in_dim3A_2369, %select_n3A_2361 : vector<8x1024xi1>, vector<8x1024xi32>
    %get3A_2371 = arith.constant 2096 : index
    %get3A_2372 = arith.constant 0 : index
    %get3A_2373 = vector.load %arg5[%get3A_2371, %get3A_2372] : memref<4096x1024xf32, #tpu.memory_space<vmem>>, vector<8x1024xf32>
    %gt3A_2374 = arith.cmpf ogt, %get3A_2373, %select_n3A_2366 : vector<8x1024xf32>
    %select_n3A_2375 = arith.select %gt3A_2374, %get3A_2373, %select_n3A_2366 : vector<8x1024xi1>, vector<8x1024xf32>
    %add3A_2376 = arith.constant 262 : i32
    %add3A_2377 = arith.addi %mul3A_16, %add3A_2376 : i32
    %broadcast_in_dim3A_2378 = vector.broadcast %add3A_2377 : i32 to vector<8x1024xi32>
    %select_n3A_2379 = arith.select %gt3A_2374, %broadcast_in_dim3A_2378, %select_n3A_2370 : vector<8x1024xi1>, vector<8x1024xi32>
    %get3A_2380 = arith.constant 2104 : index
    %get3A_2381 = arith.constant 0 : index
    %get3A_2382 = vector.load %arg5[%get3A_2380, %get3A_2381] : memref<4096x1024xf32, #tpu.memory_space<vmem>>, vector<8x1024xf32>
    %gt3A_2383 = arith.cmpf ogt, %get3A_2382, %select_n3A_2375 : vector<8x1024xf32>
    %select_n3A_2384 = arith.select %gt3A_2383, %get3A_2382, %select_n3A_2375 : vector<8x1024xi1>, vector<8x1024xf32>
    %add3A_2385 = arith.constant 263 : i32
    %add3A_2386 = arith.addi %mul3A_16, %add3A_2385 : i32
    %broadcast_in_dim3A_2387 = vector.broadcast %add3A_2386 : i32 to vector<8x1024xi32>
    %select_n3A_2388 = arith.select %gt3A_2383, %broadcast_in_dim3A_2387, %select_n3A_2379 : vector<8x1024xi1>, vector<8x1024xi32>
    %get3A_2389 = arith.constant 2112 : index
    %get3A_2390 = arith.constant 0 : index
    %get3A_2391 = vector.load %arg5[%get3A_2389, %get3A_2390] : memref<4096x1024xf32, #tpu.memory_space<vmem>>, vector<8x1024xf32>
    %gt3A_2392 = arith.cmpf ogt, %get3A_2391, %select_n3A_2384 : vector<8x1024xf32>
    %select_n3A_2393 = arith.select %gt3A_2392, %get3A_2391, %select_n3A_2384 : vector<8x1024xi1>, vector<8x1024xf32>
    %add3A_2394 = arith.constant 264 : i32
    %add3A_2395 = arith.addi %mul3A_16, %add3A_2394 : i32
    %broadcast_in_dim3A_2396 = vector.broadcast %add3A_2395 : i32 to vector<8x1024xi32>
    %select_n3A_2397 = arith.select %gt3A_2392, %broadcast_in_dim3A_2396, %select_n3A_2388 : vector<8x1024xi1>, vector<8x1024xi32>
    %get3A_2398 = arith.constant 2120 : index
    %get3A_2399 = arith.constant 0 : index
    %get3A_2400 = vector.load %arg5[%get3A_2398, %get3A_2399] : memref<4096x1024xf32, #tpu.memory_space<vmem>>, vector<8x1024xf32>
    %gt3A_2401 = arith.cmpf ogt, %get3A_2400, %select_n3A_2393 : vector<8x1024xf32>
    %select_n3A_2402 = arith.select %gt3A_2401, %get3A_2400, %select_n3A_2393 : vector<8x1024xi1>, vector<8x1024xf32>
    %add3A_2403 = arith.constant 265 : i32
    %add3A_2404 = arith.addi %mul3A_16, %add3A_2403 : i32
    %broadcast_in_dim3A_2405 = vector.broadcast %add3A_2404 : i32 to vector<8x1024xi32>
    %select_n3A_2406 = arith.select %gt3A_2401, %broadcast_in_dim3A_2405, %select_n3A_2397 : vector<8x1024xi1>, vector<8x1024xi32>
    %get3A_2407 = arith.constant 2128 : index
    %get3A_2408 = arith.constant 0 : index
    %get3A_2409 = vector.load %arg5[%get3A_2407, %get3A_2408] : memref<4096x1024xf32, #tpu.memory_space<vmem>>, vector<8x1024xf32>
    %gt3A_2410 = arith.cmpf ogt, %get3A_2409, %select_n3A_2402 : vector<8x1024xf32>
    %select_n3A_2411 = arith.select %gt3A_2410, %get3A_2409, %select_n3A_2402 : vector<8x1024xi1>, vector<8x1024xf32>
    %add3A_2412 = arith.constant 266 : i32
    %add3A_2413 = arith.addi %mul3A_16, %add3A_2412 : i32
    %broadcast_in_dim3A_2414 = vector.broadcast %add3A_2413 : i32 to vector<8x1024xi32>
    %select_n3A_2415 = arith.select %gt3A_2410, %broadcast_in_dim3A_2414, %select_n3A_2406 : vector<8x1024xi1>, vector<8x1024xi32>
    %get3A_2416 = arith.constant 2136 : index
    %get3A_2417 = arith.constant 0 : index
    %get3A_2418 = vector.load %arg5[%get3A_2416, %get3A_2417] : memref<4096x1024xf32, #tpu.memory_space<vmem>>, vector<8x1024xf32>
    %gt3A_2419 = arith.cmpf ogt, %get3A_2418, %select_n3A_2411 : vector<8x1024xf32>
    %select_n3A_2420 = arith.select %gt3A_2419, %get3A_2418, %select_n3A_2411 : vector<8x1024xi1>, vector<8x1024xf32>
    %add3A_2421 = arith.constant 267 : i32
    %add3A_2422 = arith.addi %mul3A_16, %add3A_2421 : i32
    %broadcast_in_dim3A_2423 = vector.broadcast %add3A_2422 : i32 to vector<8x1024xi32>
    %select_n3A_2424 = arith.select %gt3A_2419, %broadcast_in_dim3A_2423, %select_n3A_2415 : vector<8x1024xi1>, vector<8x1024xi32>
    %get3A_2425 = arith.constant 2144 : index
    %get3A_2426 = arith.constant 0 : index
    %get3A_2427 = vector.load %arg5[%get3A_2425, %get3A_2426] : memref<4096x1024xf32, #tpu.memory_space<vmem>>, vector<8x1024xf32>
    %gt3A_2428 = arith.cmpf ogt, %get3A_2427, %select_n3A_2420 : vector<8x1024xf32>
    %select_n3A_2429 = arith.select %gt3A_2428, %get3A_2427, %select_n3A_2420 : vector<8x1024xi1>, vector<8x1024xf32>
    %add3A_2430 = arith.constant 268 : i32
    %add3A_2431 = arith.addi %mul3A_16, %add3A_2430 : i32
    %broadcast_in_dim3A_2432 = vector.broadcast %add3A_2431 : i32 to vector<8x1024xi32>
    %select_n3A_2433 = arith.select %gt3A_2428, %broadcast_in_dim3A_2432, %select_n3A_2424 : vector<8x1024xi1>, vector<8x1024xi32>
    %get3A_2434 = arith.constant 2152 : index
    %get3A_2435 = arith.constant 0 : index
    %get3A_2436 = vector.load %arg5[%get3A_2434, %get3A_2435] : memref<4096x1024xf32, #tpu.memory_space<vmem>>, vector<8x1024xf32>
    %gt3A_2437 = arith.cmpf ogt, %get3A_2436, %select_n3A_2429 : vector<8x1024xf32>
    %select_n3A_2438 = arith.select %gt3A_2437, %get3A_2436, %select_n3A_2429 : vector<8x1024xi1>, vector<8x1024xf32>
    %add3A_2439 = arith.constant 269 : i32
    %add3A_2440 = arith.addi %mul3A_16, %add3A_2439 : i32
    %broadcast_in_dim3A_2441 = vector.broadcast %add3A_2440 : i32 to vector<8x1024xi32>
    %select_n3A_2442 = arith.select %gt3A_2437, %broadcast_in_dim3A_2441, %select_n3A_2433 : vector<8x1024xi1>, vector<8x1024xi32>
    %get3A_2443 = arith.constant 2160 : index
    %get3A_2444 = arith.constant 0 : index
    %get3A_2445 = vector.load %arg5[%get3A_2443, %get3A_2444] : memref<4096x1024xf32, #tpu.memory_space<vmem>>, vector<8x1024xf32>
    %gt3A_2446 = arith.cmpf ogt, %get3A_2445, %select_n3A_2438 : vector<8x1024xf32>
    %select_n3A_2447 = arith.select %gt3A_2446, %get3A_2445, %select_n3A_2438 : vector<8x1024xi1>, vector<8x1024xf32>
    %add3A_2448 = arith.constant 270 : i32
    %add3A_2449 = arith.addi %mul3A_16, %add3A_2448 : i32
    %broadcast_in_dim3A_2450 = vector.broadcast %add3A_2449 : i32 to vector<8x1024xi32>
    %select_n3A_2451 = arith.select %gt3A_2446, %broadcast_in_dim3A_2450, %select_n3A_2442 : vector<8x1024xi1>, vector<8x1024xi32>
    %get3A_2452 = arith.constant 2168 : index
    %get3A_2453 = arith.constant 0 : index
    %get3A_2454 = vector.load %arg5[%get3A_2452, %get3A_2453] : memref<4096x1024xf32, #tpu.memory_space<vmem>>, vector<8x1024xf32>
    %gt3A_2455 = arith.cmpf ogt, %get3A_2454, %select_n3A_2447 : vector<8x1024xf32>
    %select_n3A_2456 = arith.select %gt3A_2455, %get3A_2454, %select_n3A_2447 : vector<8x1024xi1>, vector<8x1024xf32>
    %add3A_2457 = arith.constant 271 : i32
    %add3A_2458 = arith.addi %mul3A_16, %add3A_2457 : i32
    %broadcast_in_dim3A_2459 = vector.broadcast %add3A_2458 : i32 to vector<8x1024xi32>
    %select_n3A_2460 = arith.select %gt3A_2455, %broadcast_in_dim3A_2459, %select_n3A_2451 : vector<8x1024xi1>, vector<8x1024xi32>
    %get3A_2461 = arith.constant 2176 : index
    %get3A_2462 = arith.constant 0 : index
    %get3A_2463 = vector.load %arg5[%get3A_2461, %get3A_2462] : memref<4096x1024xf32, #tpu.memory_space<vmem>>, vector<8x1024xf32>
    %gt3A_2464 = arith.cmpf ogt, %get3A_2463, %select_n3A_2456 : vector<8x1024xf32>
    %select_n3A_2465 = arith.select %gt3A_2464, %get3A_2463, %select_n3A_2456 : vector<8x1024xi1>, vector<8x1024xf32>
    %add3A_2466 = arith.constant 272 : i32
    %add3A_2467 = arith.addi %mul3A_16, %add3A_2466 : i32
    %broadcast_in_dim3A_2468 = vector.broadcast %add3A_2467 : i32 to vector<8x1024xi32>
    %select_n3A_2469 = arith.select %gt3A_2464, %broadcast_in_dim3A_2468, %select_n3A_2460 : vector<8x1024xi1>, vector<8x1024xi32>
    %get3A_2470 = arith.constant 2184 : index
    %get3A_2471 = arith.constant 0 : index
    %get3A_2472 = vector.load %arg5[%get3A_2470, %get3A_2471] : memref<4096x1024xf32, #tpu.memory_space<vmem>>, vector<8x1024xf32>
    %gt3A_2473 = arith.cmpf ogt, %get3A_2472, %select_n3A_2465 : vector<8x1024xf32>
    %select_n3A_2474 = arith.select %gt3A_2473, %get3A_2472, %select_n3A_2465 : vector<8x1024xi1>, vector<8x1024xf32>
    %add3A_2475 = arith.constant 273 : i32
    %add3A_2476 = arith.addi %mul3A_16, %add3A_2475 : i32
    %broadcast_in_dim3A_2477 = vector.broadcast %add3A_2476 : i32 to vector<8x1024xi32>
    %select_n3A_2478 = arith.select %gt3A_2473, %broadcast_in_dim3A_2477, %select_n3A_2469 : vector<8x1024xi1>, vector<8x1024xi32>
    %get3A_2479 = arith.constant 2192 : index
    %get3A_2480 = arith.constant 0 : index
    %get3A_2481 = vector.load %arg5[%get3A_2479, %get3A_2480] : memref<4096x1024xf32, #tpu.memory_space<vmem>>, vector<8x1024xf32>
    %gt3A_2482 = arith.cmpf ogt, %get3A_2481, %select_n3A_2474 : vector<8x1024xf32>
    %select_n3A_2483 = arith.select %gt3A_2482, %get3A_2481, %select_n3A_2474 : vector<8x1024xi1>, vector<8x1024xf32>
    %add3A_2484 = arith.constant 274 : i32
    %add3A_2485 = arith.addi %mul3A_16, %add3A_2484 : i32
    %broadcast_in_dim3A_2486 = vector.broadcast %add3A_2485 : i32 to vector<8x1024xi32>
    %select_n3A_2487 = arith.select %gt3A_2482, %broadcast_in_dim3A_2486, %select_n3A_2478 : vector<8x1024xi1>, vector<8x1024xi32>
    %get3A_2488 = arith.constant 2200 : index
    %get3A_2489 = arith.constant 0 : index
    %get3A_2490 = vector.load %arg5[%get3A_2488, %get3A_2489] : memref<4096x1024xf32, #tpu.memory_space<vmem>>, vector<8x1024xf32>
    %gt3A_2491 = arith.cmpf ogt, %get3A_2490, %select_n3A_2483 : vector<8x1024xf32>
    %select_n3A_2492 = arith.select %gt3A_2491, %get3A_2490, %select_n3A_2483 : vector<8x1024xi1>, vector<8x1024xf32>
    %add3A_2493 = arith.constant 275 : i32
    %add3A_2494 = arith.addi %mul3A_16, %add3A_2493 : i32
    %broadcast_in_dim3A_2495 = vector.broadcast %add3A_2494 : i32 to vector<8x1024xi32>
    %select_n3A_2496 = arith.select %gt3A_2491, %broadcast_in_dim3A_2495, %select_n3A_2487 : vector<8x1024xi1>, vector<8x1024xi32>
    %get3A_2497 = arith.constant 2208 : index
    %get3A_2498 = arith.constant 0 : index
    %get3A_2499 = vector.load %arg5[%get3A_2497, %get3A_2498] : memref<4096x1024xf32, #tpu.memory_space<vmem>>, vector<8x1024xf32>
    %gt3A_2500 = arith.cmpf ogt, %get3A_2499, %select_n3A_2492 : vector<8x1024xf32>
    %select_n3A_2501 = arith.select %gt3A_2500, %get3A_2499, %select_n3A_2492 : vector<8x1024xi1>, vector<8x1024xf32>
    %add3A_2502 = arith.constant 276 : i32
    %add3A_2503 = arith.addi %mul3A_16, %add3A_2502 : i32
    %broadcast_in_dim3A_2504 = vector.broadcast %add3A_2503 : i32 to vector<8x1024xi32>
    %select_n3A_2505 = arith.select %gt3A_2500, %broadcast_in_dim3A_2504, %select_n3A_2496 : vector<8x1024xi1>, vector<8x1024xi32>
    %get3A_2506 = arith.constant 2216 : index
    %get3A_2507 = arith.constant 0 : index
    %get3A_2508 = vector.load %arg5[%get3A_2506, %get3A_2507] : memref<4096x1024xf32, #tpu.memory_space<vmem>>, vector<8x1024xf32>
    %gt3A_2509 = arith.cmpf ogt, %get3A_2508, %select_n3A_2501 : vector<8x1024xf32>
    %select_n3A_2510 = arith.select %gt3A_2509, %get3A_2508, %select_n3A_2501 : vector<8x1024xi1>, vector<8x1024xf32>
    %add3A_2511 = arith.constant 277 : i32
    %add3A_2512 = arith.addi %mul3A_16, %add3A_2511 : i32
    %broadcast_in_dim3A_2513 = vector.broadcast %add3A_2512 : i32 to vector<8x1024xi32>
    %select_n3A_2514 = arith.select %gt3A_2509, %broadcast_in_dim3A_2513, %select_n3A_2505 : vector<8x1024xi1>, vector<8x1024xi32>
    %get3A_2515 = arith.constant 2224 : index
    %get3A_2516 = arith.constant 0 : index
    %get3A_2517 = vector.load %arg5[%get3A_2515, %get3A_2516] : memref<4096x1024xf32, #tpu.memory_space<vmem>>, vector<8x1024xf32>
    %gt3A_2518 = arith.cmpf ogt, %get3A_2517, %select_n3A_2510 : vector<8x1024xf32>
    %select_n3A_2519 = arith.select %gt3A_2518, %get3A_2517, %select_n3A_2510 : vector<8x1024xi1>, vector<8x1024xf32>
    %add3A_2520 = arith.constant 278 : i32
    %add3A_2521 = arith.addi %mul3A_16, %add3A_2520 : i32
    %broadcast_in_dim3A_2522 = vector.broadcast %add3A_2521 : i32 to vector<8x1024xi32>
    %select_n3A_2523 = arith.select %gt3A_2518, %broadcast_in_dim3A_2522, %select_n3A_2514 : vector<8x1024xi1>, vector<8x1024xi32>
    %get3A_2524 = arith.constant 2232 : index
    %get3A_2525 = arith.constant 0 : index
    %get3A_2526 = vector.load %arg5[%get3A_2524, %get3A_2525] : memref<4096x1024xf32, #tpu.memory_space<vmem>>, vector<8x1024xf32>
    %gt3A_2527 = arith.cmpf ogt, %get3A_2526, %select_n3A_2519 : vector<8x1024xf32>
    %select_n3A_2528 = arith.select %gt3A_2527, %get3A_2526, %select_n3A_2519 : vector<8x1024xi1>, vector<8x1024xf32>
    %add3A_2529 = arith.constant 279 : i32
    %add3A_2530 = arith.addi %mul3A_16, %add3A_2529 : i32
    %broadcast_in_dim3A_2531 = vector.broadcast %add3A_2530 : i32 to vector<8x1024xi32>
    %select_n3A_2532 = arith.select %gt3A_2527, %broadcast_in_dim3A_2531, %select_n3A_2523 : vector<8x1024xi1>, vector<8x1024xi32>
    %get3A_2533 = arith.constant 2240 : index
    %get3A_2534 = arith.constant 0 : index
    %get3A_2535 = vector.load %arg5[%get3A_2533, %get3A_2534] : memref<4096x1024xf32, #tpu.memory_space<vmem>>, vector<8x1024xf32>
    %gt3A_2536 = arith.cmpf ogt, %get3A_2535, %select_n3A_2528 : vector<8x1024xf32>
    %select_n3A_2537 = arith.select %gt3A_2536, %get3A_2535, %select_n3A_2528 : vector<8x1024xi1>, vector<8x1024xf32>
    %add3A_2538 = arith.constant 280 : i32
    %add3A_2539 = arith.addi %mul3A_16, %add3A_2538 : i32
    %broadcast_in_dim3A_2540 = vector.broadcast %add3A_2539 : i32 to vector<8x1024xi32>
    %select_n3A_2541 = arith.select %gt3A_2536, %broadcast_in_dim3A_2540, %select_n3A_2532 : vector<8x1024xi1>, vector<8x1024xi32>
    %get3A_2542 = arith.constant 2248 : index
    %get3A_2543 = arith.constant 0 : index
    %get3A_2544 = vector.load %arg5[%get3A_2542, %get3A_2543] : memref<4096x1024xf32, #tpu.memory_space<vmem>>, vector<8x1024xf32>
    %gt3A_2545 = arith.cmpf ogt, %get3A_2544, %select_n3A_2537 : vector<8x1024xf32>
    %select_n3A_2546 = arith.select %gt3A_2545, %get3A_2544, %select_n3A_2537 : vector<8x1024xi1>, vector<8x1024xf32>
    %add3A_2547 = arith.constant 281 : i32
    %add3A_2548 = arith.addi %mul3A_16, %add3A_2547 : i32
    %broadcast_in_dim3A_2549 = vector.broadcast %add3A_2548 : i32 to vector<8x1024xi32>
    %select_n3A_2550 = arith.select %gt3A_2545, %broadcast_in_dim3A_2549, %select_n3A_2541 : vector<8x1024xi1>, vector<8x1024xi32>
    %get3A_2551 = arith.constant 2256 : index
    %get3A_2552 = arith.constant 0 : index
    %get3A_2553 = vector.load %arg5[%get3A_2551, %get3A_2552] : memref<4096x1024xf32, #tpu.memory_space<vmem>>, vector<8x1024xf32>
    %gt3A_2554 = arith.cmpf ogt, %get3A_2553, %select_n3A_2546 : vector<8x1024xf32>
    %select_n3A_2555 = arith.select %gt3A_2554, %get3A_2553, %select_n3A_2546 : vector<8x1024xi1>, vector<8x1024xf32>
    %add3A_2556 = arith.constant 282 : i32
    %add3A_2557 = arith.addi %mul3A_16, %add3A_2556 : i32
    %broadcast_in_dim3A_2558 = vector.broadcast %add3A_2557 : i32 to vector<8x1024xi32>
    %select_n3A_2559 = arith.select %gt3A_2554, %broadcast_in_dim3A_2558, %select_n3A_2550 : vector<8x1024xi1>, vector<8x1024xi32>
    %get3A_2560 = arith.constant 2264 : index
    %get3A_2561 = arith.constant 0 : index
    %get3A_2562 = vector.load %arg5[%get3A_2560, %get3A_2561] : memref<4096x1024xf32, #tpu.memory_space<vmem>>, vector<8x1024xf32>
    %gt3A_2563 = arith.cmpf ogt, %get3A_2562, %select_n3A_2555 : vector<8x1024xf32>
    %select_n3A_2564 = arith.select %gt3A_2563, %get3A_2562, %select_n3A_2555 : vector<8x1024xi1>, vector<8x1024xf32>
    %add3A_2565 = arith.constant 283 : i32
    %add3A_2566 = arith.addi %mul3A_16, %add3A_2565 : i32
    %broadcast_in_dim3A_2567 = vector.broadcast %add3A_2566 : i32 to vector<8x1024xi32>
    %select_n3A_2568 = arith.select %gt3A_2563, %broadcast_in_dim3A_2567, %select_n3A_2559 : vector<8x1024xi1>, vector<8x1024xi32>
    %get3A_2569 = arith.constant 2272 : index
    %get3A_2570 = arith.constant 0 : index
    %get3A_2571 = vector.load %arg5[%get3A_2569, %get3A_2570] : memref<4096x1024xf32, #tpu.memory_space<vmem>>, vector<8x1024xf32>
    %gt3A_2572 = arith.cmpf ogt, %get3A_2571, %select_n3A_2564 : vector<8x1024xf32>
    %select_n3A_2573 = arith.select %gt3A_2572, %get3A_2571, %select_n3A_2564 : vector<8x1024xi1>, vector<8x1024xf32>
    %add3A_2574 = arith.constant 284 : i32
    %add3A_2575 = arith.addi %mul3A_16, %add3A_2574 : i32
    %broadcast_in_dim3A_2576 = vector.broadcast %add3A_2575 : i32 to vector<8x1024xi32>
    %select_n3A_2577 = arith.select %gt3A_2572, %broadcast_in_dim3A_2576, %select_n3A_2568 : vector<8x1024xi1>, vector<8x1024xi32>
    %get3A_2578 = arith.constant 2280 : index
    %get3A_2579 = arith.constant 0 : index
    %get3A_2580 = vector.load %arg5[%get3A_2578, %get3A_2579] : memref<4096x1024xf32, #tpu.memory_space<vmem>>, vector<8x1024xf32>
    %gt3A_2581 = arith.cmpf ogt, %get3A_2580, %select_n3A_2573 : vector<8x1024xf32>
    %select_n3A_2582 = arith.select %gt3A_2581, %get3A_2580, %select_n3A_2573 : vector<8x1024xi1>, vector<8x1024xf32>
    %add3A_2583 = arith.constant 285 : i32
    %add3A_2584 = arith.addi %mul3A_16, %add3A_2583 : i32
    %broadcast_in_dim3A_2585 = vector.broadcast %add3A_2584 : i32 to vector<8x1024xi32>
    %select_n3A_2586 = arith.select %gt3A_2581, %broadcast_in_dim3A_2585, %select_n3A_2577 : vector<8x1024xi1>, vector<8x1024xi32>
    %get3A_2587 = arith.constant 2288 : index
    %get3A_2588 = arith.constant 0 : index
    %get3A_2589 = vector.load %arg5[%get3A_2587, %get3A_2588] : memref<4096x1024xf32, #tpu.memory_space<vmem>>, vector<8x1024xf32>
    %gt3A_2590 = arith.cmpf ogt, %get3A_2589, %select_n3A_2582 : vector<8x1024xf32>
    %select_n3A_2591 = arith.select %gt3A_2590, %get3A_2589, %select_n3A_2582 : vector<8x1024xi1>, vector<8x1024xf32>
    %add3A_2592 = arith.constant 286 : i32
    %add3A_2593 = arith.addi %mul3A_16, %add3A_2592 : i32
    %broadcast_in_dim3A_2594 = vector.broadcast %add3A_2593 : i32 to vector<8x1024xi32>
    %select_n3A_2595 = arith.select %gt3A_2590, %broadcast_in_dim3A_2594, %select_n3A_2586 : vector<8x1024xi1>, vector<8x1024xi32>
    %get3A_2596 = arith.constant 2296 : index
    %get3A_2597 = arith.constant 0 : index
    %get3A_2598 = vector.load %arg5[%get3A_2596, %get3A_2597] : memref<4096x1024xf32, #tpu.memory_space<vmem>>, vector<8x1024xf32>
    %gt3A_2599 = arith.cmpf ogt, %get3A_2598, %select_n3A_2591 : vector<8x1024xf32>
    %select_n3A_2600 = arith.select %gt3A_2599, %get3A_2598, %select_n3A_2591 : vector<8x1024xi1>, vector<8x1024xf32>
    %add3A_2601 = arith.constant 287 : i32
    %add3A_2602 = arith.addi %mul3A_16, %add3A_2601 : i32
    %broadcast_in_dim3A_2603 = vector.broadcast %add3A_2602 : i32 to vector<8x1024xi32>
    %select_n3A_2604 = arith.select %gt3A_2599, %broadcast_in_dim3A_2603, %select_n3A_2595 : vector<8x1024xi1>, vector<8x1024xi32>
    %get3A_2605 = arith.constant 2304 : index
    %get3A_2606 = arith.constant 0 : index
    %get3A_2607 = vector.load %arg5[%get3A_2605, %get3A_2606] : memref<4096x1024xf32, #tpu.memory_space<vmem>>, vector<8x1024xf32>
    %gt3A_2608 = arith.cmpf ogt, %get3A_2607, %select_n3A_2600 : vector<8x1024xf32>
    %select_n3A_2609 = arith.select %gt3A_2608, %get3A_2607, %select_n3A_2600 : vector<8x1024xi1>, vector<8x1024xf32>
    %add3A_2610 = arith.constant 288 : i32
    %add3A_2611 = arith.addi %mul3A_16, %add3A_2610 : i32
    %broadcast_in_dim3A_2612 = vector.broadcast %add3A_2611 : i32 to vector<8x1024xi32>
    %select_n3A_2613 = arith.select %gt3A_2608, %broadcast_in_dim3A_2612, %select_n3A_2604 : vector<8x1024xi1>, vector<8x1024xi32>
    %get3A_2614 = arith.constant 2312 : index
    %get3A_2615 = arith.constant 0 : index
    %get3A_2616 = vector.load %arg5[%get3A_2614, %get3A_2615] : memref<4096x1024xf32, #tpu.memory_space<vmem>>, vector<8x1024xf32>
    %gt3A_2617 = arith.cmpf ogt, %get3A_2616, %select_n3A_2609 : vector<8x1024xf32>
    %select_n3A_2618 = arith.select %gt3A_2617, %get3A_2616, %select_n3A_2609 : vector<8x1024xi1>, vector<8x1024xf32>
    %add3A_2619 = arith.constant 289 : i32
    %add3A_2620 = arith.addi %mul3A_16, %add3A_2619 : i32
    %broadcast_in_dim3A_2621 = vector.broadcast %add3A_2620 : i32 to vector<8x1024xi32>
    %select_n3A_2622 = arith.select %gt3A_2617, %broadcast_in_dim3A_2621, %select_n3A_2613 : vector<8x1024xi1>, vector<8x1024xi32>
    %get3A_2623 = arith.constant 2320 : index
    %get3A_2624 = arith.constant 0 : index
    %get3A_2625 = vector.load %arg5[%get3A_2623, %get3A_2624] : memref<4096x1024xf32, #tpu.memory_space<vmem>>, vector<8x1024xf32>
    %gt3A_2626 = arith.cmpf ogt, %get3A_2625, %select_n3A_2618 : vector<8x1024xf32>
    %select_n3A_2627 = arith.select %gt3A_2626, %get3A_2625, %select_n3A_2618 : vector<8x1024xi1>, vector<8x1024xf32>
    %add3A_2628 = arith.constant 290 : i32
    %add3A_2629 = arith.addi %mul3A_16, %add3A_2628 : i32
    %broadcast_in_dim3A_2630 = vector.broadcast %add3A_2629 : i32 to vector<8x1024xi32>
    %select_n3A_2631 = arith.select %gt3A_2626, %broadcast_in_dim3A_2630, %select_n3A_2622 : vector<8x1024xi1>, vector<8x1024xi32>
    %get3A_2632 = arith.constant 2328 : index
    %get3A_2633 = arith.constant 0 : index
    %get3A_2634 = vector.load %arg5[%get3A_2632, %get3A_2633] : memref<4096x1024xf32, #tpu.memory_space<vmem>>, vector<8x1024xf32>
    %gt3A_2635 = arith.cmpf ogt, %get3A_2634, %select_n3A_2627 : vector<8x1024xf32>
    %select_n3A_2636 = arith.select %gt3A_2635, %get3A_2634, %select_n3A_2627 : vector<8x1024xi1>, vector<8x1024xf32>
    %add3A_2637 = arith.constant 291 : i32
    %add3A_2638 = arith.addi %mul3A_16, %add3A_2637 : i32
    %broadcast_in_dim3A_2639 = vector.broadcast %add3A_2638 : i32 to vector<8x1024xi32>
    %select_n3A_2640 = arith.select %gt3A_2635, %broadcast_in_dim3A_2639, %select_n3A_2631 : vector<8x1024xi1>, vector<8x1024xi32>
    %get3A_2641 = arith.constant 2336 : index
    %get3A_2642 = arith.constant 0 : index
    %get3A_2643 = vector.load %arg5[%get3A_2641, %get3A_2642] : memref<4096x1024xf32, #tpu.memory_space<vmem>>, vector<8x1024xf32>
    %gt3A_2644 = arith.cmpf ogt, %get3A_2643, %select_n3A_2636 : vector<8x1024xf32>
    %select_n3A_2645 = arith.select %gt3A_2644, %get3A_2643, %select_n3A_2636 : vector<8x1024xi1>, vector<8x1024xf32>
    %add3A_2646 = arith.constant 292 : i32
    %add3A_2647 = arith.addi %mul3A_16, %add3A_2646 : i32
    %broadcast_in_dim3A_2648 = vector.broadcast %add3A_2647 : i32 to vector<8x1024xi32>
    %select_n3A_2649 = arith.select %gt3A_2644, %broadcast_in_dim3A_2648, %select_n3A_2640 : vector<8x1024xi1>, vector<8x1024xi32>
    %get3A_2650 = arith.constant 2344 : index
    %get3A_2651 = arith.constant 0 : index
    %get3A_2652 = vector.load %arg5[%get3A_2650, %get3A_2651] : memref<4096x1024xf32, #tpu.memory_space<vmem>>, vector<8x1024xf32>
    %gt3A_2653 = arith.cmpf ogt, %get3A_2652, %select_n3A_2645 : vector<8x1024xf32>
    %select_n3A_2654 = arith.select %gt3A_2653, %get3A_2652, %select_n3A_2645 : vector<8x1024xi1>, vector<8x1024xf32>
    %add3A_2655 = arith.constant 293 : i32
    %add3A_2656 = arith.addi %mul3A_16, %add3A_2655 : i32
    %broadcast_in_dim3A_2657 = vector.broadcast %add3A_2656 : i32 to vector<8x1024xi32>
    %select_n3A_2658 = arith.select %gt3A_2653, %broadcast_in_dim3A_2657, %select_n3A_2649 : vector<8x1024xi1>, vector<8x1024xi32>
    %get3A_2659 = arith.constant 2352 : index
    %get3A_2660 = arith.constant 0 : index
    %get3A_2661 = vector.load %arg5[%get3A_2659, %get3A_2660] : memref<4096x1024xf32, #tpu.memory_space<vmem>>, vector<8x1024xf32>
    %gt3A_2662 = arith.cmpf ogt, %get3A_2661, %select_n3A_2654 : vector<8x1024xf32>
    %select_n3A_2663 = arith.select %gt3A_2662, %get3A_2661, %select_n3A_2654 : vector<8x1024xi1>, vector<8x1024xf32>
    %add3A_2664 = arith.constant 294 : i32
    %add3A_2665 = arith.addi %mul3A_16, %add3A_2664 : i32
    %broadcast_in_dim3A_2666 = vector.broadcast %add3A_2665 : i32 to vector<8x1024xi32>
    %select_n3A_2667 = arith.select %gt3A_2662, %broadcast_in_dim3A_2666, %select_n3A_2658 : vector<8x1024xi1>, vector<8x1024xi32>
    %get3A_2668 = arith.constant 2360 : index
    %get3A_2669 = arith.constant 0 : index
    %get3A_2670 = vector.load %arg5[%get3A_2668, %get3A_2669] : memref<4096x1024xf32, #tpu.memory_space<vmem>>, vector<8x1024xf32>
    %gt3A_2671 = arith.cmpf ogt, %get3A_2670, %select_n3A_2663 : vector<8x1024xf32>
    %select_n3A_2672 = arith.select %gt3A_2671, %get3A_2670, %select_n3A_2663 : vector<8x1024xi1>, vector<8x1024xf32>
    %add3A_2673 = arith.constant 295 : i32
    %add3A_2674 = arith.addi %mul3A_16, %add3A_2673 : i32
    %broadcast_in_dim3A_2675 = vector.broadcast %add3A_2674 : i32 to vector<8x1024xi32>
    %select_n3A_2676 = arith.select %gt3A_2671, %broadcast_in_dim3A_2675, %select_n3A_2667 : vector<8x1024xi1>, vector<8x1024xi32>
    %get3A_2677 = arith.constant 2368 : index
    %get3A_2678 = arith.constant 0 : index
    %get3A_2679 = vector.load %arg5[%get3A_2677, %get3A_2678] : memref<4096x1024xf32, #tpu.memory_space<vmem>>, vector<8x1024xf32>
    %gt3A_2680 = arith.cmpf ogt, %get3A_2679, %select_n3A_2672 : vector<8x1024xf32>
    %select_n3A_2681 = arith.select %gt3A_2680, %get3A_2679, %select_n3A_2672 : vector<8x1024xi1>, vector<8x1024xf32>
    %add3A_2682 = arith.constant 296 : i32
    %add3A_2683 = arith.addi %mul3A_16, %add3A_2682 : i32
    %broadcast_in_dim3A_2684 = vector.broadcast %add3A_2683 : i32 to vector<8x1024xi32>
    %select_n3A_2685 = arith.select %gt3A_2680, %broadcast_in_dim3A_2684, %select_n3A_2676 : vector<8x1024xi1>, vector<8x1024xi32>
    %get3A_2686 = arith.constant 2376 : index
    %get3A_2687 = arith.constant 0 : index
    %get3A_2688 = vector.load %arg5[%get3A_2686, %get3A_2687] : memref<4096x1024xf32, #tpu.memory_space<vmem>>, vector<8x1024xf32>
    %gt3A_2689 = arith.cmpf ogt, %get3A_2688, %select_n3A_2681 : vector<8x1024xf32>
    %select_n3A_2690 = arith.select %gt3A_2689, %get3A_2688, %select_n3A_2681 : vector<8x1024xi1>, vector<8x1024xf32>
    %add3A_2691 = arith.constant 297 : i32
    %add3A_2692 = arith.addi %mul3A_16, %add3A_2691 : i32
    %broadcast_in_dim3A_2693 = vector.broadcast %add3A_2692 : i32 to vector<8x1024xi32>
    %select_n3A_2694 = arith.select %gt3A_2689, %broadcast_in_dim3A_2693, %select_n3A_2685 : vector<8x1024xi1>, vector<8x1024xi32>
    %get3A_2695 = arith.constant 2384 : index
    %get3A_2696 = arith.constant 0 : index
    %get3A_2697 = vector.load %arg5[%get3A_2695, %get3A_2696] : memref<4096x1024xf32, #tpu.memory_space<vmem>>, vector<8x1024xf32>
    %gt3A_2698 = arith.cmpf ogt, %get3A_2697, %select_n3A_2690 : vector<8x1024xf32>
    %select_n3A_2699 = arith.select %gt3A_2698, %get3A_2697, %select_n3A_2690 : vector<8x1024xi1>, vector<8x1024xf32>
    %add3A_2700 = arith.constant 298 : i32
    %add3A_2701 = arith.addi %mul3A_16, %add3A_2700 : i32
    %broadcast_in_dim3A_2702 = vector.broadcast %add3A_2701 : i32 to vector<8x1024xi32>
    %select_n3A_2703 = arith.select %gt3A_2698, %broadcast_in_dim3A_2702, %select_n3A_2694 : vector<8x1024xi1>, vector<8x1024xi32>
    %get3A_2704 = arith.constant 2392 : index
    %get3A_2705 = arith.constant 0 : index
    %get3A_2706 = vector.load %arg5[%get3A_2704, %get3A_2705] : memref<4096x1024xf32, #tpu.memory_space<vmem>>, vector<8x1024xf32>
    %gt3A_2707 = arith.cmpf ogt, %get3A_2706, %select_n3A_2699 : vector<8x1024xf32>
    %select_n3A_2708 = arith.select %gt3A_2707, %get3A_2706, %select_n3A_2699 : vector<8x1024xi1>, vector<8x1024xf32>
    %add3A_2709 = arith.constant 299 : i32
    %add3A_2710 = arith.addi %mul3A_16, %add3A_2709 : i32
    %broadcast_in_dim3A_2711 = vector.broadcast %add3A_2710 : i32 to vector<8x1024xi32>
    %select_n3A_2712 = arith.select %gt3A_2707, %broadcast_in_dim3A_2711, %select_n3A_2703 : vector<8x1024xi1>, vector<8x1024xi32>
    %get3A_2713 = arith.constant 2400 : index
    %get3A_2714 = arith.constant 0 : index
    %get3A_2715 = vector.load %arg5[%get3A_2713, %get3A_2714] : memref<4096x1024xf32, #tpu.memory_space<vmem>>, vector<8x1024xf32>
    %gt3A_2716 = arith.cmpf ogt, %get3A_2715, %select_n3A_2708 : vector<8x1024xf32>
    %select_n3A_2717 = arith.select %gt3A_2716, %get3A_2715, %select_n3A_2708 : vector<8x1024xi1>, vector<8x1024xf32>
    %add3A_2718 = arith.constant 300 : i32
    %add3A_2719 = arith.addi %mul3A_16, %add3A_2718 : i32
    %broadcast_in_dim3A_2720 = vector.broadcast %add3A_2719 : i32 to vector<8x1024xi32>
    %select_n3A_2721 = arith.select %gt3A_2716, %broadcast_in_dim3A_2720, %select_n3A_2712 : vector<8x1024xi1>, vector<8x1024xi32>
    %get3A_2722 = arith.constant 2408 : index
    %get3A_2723 = arith.constant 0 : index
    %get3A_2724 = vector.load %arg5[%get3A_2722, %get3A_2723] : memref<4096x1024xf32, #tpu.memory_space<vmem>>, vector<8x1024xf32>
    %gt3A_2725 = arith.cmpf ogt, %get3A_2724, %select_n3A_2717 : vector<8x1024xf32>
    %select_n3A_2726 = arith.select %gt3A_2725, %get3A_2724, %select_n3A_2717 : vector<8x1024xi1>, vector<8x1024xf32>
    %add3A_2727 = arith.constant 301 : i32
    %add3A_2728 = arith.addi %mul3A_16, %add3A_2727 : i32
    %broadcast_in_dim3A_2729 = vector.broadcast %add3A_2728 : i32 to vector<8x1024xi32>
    %select_n3A_2730 = arith.select %gt3A_2725, %broadcast_in_dim3A_2729, %select_n3A_2721 : vector<8x1024xi1>, vector<8x1024xi32>
    %get3A_2731 = arith.constant 2416 : index
    %get3A_2732 = arith.constant 0 : index
    %get3A_2733 = vector.load %arg5[%get3A_2731, %get3A_2732] : memref<4096x1024xf32, #tpu.memory_space<vmem>>, vector<8x1024xf32>
    %gt3A_2734 = arith.cmpf ogt, %get3A_2733, %select_n3A_2726 : vector<8x1024xf32>
    %select_n3A_2735 = arith.select %gt3A_2734, %get3A_2733, %select_n3A_2726 : vector<8x1024xi1>, vector<8x1024xf32>
    %add3A_2736 = arith.constant 302 : i32
    %add3A_2737 = arith.addi %mul3A_16, %add3A_2736 : i32
    %broadcast_in_dim3A_2738 = vector.broadcast %add3A_2737 : i32 to vector<8x1024xi32>
    %select_n3A_2739 = arith.select %gt3A_2734, %broadcast_in_dim3A_2738, %select_n3A_2730 : vector<8x1024xi1>, vector<8x1024xi32>
    %get3A_2740 = arith.constant 2424 : index
    %get3A_2741 = arith.constant 0 : index
    %get3A_2742 = vector.load %arg5[%get3A_2740, %get3A_2741] : memref<4096x1024xf32, #tpu.memory_space<vmem>>, vector<8x1024xf32>
    %gt3A_2743 = arith.cmpf ogt, %get3A_2742, %select_n3A_2735 : vector<8x1024xf32>
    %select_n3A_2744 = arith.select %gt3A_2743, %get3A_2742, %select_n3A_2735 : vector<8x1024xi1>, vector<8x1024xf32>
    %add3A_2745 = arith.constant 303 : i32
    %add3A_2746 = arith.addi %mul3A_16, %add3A_2745 : i32
    %broadcast_in_dim3A_2747 = vector.broadcast %add3A_2746 : i32 to vector<8x1024xi32>
    %select_n3A_2748 = arith.select %gt3A_2743, %broadcast_in_dim3A_2747, %select_n3A_2739 : vector<8x1024xi1>, vector<8x1024xi32>
    %get3A_2749 = arith.constant 2432 : index
    %get3A_2750 = arith.constant 0 : index
    %get3A_2751 = vector.load %arg5[%get3A_2749, %get3A_2750] : memref<4096x1024xf32, #tpu.memory_space<vmem>>, vector<8x1024xf32>
    %gt3A_2752 = arith.cmpf ogt, %get3A_2751, %select_n3A_2744 : vector<8x1024xf32>
    %select_n3A_2753 = arith.select %gt3A_2752, %get3A_2751, %select_n3A_2744 : vector<8x1024xi1>, vector<8x1024xf32>
    %add3A_2754 = arith.constant 304 : i32
    %add3A_2755 = arith.addi %mul3A_16, %add3A_2754 : i32
    %broadcast_in_dim3A_2756 = vector.broadcast %add3A_2755 : i32 to vector<8x1024xi32>
    %select_n3A_2757 = arith.select %gt3A_2752, %broadcast_in_dim3A_2756, %select_n3A_2748 : vector<8x1024xi1>, vector<8x1024xi32>
    %get3A_2758 = arith.constant 2440 : index
    %get3A_2759 = arith.constant 0 : index
    %get3A_2760 = vector.load %arg5[%get3A_2758, %get3A_2759] : memref<4096x1024xf32, #tpu.memory_space<vmem>>, vector<8x1024xf32>
    %gt3A_2761 = arith.cmpf ogt, %get3A_2760, %select_n3A_2753 : vector<8x1024xf32>
    %select_n3A_2762 = arith.select %gt3A_2761, %get3A_2760, %select_n3A_2753 : vector<8x1024xi1>, vector<8x1024xf32>
    %add3A_2763 = arith.constant 305 : i32
    %add3A_2764 = arith.addi %mul3A_16, %add3A_2763 : i32
    %broadcast_in_dim3A_2765 = vector.broadcast %add3A_2764 : i32 to vector<8x1024xi32>
    %select_n3A_2766 = arith.select %gt3A_2761, %broadcast_in_dim3A_2765, %select_n3A_2757 : vector<8x1024xi1>, vector<8x1024xi32>
    %get3A_2767 = arith.constant 2448 : index
    %get3A_2768 = arith.constant 0 : index
    %get3A_2769 = vector.load %arg5[%get3A_2767, %get3A_2768] : memref<4096x1024xf32, #tpu.memory_space<vmem>>, vector<8x1024xf32>
    %gt3A_2770 = arith.cmpf ogt, %get3A_2769, %select_n3A_2762 : vector<8x1024xf32>
    %select_n3A_2771 = arith.select %gt3A_2770, %get3A_2769, %select_n3A_2762 : vector<8x1024xi1>, vector<8x1024xf32>
    %add3A_2772 = arith.constant 306 : i32
    %add3A_2773 = arith.addi %mul3A_16, %add3A_2772 : i32
    %broadcast_in_dim3A_2774 = vector.broadcast %add3A_2773 : i32 to vector<8x1024xi32>
    %select_n3A_2775 = arith.select %gt3A_2770, %broadcast_in_dim3A_2774, %select_n3A_2766 : vector<8x1024xi1>, vector<8x1024xi32>
    %get3A_2776 = arith.constant 2456 : index
    %get3A_2777 = arith.constant 0 : index
    %get3A_2778 = vector.load %arg5[%get3A_2776, %get3A_2777] : memref<4096x1024xf32, #tpu.memory_space<vmem>>, vector<8x1024xf32>
    %gt3A_2779 = arith.cmpf ogt, %get3A_2778, %select_n3A_2771 : vector<8x1024xf32>
    %select_n3A_2780 = arith.select %gt3A_2779, %get3A_2778, %select_n3A_2771 : vector<8x1024xi1>, vector<8x1024xf32>
    %add3A_2781 = arith.constant 307 : i32
    %add3A_2782 = arith.addi %mul3A_16, %add3A_2781 : i32
    %broadcast_in_dim3A_2783 = vector.broadcast %add3A_2782 : i32 to vector<8x1024xi32>
    %select_n3A_2784 = arith.select %gt3A_2779, %broadcast_in_dim3A_2783, %select_n3A_2775 : vector<8x1024xi1>, vector<8x1024xi32>
    %get3A_2785 = arith.constant 2464 : index
    %get3A_2786 = arith.constant 0 : index
    %get3A_2787 = vector.load %arg5[%get3A_2785, %get3A_2786] : memref<4096x1024xf32, #tpu.memory_space<vmem>>, vector<8x1024xf32>
    %gt3A_2788 = arith.cmpf ogt, %get3A_2787, %select_n3A_2780 : vector<8x1024xf32>
    %select_n3A_2789 = arith.select %gt3A_2788, %get3A_2787, %select_n3A_2780 : vector<8x1024xi1>, vector<8x1024xf32>
    %add3A_2790 = arith.constant 308 : i32
    %add3A_2791 = arith.addi %mul3A_16, %add3A_2790 : i32
    %broadcast_in_dim3A_2792 = vector.broadcast %add3A_2791 : i32 to vector<8x1024xi32>
    %select_n3A_2793 = arith.select %gt3A_2788, %broadcast_in_dim3A_2792, %select_n3A_2784 : vector<8x1024xi1>, vector<8x1024xi32>
    %get3A_2794 = arith.constant 2472 : index
    %get3A_2795 = arith.constant 0 : index
    %get3A_2796 = vector.load %arg5[%get3A_2794, %get3A_2795] : memref<4096x1024xf32, #tpu.memory_space<vmem>>, vector<8x1024xf32>
    %gt3A_2797 = arith.cmpf ogt, %get3A_2796, %select_n3A_2789 : vector<8x1024xf32>
    %select_n3A_2798 = arith.select %gt3A_2797, %get3A_2796, %select_n3A_2789 : vector<8x1024xi1>, vector<8x1024xf32>
    %add3A_2799 = arith.constant 309 : i32
    %add3A_2800 = arith.addi %mul3A_16, %add3A_2799 : i32
    %broadcast_in_dim3A_2801 = vector.broadcast %add3A_2800 : i32 to vector<8x1024xi32>
    %select_n3A_2802 = arith.select %gt3A_2797, %broadcast_in_dim3A_2801, %select_n3A_2793 : vector<8x1024xi1>, vector<8x1024xi32>
    %get3A_2803 = arith.constant 2480 : index
    %get3A_2804 = arith.constant 0 : index
    %get3A_2805 = vector.load %arg5[%get3A_2803, %get3A_2804] : memref<4096x1024xf32, #tpu.memory_space<vmem>>, vector<8x1024xf32>
    %gt3A_2806 = arith.cmpf ogt, %get3A_2805, %select_n3A_2798 : vector<8x1024xf32>
    %select_n3A_2807 = arith.select %gt3A_2806, %get3A_2805, %select_n3A_2798 : vector<8x1024xi1>, vector<8x1024xf32>
    %add3A_2808 = arith.constant 310 : i32
    %add3A_2809 = arith.addi %mul3A_16, %add3A_2808 : i32
    %broadcast_in_dim3A_2810 = vector.broadcast %add3A_2809 : i32 to vector<8x1024xi32>
    %select_n3A_2811 = arith.select %gt3A_2806, %broadcast_in_dim3A_2810, %select_n3A_2802 : vector<8x1024xi1>, vector<8x1024xi32>
    %get3A_2812 = arith.constant 2488 : index
    %get3A_2813 = arith.constant 0 : index
    %get3A_2814 = vector.load %arg5[%get3A_2812, %get3A_2813] : memref<4096x1024xf32, #tpu.memory_space<vmem>>, vector<8x1024xf32>
    %gt3A_2815 = arith.cmpf ogt, %get3A_2814, %select_n3A_2807 : vector<8x1024xf32>
    %select_n3A_2816 = arith.select %gt3A_2815, %get3A_2814, %select_n3A_2807 : vector<8x1024xi1>, vector<8x1024xf32>
    %add3A_2817 = arith.constant 311 : i32
    %add3A_2818 = arith.addi %mul3A_16, %add3A_2817 : i32
    %broadcast_in_dim3A_2819 = vector.broadcast %add3A_2818 : i32 to vector<8x1024xi32>
    %select_n3A_2820 = arith.select %gt3A_2815, %broadcast_in_dim3A_2819, %select_n3A_2811 : vector<8x1024xi1>, vector<8x1024xi32>
    %get3A_2821 = arith.constant 2496 : index
    %get3A_2822 = arith.constant 0 : index
    %get3A_2823 = vector.load %arg5[%get3A_2821, %get3A_2822] : memref<4096x1024xf32, #tpu.memory_space<vmem>>, vector<8x1024xf32>
    %gt3A_2824 = arith.cmpf ogt, %get3A_2823, %select_n3A_2816 : vector<8x1024xf32>
    %select_n3A_2825 = arith.select %gt3A_2824, %get3A_2823, %select_n3A_2816 : vector<8x1024xi1>, vector<8x1024xf32>
    %add3A_2826 = arith.constant 312 : i32
    %add3A_2827 = arith.addi %mul3A_16, %add3A_2826 : i32
    %broadcast_in_dim3A_2828 = vector.broadcast %add3A_2827 : i32 to vector<8x1024xi32>
    %select_n3A_2829 = arith.select %gt3A_2824, %broadcast_in_dim3A_2828, %select_n3A_2820 : vector<8x1024xi1>, vector<8x1024xi32>
    %get3A_2830 = arith.constant 2504 : index
    %get3A_2831 = arith.constant 0 : index
    %get3A_2832 = vector.load %arg5[%get3A_2830, %get3A_2831] : memref<4096x1024xf32, #tpu.memory_space<vmem>>, vector<8x1024xf32>
    %gt3A_2833 = arith.cmpf ogt, %get3A_2832, %select_n3A_2825 : vector<8x1024xf32>
    %select_n3A_2834 = arith.select %gt3A_2833, %get3A_2832, %select_n3A_2825 : vector<8x1024xi1>, vector<8x1024xf32>
    %add3A_2835 = arith.constant 313 : i32
    %add3A_2836 = arith.addi %mul3A_16, %add3A_2835 : i32
    %broadcast_in_dim3A_2837 = vector.broadcast %add3A_2836 : i32 to vector<8x1024xi32>
    %select_n3A_2838 = arith.select %gt3A_2833, %broadcast_in_dim3A_2837, %select_n3A_2829 : vector<8x1024xi1>, vector<8x1024xi32>
    %get3A_2839 = arith.constant 2512 : index
    %get3A_2840 = arith.constant 0 : index
    %get3A_2841 = vector.load %arg5[%get3A_2839, %get3A_2840] : memref<4096x1024xf32, #tpu.memory_space<vmem>>, vector<8x1024xf32>
    %gt3A_2842 = arith.cmpf ogt, %get3A_2841, %select_n3A_2834 : vector<8x1024xf32>
    %select_n3A_2843 = arith.select %gt3A_2842, %get3A_2841, %select_n3A_2834 : vector<8x1024xi1>, vector<8x1024xf32>
    %add3A_2844 = arith.constant 314 : i32
    %add3A_2845 = arith.addi %mul3A_16, %add3A_2844 : i32
    %broadcast_in_dim3A_2846 = vector.broadcast %add3A_2845 : i32 to vector<8x1024xi32>
    %select_n3A_2847 = arith.select %gt3A_2842, %broadcast_in_dim3A_2846, %select_n3A_2838 : vector<8x1024xi1>, vector<8x1024xi32>
    %get3A_2848 = arith.constant 2520 : index
    %get3A_2849 = arith.constant 0 : index
    %get3A_2850 = vector.load %arg5[%get3A_2848, %get3A_2849] : memref<4096x1024xf32, #tpu.memory_space<vmem>>, vector<8x1024xf32>
    %gt3A_2851 = arith.cmpf ogt, %get3A_2850, %select_n3A_2843 : vector<8x1024xf32>
    %select_n3A_2852 = arith.select %gt3A_2851, %get3A_2850, %select_n3A_2843 : vector<8x1024xi1>, vector<8x1024xf32>
    %add3A_2853 = arith.constant 315 : i32
    %add3A_2854 = arith.addi %mul3A_16, %add3A_2853 : i32
    %broadcast_in_dim3A_2855 = vector.broadcast %add3A_2854 : i32 to vector<8x1024xi32>
    %select_n3A_2856 = arith.select %gt3A_2851, %broadcast_in_dim3A_2855, %select_n3A_2847 : vector<8x1024xi1>, vector<8x1024xi32>
    %get3A_2857 = arith.constant 2528 : index
    %get3A_2858 = arith.constant 0 : index
    %get3A_2859 = vector.load %arg5[%get3A_2857, %get3A_2858] : memref<4096x1024xf32, #tpu.memory_space<vmem>>, vector<8x1024xf32>
    %gt3A_2860 = arith.cmpf ogt, %get3A_2859, %select_n3A_2852 : vector<8x1024xf32>
    %select_n3A_2861 = arith.select %gt3A_2860, %get3A_2859, %select_n3A_2852 : vector<8x1024xi1>, vector<8x1024xf32>
    %add3A_2862 = arith.constant 316 : i32
    %add3A_2863 = arith.addi %mul3A_16, %add3A_2862 : i32
    %broadcast_in_dim3A_2864 = vector.broadcast %add3A_2863 : i32 to vector<8x1024xi32>
    %select_n3A_2865 = arith.select %gt3A_2860, %broadcast_in_dim3A_2864, %select_n3A_2856 : vector<8x1024xi1>, vector<8x1024xi32>
    %get3A_2866 = arith.constant 2536 : index
    %get3A_2867 = arith.constant 0 : index
    %get3A_2868 = vector.load %arg5[%get3A_2866, %get3A_2867] : memref<4096x1024xf32, #tpu.memory_space<vmem>>, vector<8x1024xf32>
    %gt3A_2869 = arith.cmpf ogt, %get3A_2868, %select_n3A_2861 : vector<8x1024xf32>
    %select_n3A_2870 = arith.select %gt3A_2869, %get3A_2868, %select_n3A_2861 : vector<8x1024xi1>, vector<8x1024xf32>
    %add3A_2871 = arith.constant 317 : i32
    %add3A_2872 = arith.addi %mul3A_16, %add3A_2871 : i32
    %broadcast_in_dim3A_2873 = vector.broadcast %add3A_2872 : i32 to vector<8x1024xi32>
    %select_n3A_2874 = arith.select %gt3A_2869, %broadcast_in_dim3A_2873, %select_n3A_2865 : vector<8x1024xi1>, vector<8x1024xi32>
    %get3A_2875 = arith.constant 2544 : index
    %get3A_2876 = arith.constant 0 : index
    %get3A_2877 = vector.load %arg5[%get3A_2875, %get3A_2876] : memref<4096x1024xf32, #tpu.memory_space<vmem>>, vector<8x1024xf32>
    %gt3A_2878 = arith.cmpf ogt, %get3A_2877, %select_n3A_2870 : vector<8x1024xf32>
    %select_n3A_2879 = arith.select %gt3A_2878, %get3A_2877, %select_n3A_2870 : vector<8x1024xi1>, vector<8x1024xf32>
    %add3A_2880 = arith.constant 318 : i32
    %add3A_2881 = arith.addi %mul3A_16, %add3A_2880 : i32
    %broadcast_in_dim3A_2882 = vector.broadcast %add3A_2881 : i32 to vector<8x1024xi32>
    %select_n3A_2883 = arith.select %gt3A_2878, %broadcast_in_dim3A_2882, %select_n3A_2874 : vector<8x1024xi1>, vector<8x1024xi32>
    %get3A_2884 = arith.constant 2552 : index
    %get3A_2885 = arith.constant 0 : index
    %get3A_2886 = vector.load %arg5[%get3A_2884, %get3A_2885] : memref<4096x1024xf32, #tpu.memory_space<vmem>>, vector<8x1024xf32>
    %gt3A_2887 = arith.cmpf ogt, %get3A_2886, %select_n3A_2879 : vector<8x1024xf32>
    %select_n3A_2888 = arith.select %gt3A_2887, %get3A_2886, %select_n3A_2879 : vector<8x1024xi1>, vector<8x1024xf32>
    %add3A_2889 = arith.constant 319 : i32
    %add3A_2890 = arith.addi %mul3A_16, %add3A_2889 : i32
    %broadcast_in_dim3A_2891 = vector.broadcast %add3A_2890 : i32 to vector<8x1024xi32>
    %select_n3A_2892 = arith.select %gt3A_2887, %broadcast_in_dim3A_2891, %select_n3A_2883 : vector<8x1024xi1>, vector<8x1024xi32>
    %get3A_2893 = arith.constant 2560 : index
    %get3A_2894 = arith.constant 0 : index
    %get3A_2895 = vector.load %arg5[%get3A_2893, %get3A_2894] : memref<4096x1024xf32, #tpu.memory_space<vmem>>, vector<8x1024xf32>
    %gt3A_2896 = arith.cmpf ogt, %get3A_2895, %select_n3A_2888 : vector<8x1024xf32>
    %select_n3A_2897 = arith.select %gt3A_2896, %get3A_2895, %select_n3A_2888 : vector<8x1024xi1>, vector<8x1024xf32>
    %add3A_2898 = arith.constant 320 : i32
    %add3A_2899 = arith.addi %mul3A_16, %add3A_2898 : i32
    %broadcast_in_dim3A_2900 = vector.broadcast %add3A_2899 : i32 to vector<8x1024xi32>
    %select_n3A_2901 = arith.select %gt3A_2896, %broadcast_in_dim3A_2900, %select_n3A_2892 : vector<8x1024xi1>, vector<8x1024xi32>
    %get3A_2902 = arith.constant 2568 : index
    %get3A_2903 = arith.constant 0 : index
    %get3A_2904 = vector.load %arg5[%get3A_2902, %get3A_2903] : memref<4096x1024xf32, #tpu.memory_space<vmem>>, vector<8x1024xf32>
    %gt3A_2905 = arith.cmpf ogt, %get3A_2904, %select_n3A_2897 : vector<8x1024xf32>
    %select_n3A_2906 = arith.select %gt3A_2905, %get3A_2904, %select_n3A_2897 : vector<8x1024xi1>, vector<8x1024xf32>
    %add3A_2907 = arith.constant 321 : i32
    %add3A_2908 = arith.addi %mul3A_16, %add3A_2907 : i32
    %broadcast_in_dim3A_2909 = vector.broadcast %add3A_2908 : i32 to vector<8x1024xi32>
    %select_n3A_2910 = arith.select %gt3A_2905, %broadcast_in_dim3A_2909, %select_n3A_2901 : vector<8x1024xi1>, vector<8x1024xi32>
    %get3A_2911 = arith.constant 2576 : index
    %get3A_2912 = arith.constant 0 : index
    %get3A_2913 = vector.load %arg5[%get3A_2911, %get3A_2912] : memref<4096x1024xf32, #tpu.memory_space<vmem>>, vector<8x1024xf32>
    %gt3A_2914 = arith.cmpf ogt, %get3A_2913, %select_n3A_2906 : vector<8x1024xf32>
    %select_n3A_2915 = arith.select %gt3A_2914, %get3A_2913, %select_n3A_2906 : vector<8x1024xi1>, vector<8x1024xf32>
    %add3A_2916 = arith.constant 322 : i32
    %add3A_2917 = arith.addi %mul3A_16, %add3A_2916 : i32
    %broadcast_in_dim3A_2918 = vector.broadcast %add3A_2917 : i32 to vector<8x1024xi32>
    %select_n3A_2919 = arith.select %gt3A_2914, %broadcast_in_dim3A_2918, %select_n3A_2910 : vector<8x1024xi1>, vector<8x1024xi32>
    %get3A_2920 = arith.constant 2584 : index
    %get3A_2921 = arith.constant 0 : index
    %get3A_2922 = vector.load %arg5[%get3A_2920, %get3A_2921] : memref<4096x1024xf32, #tpu.memory_space<vmem>>, vector<8x1024xf32>
    %gt3A_2923 = arith.cmpf ogt, %get3A_2922, %select_n3A_2915 : vector<8x1024xf32>
    %select_n3A_2924 = arith.select %gt3A_2923, %get3A_2922, %select_n3A_2915 : vector<8x1024xi1>, vector<8x1024xf32>
    %add3A_2925 = arith.constant 323 : i32
    %add3A_2926 = arith.addi %mul3A_16, %add3A_2925 : i32
    %broadcast_in_dim3A_2927 = vector.broadcast %add3A_2926 : i32 to vector<8x1024xi32>
    %select_n3A_2928 = arith.select %gt3A_2923, %broadcast_in_dim3A_2927, %select_n3A_2919 : vector<8x1024xi1>, vector<8x1024xi32>
    %get3A_2929 = arith.constant 2592 : index
    %get3A_2930 = arith.constant 0 : index
    %get3A_2931 = vector.load %arg5[%get3A_2929, %get3A_2930] : memref<4096x1024xf32, #tpu.memory_space<vmem>>, vector<8x1024xf32>
    %gt3A_2932 = arith.cmpf ogt, %get3A_2931, %select_n3A_2924 : vector<8x1024xf32>
    %select_n3A_2933 = arith.select %gt3A_2932, %get3A_2931, %select_n3A_2924 : vector<8x1024xi1>, vector<8x1024xf32>
    %add3A_2934 = arith.constant 324 : i32
    %add3A_2935 = arith.addi %mul3A_16, %add3A_2934 : i32
    %broadcast_in_dim3A_2936 = vector.broadcast %add3A_2935 : i32 to vector<8x1024xi32>
    %select_n3A_2937 = arith.select %gt3A_2932, %broadcast_in_dim3A_2936, %select_n3A_2928 : vector<8x1024xi1>, vector<8x1024xi32>
    %get3A_2938 = arith.constant 2600 : index
    %get3A_2939 = arith.constant 0 : index
    %get3A_2940 = vector.load %arg5[%get3A_2938, %get3A_2939] : memref<4096x1024xf32, #tpu.memory_space<vmem>>, vector<8x1024xf32>
    %gt3A_2941 = arith.cmpf ogt, %get3A_2940, %select_n3A_2933 : vector<8x1024xf32>
    %select_n3A_2942 = arith.select %gt3A_2941, %get3A_2940, %select_n3A_2933 : vector<8x1024xi1>, vector<8x1024xf32>
    %add3A_2943 = arith.constant 325 : i32
    %add3A_2944 = arith.addi %mul3A_16, %add3A_2943 : i32
    %broadcast_in_dim3A_2945 = vector.broadcast %add3A_2944 : i32 to vector<8x1024xi32>
    %select_n3A_2946 = arith.select %gt3A_2941, %broadcast_in_dim3A_2945, %select_n3A_2937 : vector<8x1024xi1>, vector<8x1024xi32>
    %get3A_2947 = arith.constant 2608 : index
    %get3A_2948 = arith.constant 0 : index
    %get3A_2949 = vector.load %arg5[%get3A_2947, %get3A_2948] : memref<4096x1024xf32, #tpu.memory_space<vmem>>, vector<8x1024xf32>
    %gt3A_2950 = arith.cmpf ogt, %get3A_2949, %select_n3A_2942 : vector<8x1024xf32>
    %select_n3A_2951 = arith.select %gt3A_2950, %get3A_2949, %select_n3A_2942 : vector<8x1024xi1>, vector<8x1024xf32>
    %add3A_2952 = arith.constant 326 : i32
    %add3A_2953 = arith.addi %mul3A_16, %add3A_2952 : i32
    %broadcast_in_dim3A_2954 = vector.broadcast %add3A_2953 : i32 to vector<8x1024xi32>
    %select_n3A_2955 = arith.select %gt3A_2950, %broadcast_in_dim3A_2954, %select_n3A_2946 : vector<8x1024xi1>, vector<8x1024xi32>
    %get3A_2956 = arith.constant 2616 : index
    %get3A_2957 = arith.constant 0 : index
    %get3A_2958 = vector.load %arg5[%get3A_2956, %get3A_2957] : memref<4096x1024xf32, #tpu.memory_space<vmem>>, vector<8x1024xf32>
    %gt3A_2959 = arith.cmpf ogt, %get3A_2958, %select_n3A_2951 : vector<8x1024xf32>
    %select_n3A_2960 = arith.select %gt3A_2959, %get3A_2958, %select_n3A_2951 : vector<8x1024xi1>, vector<8x1024xf32>
    %add3A_2961 = arith.constant 327 : i32
    %add3A_2962 = arith.addi %mul3A_16, %add3A_2961 : i32
    %broadcast_in_dim3A_2963 = vector.broadcast %add3A_2962 : i32 to vector<8x1024xi32>
    %select_n3A_2964 = arith.select %gt3A_2959, %broadcast_in_dim3A_2963, %select_n3A_2955 : vector<8x1024xi1>, vector<8x1024xi32>
    %get3A_2965 = arith.constant 2624 : index
    %get3A_2966 = arith.constant 0 : index
    %get3A_2967 = vector.load %arg5[%get3A_2965, %get3A_2966] : memref<4096x1024xf32, #tpu.memory_space<vmem>>, vector<8x1024xf32>
    %gt3A_2968 = arith.cmpf ogt, %get3A_2967, %select_n3A_2960 : vector<8x1024xf32>
    %select_n3A_2969 = arith.select %gt3A_2968, %get3A_2967, %select_n3A_2960 : vector<8x1024xi1>, vector<8x1024xf32>
    %add3A_2970 = arith.constant 328 : i32
    %add3A_2971 = arith.addi %mul3A_16, %add3A_2970 : i32
    %broadcast_in_dim3A_2972 = vector.broadcast %add3A_2971 : i32 to vector<8x1024xi32>
    %select_n3A_2973 = arith.select %gt3A_2968, %broadcast_in_dim3A_2972, %select_n3A_2964 : vector<8x1024xi1>, vector<8x1024xi32>
    %get3A_2974 = arith.constant 2632 : index
    %get3A_2975 = arith.constant 0 : index
    %get3A_2976 = vector.load %arg5[%get3A_2974, %get3A_2975] : memref<4096x1024xf32, #tpu.memory_space<vmem>>, vector<8x1024xf32>
    %gt3A_2977 = arith.cmpf ogt, %get3A_2976, %select_n3A_2969 : vector<8x1024xf32>
    %select_n3A_2978 = arith.select %gt3A_2977, %get3A_2976, %select_n3A_2969 : vector<8x1024xi1>, vector<8x1024xf32>
    %add3A_2979 = arith.constant 329 : i32
    %add3A_2980 = arith.addi %mul3A_16, %add3A_2979 : i32
    %broadcast_in_dim3A_2981 = vector.broadcast %add3A_2980 : i32 to vector<8x1024xi32>
    %select_n3A_2982 = arith.select %gt3A_2977, %broadcast_in_dim3A_2981, %select_n3A_2973 : vector<8x1024xi1>, vector<8x1024xi32>
    %get3A_2983 = arith.constant 2640 : index
    %get3A_2984 = arith.constant 0 : index
    %get3A_2985 = vector.load %arg5[%get3A_2983, %get3A_2984] : memref<4096x1024xf32, #tpu.memory_space<vmem>>, vector<8x1024xf32>
    %gt3A_2986 = arith.cmpf ogt, %get3A_2985, %select_n3A_2978 : vector<8x1024xf32>
    %select_n3A_2987 = arith.select %gt3A_2986, %get3A_2985, %select_n3A_2978 : vector<8x1024xi1>, vector<8x1024xf32>
    %add3A_2988 = arith.constant 330 : i32
    %add3A_2989 = arith.addi %mul3A_16, %add3A_2988 : i32
    %broadcast_in_dim3A_2990 = vector.broadcast %add3A_2989 : i32 to vector<8x1024xi32>
    %select_n3A_2991 = arith.select %gt3A_2986, %broadcast_in_dim3A_2990, %select_n3A_2982 : vector<8x1024xi1>, vector<8x1024xi32>
    %get3A_2992 = arith.constant 2648 : index
    %get3A_2993 = arith.constant 0 : index
    %get3A_2994 = vector.load %arg5[%get3A_2992, %get3A_2993] : memref<4096x1024xf32, #tpu.memory_space<vmem>>, vector<8x1024xf32>
    %gt3A_2995 = arith.cmpf ogt, %get3A_2994, %select_n3A_2987 : vector<8x1024xf32>
    %select_n3A_2996 = arith.select %gt3A_2995, %get3A_2994, %select_n3A_2987 : vector<8x1024xi1>, vector<8x1024xf32>
    %add3A_2997 = arith.constant 331 : i32
    %add3A_2998 = arith.addi %mul3A_16, %add3A_2997 : i32
    %broadcast_in_dim3A_2999 = vector.broadcast %add3A_2998 : i32 to vector<8x1024xi32>
    %select_n3A_3000 = arith.select %gt3A_2995, %broadcast_in_dim3A_2999, %select_n3A_2991 : vector<8x1024xi1>, vector<8x1024xi32>
    %get3A_3001 = arith.constant 2656 : index
    %get3A_3002 = arith.constant 0 : index
    %get3A_3003 = vector.load %arg5[%get3A_3001, %get3A_3002] : memref<4096x1024xf32, #tpu.memory_space<vmem>>, vector<8x1024xf32>
    %gt3A_3004 = arith.cmpf ogt, %get3A_3003, %select_n3A_2996 : vector<8x1024xf32>
    %select_n3A_3005 = arith.select %gt3A_3004, %get3A_3003, %select_n3A_2996 : vector<8x1024xi1>, vector<8x1024xf32>
    %add3A_3006 = arith.constant 332 : i32
    %add3A_3007 = arith.addi %mul3A_16, %add3A_3006 : i32
    %broadcast_in_dim3A_3008 = vector.broadcast %add3A_3007 : i32 to vector<8x1024xi32>
    %select_n3A_3009 = arith.select %gt3A_3004, %broadcast_in_dim3A_3008, %select_n3A_3000 : vector<8x1024xi1>, vector<8x1024xi32>
    %get3A_3010 = arith.constant 2664 : index
    %get3A_3011 = arith.constant 0 : index
    %get3A_3012 = vector.load %arg5[%get3A_3010, %get3A_3011] : memref<4096x1024xf32, #tpu.memory_space<vmem>>, vector<8x1024xf32>
    %gt3A_3013 = arith.cmpf ogt, %get3A_3012, %select_n3A_3005 : vector<8x1024xf32>
    %select_n3A_3014 = arith.select %gt3A_3013, %get3A_3012, %select_n3A_3005 : vector<8x1024xi1>, vector<8x1024xf32>
    %add3A_3015 = arith.constant 333 : i32
    %add3A_3016 = arith.addi %mul3A_16, %add3A_3015 : i32
    %broadcast_in_dim3A_3017 = vector.broadcast %add3A_3016 : i32 to vector<8x1024xi32>
    %select_n3A_3018 = arith.select %gt3A_3013, %broadcast_in_dim3A_3017, %select_n3A_3009 : vector<8x1024xi1>, vector<8x1024xi32>
    %get3A_3019 = arith.constant 2672 : index
    %get3A_3020 = arith.constant 0 : index
    %get3A_3021 = vector.load %arg5[%get3A_3019, %get3A_3020] : memref<4096x1024xf32, #tpu.memory_space<vmem>>, vector<8x1024xf32>
    %gt3A_3022 = arith.cmpf ogt, %get3A_3021, %select_n3A_3014 : vector<8x1024xf32>
    %select_n3A_3023 = arith.select %gt3A_3022, %get3A_3021, %select_n3A_3014 : vector<8x1024xi1>, vector<8x1024xf32>
    %add3A_3024 = arith.constant 334 : i32
    %add3A_3025 = arith.addi %mul3A_16, %add3A_3024 : i32
    %broadcast_in_dim3A_3026 = vector.broadcast %add3A_3025 : i32 to vector<8x1024xi32>
    %select_n3A_3027 = arith.select %gt3A_3022, %broadcast_in_dim3A_3026, %select_n3A_3018 : vector<8x1024xi1>, vector<8x1024xi32>
    %get3A_3028 = arith.constant 2680 : index
    %get3A_3029 = arith.constant 0 : index
    %get3A_3030 = vector.load %arg5[%get3A_3028, %get3A_3029] : memref<4096x1024xf32, #tpu.memory_space<vmem>>, vector<8x1024xf32>
    %gt3A_3031 = arith.cmpf ogt, %get3A_3030, %select_n3A_3023 : vector<8x1024xf32>
    %select_n3A_3032 = arith.select %gt3A_3031, %get3A_3030, %select_n3A_3023 : vector<8x1024xi1>, vector<8x1024xf32>
    %add3A_3033 = arith.constant 335 : i32
    %add3A_3034 = arith.addi %mul3A_16, %add3A_3033 : i32
    %broadcast_in_dim3A_3035 = vector.broadcast %add3A_3034 : i32 to vector<8x1024xi32>
    %select_n3A_3036 = arith.select %gt3A_3031, %broadcast_in_dim3A_3035, %select_n3A_3027 : vector<8x1024xi1>, vector<8x1024xi32>
    %get3A_3037 = arith.constant 2688 : index
    %get3A_3038 = arith.constant 0 : index
    %get3A_3039 = vector.load %arg5[%get3A_3037, %get3A_3038] : memref<4096x1024xf32, #tpu.memory_space<vmem>>, vector<8x1024xf32>
    %gt3A_3040 = arith.cmpf ogt, %get3A_3039, %select_n3A_3032 : vector<8x1024xf32>
    %select_n3A_3041 = arith.select %gt3A_3040, %get3A_3039, %select_n3A_3032 : vector<8x1024xi1>, vector<8x1024xf32>
    %add3A_3042 = arith.constant 336 : i32
    %add3A_3043 = arith.addi %mul3A_16, %add3A_3042 : i32
    %broadcast_in_dim3A_3044 = vector.broadcast %add3A_3043 : i32 to vector<8x1024xi32>
    %select_n3A_3045 = arith.select %gt3A_3040, %broadcast_in_dim3A_3044, %select_n3A_3036 : vector<8x1024xi1>, vector<8x1024xi32>
    %get3A_3046 = arith.constant 2696 : index
    %get3A_3047 = arith.constant 0 : index
    %get3A_3048 = vector.load %arg5[%get3A_3046, %get3A_3047] : memref<4096x1024xf32, #tpu.memory_space<vmem>>, vector<8x1024xf32>
    %gt3A_3049 = arith.cmpf ogt, %get3A_3048, %select_n3A_3041 : vector<8x1024xf32>
    %select_n3A_3050 = arith.select %gt3A_3049, %get3A_3048, %select_n3A_3041 : vector<8x1024xi1>, vector<8x1024xf32>
    %add3A_3051 = arith.constant 337 : i32
    %add3A_3052 = arith.addi %mul3A_16, %add3A_3051 : i32
    %broadcast_in_dim3A_3053 = vector.broadcast %add3A_3052 : i32 to vector<8x1024xi32>
    %select_n3A_3054 = arith.select %gt3A_3049, %broadcast_in_dim3A_3053, %select_n3A_3045 : vector<8x1024xi1>, vector<8x1024xi32>
    %get3A_3055 = arith.constant 2704 : index
    %get3A_3056 = arith.constant 0 : index
    %get3A_3057 = vector.load %arg5[%get3A_3055, %get3A_3056] : memref<4096x1024xf32, #tpu.memory_space<vmem>>, vector<8x1024xf32>
    %gt3A_3058 = arith.cmpf ogt, %get3A_3057, %select_n3A_3050 : vector<8x1024xf32>
    %select_n3A_3059 = arith.select %gt3A_3058, %get3A_3057, %select_n3A_3050 : vector<8x1024xi1>, vector<8x1024xf32>
    %add3A_3060 = arith.constant 338 : i32
    %add3A_3061 = arith.addi %mul3A_16, %add3A_3060 : i32
    %broadcast_in_dim3A_3062 = vector.broadcast %add3A_3061 : i32 to vector<8x1024xi32>
    %select_n3A_3063 = arith.select %gt3A_3058, %broadcast_in_dim3A_3062, %select_n3A_3054 : vector<8x1024xi1>, vector<8x1024xi32>
    %get3A_3064 = arith.constant 2712 : index
    %get3A_3065 = arith.constant 0 : index
    %get3A_3066 = vector.load %arg5[%get3A_3064, %get3A_3065] : memref<4096x1024xf32, #tpu.memory_space<vmem>>, vector<8x1024xf32>
    %gt3A_3067 = arith.cmpf ogt, %get3A_3066, %select_n3A_3059 : vector<8x1024xf32>
    %select_n3A_3068 = arith.select %gt3A_3067, %get3A_3066, %select_n3A_3059 : vector<8x1024xi1>, vector<8x1024xf32>
    %add3A_3069 = arith.constant 339 : i32
    %add3A_3070 = arith.addi %mul3A_16, %add3A_3069 : i32
    %broadcast_in_dim3A_3071 = vector.broadcast %add3A_3070 : i32 to vector<8x1024xi32>
    %select_n3A_3072 = arith.select %gt3A_3067, %broadcast_in_dim3A_3071, %select_n3A_3063 : vector<8x1024xi1>, vector<8x1024xi32>
    %get3A_3073 = arith.constant 2720 : index
    %get3A_3074 = arith.constant 0 : index
    %get3A_3075 = vector.load %arg5[%get3A_3073, %get3A_3074] : memref<4096x1024xf32, #tpu.memory_space<vmem>>, vector<8x1024xf32>
    %gt3A_3076 = arith.cmpf ogt, %get3A_3075, %select_n3A_3068 : vector<8x1024xf32>
    %select_n3A_3077 = arith.select %gt3A_3076, %get3A_3075, %select_n3A_3068 : vector<8x1024xi1>, vector<8x1024xf32>
    %add3A_3078 = arith.constant 340 : i32
    %add3A_3079 = arith.addi %mul3A_16, %add3A_3078 : i32
    %broadcast_in_dim3A_3080 = vector.broadcast %add3A_3079 : i32 to vector<8x1024xi32>
    %select_n3A_3081 = arith.select %gt3A_3076, %broadcast_in_dim3A_3080, %select_n3A_3072 : vector<8x1024xi1>, vector<8x1024xi32>
    %get3A_3082 = arith.constant 2728 : index
    %get3A_3083 = arith.constant 0 : index
    %get3A_3084 = vector.load %arg5[%get3A_3082, %get3A_3083] : memref<4096x1024xf32, #tpu.memory_space<vmem>>, vector<8x1024xf32>
    %gt3A_3085 = arith.cmpf ogt, %get3A_3084, %select_n3A_3077 : vector<8x1024xf32>
    %select_n3A_3086 = arith.select %gt3A_3085, %get3A_3084, %select_n3A_3077 : vector<8x1024xi1>, vector<8x1024xf32>
    %add3A_3087 = arith.constant 341 : i32
    %add3A_3088 = arith.addi %mul3A_16, %add3A_3087 : i32
    %broadcast_in_dim3A_3089 = vector.broadcast %add3A_3088 : i32 to vector<8x1024xi32>
    %select_n3A_3090 = arith.select %gt3A_3085, %broadcast_in_dim3A_3089, %select_n3A_3081 : vector<8x1024xi1>, vector<8x1024xi32>
    %get3A_3091 = arith.constant 2736 : index
    %get3A_3092 = arith.constant 0 : index
    %get3A_3093 = vector.load %arg5[%get3A_3091, %get3A_3092] : memref<4096x1024xf32, #tpu.memory_space<vmem>>, vector<8x1024xf32>
    %gt3A_3094 = arith.cmpf ogt, %get3A_3093, %select_n3A_3086 : vector<8x1024xf32>
    %select_n3A_3095 = arith.select %gt3A_3094, %get3A_3093, %select_n3A_3086 : vector<8x1024xi1>, vector<8x1024xf32>
    %add3A_3096 = arith.constant 342 : i32
    %add3A_3097 = arith.addi %mul3A_16, %add3A_3096 : i32
    %broadcast_in_dim3A_3098 = vector.broadcast %add3A_3097 : i32 to vector<8x1024xi32>
    %select_n3A_3099 = arith.select %gt3A_3094, %broadcast_in_dim3A_3098, %select_n3A_3090 : vector<8x1024xi1>, vector<8x1024xi32>
    %get3A_3100 = arith.constant 2744 : index
    %get3A_3101 = arith.constant 0 : index
    %get3A_3102 = vector.load %arg5[%get3A_3100, %get3A_3101] : memref<4096x1024xf32, #tpu.memory_space<vmem>>, vector<8x1024xf32>
    %gt3A_3103 = arith.cmpf ogt, %get3A_3102, %select_n3A_3095 : vector<8x1024xf32>
    %select_n3A_3104 = arith.select %gt3A_3103, %get3A_3102, %select_n3A_3095 : vector<8x1024xi1>, vector<8x1024xf32>
    %add3A_3105 = arith.constant 343 : i32
    %add3A_3106 = arith.addi %mul3A_16, %add3A_3105 : i32
    %broadcast_in_dim3A_3107 = vector.broadcast %add3A_3106 : i32 to vector<8x1024xi32>
    %select_n3A_3108 = arith.select %gt3A_3103, %broadcast_in_dim3A_3107, %select_n3A_3099 : vector<8x1024xi1>, vector<8x1024xi32>
    %get3A_3109 = arith.constant 2752 : index
    %get3A_3110 = arith.constant 0 : index
    %get3A_3111 = vector.load %arg5[%get3A_3109, %get3A_3110] : memref<4096x1024xf32, #tpu.memory_space<vmem>>, vector<8x1024xf32>
    %gt3A_3112 = arith.cmpf ogt, %get3A_3111, %select_n3A_3104 : vector<8x1024xf32>
    %select_n3A_3113 = arith.select %gt3A_3112, %get3A_3111, %select_n3A_3104 : vector<8x1024xi1>, vector<8x1024xf32>
    %add3A_3114 = arith.constant 344 : i32
    %add3A_3115 = arith.addi %mul3A_16, %add3A_3114 : i32
    %broadcast_in_dim3A_3116 = vector.broadcast %add3A_3115 : i32 to vector<8x1024xi32>
    %select_n3A_3117 = arith.select %gt3A_3112, %broadcast_in_dim3A_3116, %select_n3A_3108 : vector<8x1024xi1>, vector<8x1024xi32>
    %get3A_3118 = arith.constant 2760 : index
    %get3A_3119 = arith.constant 0 : index
    %get3A_3120 = vector.load %arg5[%get3A_3118, %get3A_3119] : memref<4096x1024xf32, #tpu.memory_space<vmem>>, vector<8x1024xf32>
    %gt3A_3121 = arith.cmpf ogt, %get3A_3120, %select_n3A_3113 : vector<8x1024xf32>
    %select_n3A_3122 = arith.select %gt3A_3121, %get3A_3120, %select_n3A_3113 : vector<8x1024xi1>, vector<8x1024xf32>
    %add3A_3123 = arith.constant 345 : i32
    %add3A_3124 = arith.addi %mul3A_16, %add3A_3123 : i32
    %broadcast_in_dim3A_3125 = vector.broadcast %add3A_3124 : i32 to vector<8x1024xi32>
    %select_n3A_3126 = arith.select %gt3A_3121, %broadcast_in_dim3A_3125, %select_n3A_3117 : vector<8x1024xi1>, vector<8x1024xi32>
    %get3A_3127 = arith.constant 2768 : index
    %get3A_3128 = arith.constant 0 : index
    %get3A_3129 = vector.load %arg5[%get3A_3127, %get3A_3128] : memref<4096x1024xf32, #tpu.memory_space<vmem>>, vector<8x1024xf32>
    %gt3A_3130 = arith.cmpf ogt, %get3A_3129, %select_n3A_3122 : vector<8x1024xf32>
    %select_n3A_3131 = arith.select %gt3A_3130, %get3A_3129, %select_n3A_3122 : vector<8x1024xi1>, vector<8x1024xf32>
    %add3A_3132 = arith.constant 346 : i32
    %add3A_3133 = arith.addi %mul3A_16, %add3A_3132 : i32
    %broadcast_in_dim3A_3134 = vector.broadcast %add3A_3133 : i32 to vector<8x1024xi32>
    %select_n3A_3135 = arith.select %gt3A_3130, %broadcast_in_dim3A_3134, %select_n3A_3126 : vector<8x1024xi1>, vector<8x1024xi32>
    %get3A_3136 = arith.constant 2776 : index
    %get3A_3137 = arith.constant 0 : index
    %get3A_3138 = vector.load %arg5[%get3A_3136, %get3A_3137] : memref<4096x1024xf32, #tpu.memory_space<vmem>>, vector<8x1024xf32>
    %gt3A_3139 = arith.cmpf ogt, %get3A_3138, %select_n3A_3131 : vector<8x1024xf32>
    %select_n3A_3140 = arith.select %gt3A_3139, %get3A_3138, %select_n3A_3131 : vector<8x1024xi1>, vector<8x1024xf32>
    %add3A_3141 = arith.constant 347 : i32
    %add3A_3142 = arith.addi %mul3A_16, %add3A_3141 : i32
    %broadcast_in_dim3A_3143 = vector.broadcast %add3A_3142 : i32 to vector<8x1024xi32>
    %select_n3A_3144 = arith.select %gt3A_3139, %broadcast_in_dim3A_3143, %select_n3A_3135 : vector<8x1024xi1>, vector<8x1024xi32>
    %get3A_3145 = arith.constant 2784 : index
    %get3A_3146 = arith.constant 0 : index
    %get3A_3147 = vector.load %arg5[%get3A_3145, %get3A_3146] : memref<4096x1024xf32, #tpu.memory_space<vmem>>, vector<8x1024xf32>
    %gt3A_3148 = arith.cmpf ogt, %get3A_3147, %select_n3A_3140 : vector<8x1024xf32>
    %select_n3A_3149 = arith.select %gt3A_3148, %get3A_3147, %select_n3A_3140 : vector<8x1024xi1>, vector<8x1024xf32>
    %add3A_3150 = arith.constant 348 : i32
    %add3A_3151 = arith.addi %mul3A_16, %add3A_3150 : i32
    %broadcast_in_dim3A_3152 = vector.broadcast %add3A_3151 : i32 to vector<8x1024xi32>
    %select_n3A_3153 = arith.select %gt3A_3148, %broadcast_in_dim3A_3152, %select_n3A_3144 : vector<8x1024xi1>, vector<8x1024xi32>
    %get3A_3154 = arith.constant 2792 : index
    %get3A_3155 = arith.constant 0 : index
    %get3A_3156 = vector.load %arg5[%get3A_3154, %get3A_3155] : memref<4096x1024xf32, #tpu.memory_space<vmem>>, vector<8x1024xf32>
    %gt3A_3157 = arith.cmpf ogt, %get3A_3156, %select_n3A_3149 : vector<8x1024xf32>
    %select_n3A_3158 = arith.select %gt3A_3157, %get3A_3156, %select_n3A_3149 : vector<8x1024xi1>, vector<8x1024xf32>
    %add3A_3159 = arith.constant 349 : i32
    %add3A_3160 = arith.addi %mul3A_16, %add3A_3159 : i32
    %broadcast_in_dim3A_3161 = vector.broadcast %add3A_3160 : i32 to vector<8x1024xi32>
    %select_n3A_3162 = arith.select %gt3A_3157, %broadcast_in_dim3A_3161, %select_n3A_3153 : vector<8x1024xi1>, vector<8x1024xi32>
    %get3A_3163 = arith.constant 2800 : index
    %get3A_3164 = arith.constant 0 : index
    %get3A_3165 = vector.load %arg5[%get3A_3163, %get3A_3164] : memref<4096x1024xf32, #tpu.memory_space<vmem>>, vector<8x1024xf32>
    %gt3A_3166 = arith.cmpf ogt, %get3A_3165, %select_n3A_3158 : vector<8x1024xf32>
    %select_n3A_3167 = arith.select %gt3A_3166, %get3A_3165, %select_n3A_3158 : vector<8x1024xi1>, vector<8x1024xf32>
    %add3A_3168 = arith.constant 350 : i32
    %add3A_3169 = arith.addi %mul3A_16, %add3A_3168 : i32
    %broadcast_in_dim3A_3170 = vector.broadcast %add3A_3169 : i32 to vector<8x1024xi32>
    %select_n3A_3171 = arith.select %gt3A_3166, %broadcast_in_dim3A_3170, %select_n3A_3162 : vector<8x1024xi1>, vector<8x1024xi32>
    %get3A_3172 = arith.constant 2808 : index
    %get3A_3173 = arith.constant 0 : index
    %get3A_3174 = vector.load %arg5[%get3A_3172, %get3A_3173] : memref<4096x1024xf32, #tpu.memory_space<vmem>>, vector<8x1024xf32>
    %gt3A_3175 = arith.cmpf ogt, %get3A_3174, %select_n3A_3167 : vector<8x1024xf32>
    %select_n3A_3176 = arith.select %gt3A_3175, %get3A_3174, %select_n3A_3167 : vector<8x1024xi1>, vector<8x1024xf32>
    %add3A_3177 = arith.constant 351 : i32
    %add3A_3178 = arith.addi %mul3A_16, %add3A_3177 : i32
    %broadcast_in_dim3A_3179 = vector.broadcast %add3A_3178 : i32 to vector<8x1024xi32>
    %select_n3A_3180 = arith.select %gt3A_3175, %broadcast_in_dim3A_3179, %select_n3A_3171 : vector<8x1024xi1>, vector<8x1024xi32>
    %get3A_3181 = arith.constant 2816 : index
    %get3A_3182 = arith.constant 0 : index
    %get3A_3183 = vector.load %arg5[%get3A_3181, %get3A_3182] : memref<4096x1024xf32, #tpu.memory_space<vmem>>, vector<8x1024xf32>
    %gt3A_3184 = arith.cmpf ogt, %get3A_3183, %select_n3A_3176 : vector<8x1024xf32>
    %select_n3A_3185 = arith.select %gt3A_3184, %get3A_3183, %select_n3A_3176 : vector<8x1024xi1>, vector<8x1024xf32>
    %add3A_3186 = arith.constant 352 : i32
    %add3A_3187 = arith.addi %mul3A_16, %add3A_3186 : i32
    %broadcast_in_dim3A_3188 = vector.broadcast %add3A_3187 : i32 to vector<8x1024xi32>
    %select_n3A_3189 = arith.select %gt3A_3184, %broadcast_in_dim3A_3188, %select_n3A_3180 : vector<8x1024xi1>, vector<8x1024xi32>
    %get3A_3190 = arith.constant 2824 : index
    %get3A_3191 = arith.constant 0 : index
    %get3A_3192 = vector.load %arg5[%get3A_3190, %get3A_3191] : memref<4096x1024xf32, #tpu.memory_space<vmem>>, vector<8x1024xf32>
    %gt3A_3193 = arith.cmpf ogt, %get3A_3192, %select_n3A_3185 : vector<8x1024xf32>
    %select_n3A_3194 = arith.select %gt3A_3193, %get3A_3192, %select_n3A_3185 : vector<8x1024xi1>, vector<8x1024xf32>
    %add3A_3195 = arith.constant 353 : i32
    %add3A_3196 = arith.addi %mul3A_16, %add3A_3195 : i32
    %broadcast_in_dim3A_3197 = vector.broadcast %add3A_3196 : i32 to vector<8x1024xi32>
    %select_n3A_3198 = arith.select %gt3A_3193, %broadcast_in_dim3A_3197, %select_n3A_3189 : vector<8x1024xi1>, vector<8x1024xi32>
    %get3A_3199 = arith.constant 2832 : index
    %get3A_3200 = arith.constant 0 : index
    %get3A_3201 = vector.load %arg5[%get3A_3199, %get3A_3200] : memref<4096x1024xf32, #tpu.memory_space<vmem>>, vector<8x1024xf32>
    %gt3A_3202 = arith.cmpf ogt, %get3A_3201, %select_n3A_3194 : vector<8x1024xf32>
    %select_n3A_3203 = arith.select %gt3A_3202, %get3A_3201, %select_n3A_3194 : vector<8x1024xi1>, vector<8x1024xf32>
    %add3A_3204 = arith.constant 354 : i32
    %add3A_3205 = arith.addi %mul3A_16, %add3A_3204 : i32
    %broadcast_in_dim3A_3206 = vector.broadcast %add3A_3205 : i32 to vector<8x1024xi32>
    %select_n3A_3207 = arith.select %gt3A_3202, %broadcast_in_dim3A_3206, %select_n3A_3198 : vector<8x1024xi1>, vector<8x1024xi32>
    %get3A_3208 = arith.constant 2840 : index
    %get3A_3209 = arith.constant 0 : index
    %get3A_3210 = vector.load %arg5[%get3A_3208, %get3A_3209] : memref<4096x1024xf32, #tpu.memory_space<vmem>>, vector<8x1024xf32>
    %gt3A_3211 = arith.cmpf ogt, %get3A_3210, %select_n3A_3203 : vector<8x1024xf32>
    %select_n3A_3212 = arith.select %gt3A_3211, %get3A_3210, %select_n3A_3203 : vector<8x1024xi1>, vector<8x1024xf32>
    %add3A_3213 = arith.constant 355 : i32
    %add3A_3214 = arith.addi %mul3A_16, %add3A_3213 : i32
    %broadcast_in_dim3A_3215 = vector.broadcast %add3A_3214 : i32 to vector<8x1024xi32>
    %select_n3A_3216 = arith.select %gt3A_3211, %broadcast_in_dim3A_3215, %select_n3A_3207 : vector<8x1024xi1>, vector<8x1024xi32>
    %get3A_3217 = arith.constant 2848 : index
    %get3A_3218 = arith.constant 0 : index
    %get3A_3219 = vector.load %arg5[%get3A_3217, %get3A_3218] : memref<4096x1024xf32, #tpu.memory_space<vmem>>, vector<8x1024xf32>
    %gt3A_3220 = arith.cmpf ogt, %get3A_3219, %select_n3A_3212 : vector<8x1024xf32>
    %select_n3A_3221 = arith.select %gt3A_3220, %get3A_3219, %select_n3A_3212 : vector<8x1024xi1>, vector<8x1024xf32>
    %add3A_3222 = arith.constant 356 : i32
    %add3A_3223 = arith.addi %mul3A_16, %add3A_3222 : i32
    %broadcast_in_dim3A_3224 = vector.broadcast %add3A_3223 : i32 to vector<8x1024xi32>
    %select_n3A_3225 = arith.select %gt3A_3220, %broadcast_in_dim3A_3224, %select_n3A_3216 : vector<8x1024xi1>, vector<8x1024xi32>
    %get3A_3226 = arith.constant 2856 : index
    %get3A_3227 = arith.constant 0 : index
    %get3A_3228 = vector.load %arg5[%get3A_3226, %get3A_3227] : memref<4096x1024xf32, #tpu.memory_space<vmem>>, vector<8x1024xf32>
    %gt3A_3229 = arith.cmpf ogt, %get3A_3228, %select_n3A_3221 : vector<8x1024xf32>
    %select_n3A_3230 = arith.select %gt3A_3229, %get3A_3228, %select_n3A_3221 : vector<8x1024xi1>, vector<8x1024xf32>
    %add3A_3231 = arith.constant 357 : i32
    %add3A_3232 = arith.addi %mul3A_16, %add3A_3231 : i32
    %broadcast_in_dim3A_3233 = vector.broadcast %add3A_3232 : i32 to vector<8x1024xi32>
    %select_n3A_3234 = arith.select %gt3A_3229, %broadcast_in_dim3A_3233, %select_n3A_3225 : vector<8x1024xi1>, vector<8x1024xi32>
    %get3A_3235 = arith.constant 2864 : index
    %get3A_3236 = arith.constant 0 : index
    %get3A_3237 = vector.load %arg5[%get3A_3235, %get3A_3236] : memref<4096x1024xf32, #tpu.memory_space<vmem>>, vector<8x1024xf32>
    %gt3A_3238 = arith.cmpf ogt, %get3A_3237, %select_n3A_3230 : vector<8x1024xf32>
    %select_n3A_3239 = arith.select %gt3A_3238, %get3A_3237, %select_n3A_3230 : vector<8x1024xi1>, vector<8x1024xf32>
    %add3A_3240 = arith.constant 358 : i32
    %add3A_3241 = arith.addi %mul3A_16, %add3A_3240 : i32
    %broadcast_in_dim3A_3242 = vector.broadcast %add3A_3241 : i32 to vector<8x1024xi32>
    %select_n3A_3243 = arith.select %gt3A_3238, %broadcast_in_dim3A_3242, %select_n3A_3234 : vector<8x1024xi1>, vector<8x1024xi32>
    %get3A_3244 = arith.constant 2872 : index
    %get3A_3245 = arith.constant 0 : index
    %get3A_3246 = vector.load %arg5[%get3A_3244, %get3A_3245] : memref<4096x1024xf32, #tpu.memory_space<vmem>>, vector<8x1024xf32>
    %gt3A_3247 = arith.cmpf ogt, %get3A_3246, %select_n3A_3239 : vector<8x1024xf32>
    %select_n3A_3248 = arith.select %gt3A_3247, %get3A_3246, %select_n3A_3239 : vector<8x1024xi1>, vector<8x1024xf32>
    %add3A_3249 = arith.constant 359 : i32
    %add3A_3250 = arith.addi %mul3A_16, %add3A_3249 : i32
    %broadcast_in_dim3A_3251 = vector.broadcast %add3A_3250 : i32 to vector<8x1024xi32>
    %select_n3A_3252 = arith.select %gt3A_3247, %broadcast_in_dim3A_3251, %select_n3A_3243 : vector<8x1024xi1>, vector<8x1024xi32>
    %get3A_3253 = arith.constant 2880 : index
    %get3A_3254 = arith.constant 0 : index
    %get3A_3255 = vector.load %arg5[%get3A_3253, %get3A_3254] : memref<4096x1024xf32, #tpu.memory_space<vmem>>, vector<8x1024xf32>
    %gt3A_3256 = arith.cmpf ogt, %get3A_3255, %select_n3A_3248 : vector<8x1024xf32>
    %select_n3A_3257 = arith.select %gt3A_3256, %get3A_3255, %select_n3A_3248 : vector<8x1024xi1>, vector<8x1024xf32>
    %add3A_3258 = arith.constant 360 : i32
    %add3A_3259 = arith.addi %mul3A_16, %add3A_3258 : i32
    %broadcast_in_dim3A_3260 = vector.broadcast %add3A_3259 : i32 to vector<8x1024xi32>
    %select_n3A_3261 = arith.select %gt3A_3256, %broadcast_in_dim3A_3260, %select_n3A_3252 : vector<8x1024xi1>, vector<8x1024xi32>
    %get3A_3262 = arith.constant 2888 : index
    %get3A_3263 = arith.constant 0 : index
    %get3A_3264 = vector.load %arg5[%get3A_3262, %get3A_3263] : memref<4096x1024xf32, #tpu.memory_space<vmem>>, vector<8x1024xf32>
    %gt3A_3265 = arith.cmpf ogt, %get3A_3264, %select_n3A_3257 : vector<8x1024xf32>
    %select_n3A_3266 = arith.select %gt3A_3265, %get3A_3264, %select_n3A_3257 : vector<8x1024xi1>, vector<8x1024xf32>
    %add3A_3267 = arith.constant 361 : i32
    %add3A_3268 = arith.addi %mul3A_16, %add3A_3267 : i32
    %broadcast_in_dim3A_3269 = vector.broadcast %add3A_3268 : i32 to vector<8x1024xi32>
    %select_n3A_3270 = arith.select %gt3A_3265, %broadcast_in_dim3A_3269, %select_n3A_3261 : vector<8x1024xi1>, vector<8x1024xi32>
    %get3A_3271 = arith.constant 2896 : index
    %get3A_3272 = arith.constant 0 : index
    %get3A_3273 = vector.load %arg5[%get3A_3271, %get3A_3272] : memref<4096x1024xf32, #tpu.memory_space<vmem>>, vector<8x1024xf32>
    %gt3A_3274 = arith.cmpf ogt, %get3A_3273, %select_n3A_3266 : vector<8x1024xf32>
    %select_n3A_3275 = arith.select %gt3A_3274, %get3A_3273, %select_n3A_3266 : vector<8x1024xi1>, vector<8x1024xf32>
    %add3A_3276 = arith.constant 362 : i32
    %add3A_3277 = arith.addi %mul3A_16, %add3A_3276 : i32
    %broadcast_in_dim3A_3278 = vector.broadcast %add3A_3277 : i32 to vector<8x1024xi32>
    %select_n3A_3279 = arith.select %gt3A_3274, %broadcast_in_dim3A_3278, %select_n3A_3270 : vector<8x1024xi1>, vector<8x1024xi32>
    %get3A_3280 = arith.constant 2904 : index
    %get3A_3281 = arith.constant 0 : index
    %get3A_3282 = vector.load %arg5[%get3A_3280, %get3A_3281] : memref<4096x1024xf32, #tpu.memory_space<vmem>>, vector<8x1024xf32>
    %gt3A_3283 = arith.cmpf ogt, %get3A_3282, %select_n3A_3275 : vector<8x1024xf32>
    %select_n3A_3284 = arith.select %gt3A_3283, %get3A_3282, %select_n3A_3275 : vector<8x1024xi1>, vector<8x1024xf32>
    %add3A_3285 = arith.constant 363 : i32
    %add3A_3286 = arith.addi %mul3A_16, %add3A_3285 : i32
    %broadcast_in_dim3A_3287 = vector.broadcast %add3A_3286 : i32 to vector<8x1024xi32>
    %select_n3A_3288 = arith.select %gt3A_3283, %broadcast_in_dim3A_3287, %select_n3A_3279 : vector<8x1024xi1>, vector<8x1024xi32>
    %get3A_3289 = arith.constant 2912 : index
    %get3A_3290 = arith.constant 0 : index
    %get3A_3291 = vector.load %arg5[%get3A_3289, %get3A_3290] : memref<4096x1024xf32, #tpu.memory_space<vmem>>, vector<8x1024xf32>
    %gt3A_3292 = arith.cmpf ogt, %get3A_3291, %select_n3A_3284 : vector<8x1024xf32>
    %select_n3A_3293 = arith.select %gt3A_3292, %get3A_3291, %select_n3A_3284 : vector<8x1024xi1>, vector<8x1024xf32>
    %add3A_3294 = arith.constant 364 : i32
    %add3A_3295 = arith.addi %mul3A_16, %add3A_3294 : i32
    %broadcast_in_dim3A_3296 = vector.broadcast %add3A_3295 : i32 to vector<8x1024xi32>
    %select_n3A_3297 = arith.select %gt3A_3292, %broadcast_in_dim3A_3296, %select_n3A_3288 : vector<8x1024xi1>, vector<8x1024xi32>
    %get3A_3298 = arith.constant 2920 : index
    %get3A_3299 = arith.constant 0 : index
    %get3A_3300 = vector.load %arg5[%get3A_3298, %get3A_3299] : memref<4096x1024xf32, #tpu.memory_space<vmem>>, vector<8x1024xf32>
    %gt3A_3301 = arith.cmpf ogt, %get3A_3300, %select_n3A_3293 : vector<8x1024xf32>
    %select_n3A_3302 = arith.select %gt3A_3301, %get3A_3300, %select_n3A_3293 : vector<8x1024xi1>, vector<8x1024xf32>
    %add3A_3303 = arith.constant 365 : i32
    %add3A_3304 = arith.addi %mul3A_16, %add3A_3303 : i32
    %broadcast_in_dim3A_3305 = vector.broadcast %add3A_3304 : i32 to vector<8x1024xi32>
    %select_n3A_3306 = arith.select %gt3A_3301, %broadcast_in_dim3A_3305, %select_n3A_3297 : vector<8x1024xi1>, vector<8x1024xi32>
    %get3A_3307 = arith.constant 2928 : index
    %get3A_3308 = arith.constant 0 : index
    %get3A_3309 = vector.load %arg5[%get3A_3307, %get3A_3308] : memref<4096x1024xf32, #tpu.memory_space<vmem>>, vector<8x1024xf32>
    %gt3A_3310 = arith.cmpf ogt, %get3A_3309, %select_n3A_3302 : vector<8x1024xf32>
    %select_n3A_3311 = arith.select %gt3A_3310, %get3A_3309, %select_n3A_3302 : vector<8x1024xi1>, vector<8x1024xf32>
    %add3A_3312 = arith.constant 366 : i32
    %add3A_3313 = arith.addi %mul3A_16, %add3A_3312 : i32
    %broadcast_in_dim3A_3314 = vector.broadcast %add3A_3313 : i32 to vector<8x1024xi32>
    %select_n3A_3315 = arith.select %gt3A_3310, %broadcast_in_dim3A_3314, %select_n3A_3306 : vector<8x1024xi1>, vector<8x1024xi32>
    %get3A_3316 = arith.constant 2936 : index
    %get3A_3317 = arith.constant 0 : index
    %get3A_3318 = vector.load %arg5[%get3A_3316, %get3A_3317] : memref<4096x1024xf32, #tpu.memory_space<vmem>>, vector<8x1024xf32>
    %gt3A_3319 = arith.cmpf ogt, %get3A_3318, %select_n3A_3311 : vector<8x1024xf32>
    %select_n3A_3320 = arith.select %gt3A_3319, %get3A_3318, %select_n3A_3311 : vector<8x1024xi1>, vector<8x1024xf32>
    %add3A_3321 = arith.constant 367 : i32
    %add3A_3322 = arith.addi %mul3A_16, %add3A_3321 : i32
    %broadcast_in_dim3A_3323 = vector.broadcast %add3A_3322 : i32 to vector<8x1024xi32>
    %select_n3A_3324 = arith.select %gt3A_3319, %broadcast_in_dim3A_3323, %select_n3A_3315 : vector<8x1024xi1>, vector<8x1024xi32>
    %get3A_3325 = arith.constant 2944 : index
    %get3A_3326 = arith.constant 0 : index
    %get3A_3327 = vector.load %arg5[%get3A_3325, %get3A_3326] : memref<4096x1024xf32, #tpu.memory_space<vmem>>, vector<8x1024xf32>
    %gt3A_3328 = arith.cmpf ogt, %get3A_3327, %select_n3A_3320 : vector<8x1024xf32>
    %select_n3A_3329 = arith.select %gt3A_3328, %get3A_3327, %select_n3A_3320 : vector<8x1024xi1>, vector<8x1024xf32>
    %add3A_3330 = arith.constant 368 : i32
    %add3A_3331 = arith.addi %mul3A_16, %add3A_3330 : i32
    %broadcast_in_dim3A_3332 = vector.broadcast %add3A_3331 : i32 to vector<8x1024xi32>
    %select_n3A_3333 = arith.select %gt3A_3328, %broadcast_in_dim3A_3332, %select_n3A_3324 : vector<8x1024xi1>, vector<8x1024xi32>
    %get3A_3334 = arith.constant 2952 : index
    %get3A_3335 = arith.constant 0 : index
    %get3A_3336 = vector.load %arg5[%get3A_3334, %get3A_3335] : memref<4096x1024xf32, #tpu.memory_space<vmem>>, vector<8x1024xf32>
    %gt3A_3337 = arith.cmpf ogt, %get3A_3336, %select_n3A_3329 : vector<8x1024xf32>
    %select_n3A_3338 = arith.select %gt3A_3337, %get3A_3336, %select_n3A_3329 : vector<8x1024xi1>, vector<8x1024xf32>
    %add3A_3339 = arith.constant 369 : i32
    %add3A_3340 = arith.addi %mul3A_16, %add3A_3339 : i32
    %broadcast_in_dim3A_3341 = vector.broadcast %add3A_3340 : i32 to vector<8x1024xi32>
    %select_n3A_3342 = arith.select %gt3A_3337, %broadcast_in_dim3A_3341, %select_n3A_3333 : vector<8x1024xi1>, vector<8x1024xi32>
    %get3A_3343 = arith.constant 2960 : index
    %get3A_3344 = arith.constant 0 : index
    %get3A_3345 = vector.load %arg5[%get3A_3343, %get3A_3344] : memref<4096x1024xf32, #tpu.memory_space<vmem>>, vector<8x1024xf32>
    %gt3A_3346 = arith.cmpf ogt, %get3A_3345, %select_n3A_3338 : vector<8x1024xf32>
    %select_n3A_3347 = arith.select %gt3A_3346, %get3A_3345, %select_n3A_3338 : vector<8x1024xi1>, vector<8x1024xf32>
    %add3A_3348 = arith.constant 370 : i32
    %add3A_3349 = arith.addi %mul3A_16, %add3A_3348 : i32
    %broadcast_in_dim3A_3350 = vector.broadcast %add3A_3349 : i32 to vector<8x1024xi32>
    %select_n3A_3351 = arith.select %gt3A_3346, %broadcast_in_dim3A_3350, %select_n3A_3342 : vector<8x1024xi1>, vector<8x1024xi32>
    %get3A_3352 = arith.constant 2968 : index
    %get3A_3353 = arith.constant 0 : index
    %get3A_3354 = vector.load %arg5[%get3A_3352, %get3A_3353] : memref<4096x1024xf32, #tpu.memory_space<vmem>>, vector<8x1024xf32>
    %gt3A_3355 = arith.cmpf ogt, %get3A_3354, %select_n3A_3347 : vector<8x1024xf32>
    %select_n3A_3356 = arith.select %gt3A_3355, %get3A_3354, %select_n3A_3347 : vector<8x1024xi1>, vector<8x1024xf32>
    %add3A_3357 = arith.constant 371 : i32
    %add3A_3358 = arith.addi %mul3A_16, %add3A_3357 : i32
    %broadcast_in_dim3A_3359 = vector.broadcast %add3A_3358 : i32 to vector<8x1024xi32>
    %select_n3A_3360 = arith.select %gt3A_3355, %broadcast_in_dim3A_3359, %select_n3A_3351 : vector<8x1024xi1>, vector<8x1024xi32>
    %get3A_3361 = arith.constant 2976 : index
    %get3A_3362 = arith.constant 0 : index
    %get3A_3363 = vector.load %arg5[%get3A_3361, %get3A_3362] : memref<4096x1024xf32, #tpu.memory_space<vmem>>, vector<8x1024xf32>
    %gt3A_3364 = arith.cmpf ogt, %get3A_3363, %select_n3A_3356 : vector<8x1024xf32>
    %select_n3A_3365 = arith.select %gt3A_3364, %get3A_3363, %select_n3A_3356 : vector<8x1024xi1>, vector<8x1024xf32>
    %add3A_3366 = arith.constant 372 : i32
    %add3A_3367 = arith.addi %mul3A_16, %add3A_3366 : i32
    %broadcast_in_dim3A_3368 = vector.broadcast %add3A_3367 : i32 to vector<8x1024xi32>
    %select_n3A_3369 = arith.select %gt3A_3364, %broadcast_in_dim3A_3368, %select_n3A_3360 : vector<8x1024xi1>, vector<8x1024xi32>
    %get3A_3370 = arith.constant 2984 : index
    %get3A_3371 = arith.constant 0 : index
    %get3A_3372 = vector.load %arg5[%get3A_3370, %get3A_3371] : memref<4096x1024xf32, #tpu.memory_space<vmem>>, vector<8x1024xf32>
    %gt3A_3373 = arith.cmpf ogt, %get3A_3372, %select_n3A_3365 : vector<8x1024xf32>
    %select_n3A_3374 = arith.select %gt3A_3373, %get3A_3372, %select_n3A_3365 : vector<8x1024xi1>, vector<8x1024xf32>
    %add3A_3375 = arith.constant 373 : i32
    %add3A_3376 = arith.addi %mul3A_16, %add3A_3375 : i32
    %broadcast_in_dim3A_3377 = vector.broadcast %add3A_3376 : i32 to vector<8x1024xi32>
    %select_n3A_3378 = arith.select %gt3A_3373, %broadcast_in_dim3A_3377, %select_n3A_3369 : vector<8x1024xi1>, vector<8x1024xi32>
    %get3A_3379 = arith.constant 2992 : index
    %get3A_3380 = arith.constant 0 : index
    %get3A_3381 = vector.load %arg5[%get3A_3379, %get3A_3380] : memref<4096x1024xf32, #tpu.memory_space<vmem>>, vector<8x1024xf32>
    %gt3A_3382 = arith.cmpf ogt, %get3A_3381, %select_n3A_3374 : vector<8x1024xf32>
    %select_n3A_3383 = arith.select %gt3A_3382, %get3A_3381, %select_n3A_3374 : vector<8x1024xi1>, vector<8x1024xf32>
    %add3A_3384 = arith.constant 374 : i32
    %add3A_3385 = arith.addi %mul3A_16, %add3A_3384 : i32
    %broadcast_in_dim3A_3386 = vector.broadcast %add3A_3385 : i32 to vector<8x1024xi32>
    %select_n3A_3387 = arith.select %gt3A_3382, %broadcast_in_dim3A_3386, %select_n3A_3378 : vector<8x1024xi1>, vector<8x1024xi32>
    %get3A_3388 = arith.constant 3000 : index
    %get3A_3389 = arith.constant 0 : index
    %get3A_3390 = vector.load %arg5[%get3A_3388, %get3A_3389] : memref<4096x1024xf32, #tpu.memory_space<vmem>>, vector<8x1024xf32>
    %gt3A_3391 = arith.cmpf ogt, %get3A_3390, %select_n3A_3383 : vector<8x1024xf32>
    %select_n3A_3392 = arith.select %gt3A_3391, %get3A_3390, %select_n3A_3383 : vector<8x1024xi1>, vector<8x1024xf32>
    %add3A_3393 = arith.constant 375 : i32
    %add3A_3394 = arith.addi %mul3A_16, %add3A_3393 : i32
    %broadcast_in_dim3A_3395 = vector.broadcast %add3A_3394 : i32 to vector<8x1024xi32>
    %select_n3A_3396 = arith.select %gt3A_3391, %broadcast_in_dim3A_3395, %select_n3A_3387 : vector<8x1024xi1>, vector<8x1024xi32>
    %get3A_3397 = arith.constant 3008 : index
    %get3A_3398 = arith.constant 0 : index
    %get3A_3399 = vector.load %arg5[%get3A_3397, %get3A_3398] : memref<4096x1024xf32, #tpu.memory_space<vmem>>, vector<8x1024xf32>
    %gt3A_3400 = arith.cmpf ogt, %get3A_3399, %select_n3A_3392 : vector<8x1024xf32>
    %select_n3A_3401 = arith.select %gt3A_3400, %get3A_3399, %select_n3A_3392 : vector<8x1024xi1>, vector<8x1024xf32>
    %add3A_3402 = arith.constant 376 : i32
    %add3A_3403 = arith.addi %mul3A_16, %add3A_3402 : i32
    %broadcast_in_dim3A_3404 = vector.broadcast %add3A_3403 : i32 to vector<8x1024xi32>
    %select_n3A_3405 = arith.select %gt3A_3400, %broadcast_in_dim3A_3404, %select_n3A_3396 : vector<8x1024xi1>, vector<8x1024xi32>
    %get3A_3406 = arith.constant 3016 : index
    %get3A_3407 = arith.constant 0 : index
    %get3A_3408 = vector.load %arg5[%get3A_3406, %get3A_3407] : memref<4096x1024xf32, #tpu.memory_space<vmem>>, vector<8x1024xf32>
    %gt3A_3409 = arith.cmpf ogt, %get3A_3408, %select_n3A_3401 : vector<8x1024xf32>
    %select_n3A_3410 = arith.select %gt3A_3409, %get3A_3408, %select_n3A_3401 : vector<8x1024xi1>, vector<8x1024xf32>
    %add3A_3411 = arith.constant 377 : i32
    %add3A_3412 = arith.addi %mul3A_16, %add3A_3411 : i32
    %broadcast_in_dim3A_3413 = vector.broadcast %add3A_3412 : i32 to vector<8x1024xi32>
    %select_n3A_3414 = arith.select %gt3A_3409, %broadcast_in_dim3A_3413, %select_n3A_3405 : vector<8x1024xi1>, vector<8x1024xi32>
    %get3A_3415 = arith.constant 3024 : index
    %get3A_3416 = arith.constant 0 : index
    %get3A_3417 = vector.load %arg5[%get3A_3415, %get3A_3416] : memref<4096x1024xf32, #tpu.memory_space<vmem>>, vector<8x1024xf32>
    %gt3A_3418 = arith.cmpf ogt, %get3A_3417, %select_n3A_3410 : vector<8x1024xf32>
    %select_n3A_3419 = arith.select %gt3A_3418, %get3A_3417, %select_n3A_3410 : vector<8x1024xi1>, vector<8x1024xf32>
    %add3A_3420 = arith.constant 378 : i32
    %add3A_3421 = arith.addi %mul3A_16, %add3A_3420 : i32
    %broadcast_in_dim3A_3422 = vector.broadcast %add3A_3421 : i32 to vector<8x1024xi32>
    %select_n3A_3423 = arith.select %gt3A_3418, %broadcast_in_dim3A_3422, %select_n3A_3414 : vector<8x1024xi1>, vector<8x1024xi32>
    %get3A_3424 = arith.constant 3032 : index
    %get3A_3425 = arith.constant 0 : index
    %get3A_3426 = vector.load %arg5[%get3A_3424, %get3A_3425] : memref<4096x1024xf32, #tpu.memory_space<vmem>>, vector<8x1024xf32>
    %gt3A_3427 = arith.cmpf ogt, %get3A_3426, %select_n3A_3419 : vector<8x1024xf32>
    %select_n3A_3428 = arith.select %gt3A_3427, %get3A_3426, %select_n3A_3419 : vector<8x1024xi1>, vector<8x1024xf32>
    %add3A_3429 = arith.constant 379 : i32
    %add3A_3430 = arith.addi %mul3A_16, %add3A_3429 : i32
    %broadcast_in_dim3A_3431 = vector.broadcast %add3A_3430 : i32 to vector<8x1024xi32>
    %select_n3A_3432 = arith.select %gt3A_3427, %broadcast_in_dim3A_3431, %select_n3A_3423 : vector<8x1024xi1>, vector<8x1024xi32>
    %get3A_3433 = arith.constant 3040 : index
    %get3A_3434 = arith.constant 0 : index
    %get3A_3435 = vector.load %arg5[%get3A_3433, %get3A_3434] : memref<4096x1024xf32, #tpu.memory_space<vmem>>, vector<8x1024xf32>
    %gt3A_3436 = arith.cmpf ogt, %get3A_3435, %select_n3A_3428 : vector<8x1024xf32>
    %select_n3A_3437 = arith.select %gt3A_3436, %get3A_3435, %select_n3A_3428 : vector<8x1024xi1>, vector<8x1024xf32>
    %add3A_3438 = arith.constant 380 : i32
    %add3A_3439 = arith.addi %mul3A_16, %add3A_3438 : i32
    %broadcast_in_dim3A_3440 = vector.broadcast %add3A_3439 : i32 to vector<8x1024xi32>
    %select_n3A_3441 = arith.select %gt3A_3436, %broadcast_in_dim3A_3440, %select_n3A_3432 : vector<8x1024xi1>, vector<8x1024xi32>
    %get3A_3442 = arith.constant 3048 : index
    %get3A_3443 = arith.constant 0 : index
    %get3A_3444 = vector.load %arg5[%get3A_3442, %get3A_3443] : memref<4096x1024xf32, #tpu.memory_space<vmem>>, vector<8x1024xf32>
    %gt3A_3445 = arith.cmpf ogt, %get3A_3444, %select_n3A_3437 : vector<8x1024xf32>
    %select_n3A_3446 = arith.select %gt3A_3445, %get3A_3444, %select_n3A_3437 : vector<8x1024xi1>, vector<8x1024xf32>
    %add3A_3447 = arith.constant 381 : i32
    %add3A_3448 = arith.addi %mul3A_16, %add3A_3447 : i32
    %broadcast_in_dim3A_3449 = vector.broadcast %add3A_3448 : i32 to vector<8x1024xi32>
    %select_n3A_3450 = arith.select %gt3A_3445, %broadcast_in_dim3A_3449, %select_n3A_3441 : vector<8x1024xi1>, vector<8x1024xi32>
    %get3A_3451 = arith.constant 3056 : index
    %get3A_3452 = arith.constant 0 : index
    %get3A_3453 = vector.load %arg5[%get3A_3451, %get3A_3452] : memref<4096x1024xf32, #tpu.memory_space<vmem>>, vector<8x1024xf32>
    %gt3A_3454 = arith.cmpf ogt, %get3A_3453, %select_n3A_3446 : vector<8x1024xf32>
    %select_n3A_3455 = arith.select %gt3A_3454, %get3A_3453, %select_n3A_3446 : vector<8x1024xi1>, vector<8x1024xf32>
    %add3A_3456 = arith.constant 382 : i32
    %add3A_3457 = arith.addi %mul3A_16, %add3A_3456 : i32
    %broadcast_in_dim3A_3458 = vector.broadcast %add3A_3457 : i32 to vector<8x1024xi32>
    %select_n3A_3459 = arith.select %gt3A_3454, %broadcast_in_dim3A_3458, %select_n3A_3450 : vector<8x1024xi1>, vector<8x1024xi32>
    %get3A_3460 = arith.constant 3064 : index
    %get3A_3461 = arith.constant 0 : index
    %get3A_3462 = vector.load %arg5[%get3A_3460, %get3A_3461] : memref<4096x1024xf32, #tpu.memory_space<vmem>>, vector<8x1024xf32>
    %gt3A_3463 = arith.cmpf ogt, %get3A_3462, %select_n3A_3455 : vector<8x1024xf32>
    %select_n3A_3464 = arith.select %gt3A_3463, %get3A_3462, %select_n3A_3455 : vector<8x1024xi1>, vector<8x1024xf32>
    %add3A_3465 = arith.constant 383 : i32
    %add3A_3466 = arith.addi %mul3A_16, %add3A_3465 : i32
    %broadcast_in_dim3A_3467 = vector.broadcast %add3A_3466 : i32 to vector<8x1024xi32>
    %select_n3A_3468 = arith.select %gt3A_3463, %broadcast_in_dim3A_3467, %select_n3A_3459 : vector<8x1024xi1>, vector<8x1024xi32>
    %get3A_3469 = arith.constant 3072 : index
    %get3A_3470 = arith.constant 0 : index
    %get3A_3471 = vector.load %arg5[%get3A_3469, %get3A_3470] : memref<4096x1024xf32, #tpu.memory_space<vmem>>, vector<8x1024xf32>
    %gt3A_3472 = arith.cmpf ogt, %get3A_3471, %select_n3A_3464 : vector<8x1024xf32>
    %select_n3A_3473 = arith.select %gt3A_3472, %get3A_3471, %select_n3A_3464 : vector<8x1024xi1>, vector<8x1024xf32>
    %add3A_3474 = arith.constant 384 : i32
    %add3A_3475 = arith.addi %mul3A_16, %add3A_3474 : i32
    %broadcast_in_dim3A_3476 = vector.broadcast %add3A_3475 : i32 to vector<8x1024xi32>
    %select_n3A_3477 = arith.select %gt3A_3472, %broadcast_in_dim3A_3476, %select_n3A_3468 : vector<8x1024xi1>, vector<8x1024xi32>
    %get3A_3478 = arith.constant 3080 : index
    %get3A_3479 = arith.constant 0 : index
    %get3A_3480 = vector.load %arg5[%get3A_3478, %get3A_3479] : memref<4096x1024xf32, #tpu.memory_space<vmem>>, vector<8x1024xf32>
    %gt3A_3481 = arith.cmpf ogt, %get3A_3480, %select_n3A_3473 : vector<8x1024xf32>
    %select_n3A_3482 = arith.select %gt3A_3481, %get3A_3480, %select_n3A_3473 : vector<8x1024xi1>, vector<8x1024xf32>
    %add3A_3483 = arith.constant 385 : i32
    %add3A_3484 = arith.addi %mul3A_16, %add3A_3483 : i32
    %broadcast_in_dim3A_3485 = vector.broadcast %add3A_3484 : i32 to vector<8x1024xi32>
    %select_n3A_3486 = arith.select %gt3A_3481, %broadcast_in_dim3A_3485, %select_n3A_3477 : vector<8x1024xi1>, vector<8x1024xi32>
    %get3A_3487 = arith.constant 3088 : index
    %get3A_3488 = arith.constant 0 : index
    %get3A_3489 = vector.load %arg5[%get3A_3487, %get3A_3488] : memref<4096x1024xf32, #tpu.memory_space<vmem>>, vector<8x1024xf32>
    %gt3A_3490 = arith.cmpf ogt, %get3A_3489, %select_n3A_3482 : vector<8x1024xf32>
    %select_n3A_3491 = arith.select %gt3A_3490, %get3A_3489, %select_n3A_3482 : vector<8x1024xi1>, vector<8x1024xf32>
    %add3A_3492 = arith.constant 386 : i32
    %add3A_3493 = arith.addi %mul3A_16, %add3A_3492 : i32
    %broadcast_in_dim3A_3494 = vector.broadcast %add3A_3493 : i32 to vector<8x1024xi32>
    %select_n3A_3495 = arith.select %gt3A_3490, %broadcast_in_dim3A_3494, %select_n3A_3486 : vector<8x1024xi1>, vector<8x1024xi32>
    %get3A_3496 = arith.constant 3096 : index
    %get3A_3497 = arith.constant 0 : index
    %get3A_3498 = vector.load %arg5[%get3A_3496, %get3A_3497] : memref<4096x1024xf32, #tpu.memory_space<vmem>>, vector<8x1024xf32>
    %gt3A_3499 = arith.cmpf ogt, %get3A_3498, %select_n3A_3491 : vector<8x1024xf32>
    %select_n3A_3500 = arith.select %gt3A_3499, %get3A_3498, %select_n3A_3491 : vector<8x1024xi1>, vector<8x1024xf32>
    %add3A_3501 = arith.constant 387 : i32
    %add3A_3502 = arith.addi %mul3A_16, %add3A_3501 : i32
    %broadcast_in_dim3A_3503 = vector.broadcast %add3A_3502 : i32 to vector<8x1024xi32>
    %select_n3A_3504 = arith.select %gt3A_3499, %broadcast_in_dim3A_3503, %select_n3A_3495 : vector<8x1024xi1>, vector<8x1024xi32>
    %get3A_3505 = arith.constant 3104 : index
    %get3A_3506 = arith.constant 0 : index
    %get3A_3507 = vector.load %arg5[%get3A_3505, %get3A_3506] : memref<4096x1024xf32, #tpu.memory_space<vmem>>, vector<8x1024xf32>
    %gt3A_3508 = arith.cmpf ogt, %get3A_3507, %select_n3A_3500 : vector<8x1024xf32>
    %select_n3A_3509 = arith.select %gt3A_3508, %get3A_3507, %select_n3A_3500 : vector<8x1024xi1>, vector<8x1024xf32>
    %add3A_3510 = arith.constant 388 : i32
    %add3A_3511 = arith.addi %mul3A_16, %add3A_3510 : i32
    %broadcast_in_dim3A_3512 = vector.broadcast %add3A_3511 : i32 to vector<8x1024xi32>
    %select_n3A_3513 = arith.select %gt3A_3508, %broadcast_in_dim3A_3512, %select_n3A_3504 : vector<8x1024xi1>, vector<8x1024xi32>
    %get3A_3514 = arith.constant 3112 : index
    %get3A_3515 = arith.constant 0 : index
    %get3A_3516 = vector.load %arg5[%get3A_3514, %get3A_3515] : memref<4096x1024xf32, #tpu.memory_space<vmem>>, vector<8x1024xf32>
    %gt3A_3517 = arith.cmpf ogt, %get3A_3516, %select_n3A_3509 : vector<8x1024xf32>
    %select_n3A_3518 = arith.select %gt3A_3517, %get3A_3516, %select_n3A_3509 : vector<8x1024xi1>, vector<8x1024xf32>
    %add3A_3519 = arith.constant 389 : i32
    %add3A_3520 = arith.addi %mul3A_16, %add3A_3519 : i32
    %broadcast_in_dim3A_3521 = vector.broadcast %add3A_3520 : i32 to vector<8x1024xi32>
    %select_n3A_3522 = arith.select %gt3A_3517, %broadcast_in_dim3A_3521, %select_n3A_3513 : vector<8x1024xi1>, vector<8x1024xi32>
    %get3A_3523 = arith.constant 3120 : index
    %get3A_3524 = arith.constant 0 : index
    %get3A_3525 = vector.load %arg5[%get3A_3523, %get3A_3524] : memref<4096x1024xf32, #tpu.memory_space<vmem>>, vector<8x1024xf32>
    %gt3A_3526 = arith.cmpf ogt, %get3A_3525, %select_n3A_3518 : vector<8x1024xf32>
    %select_n3A_3527 = arith.select %gt3A_3526, %get3A_3525, %select_n3A_3518 : vector<8x1024xi1>, vector<8x1024xf32>
    %add3A_3528 = arith.constant 390 : i32
    %add3A_3529 = arith.addi %mul3A_16, %add3A_3528 : i32
    %broadcast_in_dim3A_3530 = vector.broadcast %add3A_3529 : i32 to vector<8x1024xi32>
    %select_n3A_3531 = arith.select %gt3A_3526, %broadcast_in_dim3A_3530, %select_n3A_3522 : vector<8x1024xi1>, vector<8x1024xi32>
    %get3A_3532 = arith.constant 3128 : index
    %get3A_3533 = arith.constant 0 : index
    %get3A_3534 = vector.load %arg5[%get3A_3532, %get3A_3533] : memref<4096x1024xf32, #tpu.memory_space<vmem>>, vector<8x1024xf32>
    %gt3A_3535 = arith.cmpf ogt, %get3A_3534, %select_n3A_3527 : vector<8x1024xf32>
    %select_n3A_3536 = arith.select %gt3A_3535, %get3A_3534, %select_n3A_3527 : vector<8x1024xi1>, vector<8x1024xf32>
    %add3A_3537 = arith.constant 391 : i32
    %add3A_3538 = arith.addi %mul3A_16, %add3A_3537 : i32
    %broadcast_in_dim3A_3539 = vector.broadcast %add3A_3538 : i32 to vector<8x1024xi32>
    %select_n3A_3540 = arith.select %gt3A_3535, %broadcast_in_dim3A_3539, %select_n3A_3531 : vector<8x1024xi1>, vector<8x1024xi32>
    %get3A_3541 = arith.constant 3136 : index
    %get3A_3542 = arith.constant 0 : index
    %get3A_3543 = vector.load %arg5[%get3A_3541, %get3A_3542] : memref<4096x1024xf32, #tpu.memory_space<vmem>>, vector<8x1024xf32>
    %gt3A_3544 = arith.cmpf ogt, %get3A_3543, %select_n3A_3536 : vector<8x1024xf32>
    %select_n3A_3545 = arith.select %gt3A_3544, %get3A_3543, %select_n3A_3536 : vector<8x1024xi1>, vector<8x1024xf32>
    %add3A_3546 = arith.constant 392 : i32
    %add3A_3547 = arith.addi %mul3A_16, %add3A_3546 : i32
    %broadcast_in_dim3A_3548 = vector.broadcast %add3A_3547 : i32 to vector<8x1024xi32>
    %select_n3A_3549 = arith.select %gt3A_3544, %broadcast_in_dim3A_3548, %select_n3A_3540 : vector<8x1024xi1>, vector<8x1024xi32>
    %get3A_3550 = arith.constant 3144 : index
    %get3A_3551 = arith.constant 0 : index
    %get3A_3552 = vector.load %arg5[%get3A_3550, %get3A_3551] : memref<4096x1024xf32, #tpu.memory_space<vmem>>, vector<8x1024xf32>
    %gt3A_3553 = arith.cmpf ogt, %get3A_3552, %select_n3A_3545 : vector<8x1024xf32>
    %select_n3A_3554 = arith.select %gt3A_3553, %get3A_3552, %select_n3A_3545 : vector<8x1024xi1>, vector<8x1024xf32>
    %add3A_3555 = arith.constant 393 : i32
    %add3A_3556 = arith.addi %mul3A_16, %add3A_3555 : i32
    %broadcast_in_dim3A_3557 = vector.broadcast %add3A_3556 : i32 to vector<8x1024xi32>
    %select_n3A_3558 = arith.select %gt3A_3553, %broadcast_in_dim3A_3557, %select_n3A_3549 : vector<8x1024xi1>, vector<8x1024xi32>
    %get3A_3559 = arith.constant 3152 : index
    %get3A_3560 = arith.constant 0 : index
    %get3A_3561 = vector.load %arg5[%get3A_3559, %get3A_3560] : memref<4096x1024xf32, #tpu.memory_space<vmem>>, vector<8x1024xf32>
    %gt3A_3562 = arith.cmpf ogt, %get3A_3561, %select_n3A_3554 : vector<8x1024xf32>
    %select_n3A_3563 = arith.select %gt3A_3562, %get3A_3561, %select_n3A_3554 : vector<8x1024xi1>, vector<8x1024xf32>
    %add3A_3564 = arith.constant 394 : i32
    %add3A_3565 = arith.addi %mul3A_16, %add3A_3564 : i32
    %broadcast_in_dim3A_3566 = vector.broadcast %add3A_3565 : i32 to vector<8x1024xi32>
    %select_n3A_3567 = arith.select %gt3A_3562, %broadcast_in_dim3A_3566, %select_n3A_3558 : vector<8x1024xi1>, vector<8x1024xi32>
    %get3A_3568 = arith.constant 3160 : index
    %get3A_3569 = arith.constant 0 : index
    %get3A_3570 = vector.load %arg5[%get3A_3568, %get3A_3569] : memref<4096x1024xf32, #tpu.memory_space<vmem>>, vector<8x1024xf32>
    %gt3A_3571 = arith.cmpf ogt, %get3A_3570, %select_n3A_3563 : vector<8x1024xf32>
    %select_n3A_3572 = arith.select %gt3A_3571, %get3A_3570, %select_n3A_3563 : vector<8x1024xi1>, vector<8x1024xf32>
    %add3A_3573 = arith.constant 395 : i32
    %add3A_3574 = arith.addi %mul3A_16, %add3A_3573 : i32
    %broadcast_in_dim3A_3575 = vector.broadcast %add3A_3574 : i32 to vector<8x1024xi32>
    %select_n3A_3576 = arith.select %gt3A_3571, %broadcast_in_dim3A_3575, %select_n3A_3567 : vector<8x1024xi1>, vector<8x1024xi32>
    %get3A_3577 = arith.constant 3168 : index
    %get3A_3578 = arith.constant 0 : index
    %get3A_3579 = vector.load %arg5[%get3A_3577, %get3A_3578] : memref<4096x1024xf32, #tpu.memory_space<vmem>>, vector<8x1024xf32>
    %gt3A_3580 = arith.cmpf ogt, %get3A_3579, %select_n3A_3572 : vector<8x1024xf32>
    %select_n3A_3581 = arith.select %gt3A_3580, %get3A_3579, %select_n3A_3572 : vector<8x1024xi1>, vector<8x1024xf32>
    %add3A_3582 = arith.constant 396 : i32
    %add3A_3583 = arith.addi %mul3A_16, %add3A_3582 : i32
    %broadcast_in_dim3A_3584 = vector.broadcast %add3A_3583 : i32 to vector<8x1024xi32>
    %select_n3A_3585 = arith.select %gt3A_3580, %broadcast_in_dim3A_3584, %select_n3A_3576 : vector<8x1024xi1>, vector<8x1024xi32>
    %get3A_3586 = arith.constant 3176 : index
    %get3A_3587 = arith.constant 0 : index
    %get3A_3588 = vector.load %arg5[%get3A_3586, %get3A_3587] : memref<4096x1024xf32, #tpu.memory_space<vmem>>, vector<8x1024xf32>
    %gt3A_3589 = arith.cmpf ogt, %get3A_3588, %select_n3A_3581 : vector<8x1024xf32>
    %select_n3A_3590 = arith.select %gt3A_3589, %get3A_3588, %select_n3A_3581 : vector<8x1024xi1>, vector<8x1024xf32>
    %add3A_3591 = arith.constant 397 : i32
    %add3A_3592 = arith.addi %mul3A_16, %add3A_3591 : i32
    %broadcast_in_dim3A_3593 = vector.broadcast %add3A_3592 : i32 to vector<8x1024xi32>
    %select_n3A_3594 = arith.select %gt3A_3589, %broadcast_in_dim3A_3593, %select_n3A_3585 : vector<8x1024xi1>, vector<8x1024xi32>
    %get3A_3595 = arith.constant 3184 : index
    %get3A_3596 = arith.constant 0 : index
    %get3A_3597 = vector.load %arg5[%get3A_3595, %get3A_3596] : memref<4096x1024xf32, #tpu.memory_space<vmem>>, vector<8x1024xf32>
    %gt3A_3598 = arith.cmpf ogt, %get3A_3597, %select_n3A_3590 : vector<8x1024xf32>
    %select_n3A_3599 = arith.select %gt3A_3598, %get3A_3597, %select_n3A_3590 : vector<8x1024xi1>, vector<8x1024xf32>
    %add3A_3600 = arith.constant 398 : i32
    %add3A_3601 = arith.addi %mul3A_16, %add3A_3600 : i32
    %broadcast_in_dim3A_3602 = vector.broadcast %add3A_3601 : i32 to vector<8x1024xi32>
    %select_n3A_3603 = arith.select %gt3A_3598, %broadcast_in_dim3A_3602, %select_n3A_3594 : vector<8x1024xi1>, vector<8x1024xi32>
    %get3A_3604 = arith.constant 3192 : index
    %get3A_3605 = arith.constant 0 : index
    %get3A_3606 = vector.load %arg5[%get3A_3604, %get3A_3605] : memref<4096x1024xf32, #tpu.memory_space<vmem>>, vector<8x1024xf32>
    %gt3A_3607 = arith.cmpf ogt, %get3A_3606, %select_n3A_3599 : vector<8x1024xf32>
    %select_n3A_3608 = arith.select %gt3A_3607, %get3A_3606, %select_n3A_3599 : vector<8x1024xi1>, vector<8x1024xf32>
    %add3A_3609 = arith.constant 399 : i32
    %add3A_3610 = arith.addi %mul3A_16, %add3A_3609 : i32
    %broadcast_in_dim3A_3611 = vector.broadcast %add3A_3610 : i32 to vector<8x1024xi32>
    %select_n3A_3612 = arith.select %gt3A_3607, %broadcast_in_dim3A_3611, %select_n3A_3603 : vector<8x1024xi1>, vector<8x1024xi32>
    %get3A_3613 = arith.constant 3200 : index
    %get3A_3614 = arith.constant 0 : index
    %get3A_3615 = vector.load %arg5[%get3A_3613, %get3A_3614] : memref<4096x1024xf32, #tpu.memory_space<vmem>>, vector<8x1024xf32>
    %gt3A_3616 = arith.cmpf ogt, %get3A_3615, %select_n3A_3608 : vector<8x1024xf32>
    %select_n3A_3617 = arith.select %gt3A_3616, %get3A_3615, %select_n3A_3608 : vector<8x1024xi1>, vector<8x1024xf32>
    %add3A_3618 = arith.constant 400 : i32
    %add3A_3619 = arith.addi %mul3A_16, %add3A_3618 : i32
    %broadcast_in_dim3A_3620 = vector.broadcast %add3A_3619 : i32 to vector<8x1024xi32>
    %select_n3A_3621 = arith.select %gt3A_3616, %broadcast_in_dim3A_3620, %select_n3A_3612 : vector<8x1024xi1>, vector<8x1024xi32>
    %get3A_3622 = arith.constant 3208 : index
    %get3A_3623 = arith.constant 0 : index
    %get3A_3624 = vector.load %arg5[%get3A_3622, %get3A_3623] : memref<4096x1024xf32, #tpu.memory_space<vmem>>, vector<8x1024xf32>
    %gt3A_3625 = arith.cmpf ogt, %get3A_3624, %select_n3A_3617 : vector<8x1024xf32>
    %select_n3A_3626 = arith.select %gt3A_3625, %get3A_3624, %select_n3A_3617 : vector<8x1024xi1>, vector<8x1024xf32>
    %add3A_3627 = arith.constant 401 : i32
    %add3A_3628 = arith.addi %mul3A_16, %add3A_3627 : i32
    %broadcast_in_dim3A_3629 = vector.broadcast %add3A_3628 : i32 to vector<8x1024xi32>
    %select_n3A_3630 = arith.select %gt3A_3625, %broadcast_in_dim3A_3629, %select_n3A_3621 : vector<8x1024xi1>, vector<8x1024xi32>
    %get3A_3631 = arith.constant 3216 : index
    %get3A_3632 = arith.constant 0 : index
    %get3A_3633 = vector.load %arg5[%get3A_3631, %get3A_3632] : memref<4096x1024xf32, #tpu.memory_space<vmem>>, vector<8x1024xf32>
    %gt3A_3634 = arith.cmpf ogt, %get3A_3633, %select_n3A_3626 : vector<8x1024xf32>
    %select_n3A_3635 = arith.select %gt3A_3634, %get3A_3633, %select_n3A_3626 : vector<8x1024xi1>, vector<8x1024xf32>
    %add3A_3636 = arith.constant 402 : i32
    %add3A_3637 = arith.addi %mul3A_16, %add3A_3636 : i32
    %broadcast_in_dim3A_3638 = vector.broadcast %add3A_3637 : i32 to vector<8x1024xi32>
    %select_n3A_3639 = arith.select %gt3A_3634, %broadcast_in_dim3A_3638, %select_n3A_3630 : vector<8x1024xi1>, vector<8x1024xi32>
    %get3A_3640 = arith.constant 3224 : index
    %get3A_3641 = arith.constant 0 : index
    %get3A_3642 = vector.load %arg5[%get3A_3640, %get3A_3641] : memref<4096x1024xf32, #tpu.memory_space<vmem>>, vector<8x1024xf32>
    %gt3A_3643 = arith.cmpf ogt, %get3A_3642, %select_n3A_3635 : vector<8x1024xf32>
    %select_n3A_3644 = arith.select %gt3A_3643, %get3A_3642, %select_n3A_3635 : vector<8x1024xi1>, vector<8x1024xf32>
    %add3A_3645 = arith.constant 403 : i32
    %add3A_3646 = arith.addi %mul3A_16, %add3A_3645 : i32
    %broadcast_in_dim3A_3647 = vector.broadcast %add3A_3646 : i32 to vector<8x1024xi32>
    %select_n3A_3648 = arith.select %gt3A_3643, %broadcast_in_dim3A_3647, %select_n3A_3639 : vector<8x1024xi1>, vector<8x1024xi32>
    %get3A_3649 = arith.constant 3232 : index
    %get3A_3650 = arith.constant 0 : index
    %get3A_3651 = vector.load %arg5[%get3A_3649, %get3A_3650] : memref<4096x1024xf32, #tpu.memory_space<vmem>>, vector<8x1024xf32>
    %gt3A_3652 = arith.cmpf ogt, %get3A_3651, %select_n3A_3644 : vector<8x1024xf32>
    %select_n3A_3653 = arith.select %gt3A_3652, %get3A_3651, %select_n3A_3644 : vector<8x1024xi1>, vector<8x1024xf32>
    %add3A_3654 = arith.constant 404 : i32
    %add3A_3655 = arith.addi %mul3A_16, %add3A_3654 : i32
    %broadcast_in_dim3A_3656 = vector.broadcast %add3A_3655 : i32 to vector<8x1024xi32>
    %select_n3A_3657 = arith.select %gt3A_3652, %broadcast_in_dim3A_3656, %select_n3A_3648 : vector<8x1024xi1>, vector<8x1024xi32>
    %get3A_3658 = arith.constant 3240 : index
    %get3A_3659 = arith.constant 0 : index
    %get3A_3660 = vector.load %arg5[%get3A_3658, %get3A_3659] : memref<4096x1024xf32, #tpu.memory_space<vmem>>, vector<8x1024xf32>
    %gt3A_3661 = arith.cmpf ogt, %get3A_3660, %select_n3A_3653 : vector<8x1024xf32>
    %select_n3A_3662 = arith.select %gt3A_3661, %get3A_3660, %select_n3A_3653 : vector<8x1024xi1>, vector<8x1024xf32>
    %add3A_3663 = arith.constant 405 : i32
    %add3A_3664 = arith.addi %mul3A_16, %add3A_3663 : i32
    %broadcast_in_dim3A_3665 = vector.broadcast %add3A_3664 : i32 to vector<8x1024xi32>
    %select_n3A_3666 = arith.select %gt3A_3661, %broadcast_in_dim3A_3665, %select_n3A_3657 : vector<8x1024xi1>, vector<8x1024xi32>
    %get3A_3667 = arith.constant 3248 : index
    %get3A_3668 = arith.constant 0 : index
    %get3A_3669 = vector.load %arg5[%get3A_3667, %get3A_3668] : memref<4096x1024xf32, #tpu.memory_space<vmem>>, vector<8x1024xf32>
    %gt3A_3670 = arith.cmpf ogt, %get3A_3669, %select_n3A_3662 : vector<8x1024xf32>
    %select_n3A_3671 = arith.select %gt3A_3670, %get3A_3669, %select_n3A_3662 : vector<8x1024xi1>, vector<8x1024xf32>
    %add3A_3672 = arith.constant 406 : i32
    %add3A_3673 = arith.addi %mul3A_16, %add3A_3672 : i32
    %broadcast_in_dim3A_3674 = vector.broadcast %add3A_3673 : i32 to vector<8x1024xi32>
    %select_n3A_3675 = arith.select %gt3A_3670, %broadcast_in_dim3A_3674, %select_n3A_3666 : vector<8x1024xi1>, vector<8x1024xi32>
    %get3A_3676 = arith.constant 3256 : index
    %get3A_3677 = arith.constant 0 : index
    %get3A_3678 = vector.load %arg5[%get3A_3676, %get3A_3677] : memref<4096x1024xf32, #tpu.memory_space<vmem>>, vector<8x1024xf32>
    %gt3A_3679 = arith.cmpf ogt, %get3A_3678, %select_n3A_3671 : vector<8x1024xf32>
    %select_n3A_3680 = arith.select %gt3A_3679, %get3A_3678, %select_n3A_3671 : vector<8x1024xi1>, vector<8x1024xf32>
    %add3A_3681 = arith.constant 407 : i32
    %add3A_3682 = arith.addi %mul3A_16, %add3A_3681 : i32
    %broadcast_in_dim3A_3683 = vector.broadcast %add3A_3682 : i32 to vector<8x1024xi32>
    %select_n3A_3684 = arith.select %gt3A_3679, %broadcast_in_dim3A_3683, %select_n3A_3675 : vector<8x1024xi1>, vector<8x1024xi32>
    %get3A_3685 = arith.constant 3264 : index
    %get3A_3686 = arith.constant 0 : index
    %get3A_3687 = vector.load %arg5[%get3A_3685, %get3A_3686] : memref<4096x1024xf32, #tpu.memory_space<vmem>>, vector<8x1024xf32>
    %gt3A_3688 = arith.cmpf ogt, %get3A_3687, %select_n3A_3680 : vector<8x1024xf32>
    %select_n3A_3689 = arith.select %gt3A_3688, %get3A_3687, %select_n3A_3680 : vector<8x1024xi1>, vector<8x1024xf32>
    %add3A_3690 = arith.constant 408 : i32
    %add3A_3691 = arith.addi %mul3A_16, %add3A_3690 : i32
    %broadcast_in_dim3A_3692 = vector.broadcast %add3A_3691 : i32 to vector<8x1024xi32>
    %select_n3A_3693 = arith.select %gt3A_3688, %broadcast_in_dim3A_3692, %select_n3A_3684 : vector<8x1024xi1>, vector<8x1024xi32>
    %get3A_3694 = arith.constant 3272 : index
    %get3A_3695 = arith.constant 0 : index
    %get3A_3696 = vector.load %arg5[%get3A_3694, %get3A_3695] : memref<4096x1024xf32, #tpu.memory_space<vmem>>, vector<8x1024xf32>
    %gt3A_3697 = arith.cmpf ogt, %get3A_3696, %select_n3A_3689 : vector<8x1024xf32>
    %select_n3A_3698 = arith.select %gt3A_3697, %get3A_3696, %select_n3A_3689 : vector<8x1024xi1>, vector<8x1024xf32>
    %add3A_3699 = arith.constant 409 : i32
    %add3A_3700 = arith.addi %mul3A_16, %add3A_3699 : i32
    %broadcast_in_dim3A_3701 = vector.broadcast %add3A_3700 : i32 to vector<8x1024xi32>
    %select_n3A_3702 = arith.select %gt3A_3697, %broadcast_in_dim3A_3701, %select_n3A_3693 : vector<8x1024xi1>, vector<8x1024xi32>
    %get3A_3703 = arith.constant 3280 : index
    %get3A_3704 = arith.constant 0 : index
    %get3A_3705 = vector.load %arg5[%get3A_3703, %get3A_3704] : memref<4096x1024xf32, #tpu.memory_space<vmem>>, vector<8x1024xf32>
    %gt3A_3706 = arith.cmpf ogt, %get3A_3705, %select_n3A_3698 : vector<8x1024xf32>
    %select_n3A_3707 = arith.select %gt3A_3706, %get3A_3705, %select_n3A_3698 : vector<8x1024xi1>, vector<8x1024xf32>
    %add3A_3708 = arith.constant 410 : i32
    %add3A_3709 = arith.addi %mul3A_16, %add3A_3708 : i32
    %broadcast_in_dim3A_3710 = vector.broadcast %add3A_3709 : i32 to vector<8x1024xi32>
    %select_n3A_3711 = arith.select %gt3A_3706, %broadcast_in_dim3A_3710, %select_n3A_3702 : vector<8x1024xi1>, vector<8x1024xi32>
    %get3A_3712 = arith.constant 3288 : index
    %get3A_3713 = arith.constant 0 : index
    %get3A_3714 = vector.load %arg5[%get3A_3712, %get3A_3713] : memref<4096x1024xf32, #tpu.memory_space<vmem>>, vector<8x1024xf32>
    %gt3A_3715 = arith.cmpf ogt, %get3A_3714, %select_n3A_3707 : vector<8x1024xf32>
    %select_n3A_3716 = arith.select %gt3A_3715, %get3A_3714, %select_n3A_3707 : vector<8x1024xi1>, vector<8x1024xf32>
    %add3A_3717 = arith.constant 411 : i32
    %add3A_3718 = arith.addi %mul3A_16, %add3A_3717 : i32
    %broadcast_in_dim3A_3719 = vector.broadcast %add3A_3718 : i32 to vector<8x1024xi32>
    %select_n3A_3720 = arith.select %gt3A_3715, %broadcast_in_dim3A_3719, %select_n3A_3711 : vector<8x1024xi1>, vector<8x1024xi32>
    %get3A_3721 = arith.constant 3296 : index
    %get3A_3722 = arith.constant 0 : index
    %get3A_3723 = vector.load %arg5[%get3A_3721, %get3A_3722] : memref<4096x1024xf32, #tpu.memory_space<vmem>>, vector<8x1024xf32>
    %gt3A_3724 = arith.cmpf ogt, %get3A_3723, %select_n3A_3716 : vector<8x1024xf32>
    %select_n3A_3725 = arith.select %gt3A_3724, %get3A_3723, %select_n3A_3716 : vector<8x1024xi1>, vector<8x1024xf32>
    %add3A_3726 = arith.constant 412 : i32
    %add3A_3727 = arith.addi %mul3A_16, %add3A_3726 : i32
    %broadcast_in_dim3A_3728 = vector.broadcast %add3A_3727 : i32 to vector<8x1024xi32>
    %select_n3A_3729 = arith.select %gt3A_3724, %broadcast_in_dim3A_3728, %select_n3A_3720 : vector<8x1024xi1>, vector<8x1024xi32>
    %get3A_3730 = arith.constant 3304 : index
    %get3A_3731 = arith.constant 0 : index
    %get3A_3732 = vector.load %arg5[%get3A_3730, %get3A_3731] : memref<4096x1024xf32, #tpu.memory_space<vmem>>, vector<8x1024xf32>
    %gt3A_3733 = arith.cmpf ogt, %get3A_3732, %select_n3A_3725 : vector<8x1024xf32>
    %select_n3A_3734 = arith.select %gt3A_3733, %get3A_3732, %select_n3A_3725 : vector<8x1024xi1>, vector<8x1024xf32>
    %add3A_3735 = arith.constant 413 : i32
    %add3A_3736 = arith.addi %mul3A_16, %add3A_3735 : i32
    %broadcast_in_dim3A_3737 = vector.broadcast %add3A_3736 : i32 to vector<8x1024xi32>
    %select_n3A_3738 = arith.select %gt3A_3733, %broadcast_in_dim3A_3737, %select_n3A_3729 : vector<8x1024xi1>, vector<8x1024xi32>
    %get3A_3739 = arith.constant 3312 : index
    %get3A_3740 = arith.constant 0 : index
    %get3A_3741 = vector.load %arg5[%get3A_3739, %get3A_3740] : memref<4096x1024xf32, #tpu.memory_space<vmem>>, vector<8x1024xf32>
    %gt3A_3742 = arith.cmpf ogt, %get3A_3741, %select_n3A_3734 : vector<8x1024xf32>
    %select_n3A_3743 = arith.select %gt3A_3742, %get3A_3741, %select_n3A_3734 : vector<8x1024xi1>, vector<8x1024xf32>
    %add3A_3744 = arith.constant 414 : i32
    %add3A_3745 = arith.addi %mul3A_16, %add3A_3744 : i32
    %broadcast_in_dim3A_3746 = vector.broadcast %add3A_3745 : i32 to vector<8x1024xi32>
    %select_n3A_3747 = arith.select %gt3A_3742, %broadcast_in_dim3A_3746, %select_n3A_3738 : vector<8x1024xi1>, vector<8x1024xi32>
    %get3A_3748 = arith.constant 3320 : index
    %get3A_3749 = arith.constant 0 : index
    %get3A_3750 = vector.load %arg5[%get3A_3748, %get3A_3749] : memref<4096x1024xf32, #tpu.memory_space<vmem>>, vector<8x1024xf32>
    %gt3A_3751 = arith.cmpf ogt, %get3A_3750, %select_n3A_3743 : vector<8x1024xf32>
    %select_n3A_3752 = arith.select %gt3A_3751, %get3A_3750, %select_n3A_3743 : vector<8x1024xi1>, vector<8x1024xf32>
    %add3A_3753 = arith.constant 415 : i32
    %add3A_3754 = arith.addi %mul3A_16, %add3A_3753 : i32
    %broadcast_in_dim3A_3755 = vector.broadcast %add3A_3754 : i32 to vector<8x1024xi32>
    %select_n3A_3756 = arith.select %gt3A_3751, %broadcast_in_dim3A_3755, %select_n3A_3747 : vector<8x1024xi1>, vector<8x1024xi32>
    %get3A_3757 = arith.constant 3328 : index
    %get3A_3758 = arith.constant 0 : index
    %get3A_3759 = vector.load %arg5[%get3A_3757, %get3A_3758] : memref<4096x1024xf32, #tpu.memory_space<vmem>>, vector<8x1024xf32>
    %gt3A_3760 = arith.cmpf ogt, %get3A_3759, %select_n3A_3752 : vector<8x1024xf32>
    %select_n3A_3761 = arith.select %gt3A_3760, %get3A_3759, %select_n3A_3752 : vector<8x1024xi1>, vector<8x1024xf32>
    %add3A_3762 = arith.constant 416 : i32
    %add3A_3763 = arith.addi %mul3A_16, %add3A_3762 : i32
    %broadcast_in_dim3A_3764 = vector.broadcast %add3A_3763 : i32 to vector<8x1024xi32>
    %select_n3A_3765 = arith.select %gt3A_3760, %broadcast_in_dim3A_3764, %select_n3A_3756 : vector<8x1024xi1>, vector<8x1024xi32>
    %get3A_3766 = arith.constant 3336 : index
    %get3A_3767 = arith.constant 0 : index
    %get3A_3768 = vector.load %arg5[%get3A_3766, %get3A_3767] : memref<4096x1024xf32, #tpu.memory_space<vmem>>, vector<8x1024xf32>
    %gt3A_3769 = arith.cmpf ogt, %get3A_3768, %select_n3A_3761 : vector<8x1024xf32>
    %select_n3A_3770 = arith.select %gt3A_3769, %get3A_3768, %select_n3A_3761 : vector<8x1024xi1>, vector<8x1024xf32>
    %add3A_3771 = arith.constant 417 : i32
    %add3A_3772 = arith.addi %mul3A_16, %add3A_3771 : i32
    %broadcast_in_dim3A_3773 = vector.broadcast %add3A_3772 : i32 to vector<8x1024xi32>
    %select_n3A_3774 = arith.select %gt3A_3769, %broadcast_in_dim3A_3773, %select_n3A_3765 : vector<8x1024xi1>, vector<8x1024xi32>
    %get3A_3775 = arith.constant 3344 : index
    %get3A_3776 = arith.constant 0 : index
    %get3A_3777 = vector.load %arg5[%get3A_3775, %get3A_3776] : memref<4096x1024xf32, #tpu.memory_space<vmem>>, vector<8x1024xf32>
    %gt3A_3778 = arith.cmpf ogt, %get3A_3777, %select_n3A_3770 : vector<8x1024xf32>
    %select_n3A_3779 = arith.select %gt3A_3778, %get3A_3777, %select_n3A_3770 : vector<8x1024xi1>, vector<8x1024xf32>
    %add3A_3780 = arith.constant 418 : i32
    %add3A_3781 = arith.addi %mul3A_16, %add3A_3780 : i32
    %broadcast_in_dim3A_3782 = vector.broadcast %add3A_3781 : i32 to vector<8x1024xi32>
    %select_n3A_3783 = arith.select %gt3A_3778, %broadcast_in_dim3A_3782, %select_n3A_3774 : vector<8x1024xi1>, vector<8x1024xi32>
    %get3A_3784 = arith.constant 3352 : index
    %get3A_3785 = arith.constant 0 : index
    %get3A_3786 = vector.load %arg5[%get3A_3784, %get3A_3785] : memref<4096x1024xf32, #tpu.memory_space<vmem>>, vector<8x1024xf32>
    %gt3A_3787 = arith.cmpf ogt, %get3A_3786, %select_n3A_3779 : vector<8x1024xf32>
    %select_n3A_3788 = arith.select %gt3A_3787, %get3A_3786, %select_n3A_3779 : vector<8x1024xi1>, vector<8x1024xf32>
    %add3A_3789 = arith.constant 419 : i32
    %add3A_3790 = arith.addi %mul3A_16, %add3A_3789 : i32
    %broadcast_in_dim3A_3791 = vector.broadcast %add3A_3790 : i32 to vector<8x1024xi32>
    %select_n3A_3792 = arith.select %gt3A_3787, %broadcast_in_dim3A_3791, %select_n3A_3783 : vector<8x1024xi1>, vector<8x1024xi32>
    %get3A_3793 = arith.constant 3360 : index
    %get3A_3794 = arith.constant 0 : index
    %get3A_3795 = vector.load %arg5[%get3A_3793, %get3A_3794] : memref<4096x1024xf32, #tpu.memory_space<vmem>>, vector<8x1024xf32>
    %gt3A_3796 = arith.cmpf ogt, %get3A_3795, %select_n3A_3788 : vector<8x1024xf32>
    %select_n3A_3797 = arith.select %gt3A_3796, %get3A_3795, %select_n3A_3788 : vector<8x1024xi1>, vector<8x1024xf32>
    %add3A_3798 = arith.constant 420 : i32
    %add3A_3799 = arith.addi %mul3A_16, %add3A_3798 : i32
    %broadcast_in_dim3A_3800 = vector.broadcast %add3A_3799 : i32 to vector<8x1024xi32>
    %select_n3A_3801 = arith.select %gt3A_3796, %broadcast_in_dim3A_3800, %select_n3A_3792 : vector<8x1024xi1>, vector<8x1024xi32>
    %get3A_3802 = arith.constant 3368 : index
    %get3A_3803 = arith.constant 0 : index
    %get3A_3804 = vector.load %arg5[%get3A_3802, %get3A_3803] : memref<4096x1024xf32, #tpu.memory_space<vmem>>, vector<8x1024xf32>
    %gt3A_3805 = arith.cmpf ogt, %get3A_3804, %select_n3A_3797 : vector<8x1024xf32>
    %select_n3A_3806 = arith.select %gt3A_3805, %get3A_3804, %select_n3A_3797 : vector<8x1024xi1>, vector<8x1024xf32>
    %add3A_3807 = arith.constant 421 : i32
    %add3A_3808 = arith.addi %mul3A_16, %add3A_3807 : i32
    %broadcast_in_dim3A_3809 = vector.broadcast %add3A_3808 : i32 to vector<8x1024xi32>
    %select_n3A_3810 = arith.select %gt3A_3805, %broadcast_in_dim3A_3809, %select_n3A_3801 : vector<8x1024xi1>, vector<8x1024xi32>
    %get3A_3811 = arith.constant 3376 : index
    %get3A_3812 = arith.constant 0 : index
    %get3A_3813 = vector.load %arg5[%get3A_3811, %get3A_3812] : memref<4096x1024xf32, #tpu.memory_space<vmem>>, vector<8x1024xf32>
    %gt3A_3814 = arith.cmpf ogt, %get3A_3813, %select_n3A_3806 : vector<8x1024xf32>
    %select_n3A_3815 = arith.select %gt3A_3814, %get3A_3813, %select_n3A_3806 : vector<8x1024xi1>, vector<8x1024xf32>
    %add3A_3816 = arith.constant 422 : i32
    %add3A_3817 = arith.addi %mul3A_16, %add3A_3816 : i32
    %broadcast_in_dim3A_3818 = vector.broadcast %add3A_3817 : i32 to vector<8x1024xi32>
    %select_n3A_3819 = arith.select %gt3A_3814, %broadcast_in_dim3A_3818, %select_n3A_3810 : vector<8x1024xi1>, vector<8x1024xi32>
    %get3A_3820 = arith.constant 3384 : index
    %get3A_3821 = arith.constant 0 : index
    %get3A_3822 = vector.load %arg5[%get3A_3820, %get3A_3821] : memref<4096x1024xf32, #tpu.memory_space<vmem>>, vector<8x1024xf32>
    %gt3A_3823 = arith.cmpf ogt, %get3A_3822, %select_n3A_3815 : vector<8x1024xf32>
    %select_n3A_3824 = arith.select %gt3A_3823, %get3A_3822, %select_n3A_3815 : vector<8x1024xi1>, vector<8x1024xf32>
    %add3A_3825 = arith.constant 423 : i32
    %add3A_3826 = arith.addi %mul3A_16, %add3A_3825 : i32
    %broadcast_in_dim3A_3827 = vector.broadcast %add3A_3826 : i32 to vector<8x1024xi32>
    %select_n3A_3828 = arith.select %gt3A_3823, %broadcast_in_dim3A_3827, %select_n3A_3819 : vector<8x1024xi1>, vector<8x1024xi32>
    %get3A_3829 = arith.constant 3392 : index
    %get3A_3830 = arith.constant 0 : index
    %get3A_3831 = vector.load %arg5[%get3A_3829, %get3A_3830] : memref<4096x1024xf32, #tpu.memory_space<vmem>>, vector<8x1024xf32>
    %gt3A_3832 = arith.cmpf ogt, %get3A_3831, %select_n3A_3824 : vector<8x1024xf32>
    %select_n3A_3833 = arith.select %gt3A_3832, %get3A_3831, %select_n3A_3824 : vector<8x1024xi1>, vector<8x1024xf32>
    %add3A_3834 = arith.constant 424 : i32
    %add3A_3835 = arith.addi %mul3A_16, %add3A_3834 : i32
    %broadcast_in_dim3A_3836 = vector.broadcast %add3A_3835 : i32 to vector<8x1024xi32>
    %select_n3A_3837 = arith.select %gt3A_3832, %broadcast_in_dim3A_3836, %select_n3A_3828 : vector<8x1024xi1>, vector<8x1024xi32>
    %get3A_3838 = arith.constant 3400 : index
    %get3A_3839 = arith.constant 0 : index
    %get3A_3840 = vector.load %arg5[%get3A_3838, %get3A_3839] : memref<4096x1024xf32, #tpu.memory_space<vmem>>, vector<8x1024xf32>
    %gt3A_3841 = arith.cmpf ogt, %get3A_3840, %select_n3A_3833 : vector<8x1024xf32>
    %select_n3A_3842 = arith.select %gt3A_3841, %get3A_3840, %select_n3A_3833 : vector<8x1024xi1>, vector<8x1024xf32>
    %add3A_3843 = arith.constant 425 : i32
    %add3A_3844 = arith.addi %mul3A_16, %add3A_3843 : i32
    %broadcast_in_dim3A_3845 = vector.broadcast %add3A_3844 : i32 to vector<8x1024xi32>
    %select_n3A_3846 = arith.select %gt3A_3841, %broadcast_in_dim3A_3845, %select_n3A_3837 : vector<8x1024xi1>, vector<8x1024xi32>
    %get3A_3847 = arith.constant 3408 : index
    %get3A_3848 = arith.constant 0 : index
    %get3A_3849 = vector.load %arg5[%get3A_3847, %get3A_3848] : memref<4096x1024xf32, #tpu.memory_space<vmem>>, vector<8x1024xf32>
    %gt3A_3850 = arith.cmpf ogt, %get3A_3849, %select_n3A_3842 : vector<8x1024xf32>
    %select_n3A_3851 = arith.select %gt3A_3850, %get3A_3849, %select_n3A_3842 : vector<8x1024xi1>, vector<8x1024xf32>
    %add3A_3852 = arith.constant 426 : i32
    %add3A_3853 = arith.addi %mul3A_16, %add3A_3852 : i32
    %broadcast_in_dim3A_3854 = vector.broadcast %add3A_3853 : i32 to vector<8x1024xi32>
    %select_n3A_3855 = arith.select %gt3A_3850, %broadcast_in_dim3A_3854, %select_n3A_3846 : vector<8x1024xi1>, vector<8x1024xi32>
    %get3A_3856 = arith.constant 3416 : index
    %get3A_3857 = arith.constant 0 : index
    %get3A_3858 = vector.load %arg5[%get3A_3856, %get3A_3857] : memref<4096x1024xf32, #tpu.memory_space<vmem>>, vector<8x1024xf32>
    %gt3A_3859 = arith.cmpf ogt, %get3A_3858, %select_n3A_3851 : vector<8x1024xf32>
    %select_n3A_3860 = arith.select %gt3A_3859, %get3A_3858, %select_n3A_3851 : vector<8x1024xi1>, vector<8x1024xf32>
    %add3A_3861 = arith.constant 427 : i32
    %add3A_3862 = arith.addi %mul3A_16, %add3A_3861 : i32
    %broadcast_in_dim3A_3863 = vector.broadcast %add3A_3862 : i32 to vector<8x1024xi32>
    %select_n3A_3864 = arith.select %gt3A_3859, %broadcast_in_dim3A_3863, %select_n3A_3855 : vector<8x1024xi1>, vector<8x1024xi32>
    %get3A_3865 = arith.constant 3424 : index
    %get3A_3866 = arith.constant 0 : index
    %get3A_3867 = vector.load %arg5[%get3A_3865, %get3A_3866] : memref<4096x1024xf32, #tpu.memory_space<vmem>>, vector<8x1024xf32>
    %gt3A_3868 = arith.cmpf ogt, %get3A_3867, %select_n3A_3860 : vector<8x1024xf32>
    %select_n3A_3869 = arith.select %gt3A_3868, %get3A_3867, %select_n3A_3860 : vector<8x1024xi1>, vector<8x1024xf32>
    %add3A_3870 = arith.constant 428 : i32
    %add3A_3871 = arith.addi %mul3A_16, %add3A_3870 : i32
    %broadcast_in_dim3A_3872 = vector.broadcast %add3A_3871 : i32 to vector<8x1024xi32>
    %select_n3A_3873 = arith.select %gt3A_3868, %broadcast_in_dim3A_3872, %select_n3A_3864 : vector<8x1024xi1>, vector<8x1024xi32>
    %get3A_3874 = arith.constant 3432 : index
    %get3A_3875 = arith.constant 0 : index
    %get3A_3876 = vector.load %arg5[%get3A_3874, %get3A_3875] : memref<4096x1024xf32, #tpu.memory_space<vmem>>, vector<8x1024xf32>
    %gt3A_3877 = arith.cmpf ogt, %get3A_3876, %select_n3A_3869 : vector<8x1024xf32>
    %select_n3A_3878 = arith.select %gt3A_3877, %get3A_3876, %select_n3A_3869 : vector<8x1024xi1>, vector<8x1024xf32>
    %add3A_3879 = arith.constant 429 : i32
    %add3A_3880 = arith.addi %mul3A_16, %add3A_3879 : i32
    %broadcast_in_dim3A_3881 = vector.broadcast %add3A_3880 : i32 to vector<8x1024xi32>
    %select_n3A_3882 = arith.select %gt3A_3877, %broadcast_in_dim3A_3881, %select_n3A_3873 : vector<8x1024xi1>, vector<8x1024xi32>
    %get3A_3883 = arith.constant 3440 : index
    %get3A_3884 = arith.constant 0 : index
    %get3A_3885 = vector.load %arg5[%get3A_3883, %get3A_3884] : memref<4096x1024xf32, #tpu.memory_space<vmem>>, vector<8x1024xf32>
    %gt3A_3886 = arith.cmpf ogt, %get3A_3885, %select_n3A_3878 : vector<8x1024xf32>
    %select_n3A_3887 = arith.select %gt3A_3886, %get3A_3885, %select_n3A_3878 : vector<8x1024xi1>, vector<8x1024xf32>
    %add3A_3888 = arith.constant 430 : i32
    %add3A_3889 = arith.addi %mul3A_16, %add3A_3888 : i32
    %broadcast_in_dim3A_3890 = vector.broadcast %add3A_3889 : i32 to vector<8x1024xi32>
    %select_n3A_3891 = arith.select %gt3A_3886, %broadcast_in_dim3A_3890, %select_n3A_3882 : vector<8x1024xi1>, vector<8x1024xi32>
    %get3A_3892 = arith.constant 3448 : index
    %get3A_3893 = arith.constant 0 : index
    %get3A_3894 = vector.load %arg5[%get3A_3892, %get3A_3893] : memref<4096x1024xf32, #tpu.memory_space<vmem>>, vector<8x1024xf32>
    %gt3A_3895 = arith.cmpf ogt, %get3A_3894, %select_n3A_3887 : vector<8x1024xf32>
    %select_n3A_3896 = arith.select %gt3A_3895, %get3A_3894, %select_n3A_3887 : vector<8x1024xi1>, vector<8x1024xf32>
    %add3A_3897 = arith.constant 431 : i32
    %add3A_3898 = arith.addi %mul3A_16, %add3A_3897 : i32
    %broadcast_in_dim3A_3899 = vector.broadcast %add3A_3898 : i32 to vector<8x1024xi32>
    %select_n3A_3900 = arith.select %gt3A_3895, %broadcast_in_dim3A_3899, %select_n3A_3891 : vector<8x1024xi1>, vector<8x1024xi32>
    %get3A_3901 = arith.constant 3456 : index
    %get3A_3902 = arith.constant 0 : index
    %get3A_3903 = vector.load %arg5[%get3A_3901, %get3A_3902] : memref<4096x1024xf32, #tpu.memory_space<vmem>>, vector<8x1024xf32>
    %gt3A_3904 = arith.cmpf ogt, %get3A_3903, %select_n3A_3896 : vector<8x1024xf32>
    %select_n3A_3905 = arith.select %gt3A_3904, %get3A_3903, %select_n3A_3896 : vector<8x1024xi1>, vector<8x1024xf32>
    %add3A_3906 = arith.constant 432 : i32
    %add3A_3907 = arith.addi %mul3A_16, %add3A_3906 : i32
    %broadcast_in_dim3A_3908 = vector.broadcast %add3A_3907 : i32 to vector<8x1024xi32>
    %select_n3A_3909 = arith.select %gt3A_3904, %broadcast_in_dim3A_3908, %select_n3A_3900 : vector<8x1024xi1>, vector<8x1024xi32>
    %get3A_3910 = arith.constant 3464 : index
    %get3A_3911 = arith.constant 0 : index
    %get3A_3912 = vector.load %arg5[%get3A_3910, %get3A_3911] : memref<4096x1024xf32, #tpu.memory_space<vmem>>, vector<8x1024xf32>
    %gt3A_3913 = arith.cmpf ogt, %get3A_3912, %select_n3A_3905 : vector<8x1024xf32>
    %select_n3A_3914 = arith.select %gt3A_3913, %get3A_3912, %select_n3A_3905 : vector<8x1024xi1>, vector<8x1024xf32>
    %add3A_3915 = arith.constant 433 : i32
    %add3A_3916 = arith.addi %mul3A_16, %add3A_3915 : i32
    %broadcast_in_dim3A_3917 = vector.broadcast %add3A_3916 : i32 to vector<8x1024xi32>
    %select_n3A_3918 = arith.select %gt3A_3913, %broadcast_in_dim3A_3917, %select_n3A_3909 : vector<8x1024xi1>, vector<8x1024xi32>
    %get3A_3919 = arith.constant 3472 : index
    %get3A_3920 = arith.constant 0 : index
    %get3A_3921 = vector.load %arg5[%get3A_3919, %get3A_3920] : memref<4096x1024xf32, #tpu.memory_space<vmem>>, vector<8x1024xf32>
    %gt3A_3922 = arith.cmpf ogt, %get3A_3921, %select_n3A_3914 : vector<8x1024xf32>
    %select_n3A_3923 = arith.select %gt3A_3922, %get3A_3921, %select_n3A_3914 : vector<8x1024xi1>, vector<8x1024xf32>
    %add3A_3924 = arith.constant 434 : i32
    %add3A_3925 = arith.addi %mul3A_16, %add3A_3924 : i32
    %broadcast_in_dim3A_3926 = vector.broadcast %add3A_3925 : i32 to vector<8x1024xi32>
    %select_n3A_3927 = arith.select %gt3A_3922, %broadcast_in_dim3A_3926, %select_n3A_3918 : vector<8x1024xi1>, vector<8x1024xi32>
    %get3A_3928 = arith.constant 3480 : index
    %get3A_3929 = arith.constant 0 : index
    %get3A_3930 = vector.load %arg5[%get3A_3928, %get3A_3929] : memref<4096x1024xf32, #tpu.memory_space<vmem>>, vector<8x1024xf32>
    %gt3A_3931 = arith.cmpf ogt, %get3A_3930, %select_n3A_3923 : vector<8x1024xf32>
    %select_n3A_3932 = arith.select %gt3A_3931, %get3A_3930, %select_n3A_3923 : vector<8x1024xi1>, vector<8x1024xf32>
    %add3A_3933 = arith.constant 435 : i32
    %add3A_3934 = arith.addi %mul3A_16, %add3A_3933 : i32
    %broadcast_in_dim3A_3935 = vector.broadcast %add3A_3934 : i32 to vector<8x1024xi32>
    %select_n3A_3936 = arith.select %gt3A_3931, %broadcast_in_dim3A_3935, %select_n3A_3927 : vector<8x1024xi1>, vector<8x1024xi32>
    %get3A_3937 = arith.constant 3488 : index
    %get3A_3938 = arith.constant 0 : index
    %get3A_3939 = vector.load %arg5[%get3A_3937, %get3A_3938] : memref<4096x1024xf32, #tpu.memory_space<vmem>>, vector<8x1024xf32>
    %gt3A_3940 = arith.cmpf ogt, %get3A_3939, %select_n3A_3932 : vector<8x1024xf32>
    %select_n3A_3941 = arith.select %gt3A_3940, %get3A_3939, %select_n3A_3932 : vector<8x1024xi1>, vector<8x1024xf32>
    %add3A_3942 = arith.constant 436 : i32
    %add3A_3943 = arith.addi %mul3A_16, %add3A_3942 : i32
    %broadcast_in_dim3A_3944 = vector.broadcast %add3A_3943 : i32 to vector<8x1024xi32>
    %select_n3A_3945 = arith.select %gt3A_3940, %broadcast_in_dim3A_3944, %select_n3A_3936 : vector<8x1024xi1>, vector<8x1024xi32>
    %get3A_3946 = arith.constant 3496 : index
    %get3A_3947 = arith.constant 0 : index
    %get3A_3948 = vector.load %arg5[%get3A_3946, %get3A_3947] : memref<4096x1024xf32, #tpu.memory_space<vmem>>, vector<8x1024xf32>
    %gt3A_3949 = arith.cmpf ogt, %get3A_3948, %select_n3A_3941 : vector<8x1024xf32>
    %select_n3A_3950 = arith.select %gt3A_3949, %get3A_3948, %select_n3A_3941 : vector<8x1024xi1>, vector<8x1024xf32>
    %add3A_3951 = arith.constant 437 : i32
    %add3A_3952 = arith.addi %mul3A_16, %add3A_3951 : i32
    %broadcast_in_dim3A_3953 = vector.broadcast %add3A_3952 : i32 to vector<8x1024xi32>
    %select_n3A_3954 = arith.select %gt3A_3949, %broadcast_in_dim3A_3953, %select_n3A_3945 : vector<8x1024xi1>, vector<8x1024xi32>
    %get3A_3955 = arith.constant 3504 : index
    %get3A_3956 = arith.constant 0 : index
    %get3A_3957 = vector.load %arg5[%get3A_3955, %get3A_3956] : memref<4096x1024xf32, #tpu.memory_space<vmem>>, vector<8x1024xf32>
    %gt3A_3958 = arith.cmpf ogt, %get3A_3957, %select_n3A_3950 : vector<8x1024xf32>
    %select_n3A_3959 = arith.select %gt3A_3958, %get3A_3957, %select_n3A_3950 : vector<8x1024xi1>, vector<8x1024xf32>
    %add3A_3960 = arith.constant 438 : i32
    %add3A_3961 = arith.addi %mul3A_16, %add3A_3960 : i32
    %broadcast_in_dim3A_3962 = vector.broadcast %add3A_3961 : i32 to vector<8x1024xi32>
    %select_n3A_3963 = arith.select %gt3A_3958, %broadcast_in_dim3A_3962, %select_n3A_3954 : vector<8x1024xi1>, vector<8x1024xi32>
    %get3A_3964 = arith.constant 3512 : index
    %get3A_3965 = arith.constant 0 : index
    %get3A_3966 = vector.load %arg5[%get3A_3964, %get3A_3965] : memref<4096x1024xf32, #tpu.memory_space<vmem>>, vector<8x1024xf32>
    %gt3A_3967 = arith.cmpf ogt, %get3A_3966, %select_n3A_3959 : vector<8x1024xf32>
    %select_n3A_3968 = arith.select %gt3A_3967, %get3A_3966, %select_n3A_3959 : vector<8x1024xi1>, vector<8x1024xf32>
    %add3A_3969 = arith.constant 439 : i32
    %add3A_3970 = arith.addi %mul3A_16, %add3A_3969 : i32
    %broadcast_in_dim3A_3971 = vector.broadcast %add3A_3970 : i32 to vector<8x1024xi32>
    %select_n3A_3972 = arith.select %gt3A_3967, %broadcast_in_dim3A_3971, %select_n3A_3963 : vector<8x1024xi1>, vector<8x1024xi32>
    %get3A_3973 = arith.constant 3520 : index
    %get3A_3974 = arith.constant 0 : index
    %get3A_3975 = vector.load %arg5[%get3A_3973, %get3A_3974] : memref<4096x1024xf32, #tpu.memory_space<vmem>>, vector<8x1024xf32>
    %gt3A_3976 = arith.cmpf ogt, %get3A_3975, %select_n3A_3968 : vector<8x1024xf32>
    %select_n3A_3977 = arith.select %gt3A_3976, %get3A_3975, %select_n3A_3968 : vector<8x1024xi1>, vector<8x1024xf32>
    %add3A_3978 = arith.constant 440 : i32
    %add3A_3979 = arith.addi %mul3A_16, %add3A_3978 : i32
    %broadcast_in_dim3A_3980 = vector.broadcast %add3A_3979 : i32 to vector<8x1024xi32>
    %select_n3A_3981 = arith.select %gt3A_3976, %broadcast_in_dim3A_3980, %select_n3A_3972 : vector<8x1024xi1>, vector<8x1024xi32>
    %get3A_3982 = arith.constant 3528 : index
    %get3A_3983 = arith.constant 0 : index
    %get3A_3984 = vector.load %arg5[%get3A_3982, %get3A_3983] : memref<4096x1024xf32, #tpu.memory_space<vmem>>, vector<8x1024xf32>
    %gt3A_3985 = arith.cmpf ogt, %get3A_3984, %select_n3A_3977 : vector<8x1024xf32>
    %select_n3A_3986 = arith.select %gt3A_3985, %get3A_3984, %select_n3A_3977 : vector<8x1024xi1>, vector<8x1024xf32>
    %add3A_3987 = arith.constant 441 : i32
    %add3A_3988 = arith.addi %mul3A_16, %add3A_3987 : i32
    %broadcast_in_dim3A_3989 = vector.broadcast %add3A_3988 : i32 to vector<8x1024xi32>
    %select_n3A_3990 = arith.select %gt3A_3985, %broadcast_in_dim3A_3989, %select_n3A_3981 : vector<8x1024xi1>, vector<8x1024xi32>
    %get3A_3991 = arith.constant 3536 : index
    %get3A_3992 = arith.constant 0 : index
    %get3A_3993 = vector.load %arg5[%get3A_3991, %get3A_3992] : memref<4096x1024xf32, #tpu.memory_space<vmem>>, vector<8x1024xf32>
    %gt3A_3994 = arith.cmpf ogt, %get3A_3993, %select_n3A_3986 : vector<8x1024xf32>
    %select_n3A_3995 = arith.select %gt3A_3994, %get3A_3993, %select_n3A_3986 : vector<8x1024xi1>, vector<8x1024xf32>
    %add3A_3996 = arith.constant 442 : i32
    %add3A_3997 = arith.addi %mul3A_16, %add3A_3996 : i32
    %broadcast_in_dim3A_3998 = vector.broadcast %add3A_3997 : i32 to vector<8x1024xi32>
    %select_n3A_3999 = arith.select %gt3A_3994, %broadcast_in_dim3A_3998, %select_n3A_3990 : vector<8x1024xi1>, vector<8x1024xi32>
    %get3A_4000 = arith.constant 3544 : index
    %get3A_4001 = arith.constant 0 : index
    %get3A_4002 = vector.load %arg5[%get3A_4000, %get3A_4001] : memref<4096x1024xf32, #tpu.memory_space<vmem>>, vector<8x1024xf32>
    %gt3A_4003 = arith.cmpf ogt, %get3A_4002, %select_n3A_3995 : vector<8x1024xf32>
    %select_n3A_4004 = arith.select %gt3A_4003, %get3A_4002, %select_n3A_3995 : vector<8x1024xi1>, vector<8x1024xf32>
    %add3A_4005 = arith.constant 443 : i32
    %add3A_4006 = arith.addi %mul3A_16, %add3A_4005 : i32
    %broadcast_in_dim3A_4007 = vector.broadcast %add3A_4006 : i32 to vector<8x1024xi32>
    %select_n3A_4008 = arith.select %gt3A_4003, %broadcast_in_dim3A_4007, %select_n3A_3999 : vector<8x1024xi1>, vector<8x1024xi32>
    %get3A_4009 = arith.constant 3552 : index
    %get3A_4010 = arith.constant 0 : index
    %get3A_4011 = vector.load %arg5[%get3A_4009, %get3A_4010] : memref<4096x1024xf32, #tpu.memory_space<vmem>>, vector<8x1024xf32>
    %gt3A_4012 = arith.cmpf ogt, %get3A_4011, %select_n3A_4004 : vector<8x1024xf32>
    %select_n3A_4013 = arith.select %gt3A_4012, %get3A_4011, %select_n3A_4004 : vector<8x1024xi1>, vector<8x1024xf32>
    %add3A_4014 = arith.constant 444 : i32
    %add3A_4015 = arith.addi %mul3A_16, %add3A_4014 : i32
    %broadcast_in_dim3A_4016 = vector.broadcast %add3A_4015 : i32 to vector<8x1024xi32>
    %select_n3A_4017 = arith.select %gt3A_4012, %broadcast_in_dim3A_4016, %select_n3A_4008 : vector<8x1024xi1>, vector<8x1024xi32>
    %get3A_4018 = arith.constant 3560 : index
    %get3A_4019 = arith.constant 0 : index
    %get3A_4020 = vector.load %arg5[%get3A_4018, %get3A_4019] : memref<4096x1024xf32, #tpu.memory_space<vmem>>, vector<8x1024xf32>
    %gt3A_4021 = arith.cmpf ogt, %get3A_4020, %select_n3A_4013 : vector<8x1024xf32>
    %select_n3A_4022 = arith.select %gt3A_4021, %get3A_4020, %select_n3A_4013 : vector<8x1024xi1>, vector<8x1024xf32>
    %add3A_4023 = arith.constant 445 : i32
    %add3A_4024 = arith.addi %mul3A_16, %add3A_4023 : i32
    %broadcast_in_dim3A_4025 = vector.broadcast %add3A_4024 : i32 to vector<8x1024xi32>
    %select_n3A_4026 = arith.select %gt3A_4021, %broadcast_in_dim3A_4025, %select_n3A_4017 : vector<8x1024xi1>, vector<8x1024xi32>
    %get3A_4027 = arith.constant 3568 : index
    %get3A_4028 = arith.constant 0 : index
    %get3A_4029 = vector.load %arg5[%get3A_4027, %get3A_4028] : memref<4096x1024xf32, #tpu.memory_space<vmem>>, vector<8x1024xf32>
    %gt3A_4030 = arith.cmpf ogt, %get3A_4029, %select_n3A_4022 : vector<8x1024xf32>
    %select_n3A_4031 = arith.select %gt3A_4030, %get3A_4029, %select_n3A_4022 : vector<8x1024xi1>, vector<8x1024xf32>
    %add3A_4032 = arith.constant 446 : i32
    %add3A_4033 = arith.addi %mul3A_16, %add3A_4032 : i32
    %broadcast_in_dim3A_4034 = vector.broadcast %add3A_4033 : i32 to vector<8x1024xi32>
    %select_n3A_4035 = arith.select %gt3A_4030, %broadcast_in_dim3A_4034, %select_n3A_4026 : vector<8x1024xi1>, vector<8x1024xi32>
    %get3A_4036 = arith.constant 3576 : index
    %get3A_4037 = arith.constant 0 : index
    %get3A_4038 = vector.load %arg5[%get3A_4036, %get3A_4037] : memref<4096x1024xf32, #tpu.memory_space<vmem>>, vector<8x1024xf32>
    %gt3A_4039 = arith.cmpf ogt, %get3A_4038, %select_n3A_4031 : vector<8x1024xf32>
    %select_n3A_4040 = arith.select %gt3A_4039, %get3A_4038, %select_n3A_4031 : vector<8x1024xi1>, vector<8x1024xf32>
    %add3A_4041 = arith.constant 447 : i32
    %add3A_4042 = arith.addi %mul3A_16, %add3A_4041 : i32
    %broadcast_in_dim3A_4043 = vector.broadcast %add3A_4042 : i32 to vector<8x1024xi32>
    %select_n3A_4044 = arith.select %gt3A_4039, %broadcast_in_dim3A_4043, %select_n3A_4035 : vector<8x1024xi1>, vector<8x1024xi32>
    %get3A_4045 = arith.constant 3584 : index
    %get3A_4046 = arith.constant 0 : index
    %get3A_4047 = vector.load %arg5[%get3A_4045, %get3A_4046] : memref<4096x1024xf32, #tpu.memory_space<vmem>>, vector<8x1024xf32>
    %gt3A_4048 = arith.cmpf ogt, %get3A_4047, %select_n3A_4040 : vector<8x1024xf32>
    %select_n3A_4049 = arith.select %gt3A_4048, %get3A_4047, %select_n3A_4040 : vector<8x1024xi1>, vector<8x1024xf32>
    %add3A_4050 = arith.constant 448 : i32
    %add3A_4051 = arith.addi %mul3A_16, %add3A_4050 : i32
    %broadcast_in_dim3A_4052 = vector.broadcast %add3A_4051 : i32 to vector<8x1024xi32>
    %select_n3A_4053 = arith.select %gt3A_4048, %broadcast_in_dim3A_4052, %select_n3A_4044 : vector<8x1024xi1>, vector<8x1024xi32>
    %get3A_4054 = arith.constant 3592 : index
    %get3A_4055 = arith.constant 0 : index
    %get3A_4056 = vector.load %arg5[%get3A_4054, %get3A_4055] : memref<4096x1024xf32, #tpu.memory_space<vmem>>, vector<8x1024xf32>
    %gt3A_4057 = arith.cmpf ogt, %get3A_4056, %select_n3A_4049 : vector<8x1024xf32>
    %select_n3A_4058 = arith.select %gt3A_4057, %get3A_4056, %select_n3A_4049 : vector<8x1024xi1>, vector<8x1024xf32>
    %add3A_4059 = arith.constant 449 : i32
    %add3A_4060 = arith.addi %mul3A_16, %add3A_4059 : i32
    %broadcast_in_dim3A_4061 = vector.broadcast %add3A_4060 : i32 to vector<8x1024xi32>
    %select_n3A_4062 = arith.select %gt3A_4057, %broadcast_in_dim3A_4061, %select_n3A_4053 : vector<8x1024xi1>, vector<8x1024xi32>
    %get3A_4063 = arith.constant 3600 : index
    %get3A_4064 = arith.constant 0 : index
    %get3A_4065 = vector.load %arg5[%get3A_4063, %get3A_4064] : memref<4096x1024xf32, #tpu.memory_space<vmem>>, vector<8x1024xf32>
    %gt3A_4066 = arith.cmpf ogt, %get3A_4065, %select_n3A_4058 : vector<8x1024xf32>
    %select_n3A_4067 = arith.select %gt3A_4066, %get3A_4065, %select_n3A_4058 : vector<8x1024xi1>, vector<8x1024xf32>
    %add3A_4068 = arith.constant 450 : i32
    %add3A_4069 = arith.addi %mul3A_16, %add3A_4068 : i32
    %broadcast_in_dim3A_4070 = vector.broadcast %add3A_4069 : i32 to vector<8x1024xi32>
    %select_n3A_4071 = arith.select %gt3A_4066, %broadcast_in_dim3A_4070, %select_n3A_4062 : vector<8x1024xi1>, vector<8x1024xi32>
    %get3A_4072 = arith.constant 3608 : index
    %get3A_4073 = arith.constant 0 : index
    %get3A_4074 = vector.load %arg5[%get3A_4072, %get3A_4073] : memref<4096x1024xf32, #tpu.memory_space<vmem>>, vector<8x1024xf32>
    %gt3A_4075 = arith.cmpf ogt, %get3A_4074, %select_n3A_4067 : vector<8x1024xf32>
    %select_n3A_4076 = arith.select %gt3A_4075, %get3A_4074, %select_n3A_4067 : vector<8x1024xi1>, vector<8x1024xf32>
    %add3A_4077 = arith.constant 451 : i32
    %add3A_4078 = arith.addi %mul3A_16, %add3A_4077 : i32
    %broadcast_in_dim3A_4079 = vector.broadcast %add3A_4078 : i32 to vector<8x1024xi32>
    %select_n3A_4080 = arith.select %gt3A_4075, %broadcast_in_dim3A_4079, %select_n3A_4071 : vector<8x1024xi1>, vector<8x1024xi32>
    %get3A_4081 = arith.constant 3616 : index
    %get3A_4082 = arith.constant 0 : index
    %get3A_4083 = vector.load %arg5[%get3A_4081, %get3A_4082] : memref<4096x1024xf32, #tpu.memory_space<vmem>>, vector<8x1024xf32>
    %gt3A_4084 = arith.cmpf ogt, %get3A_4083, %select_n3A_4076 : vector<8x1024xf32>
    %select_n3A_4085 = arith.select %gt3A_4084, %get3A_4083, %select_n3A_4076 : vector<8x1024xi1>, vector<8x1024xf32>
    %add3A_4086 = arith.constant 452 : i32
    %add3A_4087 = arith.addi %mul3A_16, %add3A_4086 : i32
    %broadcast_in_dim3A_4088 = vector.broadcast %add3A_4087 : i32 to vector<8x1024xi32>
    %select_n3A_4089 = arith.select %gt3A_4084, %broadcast_in_dim3A_4088, %select_n3A_4080 : vector<8x1024xi1>, vector<8x1024xi32>
    %get3A_4090 = arith.constant 3624 : index
    %get3A_4091 = arith.constant 0 : index
    %get3A_4092 = vector.load %arg5[%get3A_4090, %get3A_4091] : memref<4096x1024xf32, #tpu.memory_space<vmem>>, vector<8x1024xf32>
    %gt3A_4093 = arith.cmpf ogt, %get3A_4092, %select_n3A_4085 : vector<8x1024xf32>
    %select_n3A_4094 = arith.select %gt3A_4093, %get3A_4092, %select_n3A_4085 : vector<8x1024xi1>, vector<8x1024xf32>
    %add3A_4095 = arith.constant 453 : i32
    %add3A_4096 = arith.addi %mul3A_16, %add3A_4095 : i32
    %broadcast_in_dim3A_4097 = vector.broadcast %add3A_4096 : i32 to vector<8x1024xi32>
    %select_n3A_4098 = arith.select %gt3A_4093, %broadcast_in_dim3A_4097, %select_n3A_4089 : vector<8x1024xi1>, vector<8x1024xi32>
    %get3A_4099 = arith.constant 3632 : index
    %get3A_4100 = arith.constant 0 : index
    %get3A_4101 = vector.load %arg5[%get3A_4099, %get3A_4100] : memref<4096x1024xf32, #tpu.memory_space<vmem>>, vector<8x1024xf32>
    %gt3A_4102 = arith.cmpf ogt, %get3A_4101, %select_n3A_4094 : vector<8x1024xf32>
    %select_n3A_4103 = arith.select %gt3A_4102, %get3A_4101, %select_n3A_4094 : vector<8x1024xi1>, vector<8x1024xf32>
    %add3A_4104 = arith.constant 454 : i32
    %add3A_4105 = arith.addi %mul3A_16, %add3A_4104 : i32
    %broadcast_in_dim3A_4106 = vector.broadcast %add3A_4105 : i32 to vector<8x1024xi32>
    %select_n3A_4107 = arith.select %gt3A_4102, %broadcast_in_dim3A_4106, %select_n3A_4098 : vector<8x1024xi1>, vector<8x1024xi32>
    %get3A_4108 = arith.constant 3640 : index
    %get3A_4109 = arith.constant 0 : index
    %get3A_4110 = vector.load %arg5[%get3A_4108, %get3A_4109] : memref<4096x1024xf32, #tpu.memory_space<vmem>>, vector<8x1024xf32>
    %gt3A_4111 = arith.cmpf ogt, %get3A_4110, %select_n3A_4103 : vector<8x1024xf32>
    %select_n3A_4112 = arith.select %gt3A_4111, %get3A_4110, %select_n3A_4103 : vector<8x1024xi1>, vector<8x1024xf32>
    %add3A_4113 = arith.constant 455 : i32
    %add3A_4114 = arith.addi %mul3A_16, %add3A_4113 : i32
    %broadcast_in_dim3A_4115 = vector.broadcast %add3A_4114 : i32 to vector<8x1024xi32>
    %select_n3A_4116 = arith.select %gt3A_4111, %broadcast_in_dim3A_4115, %select_n3A_4107 : vector<8x1024xi1>, vector<8x1024xi32>
    %get3A_4117 = arith.constant 3648 : index
    %get3A_4118 = arith.constant 0 : index
    %get3A_4119 = vector.load %arg5[%get3A_4117, %get3A_4118] : memref<4096x1024xf32, #tpu.memory_space<vmem>>, vector<8x1024xf32>
    %gt3A_4120 = arith.cmpf ogt, %get3A_4119, %select_n3A_4112 : vector<8x1024xf32>
    %select_n3A_4121 = arith.select %gt3A_4120, %get3A_4119, %select_n3A_4112 : vector<8x1024xi1>, vector<8x1024xf32>
    %add3A_4122 = arith.constant 456 : i32
    %add3A_4123 = arith.addi %mul3A_16, %add3A_4122 : i32
    %broadcast_in_dim3A_4124 = vector.broadcast %add3A_4123 : i32 to vector<8x1024xi32>
    %select_n3A_4125 = arith.select %gt3A_4120, %broadcast_in_dim3A_4124, %select_n3A_4116 : vector<8x1024xi1>, vector<8x1024xi32>
    %get3A_4126 = arith.constant 3656 : index
    %get3A_4127 = arith.constant 0 : index
    %get3A_4128 = vector.load %arg5[%get3A_4126, %get3A_4127] : memref<4096x1024xf32, #tpu.memory_space<vmem>>, vector<8x1024xf32>
    %gt3A_4129 = arith.cmpf ogt, %get3A_4128, %select_n3A_4121 : vector<8x1024xf32>
    %select_n3A_4130 = arith.select %gt3A_4129, %get3A_4128, %select_n3A_4121 : vector<8x1024xi1>, vector<8x1024xf32>
    %add3A_4131 = arith.constant 457 : i32
    %add3A_4132 = arith.addi %mul3A_16, %add3A_4131 : i32
    %broadcast_in_dim3A_4133 = vector.broadcast %add3A_4132 : i32 to vector<8x1024xi32>
    %select_n3A_4134 = arith.select %gt3A_4129, %broadcast_in_dim3A_4133, %select_n3A_4125 : vector<8x1024xi1>, vector<8x1024xi32>
    %get3A_4135 = arith.constant 3664 : index
    %get3A_4136 = arith.constant 0 : index
    %get3A_4137 = vector.load %arg5[%get3A_4135, %get3A_4136] : memref<4096x1024xf32, #tpu.memory_space<vmem>>, vector<8x1024xf32>
    %gt3A_4138 = arith.cmpf ogt, %get3A_4137, %select_n3A_4130 : vector<8x1024xf32>
    %select_n3A_4139 = arith.select %gt3A_4138, %get3A_4137, %select_n3A_4130 : vector<8x1024xi1>, vector<8x1024xf32>
    %add3A_4140 = arith.constant 458 : i32
    %add3A_4141 = arith.addi %mul3A_16, %add3A_4140 : i32
    %broadcast_in_dim3A_4142 = vector.broadcast %add3A_4141 : i32 to vector<8x1024xi32>
    %select_n3A_4143 = arith.select %gt3A_4138, %broadcast_in_dim3A_4142, %select_n3A_4134 : vector<8x1024xi1>, vector<8x1024xi32>
    %get3A_4144 = arith.constant 3672 : index
    %get3A_4145 = arith.constant 0 : index
    %get3A_4146 = vector.load %arg5[%get3A_4144, %get3A_4145] : memref<4096x1024xf32, #tpu.memory_space<vmem>>, vector<8x1024xf32>
    %gt3A_4147 = arith.cmpf ogt, %get3A_4146, %select_n3A_4139 : vector<8x1024xf32>
    %select_n3A_4148 = arith.select %gt3A_4147, %get3A_4146, %select_n3A_4139 : vector<8x1024xi1>, vector<8x1024xf32>
    %add3A_4149 = arith.constant 459 : i32
    %add3A_4150 = arith.addi %mul3A_16, %add3A_4149 : i32
    %broadcast_in_dim3A_4151 = vector.broadcast %add3A_4150 : i32 to vector<8x1024xi32>
    %select_n3A_4152 = arith.select %gt3A_4147, %broadcast_in_dim3A_4151, %select_n3A_4143 : vector<8x1024xi1>, vector<8x1024xi32>
    %get3A_4153 = arith.constant 3680 : index
    %get3A_4154 = arith.constant 0 : index
    %get3A_4155 = vector.load %arg5[%get3A_4153, %get3A_4154] : memref<4096x1024xf32, #tpu.memory_space<vmem>>, vector<8x1024xf32>
    %gt3A_4156 = arith.cmpf ogt, %get3A_4155, %select_n3A_4148 : vector<8x1024xf32>
    %select_n3A_4157 = arith.select %gt3A_4156, %get3A_4155, %select_n3A_4148 : vector<8x1024xi1>, vector<8x1024xf32>
    %add3A_4158 = arith.constant 460 : i32
    %add3A_4159 = arith.addi %mul3A_16, %add3A_4158 : i32
    %broadcast_in_dim3A_4160 = vector.broadcast %add3A_4159 : i32 to vector<8x1024xi32>
    %select_n3A_4161 = arith.select %gt3A_4156, %broadcast_in_dim3A_4160, %select_n3A_4152 : vector<8x1024xi1>, vector<8x1024xi32>
    %get3A_4162 = arith.constant 3688 : index
    %get3A_4163 = arith.constant 0 : index
    %get3A_4164 = vector.load %arg5[%get3A_4162, %get3A_4163] : memref<4096x1024xf32, #tpu.memory_space<vmem>>, vector<8x1024xf32>
    %gt3A_4165 = arith.cmpf ogt, %get3A_4164, %select_n3A_4157 : vector<8x1024xf32>
    %select_n3A_4166 = arith.select %gt3A_4165, %get3A_4164, %select_n3A_4157 : vector<8x1024xi1>, vector<8x1024xf32>
    %add3A_4167 = arith.constant 461 : i32
    %add3A_4168 = arith.addi %mul3A_16, %add3A_4167 : i32
    %broadcast_in_dim3A_4169 = vector.broadcast %add3A_4168 : i32 to vector<8x1024xi32>
    %select_n3A_4170 = arith.select %gt3A_4165, %broadcast_in_dim3A_4169, %select_n3A_4161 : vector<8x1024xi1>, vector<8x1024xi32>
    %get3A_4171 = arith.constant 3696 : index
    %get3A_4172 = arith.constant 0 : index
    %get3A_4173 = vector.load %arg5[%get3A_4171, %get3A_4172] : memref<4096x1024xf32, #tpu.memory_space<vmem>>, vector<8x1024xf32>
    %gt3A_4174 = arith.cmpf ogt, %get3A_4173, %select_n3A_4166 : vector<8x1024xf32>
    %select_n3A_4175 = arith.select %gt3A_4174, %get3A_4173, %select_n3A_4166 : vector<8x1024xi1>, vector<8x1024xf32>
    %add3A_4176 = arith.constant 462 : i32
    %add3A_4177 = arith.addi %mul3A_16, %add3A_4176 : i32
    %broadcast_in_dim3A_4178 = vector.broadcast %add3A_4177 : i32 to vector<8x1024xi32>
    %select_n3A_4179 = arith.select %gt3A_4174, %broadcast_in_dim3A_4178, %select_n3A_4170 : vector<8x1024xi1>, vector<8x1024xi32>
    %get3A_4180 = arith.constant 3704 : index
    %get3A_4181 = arith.constant 0 : index
    %get3A_4182 = vector.load %arg5[%get3A_4180, %get3A_4181] : memref<4096x1024xf32, #tpu.memory_space<vmem>>, vector<8x1024xf32>
    %gt3A_4183 = arith.cmpf ogt, %get3A_4182, %select_n3A_4175 : vector<8x1024xf32>
    %select_n3A_4184 = arith.select %gt3A_4183, %get3A_4182, %select_n3A_4175 : vector<8x1024xi1>, vector<8x1024xf32>
    %add3A_4185 = arith.constant 463 : i32
    %add3A_4186 = arith.addi %mul3A_16, %add3A_4185 : i32
    %broadcast_in_dim3A_4187 = vector.broadcast %add3A_4186 : i32 to vector<8x1024xi32>
    %select_n3A_4188 = arith.select %gt3A_4183, %broadcast_in_dim3A_4187, %select_n3A_4179 : vector<8x1024xi1>, vector<8x1024xi32>
    %get3A_4189 = arith.constant 3712 : index
    %get3A_4190 = arith.constant 0 : index
    %get3A_4191 = vector.load %arg5[%get3A_4189, %get3A_4190] : memref<4096x1024xf32, #tpu.memory_space<vmem>>, vector<8x1024xf32>
    %gt3A_4192 = arith.cmpf ogt, %get3A_4191, %select_n3A_4184 : vector<8x1024xf32>
    %select_n3A_4193 = arith.select %gt3A_4192, %get3A_4191, %select_n3A_4184 : vector<8x1024xi1>, vector<8x1024xf32>
    %add3A_4194 = arith.constant 464 : i32
    %add3A_4195 = arith.addi %mul3A_16, %add3A_4194 : i32
    %broadcast_in_dim3A_4196 = vector.broadcast %add3A_4195 : i32 to vector<8x1024xi32>
    %select_n3A_4197 = arith.select %gt3A_4192, %broadcast_in_dim3A_4196, %select_n3A_4188 : vector<8x1024xi1>, vector<8x1024xi32>
    %get3A_4198 = arith.constant 3720 : index
    %get3A_4199 = arith.constant 0 : index
    %get3A_4200 = vector.load %arg5[%get3A_4198, %get3A_4199] : memref<4096x1024xf32, #tpu.memory_space<vmem>>, vector<8x1024xf32>
    %gt3A_4201 = arith.cmpf ogt, %get3A_4200, %select_n3A_4193 : vector<8x1024xf32>
    %select_n3A_4202 = arith.select %gt3A_4201, %get3A_4200, %select_n3A_4193 : vector<8x1024xi1>, vector<8x1024xf32>
    %add3A_4203 = arith.constant 465 : i32
    %add3A_4204 = arith.addi %mul3A_16, %add3A_4203 : i32
    %broadcast_in_dim3A_4205 = vector.broadcast %add3A_4204 : i32 to vector<8x1024xi32>
    %select_n3A_4206 = arith.select %gt3A_4201, %broadcast_in_dim3A_4205, %select_n3A_4197 : vector<8x1024xi1>, vector<8x1024xi32>
    %get3A_4207 = arith.constant 3728 : index
    %get3A_4208 = arith.constant 0 : index
    %get3A_4209 = vector.load %arg5[%get3A_4207, %get3A_4208] : memref<4096x1024xf32, #tpu.memory_space<vmem>>, vector<8x1024xf32>
    %gt3A_4210 = arith.cmpf ogt, %get3A_4209, %select_n3A_4202 : vector<8x1024xf32>
    %select_n3A_4211 = arith.select %gt3A_4210, %get3A_4209, %select_n3A_4202 : vector<8x1024xi1>, vector<8x1024xf32>
    %add3A_4212 = arith.constant 466 : i32
    %add3A_4213 = arith.addi %mul3A_16, %add3A_4212 : i32
    %broadcast_in_dim3A_4214 = vector.broadcast %add3A_4213 : i32 to vector<8x1024xi32>
    %select_n3A_4215 = arith.select %gt3A_4210, %broadcast_in_dim3A_4214, %select_n3A_4206 : vector<8x1024xi1>, vector<8x1024xi32>
    %get3A_4216 = arith.constant 3736 : index
    %get3A_4217 = arith.constant 0 : index
    %get3A_4218 = vector.load %arg5[%get3A_4216, %get3A_4217] : memref<4096x1024xf32, #tpu.memory_space<vmem>>, vector<8x1024xf32>
    %gt3A_4219 = arith.cmpf ogt, %get3A_4218, %select_n3A_4211 : vector<8x1024xf32>
    %select_n3A_4220 = arith.select %gt3A_4219, %get3A_4218, %select_n3A_4211 : vector<8x1024xi1>, vector<8x1024xf32>
    %add3A_4221 = arith.constant 467 : i32
    %add3A_4222 = arith.addi %mul3A_16, %add3A_4221 : i32
    %broadcast_in_dim3A_4223 = vector.broadcast %add3A_4222 : i32 to vector<8x1024xi32>
    %select_n3A_4224 = arith.select %gt3A_4219, %broadcast_in_dim3A_4223, %select_n3A_4215 : vector<8x1024xi1>, vector<8x1024xi32>
    %get3A_4225 = arith.constant 3744 : index
    %get3A_4226 = arith.constant 0 : index
    %get3A_4227 = vector.load %arg5[%get3A_4225, %get3A_4226] : memref<4096x1024xf32, #tpu.memory_space<vmem>>, vector<8x1024xf32>
    %gt3A_4228 = arith.cmpf ogt, %get3A_4227, %select_n3A_4220 : vector<8x1024xf32>
    %select_n3A_4229 = arith.select %gt3A_4228, %get3A_4227, %select_n3A_4220 : vector<8x1024xi1>, vector<8x1024xf32>
    %add3A_4230 = arith.constant 468 : i32
    %add3A_4231 = arith.addi %mul3A_16, %add3A_4230 : i32
    %broadcast_in_dim3A_4232 = vector.broadcast %add3A_4231 : i32 to vector<8x1024xi32>
    %select_n3A_4233 = arith.select %gt3A_4228, %broadcast_in_dim3A_4232, %select_n3A_4224 : vector<8x1024xi1>, vector<8x1024xi32>
    %get3A_4234 = arith.constant 3752 : index
    %get3A_4235 = arith.constant 0 : index
    %get3A_4236 = vector.load %arg5[%get3A_4234, %get3A_4235] : memref<4096x1024xf32, #tpu.memory_space<vmem>>, vector<8x1024xf32>
    %gt3A_4237 = arith.cmpf ogt, %get3A_4236, %select_n3A_4229 : vector<8x1024xf32>
    %select_n3A_4238 = arith.select %gt3A_4237, %get3A_4236, %select_n3A_4229 : vector<8x1024xi1>, vector<8x1024xf32>
    %add3A_4239 = arith.constant 469 : i32
    %add3A_4240 = arith.addi %mul3A_16, %add3A_4239 : i32
    %broadcast_in_dim3A_4241 = vector.broadcast %add3A_4240 : i32 to vector<8x1024xi32>
    %select_n3A_4242 = arith.select %gt3A_4237, %broadcast_in_dim3A_4241, %select_n3A_4233 : vector<8x1024xi1>, vector<8x1024xi32>
    %get3A_4243 = arith.constant 3760 : index
    %get3A_4244 = arith.constant 0 : index
    %get3A_4245 = vector.load %arg5[%get3A_4243, %get3A_4244] : memref<4096x1024xf32, #tpu.memory_space<vmem>>, vector<8x1024xf32>
    %gt3A_4246 = arith.cmpf ogt, %get3A_4245, %select_n3A_4238 : vector<8x1024xf32>
    %select_n3A_4247 = arith.select %gt3A_4246, %get3A_4245, %select_n3A_4238 : vector<8x1024xi1>, vector<8x1024xf32>
    %add3A_4248 = arith.constant 470 : i32
    %add3A_4249 = arith.addi %mul3A_16, %add3A_4248 : i32
    %broadcast_in_dim3A_4250 = vector.broadcast %add3A_4249 : i32 to vector<8x1024xi32>
    %select_n3A_4251 = arith.select %gt3A_4246, %broadcast_in_dim3A_4250, %select_n3A_4242 : vector<8x1024xi1>, vector<8x1024xi32>
    %get3A_4252 = arith.constant 3768 : index
    %get3A_4253 = arith.constant 0 : index
    %get3A_4254 = vector.load %arg5[%get3A_4252, %get3A_4253] : memref<4096x1024xf32, #tpu.memory_space<vmem>>, vector<8x1024xf32>
    %gt3A_4255 = arith.cmpf ogt, %get3A_4254, %select_n3A_4247 : vector<8x1024xf32>
    %select_n3A_4256 = arith.select %gt3A_4255, %get3A_4254, %select_n3A_4247 : vector<8x1024xi1>, vector<8x1024xf32>
    %add3A_4257 = arith.constant 471 : i32
    %add3A_4258 = arith.addi %mul3A_16, %add3A_4257 : i32
    %broadcast_in_dim3A_4259 = vector.broadcast %add3A_4258 : i32 to vector<8x1024xi32>
    %select_n3A_4260 = arith.select %gt3A_4255, %broadcast_in_dim3A_4259, %select_n3A_4251 : vector<8x1024xi1>, vector<8x1024xi32>
    %get3A_4261 = arith.constant 3776 : index
    %get3A_4262 = arith.constant 0 : index
    %get3A_4263 = vector.load %arg5[%get3A_4261, %get3A_4262] : memref<4096x1024xf32, #tpu.memory_space<vmem>>, vector<8x1024xf32>
    %gt3A_4264 = arith.cmpf ogt, %get3A_4263, %select_n3A_4256 : vector<8x1024xf32>
    %select_n3A_4265 = arith.select %gt3A_4264, %get3A_4263, %select_n3A_4256 : vector<8x1024xi1>, vector<8x1024xf32>
    %add3A_4266 = arith.constant 472 : i32
    %add3A_4267 = arith.addi %mul3A_16, %add3A_4266 : i32
    %broadcast_in_dim3A_4268 = vector.broadcast %add3A_4267 : i32 to vector<8x1024xi32>
    %select_n3A_4269 = arith.select %gt3A_4264, %broadcast_in_dim3A_4268, %select_n3A_4260 : vector<8x1024xi1>, vector<8x1024xi32>
    %get3A_4270 = arith.constant 3784 : index
    %get3A_4271 = arith.constant 0 : index
    %get3A_4272 = vector.load %arg5[%get3A_4270, %get3A_4271] : memref<4096x1024xf32, #tpu.memory_space<vmem>>, vector<8x1024xf32>
    %gt3A_4273 = arith.cmpf ogt, %get3A_4272, %select_n3A_4265 : vector<8x1024xf32>
    %select_n3A_4274 = arith.select %gt3A_4273, %get3A_4272, %select_n3A_4265 : vector<8x1024xi1>, vector<8x1024xf32>
    %add3A_4275 = arith.constant 473 : i32
    %add3A_4276 = arith.addi %mul3A_16, %add3A_4275 : i32
    %broadcast_in_dim3A_4277 = vector.broadcast %add3A_4276 : i32 to vector<8x1024xi32>
    %select_n3A_4278 = arith.select %gt3A_4273, %broadcast_in_dim3A_4277, %select_n3A_4269 : vector<8x1024xi1>, vector<8x1024xi32>
    %get3A_4279 = arith.constant 3792 : index
    %get3A_4280 = arith.constant 0 : index
    %get3A_4281 = vector.load %arg5[%get3A_4279, %get3A_4280] : memref<4096x1024xf32, #tpu.memory_space<vmem>>, vector<8x1024xf32>
    %gt3A_4282 = arith.cmpf ogt, %get3A_4281, %select_n3A_4274 : vector<8x1024xf32>
    %select_n3A_4283 = arith.select %gt3A_4282, %get3A_4281, %select_n3A_4274 : vector<8x1024xi1>, vector<8x1024xf32>
    %add3A_4284 = arith.constant 474 : i32
    %add3A_4285 = arith.addi %mul3A_16, %add3A_4284 : i32
    %broadcast_in_dim3A_4286 = vector.broadcast %add3A_4285 : i32 to vector<8x1024xi32>
    %select_n3A_4287 = arith.select %gt3A_4282, %broadcast_in_dim3A_4286, %select_n3A_4278 : vector<8x1024xi1>, vector<8x1024xi32>
    %get3A_4288 = arith.constant 3800 : index
    %get3A_4289 = arith.constant 0 : index
    %get3A_4290 = vector.load %arg5[%get3A_4288, %get3A_4289] : memref<4096x1024xf32, #tpu.memory_space<vmem>>, vector<8x1024xf32>
    %gt3A_4291 = arith.cmpf ogt, %get3A_4290, %select_n3A_4283 : vector<8x1024xf32>
    %select_n3A_4292 = arith.select %gt3A_4291, %get3A_4290, %select_n3A_4283 : vector<8x1024xi1>, vector<8x1024xf32>
    %add3A_4293 = arith.constant 475 : i32
    %add3A_4294 = arith.addi %mul3A_16, %add3A_4293 : i32
    %broadcast_in_dim3A_4295 = vector.broadcast %add3A_4294 : i32 to vector<8x1024xi32>
    %select_n3A_4296 = arith.select %gt3A_4291, %broadcast_in_dim3A_4295, %select_n3A_4287 : vector<8x1024xi1>, vector<8x1024xi32>
    %get3A_4297 = arith.constant 3808 : index
    %get3A_4298 = arith.constant 0 : index
    %get3A_4299 = vector.load %arg5[%get3A_4297, %get3A_4298] : memref<4096x1024xf32, #tpu.memory_space<vmem>>, vector<8x1024xf32>
    %gt3A_4300 = arith.cmpf ogt, %get3A_4299, %select_n3A_4292 : vector<8x1024xf32>
    %select_n3A_4301 = arith.select %gt3A_4300, %get3A_4299, %select_n3A_4292 : vector<8x1024xi1>, vector<8x1024xf32>
    %add3A_4302 = arith.constant 476 : i32
    %add3A_4303 = arith.addi %mul3A_16, %add3A_4302 : i32
    %broadcast_in_dim3A_4304 = vector.broadcast %add3A_4303 : i32 to vector<8x1024xi32>
    %select_n3A_4305 = arith.select %gt3A_4300, %broadcast_in_dim3A_4304, %select_n3A_4296 : vector<8x1024xi1>, vector<8x1024xi32>
    %get3A_4306 = arith.constant 3816 : index
    %get3A_4307 = arith.constant 0 : index
    %get3A_4308 = vector.load %arg5[%get3A_4306, %get3A_4307] : memref<4096x1024xf32, #tpu.memory_space<vmem>>, vector<8x1024xf32>
    %gt3A_4309 = arith.cmpf ogt, %get3A_4308, %select_n3A_4301 : vector<8x1024xf32>
    %select_n3A_4310 = arith.select %gt3A_4309, %get3A_4308, %select_n3A_4301 : vector<8x1024xi1>, vector<8x1024xf32>
    %add3A_4311 = arith.constant 477 : i32
    %add3A_4312 = arith.addi %mul3A_16, %add3A_4311 : i32
    %broadcast_in_dim3A_4313 = vector.broadcast %add3A_4312 : i32 to vector<8x1024xi32>
    %select_n3A_4314 = arith.select %gt3A_4309, %broadcast_in_dim3A_4313, %select_n3A_4305 : vector<8x1024xi1>, vector<8x1024xi32>
    %get3A_4315 = arith.constant 3824 : index
    %get3A_4316 = arith.constant 0 : index
    %get3A_4317 = vector.load %arg5[%get3A_4315, %get3A_4316] : memref<4096x1024xf32, #tpu.memory_space<vmem>>, vector<8x1024xf32>
    %gt3A_4318 = arith.cmpf ogt, %get3A_4317, %select_n3A_4310 : vector<8x1024xf32>
    %select_n3A_4319 = arith.select %gt3A_4318, %get3A_4317, %select_n3A_4310 : vector<8x1024xi1>, vector<8x1024xf32>
    %add3A_4320 = arith.constant 478 : i32
    %add3A_4321 = arith.addi %mul3A_16, %add3A_4320 : i32
    %broadcast_in_dim3A_4322 = vector.broadcast %add3A_4321 : i32 to vector<8x1024xi32>
    %select_n3A_4323 = arith.select %gt3A_4318, %broadcast_in_dim3A_4322, %select_n3A_4314 : vector<8x1024xi1>, vector<8x1024xi32>
    %get3A_4324 = arith.constant 3832 : index
    %get3A_4325 = arith.constant 0 : index
    %get3A_4326 = vector.load %arg5[%get3A_4324, %get3A_4325] : memref<4096x1024xf32, #tpu.memory_space<vmem>>, vector<8x1024xf32>
    %gt3A_4327 = arith.cmpf ogt, %get3A_4326, %select_n3A_4319 : vector<8x1024xf32>
    %select_n3A_4328 = arith.select %gt3A_4327, %get3A_4326, %select_n3A_4319 : vector<8x1024xi1>, vector<8x1024xf32>
    %add3A_4329 = arith.constant 479 : i32
    %add3A_4330 = arith.addi %mul3A_16, %add3A_4329 : i32
    %broadcast_in_dim3A_4331 = vector.broadcast %add3A_4330 : i32 to vector<8x1024xi32>
    %select_n3A_4332 = arith.select %gt3A_4327, %broadcast_in_dim3A_4331, %select_n3A_4323 : vector<8x1024xi1>, vector<8x1024xi32>
    %get3A_4333 = arith.constant 3840 : index
    %get3A_4334 = arith.constant 0 : index
    %get3A_4335 = vector.load %arg5[%get3A_4333, %get3A_4334] : memref<4096x1024xf32, #tpu.memory_space<vmem>>, vector<8x1024xf32>
    %gt3A_4336 = arith.cmpf ogt, %get3A_4335, %select_n3A_4328 : vector<8x1024xf32>
    %select_n3A_4337 = arith.select %gt3A_4336, %get3A_4335, %select_n3A_4328 : vector<8x1024xi1>, vector<8x1024xf32>
    %add3A_4338 = arith.constant 480 : i32
    %add3A_4339 = arith.addi %mul3A_16, %add3A_4338 : i32
    %broadcast_in_dim3A_4340 = vector.broadcast %add3A_4339 : i32 to vector<8x1024xi32>
    %select_n3A_4341 = arith.select %gt3A_4336, %broadcast_in_dim3A_4340, %select_n3A_4332 : vector<8x1024xi1>, vector<8x1024xi32>
    %get3A_4342 = arith.constant 3848 : index
    %get3A_4343 = arith.constant 0 : index
    %get3A_4344 = vector.load %arg5[%get3A_4342, %get3A_4343] : memref<4096x1024xf32, #tpu.memory_space<vmem>>, vector<8x1024xf32>
    %gt3A_4345 = arith.cmpf ogt, %get3A_4344, %select_n3A_4337 : vector<8x1024xf32>
    %select_n3A_4346 = arith.select %gt3A_4345, %get3A_4344, %select_n3A_4337 : vector<8x1024xi1>, vector<8x1024xf32>
    %add3A_4347 = arith.constant 481 : i32
    %add3A_4348 = arith.addi %mul3A_16, %add3A_4347 : i32
    %broadcast_in_dim3A_4349 = vector.broadcast %add3A_4348 : i32 to vector<8x1024xi32>
    %select_n3A_4350 = arith.select %gt3A_4345, %broadcast_in_dim3A_4349, %select_n3A_4341 : vector<8x1024xi1>, vector<8x1024xi32>
    %get3A_4351 = arith.constant 3856 : index
    %get3A_4352 = arith.constant 0 : index
    %get3A_4353 = vector.load %arg5[%get3A_4351, %get3A_4352] : memref<4096x1024xf32, #tpu.memory_space<vmem>>, vector<8x1024xf32>
    %gt3A_4354 = arith.cmpf ogt, %get3A_4353, %select_n3A_4346 : vector<8x1024xf32>
    %select_n3A_4355 = arith.select %gt3A_4354, %get3A_4353, %select_n3A_4346 : vector<8x1024xi1>, vector<8x1024xf32>
    %add3A_4356 = arith.constant 482 : i32
    %add3A_4357 = arith.addi %mul3A_16, %add3A_4356 : i32
    %broadcast_in_dim3A_4358 = vector.broadcast %add3A_4357 : i32 to vector<8x1024xi32>
    %select_n3A_4359 = arith.select %gt3A_4354, %broadcast_in_dim3A_4358, %select_n3A_4350 : vector<8x1024xi1>, vector<8x1024xi32>
    %get3A_4360 = arith.constant 3864 : index
    %get3A_4361 = arith.constant 0 : index
    %get3A_4362 = vector.load %arg5[%get3A_4360, %get3A_4361] : memref<4096x1024xf32, #tpu.memory_space<vmem>>, vector<8x1024xf32>
    %gt3A_4363 = arith.cmpf ogt, %get3A_4362, %select_n3A_4355 : vector<8x1024xf32>
    %select_n3A_4364 = arith.select %gt3A_4363, %get3A_4362, %select_n3A_4355 : vector<8x1024xi1>, vector<8x1024xf32>
    %add3A_4365 = arith.constant 483 : i32
    %add3A_4366 = arith.addi %mul3A_16, %add3A_4365 : i32
    %broadcast_in_dim3A_4367 = vector.broadcast %add3A_4366 : i32 to vector<8x1024xi32>
    %select_n3A_4368 = arith.select %gt3A_4363, %broadcast_in_dim3A_4367, %select_n3A_4359 : vector<8x1024xi1>, vector<8x1024xi32>
    %get3A_4369 = arith.constant 3872 : index
    %get3A_4370 = arith.constant 0 : index
    %get3A_4371 = vector.load %arg5[%get3A_4369, %get3A_4370] : memref<4096x1024xf32, #tpu.memory_space<vmem>>, vector<8x1024xf32>
    %gt3A_4372 = arith.cmpf ogt, %get3A_4371, %select_n3A_4364 : vector<8x1024xf32>
    %select_n3A_4373 = arith.select %gt3A_4372, %get3A_4371, %select_n3A_4364 : vector<8x1024xi1>, vector<8x1024xf32>
    %add3A_4374 = arith.constant 484 : i32
    %add3A_4375 = arith.addi %mul3A_16, %add3A_4374 : i32
    %broadcast_in_dim3A_4376 = vector.broadcast %add3A_4375 : i32 to vector<8x1024xi32>
    %select_n3A_4377 = arith.select %gt3A_4372, %broadcast_in_dim3A_4376, %select_n3A_4368 : vector<8x1024xi1>, vector<8x1024xi32>
    %get3A_4378 = arith.constant 3880 : index
    %get3A_4379 = arith.constant 0 : index
    %get3A_4380 = vector.load %arg5[%get3A_4378, %get3A_4379] : memref<4096x1024xf32, #tpu.memory_space<vmem>>, vector<8x1024xf32>
    %gt3A_4381 = arith.cmpf ogt, %get3A_4380, %select_n3A_4373 : vector<8x1024xf32>
    %select_n3A_4382 = arith.select %gt3A_4381, %get3A_4380, %select_n3A_4373 : vector<8x1024xi1>, vector<8x1024xf32>
    %add3A_4383 = arith.constant 485 : i32
    %add3A_4384 = arith.addi %mul3A_16, %add3A_4383 : i32
    %broadcast_in_dim3A_4385 = vector.broadcast %add3A_4384 : i32 to vector<8x1024xi32>
    %select_n3A_4386 = arith.select %gt3A_4381, %broadcast_in_dim3A_4385, %select_n3A_4377 : vector<8x1024xi1>, vector<8x1024xi32>
    %get3A_4387 = arith.constant 3888 : index
    %get3A_4388 = arith.constant 0 : index
    %get3A_4389 = vector.load %arg5[%get3A_4387, %get3A_4388] : memref<4096x1024xf32, #tpu.memory_space<vmem>>, vector<8x1024xf32>
    %gt3A_4390 = arith.cmpf ogt, %get3A_4389, %select_n3A_4382 : vector<8x1024xf32>
    %select_n3A_4391 = arith.select %gt3A_4390, %get3A_4389, %select_n3A_4382 : vector<8x1024xi1>, vector<8x1024xf32>
    %add3A_4392 = arith.constant 486 : i32
    %add3A_4393 = arith.addi %mul3A_16, %add3A_4392 : i32
    %broadcast_in_dim3A_4394 = vector.broadcast %add3A_4393 : i32 to vector<8x1024xi32>
    %select_n3A_4395 = arith.select %gt3A_4390, %broadcast_in_dim3A_4394, %select_n3A_4386 : vector<8x1024xi1>, vector<8x1024xi32>
    %get3A_4396 = arith.constant 3896 : index
    %get3A_4397 = arith.constant 0 : index
    %get3A_4398 = vector.load %arg5[%get3A_4396, %get3A_4397] : memref<4096x1024xf32, #tpu.memory_space<vmem>>, vector<8x1024xf32>
    %gt3A_4399 = arith.cmpf ogt, %get3A_4398, %select_n3A_4391 : vector<8x1024xf32>
    %select_n3A_4400 = arith.select %gt3A_4399, %get3A_4398, %select_n3A_4391 : vector<8x1024xi1>, vector<8x1024xf32>
    %add3A_4401 = arith.constant 487 : i32
    %add3A_4402 = arith.addi %mul3A_16, %add3A_4401 : i32
    %broadcast_in_dim3A_4403 = vector.broadcast %add3A_4402 : i32 to vector<8x1024xi32>
    %select_n3A_4404 = arith.select %gt3A_4399, %broadcast_in_dim3A_4403, %select_n3A_4395 : vector<8x1024xi1>, vector<8x1024xi32>
    %get3A_4405 = arith.constant 3904 : index
    %get3A_4406 = arith.constant 0 : index
    %get3A_4407 = vector.load %arg5[%get3A_4405, %get3A_4406] : memref<4096x1024xf32, #tpu.memory_space<vmem>>, vector<8x1024xf32>
    %gt3A_4408 = arith.cmpf ogt, %get3A_4407, %select_n3A_4400 : vector<8x1024xf32>
    %select_n3A_4409 = arith.select %gt3A_4408, %get3A_4407, %select_n3A_4400 : vector<8x1024xi1>, vector<8x1024xf32>
    %add3A_4410 = arith.constant 488 : i32
    %add3A_4411 = arith.addi %mul3A_16, %add3A_4410 : i32
    %broadcast_in_dim3A_4412 = vector.broadcast %add3A_4411 : i32 to vector<8x1024xi32>
    %select_n3A_4413 = arith.select %gt3A_4408, %broadcast_in_dim3A_4412, %select_n3A_4404 : vector<8x1024xi1>, vector<8x1024xi32>
    %get3A_4414 = arith.constant 3912 : index
    %get3A_4415 = arith.constant 0 : index
    %get3A_4416 = vector.load %arg5[%get3A_4414, %get3A_4415] : memref<4096x1024xf32, #tpu.memory_space<vmem>>, vector<8x1024xf32>
    %gt3A_4417 = arith.cmpf ogt, %get3A_4416, %select_n3A_4409 : vector<8x1024xf32>
    %select_n3A_4418 = arith.select %gt3A_4417, %get3A_4416, %select_n3A_4409 : vector<8x1024xi1>, vector<8x1024xf32>
    %add3A_4419 = arith.constant 489 : i32
    %add3A_4420 = arith.addi %mul3A_16, %add3A_4419 : i32
    %broadcast_in_dim3A_4421 = vector.broadcast %add3A_4420 : i32 to vector<8x1024xi32>
    %select_n3A_4422 = arith.select %gt3A_4417, %broadcast_in_dim3A_4421, %select_n3A_4413 : vector<8x1024xi1>, vector<8x1024xi32>
    %get3A_4423 = arith.constant 3920 : index
    %get3A_4424 = arith.constant 0 : index
    %get3A_4425 = vector.load %arg5[%get3A_4423, %get3A_4424] : memref<4096x1024xf32, #tpu.memory_space<vmem>>, vector<8x1024xf32>
    %gt3A_4426 = arith.cmpf ogt, %get3A_4425, %select_n3A_4418 : vector<8x1024xf32>
    %select_n3A_4427 = arith.select %gt3A_4426, %get3A_4425, %select_n3A_4418 : vector<8x1024xi1>, vector<8x1024xf32>
    %add3A_4428 = arith.constant 490 : i32
    %add3A_4429 = arith.addi %mul3A_16, %add3A_4428 : i32
    %broadcast_in_dim3A_4430 = vector.broadcast %add3A_4429 : i32 to vector<8x1024xi32>
    %select_n3A_4431 = arith.select %gt3A_4426, %broadcast_in_dim3A_4430, %select_n3A_4422 : vector<8x1024xi1>, vector<8x1024xi32>
    %get3A_4432 = arith.constant 3928 : index
    %get3A_4433 = arith.constant 0 : index
    %get3A_4434 = vector.load %arg5[%get3A_4432, %get3A_4433] : memref<4096x1024xf32, #tpu.memory_space<vmem>>, vector<8x1024xf32>
    %gt3A_4435 = arith.cmpf ogt, %get3A_4434, %select_n3A_4427 : vector<8x1024xf32>
    %select_n3A_4436 = arith.select %gt3A_4435, %get3A_4434, %select_n3A_4427 : vector<8x1024xi1>, vector<8x1024xf32>
    %add3A_4437 = arith.constant 491 : i32
    %add3A_4438 = arith.addi %mul3A_16, %add3A_4437 : i32
    %broadcast_in_dim3A_4439 = vector.broadcast %add3A_4438 : i32 to vector<8x1024xi32>
    %select_n3A_4440 = arith.select %gt3A_4435, %broadcast_in_dim3A_4439, %select_n3A_4431 : vector<8x1024xi1>, vector<8x1024xi32>
    %get3A_4441 = arith.constant 3936 : index
    %get3A_4442 = arith.constant 0 : index
    %get3A_4443 = vector.load %arg5[%get3A_4441, %get3A_4442] : memref<4096x1024xf32, #tpu.memory_space<vmem>>, vector<8x1024xf32>
    %gt3A_4444 = arith.cmpf ogt, %get3A_4443, %select_n3A_4436 : vector<8x1024xf32>
    %select_n3A_4445 = arith.select %gt3A_4444, %get3A_4443, %select_n3A_4436 : vector<8x1024xi1>, vector<8x1024xf32>
    %add3A_4446 = arith.constant 492 : i32
    %add3A_4447 = arith.addi %mul3A_16, %add3A_4446 : i32
    %broadcast_in_dim3A_4448 = vector.broadcast %add3A_4447 : i32 to vector<8x1024xi32>
    %select_n3A_4449 = arith.select %gt3A_4444, %broadcast_in_dim3A_4448, %select_n3A_4440 : vector<8x1024xi1>, vector<8x1024xi32>
    %get3A_4450 = arith.constant 3944 : index
    %get3A_4451 = arith.constant 0 : index
    %get3A_4452 = vector.load %arg5[%get3A_4450, %get3A_4451] : memref<4096x1024xf32, #tpu.memory_space<vmem>>, vector<8x1024xf32>
    %gt3A_4453 = arith.cmpf ogt, %get3A_4452, %select_n3A_4445 : vector<8x1024xf32>
    %select_n3A_4454 = arith.select %gt3A_4453, %get3A_4452, %select_n3A_4445 : vector<8x1024xi1>, vector<8x1024xf32>
    %add3A_4455 = arith.constant 493 : i32
    %add3A_4456 = arith.addi %mul3A_16, %add3A_4455 : i32
    %broadcast_in_dim3A_4457 = vector.broadcast %add3A_4456 : i32 to vector<8x1024xi32>
    %select_n3A_4458 = arith.select %gt3A_4453, %broadcast_in_dim3A_4457, %select_n3A_4449 : vector<8x1024xi1>, vector<8x1024xi32>
    %get3A_4459 = arith.constant 3952 : index
    %get3A_4460 = arith.constant 0 : index
    %get3A_4461 = vector.load %arg5[%get3A_4459, %get3A_4460] : memref<4096x1024xf32, #tpu.memory_space<vmem>>, vector<8x1024xf32>
    %gt3A_4462 = arith.cmpf ogt, %get3A_4461, %select_n3A_4454 : vector<8x1024xf32>
    %select_n3A_4463 = arith.select %gt3A_4462, %get3A_4461, %select_n3A_4454 : vector<8x1024xi1>, vector<8x1024xf32>
    %add3A_4464 = arith.constant 494 : i32
    %add3A_4465 = arith.addi %mul3A_16, %add3A_4464 : i32
    %broadcast_in_dim3A_4466 = vector.broadcast %add3A_4465 : i32 to vector<8x1024xi32>
    %select_n3A_4467 = arith.select %gt3A_4462, %broadcast_in_dim3A_4466, %select_n3A_4458 : vector<8x1024xi1>, vector<8x1024xi32>
    %get3A_4468 = arith.constant 3960 : index
    %get3A_4469 = arith.constant 0 : index
    %get3A_4470 = vector.load %arg5[%get3A_4468, %get3A_4469] : memref<4096x1024xf32, #tpu.memory_space<vmem>>, vector<8x1024xf32>
    %gt3A_4471 = arith.cmpf ogt, %get3A_4470, %select_n3A_4463 : vector<8x1024xf32>
    %select_n3A_4472 = arith.select %gt3A_4471, %get3A_4470, %select_n3A_4463 : vector<8x1024xi1>, vector<8x1024xf32>
    %add3A_4473 = arith.constant 495 : i32
    %add3A_4474 = arith.addi %mul3A_16, %add3A_4473 : i32
    %broadcast_in_dim3A_4475 = vector.broadcast %add3A_4474 : i32 to vector<8x1024xi32>
    %select_n3A_4476 = arith.select %gt3A_4471, %broadcast_in_dim3A_4475, %select_n3A_4467 : vector<8x1024xi1>, vector<8x1024xi32>
    %get3A_4477 = arith.constant 3968 : index
    %get3A_4478 = arith.constant 0 : index
    %get3A_4479 = vector.load %arg5[%get3A_4477, %get3A_4478] : memref<4096x1024xf32, #tpu.memory_space<vmem>>, vector<8x1024xf32>
    %gt3A_4480 = arith.cmpf ogt, %get3A_4479, %select_n3A_4472 : vector<8x1024xf32>
    %select_n3A_4481 = arith.select %gt3A_4480, %get3A_4479, %select_n3A_4472 : vector<8x1024xi1>, vector<8x1024xf32>
    %add3A_4482 = arith.constant 496 : i32
    %add3A_4483 = arith.addi %mul3A_16, %add3A_4482 : i32
    %broadcast_in_dim3A_4484 = vector.broadcast %add3A_4483 : i32 to vector<8x1024xi32>
    %select_n3A_4485 = arith.select %gt3A_4480, %broadcast_in_dim3A_4484, %select_n3A_4476 : vector<8x1024xi1>, vector<8x1024xi32>
    %get3A_4486 = arith.constant 3976 : index
    %get3A_4487 = arith.constant 0 : index
    %get3A_4488 = vector.load %arg5[%get3A_4486, %get3A_4487] : memref<4096x1024xf32, #tpu.memory_space<vmem>>, vector<8x1024xf32>
    %gt3A_4489 = arith.cmpf ogt, %get3A_4488, %select_n3A_4481 : vector<8x1024xf32>
    %select_n3A_4490 = arith.select %gt3A_4489, %get3A_4488, %select_n3A_4481 : vector<8x1024xi1>, vector<8x1024xf32>
    %add3A_4491 = arith.constant 497 : i32
    %add3A_4492 = arith.addi %mul3A_16, %add3A_4491 : i32
    %broadcast_in_dim3A_4493 = vector.broadcast %add3A_4492 : i32 to vector<8x1024xi32>
    %select_n3A_4494 = arith.select %gt3A_4489, %broadcast_in_dim3A_4493, %select_n3A_4485 : vector<8x1024xi1>, vector<8x1024xi32>
    %get3A_4495 = arith.constant 3984 : index
    %get3A_4496 = arith.constant 0 : index
    %get3A_4497 = vector.load %arg5[%get3A_4495, %get3A_4496] : memref<4096x1024xf32, #tpu.memory_space<vmem>>, vector<8x1024xf32>
    %gt3A_4498 = arith.cmpf ogt, %get3A_4497, %select_n3A_4490 : vector<8x1024xf32>
    %select_n3A_4499 = arith.select %gt3A_4498, %get3A_4497, %select_n3A_4490 : vector<8x1024xi1>, vector<8x1024xf32>
    %add3A_4500 = arith.constant 498 : i32
    %add3A_4501 = arith.addi %mul3A_16, %add3A_4500 : i32
    %broadcast_in_dim3A_4502 = vector.broadcast %add3A_4501 : i32 to vector<8x1024xi32>
    %select_n3A_4503 = arith.select %gt3A_4498, %broadcast_in_dim3A_4502, %select_n3A_4494 : vector<8x1024xi1>, vector<8x1024xi32>
    %get3A_4504 = arith.constant 3992 : index
    %get3A_4505 = arith.constant 0 : index
    %get3A_4506 = vector.load %arg5[%get3A_4504, %get3A_4505] : memref<4096x1024xf32, #tpu.memory_space<vmem>>, vector<8x1024xf32>
    %gt3A_4507 = arith.cmpf ogt, %get3A_4506, %select_n3A_4499 : vector<8x1024xf32>
    %select_n3A_4508 = arith.select %gt3A_4507, %get3A_4506, %select_n3A_4499 : vector<8x1024xi1>, vector<8x1024xf32>
    %add3A_4509 = arith.constant 499 : i32
    %add3A_4510 = arith.addi %mul3A_16, %add3A_4509 : i32
    %broadcast_in_dim3A_4511 = vector.broadcast %add3A_4510 : i32 to vector<8x1024xi32>
    %select_n3A_4512 = arith.select %gt3A_4507, %broadcast_in_dim3A_4511, %select_n3A_4503 : vector<8x1024xi1>, vector<8x1024xi32>
    %get3A_4513 = arith.constant 4000 : index
    %get3A_4514 = arith.constant 0 : index
    %get3A_4515 = vector.load %arg5[%get3A_4513, %get3A_4514] : memref<4096x1024xf32, #tpu.memory_space<vmem>>, vector<8x1024xf32>
    %gt3A_4516 = arith.cmpf ogt, %get3A_4515, %select_n3A_4508 : vector<8x1024xf32>
    %select_n3A_4517 = arith.select %gt3A_4516, %get3A_4515, %select_n3A_4508 : vector<8x1024xi1>, vector<8x1024xf32>
    %add3A_4518 = arith.constant 500 : i32
    %add3A_4519 = arith.addi %mul3A_16, %add3A_4518 : i32
    %broadcast_in_dim3A_4520 = vector.broadcast %add3A_4519 : i32 to vector<8x1024xi32>
    %select_n3A_4521 = arith.select %gt3A_4516, %broadcast_in_dim3A_4520, %select_n3A_4512 : vector<8x1024xi1>, vector<8x1024xi32>
    %get3A_4522 = arith.constant 4008 : index
    %get3A_4523 = arith.constant 0 : index
    %get3A_4524 = vector.load %arg5[%get3A_4522, %get3A_4523] : memref<4096x1024xf32, #tpu.memory_space<vmem>>, vector<8x1024xf32>
    %gt3A_4525 = arith.cmpf ogt, %get3A_4524, %select_n3A_4517 : vector<8x1024xf32>
    %select_n3A_4526 = arith.select %gt3A_4525, %get3A_4524, %select_n3A_4517 : vector<8x1024xi1>, vector<8x1024xf32>
    %add3A_4527 = arith.constant 501 : i32
    %add3A_4528 = arith.addi %mul3A_16, %add3A_4527 : i32
    %broadcast_in_dim3A_4529 = vector.broadcast %add3A_4528 : i32 to vector<8x1024xi32>
    %select_n3A_4530 = arith.select %gt3A_4525, %broadcast_in_dim3A_4529, %select_n3A_4521 : vector<8x1024xi1>, vector<8x1024xi32>
    %get3A_4531 = arith.constant 4016 : index
    %get3A_4532 = arith.constant 0 : index
    %get3A_4533 = vector.load %arg5[%get3A_4531, %get3A_4532] : memref<4096x1024xf32, #tpu.memory_space<vmem>>, vector<8x1024xf32>
    %gt3A_4534 = arith.cmpf ogt, %get3A_4533, %select_n3A_4526 : vector<8x1024xf32>
    %select_n3A_4535 = arith.select %gt3A_4534, %get3A_4533, %select_n3A_4526 : vector<8x1024xi1>, vector<8x1024xf32>
    %add3A_4536 = arith.constant 502 : i32
    %add3A_4537 = arith.addi %mul3A_16, %add3A_4536 : i32
    %broadcast_in_dim3A_4538 = vector.broadcast %add3A_4537 : i32 to vector<8x1024xi32>
    %select_n3A_4539 = arith.select %gt3A_4534, %broadcast_in_dim3A_4538, %select_n3A_4530 : vector<8x1024xi1>, vector<8x1024xi32>
    %get3A_4540 = arith.constant 4024 : index
    %get3A_4541 = arith.constant 0 : index
    %get3A_4542 = vector.load %arg5[%get3A_4540, %get3A_4541] : memref<4096x1024xf32, #tpu.memory_space<vmem>>, vector<8x1024xf32>
    %gt3A_4543 = arith.cmpf ogt, %get3A_4542, %select_n3A_4535 : vector<8x1024xf32>
    %select_n3A_4544 = arith.select %gt3A_4543, %get3A_4542, %select_n3A_4535 : vector<8x1024xi1>, vector<8x1024xf32>
    %add3A_4545 = arith.constant 503 : i32
    %add3A_4546 = arith.addi %mul3A_16, %add3A_4545 : i32
    %broadcast_in_dim3A_4547 = vector.broadcast %add3A_4546 : i32 to vector<8x1024xi32>
    %select_n3A_4548 = arith.select %gt3A_4543, %broadcast_in_dim3A_4547, %select_n3A_4539 : vector<8x1024xi1>, vector<8x1024xi32>
    %get3A_4549 = arith.constant 4032 : index
    %get3A_4550 = arith.constant 0 : index
    %get3A_4551 = vector.load %arg5[%get3A_4549, %get3A_4550] : memref<4096x1024xf32, #tpu.memory_space<vmem>>, vector<8x1024xf32>
    %gt3A_4552 = arith.cmpf ogt, %get3A_4551, %select_n3A_4544 : vector<8x1024xf32>
    %select_n3A_4553 = arith.select %gt3A_4552, %get3A_4551, %select_n3A_4544 : vector<8x1024xi1>, vector<8x1024xf32>
    %add3A_4554 = arith.constant 504 : i32
    %add3A_4555 = arith.addi %mul3A_16, %add3A_4554 : i32
    %broadcast_in_dim3A_4556 = vector.broadcast %add3A_4555 : i32 to vector<8x1024xi32>
    %select_n3A_4557 = arith.select %gt3A_4552, %broadcast_in_dim3A_4556, %select_n3A_4548 : vector<8x1024xi1>, vector<8x1024xi32>
    %get3A_4558 = arith.constant 4040 : index
    %get3A_4559 = arith.constant 0 : index
    %get3A_4560 = vector.load %arg5[%get3A_4558, %get3A_4559] : memref<4096x1024xf32, #tpu.memory_space<vmem>>, vector<8x1024xf32>
    %gt3A_4561 = arith.cmpf ogt, %get3A_4560, %select_n3A_4553 : vector<8x1024xf32>
    %select_n3A_4562 = arith.select %gt3A_4561, %get3A_4560, %select_n3A_4553 : vector<8x1024xi1>, vector<8x1024xf32>
    %add3A_4563 = arith.constant 505 : i32
    %add3A_4564 = arith.addi %mul3A_16, %add3A_4563 : i32
    %broadcast_in_dim3A_4565 = vector.broadcast %add3A_4564 : i32 to vector<8x1024xi32>
    %select_n3A_4566 = arith.select %gt3A_4561, %broadcast_in_dim3A_4565, %select_n3A_4557 : vector<8x1024xi1>, vector<8x1024xi32>
    %get3A_4567 = arith.constant 4048 : index
    %get3A_4568 = arith.constant 0 : index
    %get3A_4569 = vector.load %arg5[%get3A_4567, %get3A_4568] : memref<4096x1024xf32, #tpu.memory_space<vmem>>, vector<8x1024xf32>
    %gt3A_4570 = arith.cmpf ogt, %get3A_4569, %select_n3A_4562 : vector<8x1024xf32>
    %select_n3A_4571 = arith.select %gt3A_4570, %get3A_4569, %select_n3A_4562 : vector<8x1024xi1>, vector<8x1024xf32>
    %add3A_4572 = arith.constant 506 : i32
    %add3A_4573 = arith.addi %mul3A_16, %add3A_4572 : i32
    %broadcast_in_dim3A_4574 = vector.broadcast %add3A_4573 : i32 to vector<8x1024xi32>
    %select_n3A_4575 = arith.select %gt3A_4570, %broadcast_in_dim3A_4574, %select_n3A_4566 : vector<8x1024xi1>, vector<8x1024xi32>
    %get3A_4576 = arith.constant 4056 : index
    %get3A_4577 = arith.constant 0 : index
    %get3A_4578 = vector.load %arg5[%get3A_4576, %get3A_4577] : memref<4096x1024xf32, #tpu.memory_space<vmem>>, vector<8x1024xf32>
    %gt3A_4579 = arith.cmpf ogt, %get3A_4578, %select_n3A_4571 : vector<8x1024xf32>
    %select_n3A_4580 = arith.select %gt3A_4579, %get3A_4578, %select_n3A_4571 : vector<8x1024xi1>, vector<8x1024xf32>
    %add3A_4581 = arith.constant 507 : i32
    %add3A_4582 = arith.addi %mul3A_16, %add3A_4581 : i32
    %broadcast_in_dim3A_4583 = vector.broadcast %add3A_4582 : i32 to vector<8x1024xi32>
    %select_n3A_4584 = arith.select %gt3A_4579, %broadcast_in_dim3A_4583, %select_n3A_4575 : vector<8x1024xi1>, vector<8x1024xi32>
    %get3A_4585 = arith.constant 4064 : index
    %get3A_4586 = arith.constant 0 : index
    %get3A_4587 = vector.load %arg5[%get3A_4585, %get3A_4586] : memref<4096x1024xf32, #tpu.memory_space<vmem>>, vector<8x1024xf32>
    %gt3A_4588 = arith.cmpf ogt, %get3A_4587, %select_n3A_4580 : vector<8x1024xf32>
    %select_n3A_4589 = arith.select %gt3A_4588, %get3A_4587, %select_n3A_4580 : vector<8x1024xi1>, vector<8x1024xf32>
    %add3A_4590 = arith.constant 508 : i32
    %add3A_4591 = arith.addi %mul3A_16, %add3A_4590 : i32
    %broadcast_in_dim3A_4592 = vector.broadcast %add3A_4591 : i32 to vector<8x1024xi32>
    %select_n3A_4593 = arith.select %gt3A_4588, %broadcast_in_dim3A_4592, %select_n3A_4584 : vector<8x1024xi1>, vector<8x1024xi32>
    %get3A_4594 = arith.constant 4072 : index
    %get3A_4595 = arith.constant 0 : index
    %get3A_4596 = vector.load %arg5[%get3A_4594, %get3A_4595] : memref<4096x1024xf32, #tpu.memory_space<vmem>>, vector<8x1024xf32>
    %gt3A_4597 = arith.cmpf ogt, %get3A_4596, %select_n3A_4589 : vector<8x1024xf32>
    %select_n3A_4598 = arith.select %gt3A_4597, %get3A_4596, %select_n3A_4589 : vector<8x1024xi1>, vector<8x1024xf32>
    %add3A_4599 = arith.constant 509 : i32
    %add3A_4600 = arith.addi %mul3A_16, %add3A_4599 : i32
    %broadcast_in_dim3A_4601 = vector.broadcast %add3A_4600 : i32 to vector<8x1024xi32>
    %select_n3A_4602 = arith.select %gt3A_4597, %broadcast_in_dim3A_4601, %select_n3A_4593 : vector<8x1024xi1>, vector<8x1024xi32>
    %get3A_4603 = arith.constant 4080 : index
    %get3A_4604 = arith.constant 0 : index
    %get3A_4605 = vector.load %arg5[%get3A_4603, %get3A_4604] : memref<4096x1024xf32, #tpu.memory_space<vmem>>, vector<8x1024xf32>
    %gt3A_4606 = arith.cmpf ogt, %get3A_4605, %select_n3A_4598 : vector<8x1024xf32>
    %select_n3A_4607 = arith.select %gt3A_4606, %get3A_4605, %select_n3A_4598 : vector<8x1024xi1>, vector<8x1024xf32>
    %add3A_4608 = arith.constant 510 : i32
    %add3A_4609 = arith.addi %mul3A_16, %add3A_4608 : i32
    %broadcast_in_dim3A_4610 = vector.broadcast %add3A_4609 : i32 to vector<8x1024xi32>
    %select_n3A_4611 = arith.select %gt3A_4606, %broadcast_in_dim3A_4610, %select_n3A_4602 : vector<8x1024xi1>, vector<8x1024xi32>
    %get3A_4612 = arith.constant 4088 : index
    %get3A_4613 = arith.constant 0 : index
    %get3A_4614 = vector.load %arg5[%get3A_4612, %get3A_4613] : memref<4096x1024xf32, #tpu.memory_space<vmem>>, vector<8x1024xf32>
    %gt3A_4615 = arith.cmpf ogt, %get3A_4614, %select_n3A_4607 : vector<8x1024xf32>
    %select_n3A_4616 = arith.select %gt3A_4615, %get3A_4614, %select_n3A_4607 : vector<8x1024xi1>, vector<8x1024xf32>
    %add3A_4617 = arith.constant 511 : i32
    %add3A_4618 = arith.addi %mul3A_16, %add3A_4617 : i32
    %broadcast_in_dim3A_4619 = vector.broadcast %add3A_4618 : i32 to vector<8x1024xi32>
    %select_n3A_4620 = arith.select %gt3A_4615, %broadcast_in_dim3A_4619, %select_n3A_4611 : vector<8x1024xi1>, vector<8x1024xi32>
    %swap3A_4621 = arith.constant 0 : index
    %swap3A_4622 = arith.constant 0 : index
    %swap3A_4623 = vector.load %arg6[%swap3A_4621, %swap3A_4622] : memref<8x1024xf32, #tpu.memory_space<vmem>>, vector<8x1024xf32>
    tpu.vector_store %arg6[%swap3A_4621, %swap3A_4622], %select_n3A_4616 {strides = array<i32>} : memref<8x1024xf32, #tpu.memory_space<vmem>>, vector<8x1024xf32>,
    %swap3A_4624 = arith.constant 0 : index
    %swap3A_4625 = arith.constant 0 : index
    %swap3A_4626 = vector.load %arg7[%swap3A_4624, %swap3A_4625] : memref<8x1024xi32, #tpu.memory_space<vmem>>, vector<8x1024xi32>
    tpu.vector_store %arg7[%swap3A_4624, %swap3A_4625], %select_n3A_4620 {strides = array<i32>} : memref<8x1024xi32, #tpu.memory_space<vmem>>, vector<8x1024xi32>,
    %eq3A_4627 = arith.constant 8 : i32
    %eq3A_4628 = arith.cmpi eq, %arg0, %eq3A_4627 : i32
    %convert_element_type3A_4629 = arith.extui %eq3A_4628 : i1 to i32
    %cond3A_4630 = arith.constant 0 : i32
    %cond3A_4631 = arith.cmpi ne, %convert_element_type3A_4629, %cond3A_4630 : i32
    scf.if %cond3A_4631 {
      %reduce_max3A = arith.constant dense<0xFF800000> : vector<1024xf32>
      %reduce_max3A_4632 = vector.multi_reduction <maximumf>, %select_n3A_4616, %reduce_max3A [0] : vector<8x1024xf32> to vector<1024xf32>
      %broadcast_in_dim3A_4633 = vector.shape_cast %reduce_max3A_4632 : vector<1024xf32> to vector<1x1024xf32>
      %iota3A = tpu.iota {dimensions = array<i32: 0>} : vector<8x1024xi32>
      %mul3A_4634 = arith.constant 8 : i32
      %mul3A_4635 = vector.broadcast %mul3A_4634 : i32 to vector<8x1024xi32>
      %mul3A_4636 = arith.muli %select_n3A_4620, %mul3A_4635 : vector<8x1024xi32>
      %add3A_4637 = arith.addi %mul3A_4636, %iota3A : vector<8x1024xi32>
      %eq3A_4638 = vector.broadcast %broadcast_in_dim3A_4633 : vector<1x1024xf32> to vector<8x1024xf32>
      %eq3A_4639 = arith.cmpf oeq, %select_n3A_4616, %eq3A_4638 : vector<8x1024xf32>
      %jit3A = arith.constant 36864 : i32
      %broadcast_in_dim3A_4640 = vector.broadcast %jit3A : i32 to vector<8x1024xi32>
      %select_n3A_4641 = arith.select %eq3A_4639, %add3A_4637, %broadcast_in_dim3A_4640 : vector<8x1024xi1>, vector<8x1024xi32>
      %reduce_min3A = arith.constant dense<2147483647> : vector<1024xi32>
      %reduce_min3A_4642 = vector.multi_reduction <minsi>, %select_n3A_4641, %reduce_min3A [0] : vector<8x1024xi32> to vector<1024xi32>
      %broadcast_in_dim3A_4643 = vector.shape_cast %reduce_min3A_4642 : vector<1024xi32> to vector<1x1024xi32>
      %swap3A_4644 = arith.constant 0 : index
      %swap3A_4645 = arith.constant 0 : index
      %swap3A_4646 = vector.load %arg4[%swap3A_4644, %swap3A_4645] : memref<1x1024xi32, #tpu.memory_space<vmem>>, vector<1x1024xi32>
      tpu.vector_store %arg4[%swap3A_4644, %swap3A_4645], %broadcast_in_dim3A_4643 {strides = array<i32>} : memref<1x1024xi32, #tpu.memory_space<vmem>>, vector<1x1024xi32>,
      %swap3A_4647 = arith.constant 0 : index
      %swap3A_4648 = arith.constant 0 : index
      %swap3A_4649 = vector.load %arg3[%swap3A_4647, %swap3A_4648] : memref<1x1024xf32, #tpu.memory_space<vmem>>, vector<1x1024xf32>
      tpu.vector_store %arg3[%swap3A_4647, %swap3A_4648], %broadcast_in_dim3A_4633 {strides = array<i32>} : memref<1x1024xf32, #tpu.memory_space<vmem>>, vector<1x1024xf32>,
    } else {
    }
    return
  }
  func.func @transform_0(%arg0: i32) -> (i32, i32) {
    %c0_i32 = arith.constant 0 : i32
    %c0_i32_0 = arith.constant 0 : i32
    return %arg0, %c0_i32 : i32, i32
  }
  func.func @transform_1(%arg0: i32) -> (i32, i32) {
    %c0_i32 = arith.constant 0 : i32
    %c0_i32_0 = arith.constant 0 : i32
    %c0_i32_1 = arith.constant 0 : i32
    return %c0_i32, %c0_i32_0 : i32, i32
  }
  func.func @transform_2(%arg0: i32) -> (i32, i32) {
    %c0_i32 = arith.constant 0 : i32
    %c0_i32_0 = arith.constant 0 : i32
    %c0_i32_1 = arith.constant 0 : i32
    return %c0_i32, %c0_i32_0 : i32, i32
  }
  func.func @transform_3(%arg0: i32) -> (i32, i32) {
    %c0_i32 = arith.constant 0 : i32
    %c0_i32_0 = arith.constant 0 : i32
    %c0_i32_1 = arith.constant 0 : i32
    return %c0_i32, %c0_i32_0 : i32, i32
  }
}

</mosaic_0001>

<sc_bundles>
// kernel: kernel.4.cloned.1.call-start
scs
__scs_entry_jumppad:
0x0: {  	(pc) =	sbr.rel $0x88, $3  }
0x1: {  	(tag) =	ssettag $0x0;
	lr =	simm.s32 $0x1  }
0x2: {  	[smem:$0x3F9F] =	sst lr;
	_ =	strace $0xD0000000  }
0x3: {  	_ = 	snop  }
0x4: {  	_ = 	snop  }
0x5: {  	_ = 	snop  }
0x6: {  	_ = 	snop  }
0x7: {  	_ = 	snop  }
__scs_overlays_trampoline_lowered:
0x8: {  	[smem:$0x3FAE] =	sst s0  }
0x9: {  	[smem:$0x3FAF] =	sst s1  }
0xa: {  	[smem:$0x3FB0] =	sst s2  }
0xb: {  	[smem:$0x3FB1] =	sst s3  }
0xc: {  	[smem:$0x3FB2] =	sst s4  }
0xd: {  	[smem:$0x3FB3] =	sst s5  }
0xe: {  	[smem:$0x3FB4] =	sst s6  }
0xf: {  	[smem:$0x3FB5] =	sst s7  }
0x10: {  	[smem:$0x3FB6] =	sst s8  }
0x11: {  	[smem:$0x3FB7] =	sst s9;
	s0 =	simm.s32 @!p0 $0x0  }
0x12: {  	s1 =	sld [smem:$0x3F9D];
	s0 =	simm.s32 @p0 $0x1  }
0x13: {  	[smem:$0x3FB8] =	sst s0;
	s0 =	simm.s32 @!p1 $0x0  }
0x14: {  	s2 =	sld [smem:$0x3F9C];
	s0 =	simm.s32 @p1 $0x1  }
0x15: {  	[smem:$0x3FB9] =	sst s0;
	s0 =	simm.s32 @!p2 $0x0  }
0x16: {  	s3 =	sld [smem:$0x3FDB];
	s0 =	simm.s32 @p2 $0x1  }
0x17: {  	s4 =	simm.s32 $0x1BF5;
	[smem:$0x3FBB] =	sst s0  }
0x18: {  	s0 =	sld [smem:$0x3F9E];
	_ =	swait.ge [sflag:s4], $0x0  }
0x19: {  	s7 =	sld [smem:$0x3F9F]  }
0x1a: {  	s8 =	sadd.s32 $0xFFFFE003, lr  }
0x1b: {  	s9 =	sadd.s32 $0xFFFFFEF7, lr;
	s5 =	simm.s32 $0xFFFFFFFF;
	p2 =	slt.u32 s8, $0xFFFFF086  }
0x1c: {  	p1 =	slt.u32 s9, $0xF7A;
	s5 =	simm.s32 @!p2 $0x0  }
0x1d: {  	s5 =	simm.s32 @p1 $0x1;
	p0 =	seq.s32 s7, s2  }
0x1e: {  	s7 =	smul.u32 @!p0 $0xF7A, s2;
	p2 =	seq.s32 @!p0 s5, $0x0  }
0x1f: {  	s9 =	smul.u32 $0xF7A, s1;
	s8 =	simm.s32 @!p0 $0x1BF5;
	p2 =	por !p2, p0  }
0x20: {  	[sflag:s8] =	ssyncset.s32 @!p0 $0xFFFFF086;
	s6 =	sadd.s32 @!p0 s3, s7;
	s7 =	simm.s32 @!p0 $0x108  }
0x21: {  	s3 =	sadd.s32 s3, s9;
	s6 =	sadd.s32 @!p0 $0x88, s6;
	s7 =	simm.s32 @p2 $0x1082  }
0x22: {  	[simem:s7], [sflag:s8] =	dma.local @!p0 [hbm:s6], $0xF7A  }
0x23: {  	s9 =	sor.u32 $0xD0000000, s2;
	s6 =	simm.s32 $0x108;
	_ =	swait.ge @!p0 [sflag:s8], $0x0  }
0x24: {  	s3 =	sadd.s32 $0x88, s3;
	s6 =	simm.s32 @!p1 $0x1082;
	[sflag:s4] =	ssyncset.s32 $0xFFFFF086  }
0x25: {  	[simem:s6], [sflag:s4] =	dma.local [hbm:s3], $0xF7A  }
0x26: {  	[smem:$0x3F9F] =	sst s1;
	(tag) =	ssettag s2;
	_ =	strace s9  }
0x27: {  	s1 =	sld [smem:$0x3FAF]  }
0x28: {  	s2 =	sld [smem:$0x3FB0]  }
0x29: {  	s4 =	sld [smem:$0x3FB2]  }
0x2a: {  	p0 =	seq.s32 s5, $0x0;
	s5 =	sld [smem:$0x3FB3]  }
0x2b: {  	s6 =	sld [smem:$0x3FB4]  }
0x2c: {  	s7 =	sld [smem:$0x3FB5]  }
0x2d: {  	s3 =	simm.s32 $0x108;
	s8 =	sld [smem:$0x3FB6]  }
0x2e: {  	s3 =	simm.s32 @!p0 $0x1082;
	s9 =	sld [smem:$0x3FB7]  }
0x2f: {  	lr =	sadd.s32 s0, s3;
	s0 =	sld [smem:$0x3FAE]  }
0x30: {  	s3 =	sld [smem:$0x3FB1]  }
0x31: {  	[smem:$0x3FBA] =	sst s10  }
0x32: {  	s10 =	sld [smem:$0x3FB8];
	_ =	sdelay $0x3  }
0x33: {  	p0 =	seq.s32 s10, $0x1;
	s10 =	sld [smem:$0x3FBA];
	_ =	sdelay $0x3  }
0x34: {  	[smem:$0x3FBA] =	sst s10  }
0x35: {  	s10 =	sld [smem:$0x3FB9];
	_ =	sdelay $0x3  }
0x36: {  	p1 =	seq.s32 s10, $0x1;
	s10 =	sld [smem:$0x3FBA];
	_ =	sdelay $0x3  }
0x37: {  	[smem:$0x3FBA] =	sst s10  }
0x38: {  	s10 =	sld [smem:$0x3FBB]  }
0x39: {  	_ = 	snop;
	(pc) =	sbr.ind lr, $3  }
0x3a: {  	_ = 	snop  }
0x3b: {  	_ = 	snop  }
0x3c: {  	p2 =	seq.s32 s10, $0x1;
	s10 =	sld [smem:$0x3FBA]  }
0x3d: {  	_ =	shalt  }
0x3e: {  	_ =	shalt  }
0x3f: {  	_ =	shalt  }
0x40: {  	_ =	shalt  }
0x41: {  	_ =	shalt  }
0x42: {  	_ =	shalt  }
0x43: {  	_ =	shalt  }
0x44: {  	_ =	shalt  }
0x45: {  	_ =	shalt  }
0x46: {  	_ =	shalt  }
0x47: {  	_ =	shalt  }
0x48: {  	_ =	shalt  }
0x49: {  	_ =	shalt  }
0x4a: {  	_ =	shalt  }
0x4b: {  	_ =	shalt  }
0x4c: {  	_ =	shalt  }
0x4d: {  	_ =	shalt  }
0x4e: {  	_ =	shalt  }
0x4f: {  	_ =	shalt  }
0x50: {  	_ =	shalt  }
0x51: {  	_ =	shalt  }
0x52: {  	_ =	shalt  }
0x53: {  	_ =	shalt  }
0x54: {  	_ =	shalt  }
0x55: {  	_ =	shalt  }
0x56: {  	_ =	shalt  }
0x57: {  	_ =	shalt  }
0x58: {  	_ =	shalt  }
0x59: {  	_ =	shalt  }
0x5a: {  	_ =	shalt  }
0x5b: {  	_ =	shalt  }
0x5c: {  	_ =	shalt  }
0x5d: {  	_ =	shalt  }
0x5e: {  	_ =	shalt  }
0x5f: {  	_ =	shalt  }
0x60: {  	_ =	shalt  }
0x61: {  	_ =	shalt  }
0x62: {  	_ =	shalt  }
0x63: {  	_ =	shalt  }
0x64: {  	_ =	shalt  }
0x65: {  	_ =	shalt  }
0x66: {  	_ =	shalt  }
0x67: {  	_ =	shalt  }
0x68: {  	_ =	shalt  }
0x69: {  	_ =	shalt  }
0x6a: {  	_ =	shalt  }
0x6b: {  	_ =	shalt  }
0x6c: {  	_ =	shalt  }
0x6d: {  	_ =	shalt  }
0x6e: {  	_ =	shalt  }
0x6f: {  	_ =	shalt  }
0x70: {  	_ =	shalt  }
0x71: {  	_ =	shalt  }
0x72: {  	_ =	shalt  }
0x73: {  	_ =	shalt  }
0x74: {  	_ =	shalt  }
0x75: {  	_ =	shalt  }
0x76: {  	_ =	shalt  }
0x77: {  	_ =	shalt  }
0x78: {  	_ =	shalt  }
0x79: {  	_ =	shalt  }
0x7a: {  	_ =	shalt  }
0x7b: {  	_ =	shalt  }
0x7c: {  	_ =	shalt  }
0x7d: {  	_ =	shalt  }
0x7e: {  	_ =	shalt  }
0x7f: {  	_ =	shalt  }
0x80: {  	_ =	shalt  }
0x81: {  	_ =	shalt  }
0x82: {  	_ =	shalt  }
0x83: {  	_ =	shalt  }
0x84: {  	_ =	shalt  }
0x85: {  	_ =	shalt  }
0x86: {  	_ =	shalt  }
0x87: {  	_ =	shalt  }
.Lfunc_end0:
.L_simem_size_0:
called_computation_lowered:
.L_overlay_start_0:
0x88: {  	s2 =	sld [smem:$0x3FD9]  }
0x89: {  	s3 =	sld [smem:$0x3FFE];
	_ =	sdelay $0x1  }
0x8a: {  	s1 =	srdreg.scid  }
0x8b: {  	s0 =	sand.u32 $0x1, s1  }
0x8c: {  	s14 =	sshll.u32 s0, $0xA;
	s2 =	sadd.s32 s3, s2  }
0x8d: {  	s2 =	sadd.s32 s2, s14  }
0x8e: {  	[smem:$0x3FC6] =	sst s2  }
0x8f: {  	_ = 	snop  }
0x90: {  	s2 =	sld [smem:$0x3FD0];
	_ =	sdelay $0x2  }
0x91: {  	s15 =	simm.s32 $0xA;
	s4 =	simm.s32 $0x10  }
0x92: {  	[smem:s4], [sflag:s15] =	dma.local [hbm:s2], $0x1  }
0x93: {  	_ =	swait.eq [sflag:s15], $0x1  }
0x94: {  	[sflag:s15] =	ssyncset.done $0x0  }
0x95: {  	[sflag:s15] =	ssyncadd.s32 $0xFFFFFFFF  }
0x96: {  	s16 =	sld [smem:$0x11];
	(tm) =	ssettm $0x1  }
0x97: {  	s17 =	sld [smem:$0x3FFB];
	_ =	sdelay $0x3  }
0x98: {  	_ =	strace s17  }
0x99: {  	s3 =	sld [smem:$0x3FFC];
	_ =	sdelay $0x3  }
0x9a: {  	_ =	strace s3  }
0x9b: {  	s3 =	sld [smem:$0x3FFD];
	_ =	sdelay $0x3  }
0x9c: {  	_ =	strace s3  }
0x9d: {  	_ =	strace $0x8FFFFFFF  }
0x9e: {  	s18 =	sld [smem:$0x3FDB];
	_ =	sdelay $0x1  }
0x9f: {  	s19 =	simm.s32 $_scs_section_size  }
0xa0: {  	s5 =	simm.s32 $_size__tile_overlayer_lowered;
	s6 =	simm.s32 $_tile_overlayer_lowered  }
0xa1: {  	s22 =	simm.s32 $0x1BFF;
	s21 =	sshll.u32 s6, $0x1;
	s3 =	sadd.s32 s19, s18  }
0xa2: {  	s7 =	simm.s32 $0x0;
	s20 =	sshll.u32 s5, $0x1;
	s5 =	sadd.s32 s21, s3  }
0xa3: {  	[timem:s7], [sflag:s22] =	dma.local [hbm:s5], s20  }
0xa4: {  	_ =	swait.ge [sflag:s22], s20  }
0xa5: {  	s4 =	ssub.s32 $0x0, s20;
	[sflag:s22] =	ssyncset.done $0x0  }
0xa6: {  	[sflag:s22] =	ssyncadd.s32 s4;
	_ =	sdelay $0x1  }
0xa7: {  	s23 =	simm.s32 $0x1B8B  }
0xa8: {  	_ =	swait.ge [sflag:s23], $0x1  }
0xa9: {  	[sflag:s23] =	ssyncset.done $0x0  }
0xaa: {  	s25 =	simm.s32 $0x1B8E;
	s24 =	sld [smem:$0x3FFE];
	[sflag:s23] =	ssyncadd.s32 $0xFFFFFFFF  }
0xab: {  	s26 =	simm.s32 $execute0_lowered;
	[smem:$0x3FD2] =	sst s25  }
0xac: {  	s5 =	sshll.u32 s26, $0x1;
	_ =	strace $0x80000046;
	[dreg:$0x1] =	wrdreg $0xFFFFFFFF  }
0xad: {  	s28 =	simm.s32 $_size_execute0_lowered;
	s3 =	sadd.s32 s3, s5;
	[dreg:$0x0] =	wrdreg $0x0  }
0xae: {  	s5 =	sshll.u32 s28, $0x1;
	[dreg:$0x2] =	wrdreg s3  }
0xaf: {  	[dreg:$0x3] =	wrdreg s5  }
0xb0: {  	[dreg:$0x4] =	wrdreg $0xC0  }
0xb1: {  	_ =	task [dreg:s7], $0x5FFFF  }
0xb2: {  	[dreg:$0x1] =	wrdreg $0xFFFFFFFF  }
0xb3: {  	[dreg:$0x0] =	wrdreg $0x60  }
0xb4: {  	[dreg:$0x2] =	wrdreg s24  }
0xb5: {  	[dreg:$0x3] =	wrdreg s16  }
0xb6: {  	[dreg:$0x4] =	wrdreg $0x9  }
0xb7: {  	_ =	task.clear_ibuf [dreg:s7], $0x5FFFF;
	_ =	strace $0x90000046  }
0xb8: {  	s29 =	simm.s32 $0x9;
	_ =	strace $0x8000004F  }
0xb9: {  	_ =	swait.ge [sflag:s29], $0x1  }
0xba: {  	[sflag:s29] =	ssyncadd.s32 $0xFFFFFFFF  }
0xbb: {  	_ =	strace $0x9000004F  }
0xbc: {  	_ =	sfence  }
0xbd: {  	s30 =	sld [smem:$0x0];
	_ =	sdelay $0x2  }
0xbe: {  	s31 =	sshll.u32 s1, $0xD;
	s1 =	sshrl.u32 s1, $0x2  }
0xbf: {  	s3 =	sand.u32 $0x4000, s31;
	s1 =	sadd.s32 s1, s30  }
0xc0: {  	s0 =	sor.u32 s3, s0;
	s1 =	sshll.u32 s1, $0x11  }
0xc1: {  	s0 =	sor.u32 s1, s0  }
0xc2: {  	s0 =	sadd.s32 $0x8F2B, s0  }
0xc3: {  	[sflag:s0] =	ssyncadd.remote.s32 $0x1  }
0xc4: {  	_ =	sfence.sel $0xFFFF  }
0xc5: {  	[dreg:$0x0] =	wrdreg $0xFFFFFFFF;
	(pc) =	sbr.abs _section_cstart, $3  }
0xc6: {  	[dreg:$0x1] =	wrdreg $0xFFFFFFFF  }
0xc7: {  	_ =	task.clear_ibuf [dreg:s7], $0x2FFFF;
	_ =	strace $0x9FFFFFFF  }
0xc8: {  	(tm) =	ssettm $0x7FFFFFFF  }
0xc9: {  	_ =	shalt  }
tec
execute0_lowered:
.L_overlay_start_1:
0x0: {  	(tag) =	ssettag $0x1  }
0x1: {  	s1 =	stileid.u32  }
0x2: {  	p0 =	sgt.u32 s1, $0x7  }
.Ltmp0:
0x3: {  	_ = 	snop;
	(pc) =	sbr.rel @p0 .LBB2_4-.Ltmp0, $4  }
0x4: {  	s9 =	rddreg [dreg:$0x0]  }
0x5: {  	s3 =	rddreg [dreg:$0x1];
	s2 =	simm.s32 $0x0  }
0x6: {  	[smem:$0x7FF] =	sst s2  }
0x7: {  	s0 =	rddreg [dreg:$0x2];
	_ =	strace $0x80000047  }
0x8: {  	s10 =	smin.u32 s1, $0x8  }
0x9: {  	s4 =	sshll.u32 s10, $0x4  }
0xa: {  	_ =	strace $0x80000048;
	s3 =	sadd.s32 s3, s4  }
0xb: {  	[tilespmem:s2], [sflag:$0x1] =	stream.linear.gather [hbm4b:s3+s2], $0x80, $0x200038;
	[tilespmem:$0x8100] =	vst v63  }
0xc: {  	_ =	strace $0x90000048  }
0xd: {  	s4 =	simm.s32 $0x1;
	_ =	strace $0x8000004A  }
0xe: {  	_ =	swait.ge [sflag:s4], $0x80  }
0xf: {  	s5 =	sadd.s32 $0xC00, s9;
	[sflag:s4] =	ssyncset.done $0x0  }
0x10: {  	s6 =	simm.s32 $0x80;
	s7 =	simm.s32 $0x100;
	[sflag:s4] =	ssyncadd.s32 $0xFFFFFF80  }
0x11: {  	s8 =	simm.s32 $0x5;
	s11 =	srdreg.scid;
	_ =	strace $0x9000004A  }
0x12: {  	s10 =	sshll.u32 s10, $0xB;
	s30 =	sand.u32 $0x1, s11;
	_ =	strace $0x8000004B  }
0x13: {  	[tilespmem:s7], [sflag:$0x5] =	stream.indirect.gather [hbm4b:s5+s6], $0x80, s2, s6, $0x2000b8;
	[tilespmem:$0x8100] =	vst v63  }
0x14: {  	s29 =	sadd.s32 s10, s9;
	s10 =	ssub.s32 $0x2, s30;
	_ =	swait.ge [sflag:s8], $0x4000  }
0x15: {  	s31 =	sshrl.u32 s10, $0x1;
	[sflag:s8] =	ssyncset.done $0x0  }
0x16: {  	s11 =	ssub.s32 s10, s31;
	[sflag:s8] =	ssyncadd.s32 $0xFFFFC000  }
0x17: {  	s11 =	smax.u32 s11, $0x1;
	_ =	strace $0x9000004B  }
0x18: {  	s9 =	sadd.s32 $0x90C00, s29;
	p0 =	sne.s32 s11, $0x1;
	_ =	strace $0x8000004C  }
0x19: {  	[hbm4b:s9+s2] =	stream.linear.scatter [tilespmem:s7], [sflag:$0x3], $0x4000, $0x200038;
	[tilespmem:$0x8100] =	vst v63  }
.Ltmp1:
0x1a: {  	_ =	strace $0x9000004C;
	(pc) =	sbr.rel @!p0 .LBB2_3-.Ltmp1, $4  }
0x1b: {  	s10 =	simm.s32 $0x3;
	_ =	strace $0x8000004E  }
0x1c: {  	_ =	swait.ge [sflag:s10], $0x4000  }
0x1d: {  	[sflag:s10] =	ssyncset.done $0x0  }
0x1e: {  	s11 =	sadd.s32 $0xFFFFFFFF, s11;
	[sflag:s10] =	ssyncadd.s32 $0xFFFFC000  }
.LBB2_2:
0x1f: {  	p0 =	sne.s32 s11, $0x1;
	s11 =	sadd.s32 $0xFFFFFFFF, s11;
	_ =	strace $0x9000004E  }
0x20: {  	_ =	strace $0x80000048  }
0x21: {  	[tilespmem:s2], [sflag:$0x1] =	stream.linear.gather [hbm4b:s3+s2], $0x80, $0x200038;
	[tilespmem:$0x8100] =	vst v63  }
0x22: {  	_ =	strace $0x90000048  }
0x23: {  	_ =	strace $0x8000004A  }
0x24: {  	_ =	swait.ge [sflag:s4], $0x80  }
0x25: {  	[sflag:s4] =	ssyncset.done $0x0  }
0x26: {  	[sflag:s4] =	ssyncadd.s32 $0xFFFFFF80  }
0x27: {  	_ =	strace $0x9000004A  }
0x28: {  	_ =	strace $0x8000004B  }
0x29: {  	[tilespmem:s7], [sflag:$0x5] =	stream.indirect.gather [hbm4b:s5+s6], $0x80, s2, s6, $0x2000b8;
	[tilespmem:$0x8100] =	vst v63  }
0x2a: {  	_ =	swait.ge [sflag:s8], $0x4000  }
0x2b: {  	[sflag:s8] =	ssyncset.done $0x0  }
0x2c: {  	[sflag:s8] =	ssyncadd.s32 $0xFFFFC000  }
0x2d: {  	_ =	strace $0x9000004B  }
0x2e: {  	_ =	strace $0x8000004C  }
0x2f: {  	[hbm4b:s9+s2] =	stream.linear.scatter [tilespmem:s7], [sflag:$0x3], $0x4000, $0x200038;
	[tilespmem:$0x8100] =	vst v63  }
.Ltmp2:
0x30: {  	_ =	strace $0x9000004C;
	(pc) =	sbr.rel @p0 .LBB2_2-.Ltmp2, $4  }
0x31: {  	_ =	strace $0x8000004E  }
0x32: {  	_ =	swait.ge [sflag:s10], $0x4000  }
0x33: {  	[sflag:s10] =	ssyncset.done $0x0  }
0x34: {  	[sflag:s10] =	ssyncadd.s32 $0xFFFFC000  }
.LBB2_3:
0x35: {  	_ =	strace $0x9000004E  }
.LBB2_4:
0x36: {  	_ =	sfence.sel $0x180000  }
0x37: {  	[bflag:$0x0] =	sbarrier.arrive $0xFFFF  }
0x38: {  	p0 =	sne.s32 s1, $0x0;
	_ =	strace $0x90000047  }
0x39: {  	s0 =	sadd.s32 @!p0 $0x100000, s0;
	[bflag:$0x2] =	sbarrier.arrive $0xFFFF  }
0x3a: {  	[sflag:s0] =	ssyncadd.tile.s32 @!p0 $0x1;
	_ =	shalt  }
.Lfunc_end2:
_tile_overlayer_lowered:
.L_overlay_start_2:
0x3b: {  	(tag) =	ssettag $0x2  }
0x3c: {  	s0 =	rddreg [dreg:$0x0];
	s2 =	stileid.u32  }
0x3d: {  	s1 =	rddreg [dreg:$0x1];
	p0 =	sne.s32 s2, $0x0  }
0x3e: {  	s3 =	rddreg [dreg:$0x2];
	[bflag:$0x3] =	sbarrier.arrive $0xFFFF;
	s2 =	simm.s32 @!p0 $0x1C01  }
0x3f: {  	[timem:s3], [sflag:s2] =	dma.local @!p0 [hbm:s0], s1  }
0x40: {  	s0 =	simm.s32 @!p0 $0x1  }
0x41: {  	_ =	swait.ge @!p0 [sflag:s0], s1  }
0x42: {  	s1 =	ssub.s32 @!p0 $0x0, s1;
	[sflag:s0] =	ssyncset.done @!p0 $0x0  }
0x43: {  	[sflag:s0] =	ssyncadd.s32 @!p0 s1  }
0x44: {  	[bflag:$0x3] =	sbarrier.arrive $0xFFFF  }
0x45: {  	_ =	shalt  }

</sc_bundles>
